<compile_context>
chip_gen: v7x
topology: tpu7x:2x2x1
jax: 0.10.2.dev20260603
libtpu: 0.0.44.dev20260713+nightly
codegen_flags: <defaults>
</compile_context>

<pallas_src>
import functools

import jax
import jax.numpy as jnp
from jax import lax
from jax.experimental import pallas as pl
from jax.experimental.pallas import tpu as pltpu
from jax.experimental.pallas import tpu_sc as plsc

_LANES = 16
_CHUNK_ROWS = 16
_SC_BATCHES = 1


def _tc_body(x_ref, pos_ref, out_ref):
    out_ref[...] = x_ref[...] + pos_ref[...][None]


def _tc_add(x, pos_table):
    B, S, D = x.shape
    return pl.pallas_call(
        _tc_body,
        grid=(1, B),
        in_specs=[
            pl.BlockSpec((1, S, D), lambda i, b: (b, i, 0)),
            pl.BlockSpec((S, D), lambda i, b: (i, 0)),
        ],
        out_specs=pl.BlockSpec((1, S, D), lambda i, b: (b, i, 0)),
        out_shape=jax.ShapeDtypeStruct((B, S, D), x.dtype),
    )(x, pos_table)


def _sc_add(x, pos_table):
    B, S, D = x.shape
    info = plsc.get_sparse_core_info()
    NC, NS = info.num_cores, info.num_subcores
    NW = NC * NS
    SPW = S // NW
    CH = _CHUNK_ROWS
    cps = SPW // CH
    N = B * cps
    VECS = D // _LANES

    mesh = plsc.VectorSubcoreMesh(core_axis_name="c", subcore_axis_name="s")

    @functools.partial(
        pl.kernel,
        mesh=mesh,
        out_type=jax.ShapeDtypeStruct((B, S, D), jnp.float32),
        scratch_types=[
            pltpu.VMEM((SPW, D), jnp.float32),
            pltpu.VMEM((CH, D), jnp.float32),
            pltpu.VMEM((CH, D), jnp.float32),
            pltpu.SemaphoreType.DMA,
            pltpu.SemaphoreType.DMA,
            pltpu.SemaphoreType.DMA,
            pltpu.SemaphoreType.DMA,
        ],
    )
    def k(x_hbm, pos_hbm, out_hbm, pos_v, xbuf0, xbuf1, si0, si1, so0, so1):
        wid = lax.axis_index("s") * NC + lax.axis_index("c")
        s_base = wid * SPW
        pltpu.sync_copy(pos_hbm.at[pl.ds(s_base, SPW)], pos_v)

        bufs = (xbuf0, xbuf1)
        sin = (si0, si1)
        sout = (so0, so1)

        def src(ci):
            return x_hbm.at[ci // cps, pl.ds(s_base + (ci % cps) * CH, CH)]

        def dst(ci):
            return out_hbm.at[ci // cps, pl.ds(s_base + (ci % cps) * CH, CH)]

        def compute(buf, ci):
            prow0 = (ci % cps) * CH

            @plsc.parallel_loop(0, CH)
            def _(r):
                prow = prow0 + r
                for c in range(VECS):
                    pv = pos_v[prow, pl.ds(c * _LANES, _LANES)]
                    plsc.addupdate(buf.at[r, pl.ds(c * _LANES, _LANES)], pv)

        pltpu.async_copy(src(0), bufs[0], sin[0])

        def pair_body(g, carry):
            for b in range(2):
                ci = 2 * g + b

                @pl.when(ci >= 1)
                def _():
                    pltpu.make_async_copy(bufs[1 - b], dst(ci), sout[1 - b]).wait()

                @pl.when(ci + 1 < N)
                def _():
                    pltpu.async_copy(src(ci + 1), bufs[1 - b], sin[1 - b])

                pltpu.make_async_copy(src(ci), bufs[b], sin[b]).wait()
                compute(bufs[b], ci)
                pltpu.async_copy(bufs[b], dst(ci), sout[b])
            return carry

        lax.fori_loop(0, N // 2, pair_body, 0)
        pltpu.make_async_copy(bufs[1], dst(N - 1), sout[1]).wait()

    return k(x, pos_table)


def kernel(x, pos_table):
    B, S, D = x.shape
    bt = B - _SC_BATCHES
    out_tc = _tc_add(x[:bt], pos_table)
    out_sc = _sc_add(x[bt:], pos_table)
    return jnp.concatenate([out_tc, out_sc], axis=0)

# --- scband reference (transcript-rebuilt; emitter-appended) ---
"""Pipeline reference for scband-learned-positional-encoding-47115791237680 (READ-ONLY COPY).

The authoritative reference and input builder live on the scoring server;
editing this copy changes nothing except your own understanding.
"""

import jax, jax.numpy as jnp
import numpy as np

SEQ_LEN = 2048
D_MODEL = 1024
BATCH = 4


def setup_inputs(seed: int = 0) -> dict:
    key = jax.random.key(seed)
    k_x, k_tab = jax.random.split(key)
    x = jax.random.normal(k_x, (BATCH, SEQ_LEN, D_MODEL), dtype=jnp.float32)
    # learned positional embedding table, init like nn.Embedding (N(0,1))
    pos_table = jax.random.normal(k_tab, (SEQ_LEN, D_MODEL), dtype=jnp.float32)
    return {"x": x, "pos_table": pos_table}


def reference(x, pos_table):
    # x: [B, S, d_model]; positions = arange(S); gather rows of pos_table.
    B, S, _ = x.shape
    positions = jnp.arange(S)  # [S]
    pos = jnp.take(pos_table, positions, axis=0)  # [S, d_model] embedding lookup
    out = x + pos[None, :, :]
    # Dropout is identity in eval mode (deterministic reference).
    return out

if __name__ == "__main__":
    import jax
    _d = setup_inputs()
    print(jax.jit(kernel)(*tuple(_d.values())))

</pallas_src>

<mosaic_0001>
#map = affine_map<(d0, d1) -> (0, 0, 0)>
#map1 = affine_map<(d0, d1) -> (0, 0)>
module attributes {stable_mosaic.version = 14 : i64} {
  func.func @k(%arg0: i32, %arg1: i32, %arg2: memref<1x2048x1024xf32, #tpu.memory_space<hbm>>, %arg3: memref<2048x1024xf32, #tpu.memory_space<hbm>>, %arg4: memref<1x2048x1024xf32, #tpu.memory_space<hbm>>, %arg5: memref<64x1024xf32, #tpu.memory_space<vmem>>, %arg6: memref<16x1024xf32, #tpu.memory_space<vmem>>, %arg7: memref<16x1024xf32, #tpu.memory_space<vmem>>, %arg8: memref<!tpu.dma_semaphore, #tpu.memory_space<semaphore_mem>>, %arg9: memref<!tpu.dma_semaphore, #tpu.memory_space<semaphore_mem>>, %arg10: memref<!tpu.dma_semaphore, #tpu.memory_space<semaphore_mem>>, %arg11: memref<!tpu.dma_semaphore, #tpu.memory_space<semaphore_mem>>) attributes {dimension_semantics = [#tpu.dimension_semantics<core_parallel>, #tpu.dimension_semantics<subcore_parallel>], iteration_bounds = array<i64: 2, 16>, scalar_prefetch = 0 : i64, scratch_operands = 7 : i64, tpu.core_type = #tpu.core_type<sc_vector_subcore>, window_params = [{transform_indices = #map}, {transform_indices = #map1}, {transform_indices = #map}]} {
    %mul3A = arith.constant 2 : i32
    %mul3A_0 = arith.muli %arg1, %mul3A : i32
    %add3A = arith.addi %mul3A_0, %arg0 : i32
    %mul3A_1 = arith.constant 64 : i32
    %mul3A_2 = arith.muli %add3A, %mul3A_1 : i32
    "tpu.region"() ({
      %run_scoped3A = tpu.sem_alloc : memref<!tpu.dma_semaphore, #tpu.memory_space<semaphore_mem>>
      %dma_start3A_24 = arith.constant 0 : i32
      %dma_start3A_25 = tpu.memref_slice %arg3[%mul3A_2, %dma_start3A_24] : memref<2048x1024xf32, #tpu.memory_space<hbm>> -> memref<64x1024xf32, #tpu.memory_space<hbm>>
      %dma_start3A_26 = arith.constant 0 : i32
      %dma_start3A_27 = tpu.memref_slice %arg3[%mul3A_2, %dma_start3A_26] : memref<2048x1024xf32, #tpu.memory_space<hbm>> -> memref<64x1024xf32, #tpu.memory_space<hbm>>
      tpu.enqueue_dma source(%dma_start3A_27 : memref<64x1024xf32, #tpu.memory_space<hbm>>) target(%arg5 : memref<64x1024xf32, #tpu.memory_space<vmem>>) target_semaphore(%run_scoped3A : memref<!tpu.dma_semaphore, #tpu.memory_space<semaphore_mem>>)
      %dma_wait3A_28 = arith.constant 0 : i32
      %dma_wait3A_29 = tpu.memref_slice %arg3[%mul3A_2, %dma_wait3A_28] : memref<2048x1024xf32, #tpu.memory_space<hbm>> -> memref<64x1024xf32, #tpu.memory_space<hbm>>
      %dma_wait3A_30 = arith.constant 0 : i32
      %dma_wait3A_31 = tpu.memref_slice %arg3[%mul3A_2, %dma_wait3A_30] : memref<2048x1024xf32, #tpu.memory_space<hbm>> -> memref<64x1024xf32, #tpu.memory_space<hbm>>
      tpu.wait_dma2 semaphore(%run_scoped3A : memref<!tpu.dma_semaphore, #tpu.memory_space<semaphore_mem>>) src(%dma_wait3A_31 : memref<64x1024xf32, #tpu.memory_space<hbm>>) dst(%arg5 : memref<64x1024xf32, #tpu.memory_space<vmem>>)
      tpu.yield
    }) : () -> ()
    %add3A_3 = arith.constant 0 : i32
    %add3A_4 = arith.addi %mul3A_2, %add3A_3 : i32
    %dma_start3A = arith.constant 0 : i32
    %dma_start3A_5 = arith.constant 0 : i32
    %dma_start3A_6 = tpu.memref_slice %arg2[%dma_start3A, %add3A_4, %dma_start3A_5] : memref<1x2048x1024xf32, #tpu.memory_space<hbm>> -> memref<1x16x1024xf32, #tpu.memory_space<hbm>>
    %dma_start3A_7 = tpu.memref_squeeze %dma_start3A_6 : memref<1x16x1024xf32, #tpu.memory_space<hbm>> -> memref<16x1024xf32, #tpu.memory_space<hbm>>
    %dma_start3A_8 = arith.constant 0 : i32
    %dma_start3A_9 = tpu.memref_slice %arg2[%dma_start3A, %add3A_4, %dma_start3A_8] : memref<1x2048x1024xf32, #tpu.memory_space<hbm>> -> memref<1x16x1024xf32, #tpu.memory_space<hbm>>
    %dma_start3A_10 = tpu.memref_squeeze %dma_start3A_9 : memref<1x16x1024xf32, #tpu.memory_space<hbm>> -> memref<16x1024xf32, #tpu.memory_space<hbm>>
    tpu.enqueue_dma source(%dma_start3A_10 : memref<16x1024xf32, #tpu.memory_space<hbm>>) target(%arg6 : memref<16x1024xf32, #tpu.memory_space<vmem>>) target_semaphore(%arg8 : memref<!tpu.dma_semaphore, #tpu.memory_space<semaphore_mem>>)
    %scan3A = arith.constant 0 : i32
    %scan3A_11 = arith.constant 0 : i32
    %scan3A_12 = arith.constant 2 : i32
    %scan3A_13 = arith.addi %scan3A_11, %scan3A_12 : i32
    %scan3A_14 = arith.constant 1 : i32
    scf.for %scan3A_24 = %scan3A_11 to %scan3A_13 step %scan3A_14  : i32 {
      %mul3A_25 = arith.constant 2 : i32
      %mul3A_26 = arith.muli %mul3A_25, %scan3A_24 : i32
      %add3A_27 = arith.constant 0 : i32
      %add3A_28 = arith.addi %mul3A_26, %add3A_27 : i32
      %ge3A = arith.constant 1 : i32
      %ge3A_29 = arith.cmpi sge, %add3A_28, %ge3A : i32
      %convert_element_type3A = arith.extui %ge3A_29 : i1 to i32
      %cond3A = arith.constant 0 : i32
      %cond3A_30 = arith.cmpi ne, %convert_element_type3A, %cond3A : i32
      scf.if %cond3A_30 {
        %jit3A_281 = arith.constant 4 : i32
        %div3A_282 = arith.divsi %add3A_28, %jit3A_281 : i32
        %sign3A_283 = arith.constant 0 : i32
        %sign3A_284 = arith.cmpi sgt, %add3A_28, %sign3A_283 : i32
        %sign3A_285 = arith.extui %sign3A_284 : i1 to i32
        %sign3A_286 = arith.constant 0 : i32
        %sign3A_287 = arith.cmpi slt, %add3A_28, %sign3A_286 : i32
        %sign3A_288 = arith.extui %sign3A_287 : i1 to i32
        %sign3A_289 = arith.subi %sign3A_285, %sign3A_288 : i32
        %sign3A_290 = arith.constant 0 : i32
        %sign3A_291 = arith.cmpi sgt, %jit3A_281, %sign3A_290 : i32
        %sign3A_292 = arith.extui %sign3A_291 : i1 to i32
        %sign3A_293 = arith.constant 0 : i32
        %sign3A_294 = arith.cmpi slt, %jit3A_281, %sign3A_293 : i32
        %sign3A_295 = arith.extui %sign3A_294 : i1 to i32
        %sign3A_296 = arith.subi %sign3A_292, %sign3A_295 : i32
        %ne3A_297 = arith.cmpi ne, %sign3A_289, %sign3A_296 : i32
        %rem3A_298 = arith.remsi %add3A_28, %jit3A_281 : i32
        %ne3A_299 = arith.constant 0 : i32
        %ne3A_300 = arith.cmpi ne, %rem3A_298, %ne3A_299 : i32
        %and3A_301 = arith.andi %ne3A_297, %ne3A_300 : i1
        %sub3A_302 = arith.constant 1 : i32
        %sub3A_303 = arith.subi %div3A_282, %sub3A_302 : i32
        %select_n3A_304 = arith.select %and3A_301, %sub3A_303, %div3A_282 : i32
        %jit3A_305 = arith.constant 4 : i32
        %eq3A_306 = arith.constant 0 : i32
        %eq3A_307 = arith.cmpi eq, %jit3A_305, %eq3A_306 : i32
        %jit3A_308 = arith.constant 1 : i32
        %select_n3A_309 = arith.select %eq3A_307, %jit3A_308, %jit3A_305 : i32
        %rem3A_310 = arith.remsi %add3A_28, %select_n3A_309 : i32
        %ne3A_311 = arith.constant 0 : i32
        %ne3A_312 = arith.cmpi ne, %rem3A_310, %ne3A_311 : i32
        %lt3A_313 = arith.constant 0 : i32
        %lt3A_314 = arith.cmpi slt, %rem3A_310, %lt3A_313 : i32
        %lt3A_315 = arith.constant 0 : i32
        %lt3A_316 = arith.cmpi slt, %select_n3A_309, %lt3A_315 : i32
        %ne3A_317 = arith.xori %lt3A_314, %lt3A_316 : i1
        %and3A_318 = arith.andi %ne3A_317, %ne3A_312 : i1
        %add3A_319 = arith.addi %rem3A_310, %select_n3A_309 : i32
        %select_n3A_320 = arith.select %and3A_318, %add3A_319, %rem3A_310 : i32
        %mul3A_321 = arith.constant 16 : i32
        %mul3A_322 = arith.muli %select_n3A_320, %mul3A_321 : i32
        %add3A_323 = arith.addi %mul3A_2, %mul3A_322 : i32
        %dma_wait3A_324 = arith.constant 0 : i32
        %dma_wait3A_325 = tpu.memref_slice %arg4[%select_n3A_304, %add3A_323, %dma_wait3A_324] : memref<1x2048x1024xf32, #tpu.memory_space<hbm>> -> memref<1x16x1024xf32, #tpu.memory_space<hbm>>
        %dma_wait3A_326 = tpu.memref_squeeze %dma_wait3A_325 : memref<1x16x1024xf32, #tpu.memory_space<hbm>> -> memref<16x1024xf32, #tpu.memory_space<hbm>>
        %dma_wait3A_327 = arith.constant 0 : i32
        %dma_wait3A_328 = tpu.memref_slice %arg4[%select_n3A_304, %add3A_323, %dma_wait3A_327] : memref<1x2048x1024xf32, #tpu.memory_space<hbm>> -> memref<1x16x1024xf32, #tpu.memory_space<hbm>>
        %dma_wait3A_329 = tpu.memref_squeeze %dma_wait3A_328 : memref<1x16x1024xf32, #tpu.memory_space<hbm>> -> memref<16x1024xf32, #tpu.memory_space<hbm>>
        tpu.wait_dma2 semaphore(%arg11 : memref<!tpu.dma_semaphore, #tpu.memory_space<semaphore_mem>>) src(%arg7 : memref<16x1024xf32, #tpu.memory_space<vmem>>) dst(%dma_wait3A_329 : memref<16x1024xf32, #tpu.memory_space<hbm>>)
      } else {
      }
      %add3A_31 = arith.constant 1 : i32
      %add3A_32 = arith.addi %add3A_28, %add3A_31 : i32
      %lt3A = arith.constant 4 : i32
      %lt3A_33 = arith.cmpi slt, %add3A_32, %lt3A : i32
      %convert_element_type3A_34 = arith.extui %lt3A_33 : i1 to i32
      %cond3A_35 = arith.constant 0 : i32
      %cond3A_36 = arith.cmpi ne, %convert_element_type3A_34, %cond3A_35 : i32
      scf.if %cond3A_36 {
        %add3A_281 = arith.constant 1 : i32
        %add3A_282 = arith.addi %add3A_28, %add3A_281 : i32
        %jit3A_283 = arith.constant 4 : i32
        %div3A_284 = arith.divsi %add3A_282, %jit3A_283 : i32
        %sign3A_285 = arith.constant 0 : i32
        %sign3A_286 = arith.cmpi sgt, %add3A_282, %sign3A_285 : i32
        %sign3A_287 = arith.extui %sign3A_286 : i1 to i32
        %sign3A_288 = arith.constant 0 : i32
        %sign3A_289 = arith.cmpi slt, %add3A_282, %sign3A_288 : i32
        %sign3A_290 = arith.extui %sign3A_289 : i1 to i32
        %sign3A_291 = arith.subi %sign3A_287, %sign3A_290 : i32
        %sign3A_292 = arith.constant 0 : i32
        %sign3A_293 = arith.cmpi sgt, %jit3A_283, %sign3A_292 : i32
        %sign3A_294 = arith.extui %sign3A_293 : i1 to i32
        %sign3A_295 = arith.constant 0 : i32
        %sign3A_296 = arith.cmpi slt, %jit3A_283, %sign3A_295 : i32
        %sign3A_297 = arith.extui %sign3A_296 : i1 to i32
        %sign3A_298 = arith.subi %sign3A_294, %sign3A_297 : i32
        %ne3A_299 = arith.cmpi ne, %sign3A_291, %sign3A_298 : i32
        %rem3A_300 = arith.remsi %add3A_282, %jit3A_283 : i32
        %ne3A_301 = arith.constant 0 : i32
        %ne3A_302 = arith.cmpi ne, %rem3A_300, %ne3A_301 : i32
        %and3A_303 = arith.andi %ne3A_299, %ne3A_302 : i1
        %sub3A_304 = arith.constant 1 : i32
        %sub3A_305 = arith.subi %div3A_284, %sub3A_304 : i32
        %select_n3A_306 = arith.select %and3A_303, %sub3A_305, %div3A_284 : i32
        %jit3A_307 = arith.constant 4 : i32
        %eq3A_308 = arith.constant 0 : i32
        %eq3A_309 = arith.cmpi eq, %jit3A_307, %eq3A_308 : i32
        %jit3A_310 = arith.constant 1 : i32
        %select_n3A_311 = arith.select %eq3A_309, %jit3A_310, %jit3A_307 : i32
        %rem3A_312 = arith.remsi %add3A_282, %select_n3A_311 : i32
        %ne3A_313 = arith.constant 0 : i32
        %ne3A_314 = arith.cmpi ne, %rem3A_312, %ne3A_313 : i32
        %lt3A_315 = arith.constant 0 : i32
        %lt3A_316 = arith.cmpi slt, %rem3A_312, %lt3A_315 : i32
        %lt3A_317 = arith.constant 0 : i32
        %lt3A_318 = arith.cmpi slt, %select_n3A_311, %lt3A_317 : i32
        %ne3A_319 = arith.xori %lt3A_316, %lt3A_318 : i1
        %and3A_320 = arith.andi %ne3A_319, %ne3A_314 : i1
        %add3A_321 = arith.addi %rem3A_312, %select_n3A_311 : i32
        %select_n3A_322 = arith.select %and3A_320, %add3A_321, %rem3A_312 : i32
        %mul3A_323 = arith.constant 16 : i32
        %mul3A_324 = arith.muli %select_n3A_322, %mul3A_323 : i32
        %add3A_325 = arith.addi %mul3A_2, %mul3A_324 : i32
        %dma_start3A_326 = arith.constant 0 : i32
        %dma_start3A_327 = tpu.memref_slice %arg2[%select_n3A_306, %add3A_325, %dma_start3A_326] : memref<1x2048x1024xf32, #tpu.memory_space<hbm>> -> memref<1x16x1024xf32, #tpu.memory_space<hbm>>
        %dma_start3A_328 = tpu.memref_squeeze %dma_start3A_327 : memref<1x16x1024xf32, #tpu.memory_space<hbm>> -> memref<16x1024xf32, #tpu.memory_space<hbm>>
        %dma_start3A_329 = arith.constant 0 : i32
        %dma_start3A_330 = tpu.memref_slice %arg2[%select_n3A_306, %add3A_325, %dma_start3A_329] : memref<1x2048x1024xf32, #tpu.memory_space<hbm>> -> memref<1x16x1024xf32, #tpu.memory_space<hbm>>
        %dma_start3A_331 = tpu.memref_squeeze %dma_start3A_330 : memref<1x16x1024xf32, #tpu.memory_space<hbm>> -> memref<16x1024xf32, #tpu.memory_space<hbm>>
        tpu.enqueue_dma source(%dma_start3A_331 : memref<16x1024xf32, #tpu.memory_space<hbm>>) target(%arg7 : memref<16x1024xf32, #tpu.memory_space<vmem>>) target_semaphore(%arg9 : memref<!tpu.dma_semaphore, #tpu.memory_space<semaphore_mem>>)
      } else {
      }
      %jit3A = arith.constant 4 : i32
      %div3A = arith.divsi %add3A_28, %jit3A : i32
      %sign3A = arith.constant 0 : i32
      %sign3A_37 = arith.cmpi sgt, %add3A_28, %sign3A : i32
      %sign3A_38 = arith.extui %sign3A_37 : i1 to i32
      %sign3A_39 = arith.constant 0 : i32
      %sign3A_40 = arith.cmpi slt, %add3A_28, %sign3A_39 : i32
      %sign3A_41 = arith.extui %sign3A_40 : i1 to i32
      %sign3A_42 = arith.subi %sign3A_38, %sign3A_41 : i32
      %sign3A_43 = arith.constant 0 : i32
      %sign3A_44 = arith.cmpi sgt, %jit3A, %sign3A_43 : i32
      %sign3A_45 = arith.extui %sign3A_44 : i1 to i32
      %sign3A_46 = arith.constant 0 : i32
      %sign3A_47 = arith.cmpi slt, %jit3A, %sign3A_46 : i32
      %sign3A_48 = arith.extui %sign3A_47 : i1 to i32
      %sign3A_49 = arith.subi %sign3A_45, %sign3A_48 : i32
      %ne3A = arith.cmpi ne, %sign3A_42, %sign3A_49 : i32
      %rem3A = arith.remsi %add3A_28, %jit3A : i32
      %ne3A_50 = arith.constant 0 : i32
      %ne3A_51 = arith.cmpi ne, %rem3A, %ne3A_50 : i32
      %and3A = arith.andi %ne3A, %ne3A_51 : i1
      %sub3A = arith.constant 1 : i32
      %sub3A_52 = arith.subi %div3A, %sub3A : i32
      %select_n3A = arith.select %and3A, %sub3A_52, %div3A : i32
      %jit3A_53 = arith.constant 4 : i32
      %eq3A = arith.constant 0 : i32
      %eq3A_54 = arith.cmpi eq, %jit3A_53, %eq3A : i32
      %jit3A_55 = arith.constant 1 : i32
      %select_n3A_56 = arith.select %eq3A_54, %jit3A_55, %jit3A_53 : i32
      %rem3A_57 = arith.remsi %add3A_28, %select_n3A_56 : i32
      %ne3A_58 = arith.constant 0 : i32
      %ne3A_59 = arith.cmpi ne, %rem3A_57, %ne3A_58 : i32
      %lt3A_60 = arith.constant 0 : i32
      %lt3A_61 = arith.cmpi slt, %rem3A_57, %lt3A_60 : i32
      %lt3A_62 = arith.constant 0 : i32
      %lt3A_63 = arith.cmpi slt, %select_n3A_56, %lt3A_62 : i32
      %ne3A_64 = arith.xori %lt3A_61, %lt3A_63 : i1
      %and3A_65 = arith.andi %ne3A_64, %ne3A_59 : i1
      %add3A_66 = arith.addi %rem3A_57, %select_n3A_56 : i32
      %select_n3A_67 = arith.select %and3A_65, %add3A_66, %rem3A_57 : i32
      %mul3A_68 = arith.constant 16 : i32
      %mul3A_69 = arith.muli %select_n3A_67, %mul3A_68 : i32
      %add3A_70 = arith.addi %mul3A_2, %mul3A_69 : i32
      %dma_wait3A_71 = arith.constant 0 : i32
      %dma_wait3A_72 = tpu.memref_slice %arg2[%select_n3A, %add3A_70, %dma_wait3A_71] : memref<1x2048x1024xf32, #tpu.memory_space<hbm>> -> memref<1x16x1024xf32, #tpu.memory_space<hbm>>
      %dma_wait3A_73 = tpu.memref_squeeze %dma_wait3A_72 : memref<1x16x1024xf32, #tpu.memory_space<hbm>> -> memref<16x1024xf32, #tpu.memory_space<hbm>>
      %dma_wait3A_74 = arith.constant 0 : i32
      %dma_wait3A_75 = tpu.memref_slice %arg2[%select_n3A, %add3A_70, %dma_wait3A_74] : memref<1x2048x1024xf32, #tpu.memory_space<hbm>> -> memref<1x16x1024xf32, #tpu.memory_space<hbm>>
      %dma_wait3A_76 = tpu.memref_squeeze %dma_wait3A_75 : memref<1x16x1024xf32, #tpu.memory_space<hbm>> -> memref<16x1024xf32, #tpu.memory_space<hbm>>
      tpu.wait_dma2 semaphore(%arg8 : memref<!tpu.dma_semaphore, #tpu.memory_space<semaphore_mem>>) src(%dma_wait3A_76 : memref<16x1024xf32, #tpu.memory_space<hbm>>) dst(%arg6 : memref<16x1024xf32, #tpu.memory_space<vmem>>)
      %jit3A_77 = arith.constant 4 : i32
      %eq3A_78 = arith.constant 0 : i32
      %eq3A_79 = arith.cmpi eq, %jit3A_77, %eq3A_78 : i32
      %jit3A_80 = arith.constant 1 : i32
      %select_n3A_81 = arith.select %eq3A_79, %jit3A_80, %jit3A_77 : i32
      %rem3A_82 = arith.remsi %add3A_28, %select_n3A_81 : i32
      %ne3A_83 = arith.constant 0 : i32
      %ne3A_84 = arith.cmpi ne, %rem3A_82, %ne3A_83 : i32
      %lt3A_85 = arith.constant 0 : i32
      %lt3A_86 = arith.cmpi slt, %rem3A_82, %lt3A_85 : i32
      %lt3A_87 = arith.constant 0 : i32
      %lt3A_88 = arith.cmpi slt, %select_n3A_81, %lt3A_87 : i32
      %ne3A_89 = arith.xori %lt3A_86, %lt3A_88 : i1
      %and3A_90 = arith.andi %ne3A_89, %ne3A_84 : i1
      %add3A_91 = arith.addi %rem3A_82, %select_n3A_81 : i32
      %select_n3A_92 = arith.select %and3A_90, %add3A_91, %rem3A_82 : i32
      %mul3A_93 = arith.constant 16 : i32
      %mul3A_94 = arith.muli %select_n3A_92, %mul3A_93 : i32
      %parallel_loop3A = arith.constant 0 : i32
      %parallel_loop3A_95 = arith.constant 16 : i32
      %parallel_loop3A_96 = arith.constant 1 : i32
      scf.for %parallel_loop3A_281 = %parallel_loop3A to %parallel_loop3A_95 step %parallel_loop3A_96  : i32 {
        %parallel_loop3A_282 = arith.addi %mul3A_94, %parallel_loop3A_281 : i32
        %parallel_loop3A_283 = arith.index_cast %parallel_loop3A_282 : i32 to index
        %parallel_loop3A_284 = arith.constant 0 : index
        %parallel_loop3A_285 = tpu.vector_load %arg5[%parallel_loop3A_283, %parallel_loop3A_284] {strides = array<i32>} : memref<64x1024xf32, #tpu.memory_space<vmem>>, vector<1x16xf32>,
        %parallel_loop3A_286 = vector.shape_cast %parallel_loop3A_285 : vector<1x16xf32> to vector<16xf32>
        %parallel_loop3A_287 = arith.index_cast %parallel_loop3A_281 : i32 to index
        %parallel_loop3A_288 = arith.constant 0 : index
        %parallel_loop3A_289 = tpu.vector_load %arg6[%parallel_loop3A_287, %parallel_loop3A_288] {strides = array<i32>} : memref<16x1024xf32, #tpu.memory_space<vmem>>, vector<1x16xf32>,
        %parallel_loop3A_290 = vector.shape_cast %parallel_loop3A_289 : vector<1x16xf32> to vector<16xf32>
        %parallel_loop3A_291 = vector.shape_cast %parallel_loop3A_286 : vector<16xf32> to vector<1x16xf32>
        tpu.vector_store %arg6[%parallel_loop3A_287, %parallel_loop3A_288], %parallel_loop3A_291 {add = true, strides = array<i32>} : memref<16x1024xf32, #tpu.memory_space<vmem>>, vector<1x16xf32>,
        %parallel_loop3A_292 = arith.index_cast %parallel_loop3A_282 : i32 to index
        %parallel_loop3A_293 = arith.constant 16 : index
        %parallel_loop3A_294 = tpu.vector_load %arg5[%parallel_loop3A_292, %parallel_loop3A_293] {strides = array<i32>} : memref<64x1024xf32, #tpu.memory_space<vmem>>, vector<1x16xf32>,
        %parallel_loop3A_295 = vector.shape_cast %parallel_loop3A_294 : vector<1x16xf32> to vector<16xf32>
        %parallel_loop3A_296 = arith.index_cast %parallel_loop3A_281 : i32 to index
        %parallel_loop3A_297 = arith.constant 16 : index
        %parallel_loop3A_298 = tpu.vector_load %arg6[%parallel_loop3A_296, %parallel_loop3A_297] {strides = array<i32>} : memref<16x1024xf32, #tpu.memory_space<vmem>>, vector<1x16xf32>,
        %parallel_loop3A_299 = vector.shape_cast %parallel_loop3A_298 : vector<1x16xf32> to vector<16xf32>
        %parallel_loop3A_300 = vector.shape_cast %parallel_loop3A_295 : vector<16xf32> to vector<1x16xf32>
        tpu.vector_store %arg6[%parallel_loop3A_296, %parallel_loop3A_297], %parallel_loop3A_300 {add = true, strides = array<i32>} : memref<16x1024xf32, #tpu.memory_space<vmem>>, vector<1x16xf32>,
        %parallel_loop3A_301 = arith.index_cast %parallel_loop3A_282 : i32 to index
        %parallel_loop3A_302 = arith.constant 32 : index
        %parallel_loop3A_303 = tpu.vector_load %arg5[%parallel_loop3A_301, %parallel_loop3A_302] {strides = array<i32>} : memref<64x1024xf32, #tpu.memory_space<vmem>>, vector<1x16xf32>,
        %parallel_loop3A_304 = vector.shape_cast %parallel_loop3A_303 : vector<1x16xf32> to vector<16xf32>
        %parallel_loop3A_305 = arith.index_cast %parallel_loop3A_281 : i32 to index
        %parallel_loop3A_306 = arith.constant 32 : index
        %parallel_loop3A_307 = tpu.vector_load %arg6[%parallel_loop3A_305, %parallel_loop3A_306] {strides = array<i32>} : memref<16x1024xf32, #tpu.memory_space<vmem>>, vector<1x16xf32>,
        %parallel_loop3A_308 = vector.shape_cast %parallel_loop3A_307 : vector<1x16xf32> to vector<16xf32>
        %parallel_loop3A_309 = vector.shape_cast %parallel_loop3A_304 : vector<16xf32> to vector<1x16xf32>
        tpu.vector_store %arg6[%parallel_loop3A_305, %parallel_loop3A_306], %parallel_loop3A_309 {add = true, strides = array<i32>} : memref<16x1024xf32, #tpu.memory_space<vmem>>, vector<1x16xf32>,
        %parallel_loop3A_310 = arith.index_cast %parallel_loop3A_282 : i32 to index
        %parallel_loop3A_311 = arith.constant 48 : index
        %parallel_loop3A_312 = tpu.vector_load %arg5[%parallel_loop3A_310, %parallel_loop3A_311] {strides = array<i32>} : memref<64x1024xf32, #tpu.memory_space<vmem>>, vector<1x16xf32>,
        %parallel_loop3A_313 = vector.shape_cast %parallel_loop3A_312 : vector<1x16xf32> to vector<16xf32>
        %parallel_loop3A_314 = arith.index_cast %parallel_loop3A_281 : i32 to index
        %parallel_loop3A_315 = arith.constant 48 : index
        %parallel_loop3A_316 = tpu.vector_load %arg6[%parallel_loop3A_314, %parallel_loop3A_315] {strides = array<i32>} : memref<16x1024xf32, #tpu.memory_space<vmem>>, vector<1x16xf32>,
        %parallel_loop3A_317 = vector.shape_cast %parallel_loop3A_316 : vector<1x16xf32> to vector<16xf32>
        %parallel_loop3A_318 = vector.shape_cast %parallel_loop3A_313 : vector<16xf32> to vector<1x16xf32>
        tpu.vector_store %arg6[%parallel_loop3A_314, %parallel_loop3A_315], %parallel_loop3A_318 {add = true, strides = array<i32>} : memref<16x1024xf32, #tpu.memory_space<vmem>>, vector<1x16xf32>,
        %parallel_loop3A_319 = arith.index_cast %parallel_loop3A_282 : i32 to index
        %parallel_loop3A_320 = arith.constant 64 : index
        %parallel_loop3A_321 = tpu.vector_load %arg5[%parallel_loop3A_319, %parallel_loop3A_320] {strides = array<i32>} : memref<64x1024xf32, #tpu.memory_space<vmem>>, vector<1x16xf32>,
        %parallel_loop3A_322 = vector.shape_cast %parallel_loop3A_321 : vector<1x16xf32> to vector<16xf32>
        %parallel_loop3A_323 = arith.index_cast %parallel_loop3A_281 : i32 to index
        %parallel_loop3A_324 = arith.constant 64 : index
        %parallel_loop3A_325 = tpu.vector_load %arg6[%parallel_loop3A_323, %parallel_loop3A_324] {strides = array<i32>} : memref<16x1024xf32, #tpu.memory_space<vmem>>, vector<1x16xf32>,
        %parallel_loop3A_326 = vector.shape_cast %parallel_loop3A_325 : vector<1x16xf32> to vector<16xf32>
        %parallel_loop3A_327 = vector.shape_cast %parallel_loop3A_322 : vector<16xf32> to vector<1x16xf32>
        tpu.vector_store %arg6[%parallel_loop3A_323, %parallel_loop3A_324], %parallel_loop3A_327 {add = true, strides = array<i32>} : memref<16x1024xf32, #tpu.memory_space<vmem>>, vector<1x16xf32>,
        %parallel_loop3A_328 = arith.index_cast %parallel_loop3A_282 : i32 to index
        %parallel_loop3A_329 = arith.constant 80 : index
        %parallel_loop3A_330 = tpu.vector_load %arg5[%parallel_loop3A_328, %parallel_loop3A_329] {strides = array<i32>} : memref<64x1024xf32, #tpu.memory_space<vmem>>, vector<1x16xf32>,
        %parallel_loop3A_331 = vector.shape_cast %parallel_loop3A_330 : vector<1x16xf32> to vector<16xf32>
        %parallel_loop3A_332 = arith.index_cast %parallel_loop3A_281 : i32 to index
        %parallel_loop3A_333 = arith.constant 80 : index
        %parallel_loop3A_334 = tpu.vector_load %arg6[%parallel_loop3A_332, %parallel_loop3A_333] {strides = array<i32>} : memref<16x1024xf32, #tpu.memory_space<vmem>>, vector<1x16xf32>,
        %parallel_loop3A_335 = vector.shape_cast %parallel_loop3A_334 : vector<1x16xf32> to vector<16xf32>
        %parallel_loop3A_336 = vector.shape_cast %parallel_loop3A_331 : vector<16xf32> to vector<1x16xf32>
        tpu.vector_store %arg6[%parallel_loop3A_332, %parallel_loop3A_333], %parallel_loop3A_336 {add = true, strides = array<i32>} : memref<16x1024xf32, #tpu.memory_space<vmem>>, vector<1x16xf32>,
        %parallel_loop3A_337 = arith.index_cast %parallel_loop3A_282 : i32 to index
        %parallel_loop3A_338 = arith.constant 96 : index
        %parallel_loop3A_339 = tpu.vector_load %arg5[%parallel_loop3A_337, %parallel_loop3A_338] {strides = array<i32>} : memref<64x1024xf32, #tpu.memory_space<vmem>>, vector<1x16xf32>,
        %parallel_loop3A_340 = vector.shape_cast %parallel_loop3A_339 : vector<1x16xf32> to vector<16xf32>
        %parallel_loop3A_341 = arith.index_cast %parallel_loop3A_281 : i32 to index
        %parallel_loop3A_342 = arith.constant 96 : index
        %parallel_loop3A_343 = tpu.vector_load %arg6[%parallel_loop3A_341, %parallel_loop3A_342] {strides = array<i32>} : memref<16x1024xf32, #tpu.memory_space<vmem>>, vector<1x16xf32>,
        %parallel_loop3A_344 = vector.shape_cast %parallel_loop3A_343 : vector<1x16xf32> to vector<16xf32>
        %parallel_loop3A_345 = vector.shape_cast %parallel_loop3A_340 : vector<16xf32> to vector<1x16xf32>
        tpu.vector_store %arg6[%parallel_loop3A_341, %parallel_loop3A_342], %parallel_loop3A_345 {add = true, strides = array<i32>} : memref<16x1024xf32, #tpu.memory_space<vmem>>, vector<1x16xf32>,
        %parallel_loop3A_346 = arith.index_cast %parallel_loop3A_282 : i32 to index
        %parallel_loop3A_347 = arith.constant 112 : index
        %parallel_loop3A_348 = tpu.vector_load %arg5[%parallel_loop3A_346, %parallel_loop3A_347] {strides = array<i32>} : memref<64x1024xf32, #tpu.memory_space<vmem>>, vector<1x16xf32>,
        %parallel_loop3A_349 = vector.shape_cast %parallel_loop3A_348 : vector<1x16xf32> to vector<16xf32>
        %parallel_loop3A_350 = arith.index_cast %parallel_loop3A_281 : i32 to index
        %parallel_loop3A_351 = arith.constant 112 : index
        %parallel_loop3A_352 = tpu.vector_load %arg6[%parallel_loop3A_350, %parallel_loop3A_351] {strides = array<i32>} : memref<16x1024xf32, #tpu.memory_space<vmem>>, vector<1x16xf32>,
        %parallel_loop3A_353 = vector.shape_cast %parallel_loop3A_352 : vector<1x16xf32> to vector<16xf32>
        %parallel_loop3A_354 = vector.shape_cast %parallel_loop3A_349 : vector<16xf32> to vector<1x16xf32>
        tpu.vector_store %arg6[%parallel_loop3A_350, %parallel_loop3A_351], %parallel_loop3A_354 {add = true, strides = array<i32>} : memref<16x1024xf32, #tpu.memory_space<vmem>>, vector<1x16xf32>,
        %parallel_loop3A_355 = arith.index_cast %parallel_loop3A_282 : i32 to index
        %parallel_loop3A_356 = arith.constant 128 : index
        %parallel_loop3A_357 = tpu.vector_load %arg5[%parallel_loop3A_355, %parallel_loop3A_356] {strides = array<i32>} : memref<64x1024xf32, #tpu.memory_space<vmem>>, vector<1x16xf32>,
        %parallel_loop3A_358 = vector.shape_cast %parallel_loop3A_357 : vector<1x16xf32> to vector<16xf32>
        %parallel_loop3A_359 = arith.index_cast %parallel_loop3A_281 : i32 to index
        %parallel_loop3A_360 = arith.constant 128 : index
        %parallel_loop3A_361 = tpu.vector_load %arg6[%parallel_loop3A_359, %parallel_loop3A_360] {strides = array<i32>} : memref<16x1024xf32, #tpu.memory_space<vmem>>, vector<1x16xf32>,
        %parallel_loop3A_362 = vector.shape_cast %parallel_loop3A_361 : vector<1x16xf32> to vector<16xf32>
        %parallel_loop3A_363 = vector.shape_cast %parallel_loop3A_358 : vector<16xf32> to vector<1x16xf32>
        tpu.vector_store %arg6[%parallel_loop3A_359, %parallel_loop3A_360], %parallel_loop3A_363 {add = true, strides = array<i32>} : memref<16x1024xf32, #tpu.memory_space<vmem>>, vector<1x16xf32>,
        %parallel_loop3A_364 = arith.index_cast %parallel_loop3A_282 : i32 to index
        %parallel_loop3A_365 = arith.constant 144 : index
        %parallel_loop3A_366 = tpu.vector_load %arg5[%parallel_loop3A_364, %parallel_loop3A_365] {strides = array<i32>} : memref<64x1024xf32, #tpu.memory_space<vmem>>, vector<1x16xf32>,
        %parallel_loop3A_367 = vector.shape_cast %parallel_loop3A_366 : vector<1x16xf32> to vector<16xf32>
        %parallel_loop3A_368 = arith.index_cast %parallel_loop3A_281 : i32 to index
        %parallel_loop3A_369 = arith.constant 144 : index
        %parallel_loop3A_370 = tpu.vector_load %arg6[%parallel_loop3A_368, %parallel_loop3A_369] {strides = array<i32>} : memref<16x1024xf32, #tpu.memory_space<vmem>>, vector<1x16xf32>,
        %parallel_loop3A_371 = vector.shape_cast %parallel_loop3A_370 : vector<1x16xf32> to vector<16xf32>
        %parallel_loop3A_372 = vector.shape_cast %parallel_loop3A_367 : vector<16xf32> to vector<1x16xf32>
        tpu.vector_store %arg6[%parallel_loop3A_368, %parallel_loop3A_369], %parallel_loop3A_372 {add = true, strides = array<i32>} : memref<16x1024xf32, #tpu.memory_space<vmem>>, vector<1x16xf32>,
        %parallel_loop3A_373 = arith.index_cast %parallel_loop3A_282 : i32 to index
        %parallel_loop3A_374 = arith.constant 160 : index
        %parallel_loop3A_375 = tpu.vector_load %arg5[%parallel_loop3A_373, %parallel_loop3A_374] {strides = array<i32>} : memref<64x1024xf32, #tpu.memory_space<vmem>>, vector<1x16xf32>,
        %parallel_loop3A_376 = vector.shape_cast %parallel_loop3A_375 : vector<1x16xf32> to vector<16xf32>
        %parallel_loop3A_377 = arith.index_cast %parallel_loop3A_281 : i32 to index
        %parallel_loop3A_378 = arith.constant 160 : index
        %parallel_loop3A_379 = tpu.vector_load %arg6[%parallel_loop3A_377, %parallel_loop3A_378] {strides = array<i32>} : memref<16x1024xf32, #tpu.memory_space<vmem>>, vector<1x16xf32>,
        %parallel_loop3A_380 = vector.shape_cast %parallel_loop3A_379 : vector<1x16xf32> to vector<16xf32>
        %parallel_loop3A_381 = vector.shape_cast %parallel_loop3A_376 : vector<16xf32> to vector<1x16xf32>
        tpu.vector_store %arg6[%parallel_loop3A_377, %parallel_loop3A_378], %parallel_loop3A_381 {add = true, strides = array<i32>} : memref<16x1024xf32, #tpu.memory_space<vmem>>, vector<1x16xf32>,
        %parallel_loop3A_382 = arith.index_cast %parallel_loop3A_282 : i32 to index
        %parallel_loop3A_383 = arith.constant 176 : index
        %parallel_loop3A_384 = tpu.vector_load %arg5[%parallel_loop3A_382, %parallel_loop3A_383] {strides = array<i32>} : memref<64x1024xf32, #tpu.memory_space<vmem>>, vector<1x16xf32>,
        %parallel_loop3A_385 = vector.shape_cast %parallel_loop3A_384 : vector<1x16xf32> to vector<16xf32>
        %parallel_loop3A_386 = arith.index_cast %parallel_loop3A_281 : i32 to index
        %parallel_loop3A_387 = arith.constant 176 : index
        %parallel_loop3A_388 = tpu.vector_load %arg6[%parallel_loop3A_386, %parallel_loop3A_387] {strides = array<i32>} : memref<16x1024xf32, #tpu.memory_space<vmem>>, vector<1x16xf32>,
        %parallel_loop3A_389 = vector.shape_cast %parallel_loop3A_388 : vector<1x16xf32> to vector<16xf32>
        %parallel_loop3A_390 = vector.shape_cast %parallel_loop3A_385 : vector<16xf32> to vector<1x16xf32>
        tpu.vector_store %arg6[%parallel_loop3A_386, %parallel_loop3A_387], %parallel_loop3A_390 {add = true, strides = array<i32>} : memref<16x1024xf32, #tpu.memory_space<vmem>>, vector<1x16xf32>,
        %parallel_loop3A_391 = arith.index_cast %parallel_loop3A_282 : i32 to index
        %parallel_loop3A_392 = arith.constant 192 : index
        %parallel_loop3A_393 = tpu.vector_load %arg5[%parallel_loop3A_391, %parallel_loop3A_392] {strides = array<i32>} : memref<64x1024xf32, #tpu.memory_space<vmem>>, vector<1x16xf32>,
        %parallel_loop3A_394 = vector.shape_cast %parallel_loop3A_393 : vector<1x16xf32> to vector<16xf32>
        %parallel_loop3A_395 = arith.index_cast %parallel_loop3A_281 : i32 to index
        %parallel_loop3A_396 = arith.constant 192 : index
        %parallel_loop3A_397 = tpu.vector_load %arg6[%parallel_loop3A_395, %parallel_loop3A_396] {strides = array<i32>} : memref<16x1024xf32, #tpu.memory_space<vmem>>, vector<1x16xf32>,
        %parallel_loop3A_398 = vector.shape_cast %parallel_loop3A_397 : vector<1x16xf32> to vector<16xf32>
        %parallel_loop3A_399 = vector.shape_cast %parallel_loop3A_394 : vector<16xf32> to vector<1x16xf32>
        tpu.vector_store %arg6[%parallel_loop3A_395, %parallel_loop3A_396], %parallel_loop3A_399 {add = true, strides = array<i32>} : memref<16x1024xf32, #tpu.memory_space<vmem>>, vector<1x16xf32>,
        %parallel_loop3A_400 = arith.index_cast %parallel_loop3A_282 : i32 to index
        %parallel_loop3A_401 = arith.constant 208 : index
        %parallel_loop3A_402 = tpu.vector_load %arg5[%parallel_loop3A_400, %parallel_loop3A_401] {strides = array<i32>} : memref<64x1024xf32, #tpu.memory_space<vmem>>, vector<1x16xf32>,
        %parallel_loop3A_403 = vector.shape_cast %parallel_loop3A_402 : vector<1x16xf32> to vector<16xf32>
        %parallel_loop3A_404 = arith.index_cast %parallel_loop3A_281 : i32 to index
        %parallel_loop3A_405 = arith.constant 208 : index
        %parallel_loop3A_406 = tpu.vector_load %arg6[%parallel_loop3A_404, %parallel_loop3A_405] {strides = array<i32>} : memref<16x1024xf32, #tpu.memory_space<vmem>>, vector<1x16xf32>,
        %parallel_loop3A_407 = vector.shape_cast %parallel_loop3A_406 : vector<1x16xf32> to vector<16xf32>
        %parallel_loop3A_408 = vector.shape_cast %parallel_loop3A_403 : vector<16xf32> to vector<1x16xf32>
        tpu.vector_store %arg6[%parallel_loop3A_404, %parallel_loop3A_405], %parallel_loop3A_408 {add = true, strides = array<i32>} : memref<16x1024xf32, #tpu.memory_space<vmem>>, vector<1x16xf32>,
        %parallel_loop3A_409 = arith.index_cast %parallel_loop3A_282 : i32 to index
        %parallel_loop3A_410 = arith.constant 224 : index
        %parallel_loop3A_411 = tpu.vector_load %arg5[%parallel_loop3A_409, %parallel_loop3A_410] {strides = array<i32>} : memref<64x1024xf32, #tpu.memory_space<vmem>>, vector<1x16xf32>,
        %parallel_loop3A_412 = vector.shape_cast %parallel_loop3A_411 : vector<1x16xf32> to vector<16xf32>
        %parallel_loop3A_413 = arith.index_cast %parallel_loop3A_281 : i32 to index
        %parallel_loop3A_414 = arith.constant 224 : index
        %parallel_loop3A_415 = tpu.vector_load %arg6[%parallel_loop3A_413, %parallel_loop3A_414] {strides = array<i32>} : memref<16x1024xf32, #tpu.memory_space<vmem>>, vector<1x16xf32>,
        %parallel_loop3A_416 = vector.shape_cast %parallel_loop3A_415 : vector<1x16xf32> to vector<16xf32>
        %parallel_loop3A_417 = vector.shape_cast %parallel_loop3A_412 : vector<16xf32> to vector<1x16xf32>
        tpu.vector_store %arg6[%parallel_loop3A_413, %parallel_loop3A_414], %parallel_loop3A_417 {add = true, strides = array<i32>} : memref<16x1024xf32, #tpu.memory_space<vmem>>, vector<1x16xf32>,
        %parallel_loop3A_418 = arith.index_cast %parallel_loop3A_282 : i32 to index
        %parallel_loop3A_419 = arith.constant 240 : index
        %parallel_loop3A_420 = tpu.vector_load %arg5[%parallel_loop3A_418, %parallel_loop3A_419] {strides = array<i32>} : memref<64x1024xf32, #tpu.memory_space<vmem>>, vector<1x16xf32>,
        %parallel_loop3A_421 = vector.shape_cast %parallel_loop3A_420 : vector<1x16xf32> to vector<16xf32>
        %parallel_loop3A_422 = arith.index_cast %parallel_loop3A_281 : i32 to index
        %parallel_loop3A_423 = arith.constant 240 : index
        %parallel_loop3A_424 = tpu.vector_load %arg6[%parallel_loop3A_422, %parallel_loop3A_423] {strides = array<i32>} : memref<16x1024xf32, #tpu.memory_space<vmem>>, vector<1x16xf32>,
        %parallel_loop3A_425 = vector.shape_cast %parallel_loop3A_424 : vector<1x16xf32> to vector<16xf32>
        %parallel_loop3A_426 = vector.shape_cast %parallel_loop3A_421 : vector<16xf32> to vector<1x16xf32>
        tpu.vector_store %arg6[%parallel_loop3A_422, %parallel_loop3A_423], %parallel_loop3A_426 {add = true, strides = array<i32>} : memref<16x1024xf32, #tpu.memory_space<vmem>>, vector<1x16xf32>,
        %parallel_loop3A_427 = arith.index_cast %parallel_loop3A_282 : i32 to index
        %parallel_loop3A_428 = arith.constant 256 : index
        %parallel_loop3A_429 = tpu.vector_load %arg5[%parallel_loop3A_427, %parallel_loop3A_428] {strides = array<i32>} : memref<64x1024xf32, #tpu.memory_space<vmem>>, vector<1x16xf32>,
        %parallel_loop3A_430 = vector.shape_cast %parallel_loop3A_429 : vector<1x16xf32> to vector<16xf32>
        %parallel_loop3A_431 = arith.index_cast %parallel_loop3A_281 : i32 to index
        %parallel_loop3A_432 = arith.constant 256 : index
        %parallel_loop3A_433 = tpu.vector_load %arg6[%parallel_loop3A_431, %parallel_loop3A_432] {strides = array<i32>} : memref<16x1024xf32, #tpu.memory_space<vmem>>, vector<1x16xf32>,
        %parallel_loop3A_434 = vector.shape_cast %parallel_loop3A_433 : vector<1x16xf32> to vector<16xf32>
        %parallel_loop3A_435 = vector.shape_cast %parallel_loop3A_430 : vector<16xf32> to vector<1x16xf32>
        tpu.vector_store %arg6[%parallel_loop3A_431, %parallel_loop3A_432], %parallel_loop3A_435 {add = true, strides = array<i32>} : memref<16x1024xf32, #tpu.memory_space<vmem>>, vector<1x16xf32>,
        %parallel_loop3A_436 = arith.index_cast %parallel_loop3A_282 : i32 to index
        %parallel_loop3A_437 = arith.constant 272 : index
        %parallel_loop3A_438 = tpu.vector_load %arg5[%parallel_loop3A_436, %parallel_loop3A_437] {strides = array<i32>} : memref<64x1024xf32, #tpu.memory_space<vmem>>, vector<1x16xf32>,
        %parallel_loop3A_439 = vector.shape_cast %parallel_loop3A_438 : vector<1x16xf32> to vector<16xf32>
        %parallel_loop3A_440 = arith.index_cast %parallel_loop3A_281 : i32 to index
        %parallel_loop3A_441 = arith.constant 272 : index
        %parallel_loop3A_442 = tpu.vector_load %arg6[%parallel_loop3A_440, %parallel_loop3A_441] {strides = array<i32>} : memref<16x1024xf32, #tpu.memory_space<vmem>>, vector<1x16xf32>,
        %parallel_loop3A_443 = vector.shape_cast %parallel_loop3A_442 : vector<1x16xf32> to vector<16xf32>
        %parallel_loop3A_444 = vector.shape_cast %parallel_loop3A_439 : vector<16xf32> to vector<1x16xf32>
        tpu.vector_store %arg6[%parallel_loop3A_440, %parallel_loop3A_441], %parallel_loop3A_444 {add = true, strides = array<i32>} : memref<16x1024xf32, #tpu.memory_space<vmem>>, vector<1x16xf32>,
        %parallel_loop3A_445 = arith.index_cast %parallel_loop3A_282 : i32 to index
        %parallel_loop3A_446 = arith.constant 288 : index
        %parallel_loop3A_447 = tpu.vector_load %arg5[%parallel_loop3A_445, %parallel_loop3A_446] {strides = array<i32>} : memref<64x1024xf32, #tpu.memory_space<vmem>>, vector<1x16xf32>,
        %parallel_loop3A_448 = vector.shape_cast %parallel_loop3A_447 : vector<1x16xf32> to vector<16xf32>
        %parallel_loop3A_449 = arith.index_cast %parallel_loop3A_281 : i32 to index
        %parallel_loop3A_450 = arith.constant 288 : index
        %parallel_loop3A_451 = tpu.vector_load %arg6[%parallel_loop3A_449, %parallel_loop3A_450] {strides = array<i32>} : memref<16x1024xf32, #tpu.memory_space<vmem>>, vector<1x16xf32>,
        %parallel_loop3A_452 = vector.shape_cast %parallel_loop3A_451 : vector<1x16xf32> to vector<16xf32>
        %parallel_loop3A_453 = vector.shape_cast %parallel_loop3A_448 : vector<16xf32> to vector<1x16xf32>
        tpu.vector_store %arg6[%parallel_loop3A_449, %parallel_loop3A_450], %parallel_loop3A_453 {add = true, strides = array<i32>} : memref<16x1024xf32, #tpu.memory_space<vmem>>, vector<1x16xf32>,
        %parallel_loop3A_454 = arith.index_cast %parallel_loop3A_282 : i32 to index
        %parallel_loop3A_455 = arith.constant 304 : index
        %parallel_loop3A_456 = tpu.vector_load %arg5[%parallel_loop3A_454, %parallel_loop3A_455] {strides = array<i32>} : memref<64x1024xf32, #tpu.memory_space<vmem>>, vector<1x16xf32>,
        %parallel_loop3A_457 = vector.shape_cast %parallel_loop3A_456 : vector<1x16xf32> to vector<16xf32>
        %parallel_loop3A_458 = arith.index_cast %parallel_loop3A_281 : i32 to index
        %parallel_loop3A_459 = arith.constant 304 : index
        %parallel_loop3A_460 = tpu.vector_load %arg6[%parallel_loop3A_458, %parallel_loop3A_459] {strides = array<i32>} : memref<16x1024xf32, #tpu.memory_space<vmem>>, vector<1x16xf32>,
        %parallel_loop3A_461 = vector.shape_cast %parallel_loop3A_460 : vector<1x16xf32> to vector<16xf32>
        %parallel_loop3A_462 = vector.shape_cast %parallel_loop3A_457 : vector<16xf32> to vector<1x16xf32>
        tpu.vector_store %arg6[%parallel_loop3A_458, %parallel_loop3A_459], %parallel_loop3A_462 {add = true, strides = array<i32>} : memref<16x1024xf32, #tpu.memory_space<vmem>>, vector<1x16xf32>,
        %parallel_loop3A_463 = arith.index_cast %parallel_loop3A_282 : i32 to index
        %parallel_loop3A_464 = arith.constant 320 : index
        %parallel_loop3A_465 = tpu.vector_load %arg5[%parallel_loop3A_463, %parallel_loop3A_464] {strides = array<i32>} : memref<64x1024xf32, #tpu.memory_space<vmem>>, vector<1x16xf32>,
        %parallel_loop3A_466 = vector.shape_cast %parallel_loop3A_465 : vector<1x16xf32> to vector<16xf32>
        %parallel_loop3A_467 = arith.index_cast %parallel_loop3A_281 : i32 to index
        %parallel_loop3A_468 = arith.constant 320 : index
        %parallel_loop3A_469 = tpu.vector_load %arg6[%parallel_loop3A_467, %parallel_loop3A_468] {strides = array<i32>} : memref<16x1024xf32, #tpu.memory_space<vmem>>, vector<1x16xf32>,
        %parallel_loop3A_470 = vector.shape_cast %parallel_loop3A_469 : vector<1x16xf32> to vector<16xf32>
        %parallel_loop3A_471 = vector.shape_cast %parallel_loop3A_466 : vector<16xf32> to vector<1x16xf32>
        tpu.vector_store %arg6[%parallel_loop3A_467, %parallel_loop3A_468], %parallel_loop3A_471 {add = true, strides = array<i32>} : memref<16x1024xf32, #tpu.memory_space<vmem>>, vector<1x16xf32>,
        %parallel_loop3A_472 = arith.index_cast %parallel_loop3A_282 : i32 to index
        %parallel_loop3A_473 = arith.constant 336 : index
        %parallel_loop3A_474 = tpu.vector_load %arg5[%parallel_loop3A_472, %parallel_loop3A_473] {strides = array<i32>} : memref<64x1024xf32, #tpu.memory_space<vmem>>, vector<1x16xf32>,
        %parallel_loop3A_475 = vector.shape_cast %parallel_loop3A_474 : vector<1x16xf32> to vector<16xf32>
        %parallel_loop3A_476 = arith.index_cast %parallel_loop3A_281 : i32 to index
        %parallel_loop3A_477 = arith.constant 336 : index
        %parallel_loop3A_478 = tpu.vector_load %arg6[%parallel_loop3A_476, %parallel_loop3A_477] {strides = array<i32>} : memref<16x1024xf32, #tpu.memory_space<vmem>>, vector<1x16xf32>,
        %parallel_loop3A_479 = vector.shape_cast %parallel_loop3A_478 : vector<1x16xf32> to vector<16xf32>
        %parallel_loop3A_480 = vector.shape_cast %parallel_loop3A_475 : vector<16xf32> to vector<1x16xf32>
        tpu.vector_store %arg6[%parallel_loop3A_476, %parallel_loop3A_477], %parallel_loop3A_480 {add = true, strides = array<i32>} : memref<16x1024xf32, #tpu.memory_space<vmem>>, vector<1x16xf32>,
        %parallel_loop3A_481 = arith.index_cast %parallel_loop3A_282 : i32 to index
        %parallel_loop3A_482 = arith.constant 352 : index
        %parallel_loop3A_483 = tpu.vector_load %arg5[%parallel_loop3A_481, %parallel_loop3A_482] {strides = array<i32>} : memref<64x1024xf32, #tpu.memory_space<vmem>>, vector<1x16xf32>,
        %parallel_loop3A_484 = vector.shape_cast %parallel_loop3A_483 : vector<1x16xf32> to vector<16xf32>
        %parallel_loop3A_485 = arith.index_cast %parallel_loop3A_281 : i32 to index
        %parallel_loop3A_486 = arith.constant 352 : index
        %parallel_loop3A_487 = tpu.vector_load %arg6[%parallel_loop3A_485, %parallel_loop3A_486] {strides = array<i32>} : memref<16x1024xf32, #tpu.memory_space<vmem>>, vector<1x16xf32>,
        %parallel_loop3A_488 = vector.shape_cast %parallel_loop3A_487 : vector<1x16xf32> to vector<16xf32>
        %parallel_loop3A_489 = vector.shape_cast %parallel_loop3A_484 : vector<16xf32> to vector<1x16xf32>
        tpu.vector_store %arg6[%parallel_loop3A_485, %parallel_loop3A_486], %parallel_loop3A_489 {add = true, strides = array<i32>} : memref<16x1024xf32, #tpu.memory_space<vmem>>, vector<1x16xf32>,
        %parallel_loop3A_490 = arith.index_cast %parallel_loop3A_282 : i32 to index
        %parallel_loop3A_491 = arith.constant 368 : index
        %parallel_loop3A_492 = tpu.vector_load %arg5[%parallel_loop3A_490, %parallel_loop3A_491] {strides = array<i32>} : memref<64x1024xf32, #tpu.memory_space<vmem>>, vector<1x16xf32>,
        %parallel_loop3A_493 = vector.shape_cast %parallel_loop3A_492 : vector<1x16xf32> to vector<16xf32>
        %parallel_loop3A_494 = arith.index_cast %parallel_loop3A_281 : i32 to index
        %parallel_loop3A_495 = arith.constant 368 : index
        %parallel_loop3A_496 = tpu.vector_load %arg6[%parallel_loop3A_494, %parallel_loop3A_495] {strides = array<i32>} : memref<16x1024xf32, #tpu.memory_space<vmem>>, vector<1x16xf32>,
        %parallel_loop3A_497 = vector.shape_cast %parallel_loop3A_496 : vector<1x16xf32> to vector<16xf32>
        %parallel_loop3A_498 = vector.shape_cast %parallel_loop3A_493 : vector<16xf32> to vector<1x16xf32>
        tpu.vector_store %arg6[%parallel_loop3A_494, %parallel_loop3A_495], %parallel_loop3A_498 {add = true, strides = array<i32>} : memref<16x1024xf32, #tpu.memory_space<vmem>>, vector<1x16xf32>,
        %parallel_loop3A_499 = arith.index_cast %parallel_loop3A_282 : i32 to index
        %parallel_loop3A_500 = arith.constant 384 : index
        %parallel_loop3A_501 = tpu.vector_load %arg5[%parallel_loop3A_499, %parallel_loop3A_500] {strides = array<i32>} : memref<64x1024xf32, #tpu.memory_space<vmem>>, vector<1x16xf32>,
        %parallel_loop3A_502 = vector.shape_cast %parallel_loop3A_501 : vector<1x16xf32> to vector<16xf32>
        %parallel_loop3A_503 = arith.index_cast %parallel_loop3A_281 : i32 to index
        %parallel_loop3A_504 = arith.constant 384 : index
        %parallel_loop3A_505 = tpu.vector_load %arg6[%parallel_loop3A_503, %parallel_loop3A_504] {strides = array<i32>} : memref<16x1024xf32, #tpu.memory_space<vmem>>, vector<1x16xf32>,
        %parallel_loop3A_506 = vector.shape_cast %parallel_loop3A_505 : vector<1x16xf32> to vector<16xf32>
        %parallel_loop3A_507 = vector.shape_cast %parallel_loop3A_502 : vector<16xf32> to vector<1x16xf32>
        tpu.vector_store %arg6[%parallel_loop3A_503, %parallel_loop3A_504], %parallel_loop3A_507 {add = true, strides = array<i32>} : memref<16x1024xf32, #tpu.memory_space<vmem>>, vector<1x16xf32>,
        %parallel_loop3A_508 = arith.index_cast %parallel_loop3A_282 : i32 to index
        %parallel_loop3A_509 = arith.constant 400 : index
        %parallel_loop3A_510 = tpu.vector_load %arg5[%parallel_loop3A_508, %parallel_loop3A_509] {strides = array<i32>} : memref<64x1024xf32, #tpu.memory_space<vmem>>, vector<1x16xf32>,
        %parallel_loop3A_511 = vector.shape_cast %parallel_loop3A_510 : vector<1x16xf32> to vector<16xf32>
        %parallel_loop3A_512 = arith.index_cast %parallel_loop3A_281 : i32 to index
        %parallel_loop3A_513 = arith.constant 400 : index
        %parallel_loop3A_514 = tpu.vector_load %arg6[%parallel_loop3A_512, %parallel_loop3A_513] {strides = array<i32>} : memref<16x1024xf32, #tpu.memory_space<vmem>>, vector<1x16xf32>,
        %parallel_loop3A_515 = vector.shape_cast %parallel_loop3A_514 : vector<1x16xf32> to vector<16xf32>
        %parallel_loop3A_516 = vector.shape_cast %parallel_loop3A_511 : vector<16xf32> to vector<1x16xf32>
        tpu.vector_store %arg6[%parallel_loop3A_512, %parallel_loop3A_513], %parallel_loop3A_516 {add = true, strides = array<i32>} : memref<16x1024xf32, #tpu.memory_space<vmem>>, vector<1x16xf32>,
        %parallel_loop3A_517 = arith.index_cast %parallel_loop3A_282 : i32 to index
        %parallel_loop3A_518 = arith.constant 416 : index
        %parallel_loop3A_519 = tpu.vector_load %arg5[%parallel_loop3A_517, %parallel_loop3A_518] {strides = array<i32>} : memref<64x1024xf32, #tpu.memory_space<vmem>>, vector<1x16xf32>,
        %parallel_loop3A_520 = vector.shape_cast %parallel_loop3A_519 : vector<1x16xf32> to vector<16xf32>
        %parallel_loop3A_521 = arith.index_cast %parallel_loop3A_281 : i32 to index
        %parallel_loop3A_522 = arith.constant 416 : index
        %parallel_loop3A_523 = tpu.vector_load %arg6[%parallel_loop3A_521, %parallel_loop3A_522] {strides = array<i32>} : memref<16x1024xf32, #tpu.memory_space<vmem>>, vector<1x16xf32>,
        %parallel_loop3A_524 = vector.shape_cast %parallel_loop3A_523 : vector<1x16xf32> to vector<16xf32>
        %parallel_loop3A_525 = vector.shape_cast %parallel_loop3A_520 : vector<16xf32> to vector<1x16xf32>
        tpu.vector_store %arg6[%parallel_loop3A_521, %parallel_loop3A_522], %parallel_loop3A_525 {add = true, strides = array<i32>} : memref<16x1024xf32, #tpu.memory_space<vmem>>, vector<1x16xf32>,
        %parallel_loop3A_526 = arith.index_cast %parallel_loop3A_282 : i32 to index
        %parallel_loop3A_527 = arith.constant 432 : index
        %parallel_loop3A_528 = tpu.vector_load %arg5[%parallel_loop3A_526, %parallel_loop3A_527] {strides = array<i32>} : memref<64x1024xf32, #tpu.memory_space<vmem>>, vector<1x16xf32>,
        %parallel_loop3A_529 = vector.shape_cast %parallel_loop3A_528 : vector<1x16xf32> to vector<16xf32>
        %parallel_loop3A_530 = arith.index_cast %parallel_loop3A_281 : i32 to index
        %parallel_loop3A_531 = arith.constant 432 : index
        %parallel_loop3A_532 = tpu.vector_load %arg6[%parallel_loop3A_530, %parallel_loop3A_531] {strides = array<i32>} : memref<16x1024xf32, #tpu.memory_space<vmem>>, vector<1x16xf32>,
        %parallel_loop3A_533 = vector.shape_cast %parallel_loop3A_532 : vector<1x16xf32> to vector<16xf32>
        %parallel_loop3A_534 = vector.shape_cast %parallel_loop3A_529 : vector<16xf32> to vector<1x16xf32>
        tpu.vector_store %arg6[%parallel_loop3A_530, %parallel_loop3A_531], %parallel_loop3A_534 {add = true, strides = array<i32>} : memref<16x1024xf32, #tpu.memory_space<vmem>>, vector<1x16xf32>,
        %parallel_loop3A_535 = arith.index_cast %parallel_loop3A_282 : i32 to index
        %parallel_loop3A_536 = arith.constant 448 : index
        %parallel_loop3A_537 = tpu.vector_load %arg5[%parallel_loop3A_535, %parallel_loop3A_536] {strides = array<i32>} : memref<64x1024xf32, #tpu.memory_space<vmem>>, vector<1x16xf32>,
        %parallel_loop3A_538 = vector.shape_cast %parallel_loop3A_537 : vector<1x16xf32> to vector<16xf32>
        %parallel_loop3A_539 = arith.index_cast %parallel_loop3A_281 : i32 to index
        %parallel_loop3A_540 = arith.constant 448 : index
        %parallel_loop3A_541 = tpu.vector_load %arg6[%parallel_loop3A_539, %parallel_loop3A_540] {strides = array<i32>} : memref<16x1024xf32, #tpu.memory_space<vmem>>, vector<1x16xf32>,
        %parallel_loop3A_542 = vector.shape_cast %parallel_loop3A_541 : vector<1x16xf32> to vector<16xf32>
        %parallel_loop3A_543 = vector.shape_cast %parallel_loop3A_538 : vector<16xf32> to vector<1x16xf32>
        tpu.vector_store %arg6[%parallel_loop3A_539, %parallel_loop3A_540], %parallel_loop3A_543 {add = true, strides = array<i32>} : memref<16x1024xf32, #tpu.memory_space<vmem>>, vector<1x16xf32>,
        %parallel_loop3A_544 = arith.index_cast %parallel_loop3A_282 : i32 to index
        %parallel_loop3A_545 = arith.constant 464 : index
        %parallel_loop3A_546 = tpu.vector_load %arg5[%parallel_loop3A_544, %parallel_loop3A_545] {strides = array<i32>} : memref<64x1024xf32, #tpu.memory_space<vmem>>, vector<1x16xf32>,
        %parallel_loop3A_547 = vector.shape_cast %parallel_loop3A_546 : vector<1x16xf32> to vector<16xf32>
        %parallel_loop3A_548 = arith.index_cast %parallel_loop3A_281 : i32 to index
        %parallel_loop3A_549 = arith.constant 464 : index
        %parallel_loop3A_550 = tpu.vector_load %arg6[%parallel_loop3A_548, %parallel_loop3A_549] {strides = array<i32>} : memref<16x1024xf32, #tpu.memory_space<vmem>>, vector<1x16xf32>,
        %parallel_loop3A_551 = vector.shape_cast %parallel_loop3A_550 : vector<1x16xf32> to vector<16xf32>
        %parallel_loop3A_552 = vector.shape_cast %parallel_loop3A_547 : vector<16xf32> to vector<1x16xf32>
        tpu.vector_store %arg6[%parallel_loop3A_548, %parallel_loop3A_549], %parallel_loop3A_552 {add = true, strides = array<i32>} : memref<16x1024xf32, #tpu.memory_space<vmem>>, vector<1x16xf32>,
        %parallel_loop3A_553 = arith.index_cast %parallel_loop3A_282 : i32 to index
        %parallel_loop3A_554 = arith.constant 480 : index
        %parallel_loop3A_555 = tpu.vector_load %arg5[%parallel_loop3A_553, %parallel_loop3A_554] {strides = array<i32>} : memref<64x1024xf32, #tpu.memory_space<vmem>>, vector<1x16xf32>,
        %parallel_loop3A_556 = vector.shape_cast %parallel_loop3A_555 : vector<1x16xf32> to vector<16xf32>
        %parallel_loop3A_557 = arith.index_cast %parallel_loop3A_281 : i32 to index
        %parallel_loop3A_558 = arith.constant 480 : index
        %parallel_loop3A_559 = tpu.vector_load %arg6[%parallel_loop3A_557, %parallel_loop3A_558] {strides = array<i32>} : memref<16x1024xf32, #tpu.memory_space<vmem>>, vector<1x16xf32>,
        %parallel_loop3A_560 = vector.shape_cast %parallel_loop3A_559 : vector<1x16xf32> to vector<16xf32>
        %parallel_loop3A_561 = vector.shape_cast %parallel_loop3A_556 : vector<16xf32> to vector<1x16xf32>
        tpu.vector_store %arg6[%parallel_loop3A_557, %parallel_loop3A_558], %parallel_loop3A_561 {add = true, strides = array<i32>} : memref<16x1024xf32, #tpu.memory_space<vmem>>, vector<1x16xf32>,
        %parallel_loop3A_562 = arith.index_cast %parallel_loop3A_282 : i32 to index
        %parallel_loop3A_563 = arith.constant 496 : index
        %parallel_loop3A_564 = tpu.vector_load %arg5[%parallel_loop3A_562, %parallel_loop3A_563] {strides = array<i32>} : memref<64x1024xf32, #tpu.memory_space<vmem>>, vector<1x16xf32>,
        %parallel_loop3A_565 = vector.shape_cast %parallel_loop3A_564 : vector<1x16xf32> to vector<16xf32>
        %parallel_loop3A_566 = arith.index_cast %parallel_loop3A_281 : i32 to index
        %parallel_loop3A_567 = arith.constant 496 : index
        %parallel_loop3A_568 = tpu.vector_load %arg6[%parallel_loop3A_566, %parallel_loop3A_567] {strides = array<i32>} : memref<16x1024xf32, #tpu.memory_space<vmem>>, vector<1x16xf32>,
        %parallel_loop3A_569 = vector.shape_cast %parallel_loop3A_568 : vector<1x16xf32> to vector<16xf32>
        %parallel_loop3A_570 = vector.shape_cast %parallel_loop3A_565 : vector<16xf32> to vector<1x16xf32>
        tpu.vector_store %arg6[%parallel_loop3A_566, %parallel_loop3A_567], %parallel_loop3A_570 {add = true, strides = array<i32>} : memref<16x1024xf32, #tpu.memory_space<vmem>>, vector<1x16xf32>,
        %parallel_loop3A_571 = arith.index_cast %parallel_loop3A_282 : i32 to index
        %parallel_loop3A_572 = arith.constant 512 : index
        %parallel_loop3A_573 = tpu.vector_load %arg5[%parallel_loop3A_571, %parallel_loop3A_572] {strides = array<i32>} : memref<64x1024xf32, #tpu.memory_space<vmem>>, vector<1x16xf32>,
        %parallel_loop3A_574 = vector.shape_cast %parallel_loop3A_573 : vector<1x16xf32> to vector<16xf32>
        %parallel_loop3A_575 = arith.index_cast %parallel_loop3A_281 : i32 to index
        %parallel_loop3A_576 = arith.constant 512 : index
        %parallel_loop3A_577 = tpu.vector_load %arg6[%parallel_loop3A_575, %parallel_loop3A_576] {strides = array<i32>} : memref<16x1024xf32, #tpu.memory_space<vmem>>, vector<1x16xf32>,
        %parallel_loop3A_578 = vector.shape_cast %parallel_loop3A_577 : vector<1x16xf32> to vector<16xf32>
        %parallel_loop3A_579 = vector.shape_cast %parallel_loop3A_574 : vector<16xf32> to vector<1x16xf32>
        tpu.vector_store %arg6[%parallel_loop3A_575, %parallel_loop3A_576], %parallel_loop3A_579 {add = true, strides = array<i32>} : memref<16x1024xf32, #tpu.memory_space<vmem>>, vector<1x16xf32>,
        %parallel_loop3A_580 = arith.index_cast %parallel_loop3A_282 : i32 to index
        %parallel_loop3A_581 = arith.constant 528 : index
        %parallel_loop3A_582 = tpu.vector_load %arg5[%parallel_loop3A_580, %parallel_loop3A_581] {strides = array<i32>} : memref<64x1024xf32, #tpu.memory_space<vmem>>, vector<1x16xf32>,
        %parallel_loop3A_583 = vector.shape_cast %parallel_loop3A_582 : vector<1x16xf32> to vector<16xf32>
        %parallel_loop3A_584 = arith.index_cast %parallel_loop3A_281 : i32 to index
        %parallel_loop3A_585 = arith.constant 528 : index
        %parallel_loop3A_586 = tpu.vector_load %arg6[%parallel_loop3A_584, %parallel_loop3A_585] {strides = array<i32>} : memref<16x1024xf32, #tpu.memory_space<vmem>>, vector<1x16xf32>,
        %parallel_loop3A_587 = vector.shape_cast %parallel_loop3A_586 : vector<1x16xf32> to vector<16xf32>
        %parallel_loop3A_588 = vector.shape_cast %parallel_loop3A_583 : vector<16xf32> to vector<1x16xf32>
        tpu.vector_store %arg6[%parallel_loop3A_584, %parallel_loop3A_585], %parallel_loop3A_588 {add = true, strides = array<i32>} : memref<16x1024xf32, #tpu.memory_space<vmem>>, vector<1x16xf32>,
        %parallel_loop3A_589 = arith.index_cast %parallel_loop3A_282 : i32 to index
        %parallel_loop3A_590 = arith.constant 544 : index
        %parallel_loop3A_591 = tpu.vector_load %arg5[%parallel_loop3A_589, %parallel_loop3A_590] {strides = array<i32>} : memref<64x1024xf32, #tpu.memory_space<vmem>>, vector<1x16xf32>,
        %parallel_loop3A_592 = vector.shape_cast %parallel_loop3A_591 : vector<1x16xf32> to vector<16xf32>
        %parallel_loop3A_593 = arith.index_cast %parallel_loop3A_281 : i32 to index
        %parallel_loop3A_594 = arith.constant 544 : index
        %parallel_loop3A_595 = tpu.vector_load %arg6[%parallel_loop3A_593, %parallel_loop3A_594] {strides = array<i32>} : memref<16x1024xf32, #tpu.memory_space<vmem>>, vector<1x16xf32>,
        %parallel_loop3A_596 = vector.shape_cast %parallel_loop3A_595 : vector<1x16xf32> to vector<16xf32>
        %parallel_loop3A_597 = vector.shape_cast %parallel_loop3A_592 : vector<16xf32> to vector<1x16xf32>
        tpu.vector_store %arg6[%parallel_loop3A_593, %parallel_loop3A_594], %parallel_loop3A_597 {add = true, strides = array<i32>} : memref<16x1024xf32, #tpu.memory_space<vmem>>, vector<1x16xf32>,
        %parallel_loop3A_598 = arith.index_cast %parallel_loop3A_282 : i32 to index
        %parallel_loop3A_599 = arith.constant 560 : index
        %parallel_loop3A_600 = tpu.vector_load %arg5[%parallel_loop3A_598, %parallel_loop3A_599] {strides = array<i32>} : memref<64x1024xf32, #tpu.memory_space<vmem>>, vector<1x16xf32>,
        %parallel_loop3A_601 = vector.shape_cast %parallel_loop3A_600 : vector<1x16xf32> to vector<16xf32>
        %parallel_loop3A_602 = arith.index_cast %parallel_loop3A_281 : i32 to index
        %parallel_loop3A_603 = arith.constant 560 : index
        %parallel_loop3A_604 = tpu.vector_load %arg6[%parallel_loop3A_602, %parallel_loop3A_603] {strides = array<i32>} : memref<16x1024xf32, #tpu.memory_space<vmem>>, vector<1x16xf32>,
        %parallel_loop3A_605 = vector.shape_cast %parallel_loop3A_604 : vector<1x16xf32> to vector<16xf32>
        %parallel_loop3A_606 = vector.shape_cast %parallel_loop3A_601 : vector<16xf32> to vector<1x16xf32>
        tpu.vector_store %arg6[%parallel_loop3A_602, %parallel_loop3A_603], %parallel_loop3A_606 {add = true, strides = array<i32>} : memref<16x1024xf32, #tpu.memory_space<vmem>>, vector<1x16xf32>,
        %parallel_loop3A_607 = arith.index_cast %parallel_loop3A_282 : i32 to index
        %parallel_loop3A_608 = arith.constant 576 : index
        %parallel_loop3A_609 = tpu.vector_load %arg5[%parallel_loop3A_607, %parallel_loop3A_608] {strides = array<i32>} : memref<64x1024xf32, #tpu.memory_space<vmem>>, vector<1x16xf32>,
        %parallel_loop3A_610 = vector.shape_cast %parallel_loop3A_609 : vector<1x16xf32> to vector<16xf32>
        %parallel_loop3A_611 = arith.index_cast %parallel_loop3A_281 : i32 to index
        %parallel_loop3A_612 = arith.constant 576 : index
        %parallel_loop3A_613 = tpu.vector_load %arg6[%parallel_loop3A_611, %parallel_loop3A_612] {strides = array<i32>} : memref<16x1024xf32, #tpu.memory_space<vmem>>, vector<1x16xf32>,
        %parallel_loop3A_614 = vector.shape_cast %parallel_loop3A_613 : vector<1x16xf32> to vector<16xf32>
        %parallel_loop3A_615 = vector.shape_cast %parallel_loop3A_610 : vector<16xf32> to vector<1x16xf32>
        tpu.vector_store %arg6[%parallel_loop3A_611, %parallel_loop3A_612], %parallel_loop3A_615 {add = true, strides = array<i32>} : memref<16x1024xf32, #tpu.memory_space<vmem>>, vector<1x16xf32>,
        %parallel_loop3A_616 = arith.index_cast %parallel_loop3A_282 : i32 to index
        %parallel_loop3A_617 = arith.constant 592 : index
        %parallel_loop3A_618 = tpu.vector_load %arg5[%parallel_loop3A_616, %parallel_loop3A_617] {strides = array<i32>} : memref<64x1024xf32, #tpu.memory_space<vmem>>, vector<1x16xf32>,
        %parallel_loop3A_619 = vector.shape_cast %parallel_loop3A_618 : vector<1x16xf32> to vector<16xf32>
        %parallel_loop3A_620 = arith.index_cast %parallel_loop3A_281 : i32 to index
        %parallel_loop3A_621 = arith.constant 592 : index
        %parallel_loop3A_622 = tpu.vector_load %arg6[%parallel_loop3A_620, %parallel_loop3A_621] {strides = array<i32>} : memref<16x1024xf32, #tpu.memory_space<vmem>>, vector<1x16xf32>,
        %parallel_loop3A_623 = vector.shape_cast %parallel_loop3A_622 : vector<1x16xf32> to vector<16xf32>
        %parallel_loop3A_624 = vector.shape_cast %parallel_loop3A_619 : vector<16xf32> to vector<1x16xf32>
        tpu.vector_store %arg6[%parallel_loop3A_620, %parallel_loop3A_621], %parallel_loop3A_624 {add = true, strides = array<i32>} : memref<16x1024xf32, #tpu.memory_space<vmem>>, vector<1x16xf32>,
        %parallel_loop3A_625 = arith.index_cast %parallel_loop3A_282 : i32 to index
        %parallel_loop3A_626 = arith.constant 608 : index
        %parallel_loop3A_627 = tpu.vector_load %arg5[%parallel_loop3A_625, %parallel_loop3A_626] {strides = array<i32>} : memref<64x1024xf32, #tpu.memory_space<vmem>>, vector<1x16xf32>,
        %parallel_loop3A_628 = vector.shape_cast %parallel_loop3A_627 : vector<1x16xf32> to vector<16xf32>
        %parallel_loop3A_629 = arith.index_cast %parallel_loop3A_281 : i32 to index
        %parallel_loop3A_630 = arith.constant 608 : index
        %parallel_loop3A_631 = tpu.vector_load %arg6[%parallel_loop3A_629, %parallel_loop3A_630] {strides = array<i32>} : memref<16x1024xf32, #tpu.memory_space<vmem>>, vector<1x16xf32>,
        %parallel_loop3A_632 = vector.shape_cast %parallel_loop3A_631 : vector<1x16xf32> to vector<16xf32>
        %parallel_loop3A_633 = vector.shape_cast %parallel_loop3A_628 : vector<16xf32> to vector<1x16xf32>
        tpu.vector_store %arg6[%parallel_loop3A_629, %parallel_loop3A_630], %parallel_loop3A_633 {add = true, strides = array<i32>} : memref<16x1024xf32, #tpu.memory_space<vmem>>, vector<1x16xf32>,
        %parallel_loop3A_634 = arith.index_cast %parallel_loop3A_282 : i32 to index
        %parallel_loop3A_635 = arith.constant 624 : index
        %parallel_loop3A_636 = tpu.vector_load %arg5[%parallel_loop3A_634, %parallel_loop3A_635] {strides = array<i32>} : memref<64x1024xf32, #tpu.memory_space<vmem>>, vector<1x16xf32>,
        %parallel_loop3A_637 = vector.shape_cast %parallel_loop3A_636 : vector<1x16xf32> to vector<16xf32>
        %parallel_loop3A_638 = arith.index_cast %parallel_loop3A_281 : i32 to index
        %parallel_loop3A_639 = arith.constant 624 : index
        %parallel_loop3A_640 = tpu.vector_load %arg6[%parallel_loop3A_638, %parallel_loop3A_639] {strides = array<i32>} : memref<16x1024xf32, #tpu.memory_space<vmem>>, vector<1x16xf32>,
        %parallel_loop3A_641 = vector.shape_cast %parallel_loop3A_640 : vector<1x16xf32> to vector<16xf32>
        %parallel_loop3A_642 = vector.shape_cast %parallel_loop3A_637 : vector<16xf32> to vector<1x16xf32>
        tpu.vector_store %arg6[%parallel_loop3A_638, %parallel_loop3A_639], %parallel_loop3A_642 {add = true, strides = array<i32>} : memref<16x1024xf32, #tpu.memory_space<vmem>>, vector<1x16xf32>,
        %parallel_loop3A_643 = arith.index_cast %parallel_loop3A_282 : i32 to index
        %parallel_loop3A_644 = arith.constant 640 : index
        %parallel_loop3A_645 = tpu.vector_load %arg5[%parallel_loop3A_643, %parallel_loop3A_644] {strides = array<i32>} : memref<64x1024xf32, #tpu.memory_space<vmem>>, vector<1x16xf32>,
        %parallel_loop3A_646 = vector.shape_cast %parallel_loop3A_645 : vector<1x16xf32> to vector<16xf32>
        %parallel_loop3A_647 = arith.index_cast %parallel_loop3A_281 : i32 to index
        %parallel_loop3A_648 = arith.constant 640 : index
        %parallel_loop3A_649 = tpu.vector_load %arg6[%parallel_loop3A_647, %parallel_loop3A_648] {strides = array<i32>} : memref<16x1024xf32, #tpu.memory_space<vmem>>, vector<1x16xf32>,
        %parallel_loop3A_650 = vector.shape_cast %parallel_loop3A_649 : vector<1x16xf32> to vector<16xf32>
        %parallel_loop3A_651 = vector.shape_cast %parallel_loop3A_646 : vector<16xf32> to vector<1x16xf32>
        tpu.vector_store %arg6[%parallel_loop3A_647, %parallel_loop3A_648], %parallel_loop3A_651 {add = true, strides = array<i32>} : memref<16x1024xf32, #tpu.memory_space<vmem>>, vector<1x16xf32>,
        %parallel_loop3A_652 = arith.index_cast %parallel_loop3A_282 : i32 to index
        %parallel_loop3A_653 = arith.constant 656 : index
        %parallel_loop3A_654 = tpu.vector_load %arg5[%parallel_loop3A_652, %parallel_loop3A_653] {strides = array<i32>} : memref<64x1024xf32, #tpu.memory_space<vmem>>, vector<1x16xf32>,
        %parallel_loop3A_655 = vector.shape_cast %parallel_loop3A_654 : vector<1x16xf32> to vector<16xf32>
        %parallel_loop3A_656 = arith.index_cast %parallel_loop3A_281 : i32 to index
        %parallel_loop3A_657 = arith.constant 656 : index
        %parallel_loop3A_658 = tpu.vector_load %arg6[%parallel_loop3A_656, %parallel_loop3A_657] {strides = array<i32>} : memref<16x1024xf32, #tpu.memory_space<vmem>>, vector<1x16xf32>,
        %parallel_loop3A_659 = vector.shape_cast %parallel_loop3A_658 : vector<1x16xf32> to vector<16xf32>
        %parallel_loop3A_660 = vector.shape_cast %parallel_loop3A_655 : vector<16xf32> to vector<1x16xf32>
        tpu.vector_store %arg6[%parallel_loop3A_656, %parallel_loop3A_657], %parallel_loop3A_660 {add = true, strides = array<i32>} : memref<16x1024xf32, #tpu.memory_space<vmem>>, vector<1x16xf32>,
        %parallel_loop3A_661 = arith.index_cast %parallel_loop3A_282 : i32 to index
        %parallel_loop3A_662 = arith.constant 672 : index
        %parallel_loop3A_663 = tpu.vector_load %arg5[%parallel_loop3A_661, %parallel_loop3A_662] {strides = array<i32>} : memref<64x1024xf32, #tpu.memory_space<vmem>>, vector<1x16xf32>,
        %parallel_loop3A_664 = vector.shape_cast %parallel_loop3A_663 : vector<1x16xf32> to vector<16xf32>
        %parallel_loop3A_665 = arith.index_cast %parallel_loop3A_281 : i32 to index
        %parallel_loop3A_666 = arith.constant 672 : index
        %parallel_loop3A_667 = tpu.vector_load %arg6[%parallel_loop3A_665, %parallel_loop3A_666] {strides = array<i32>} : memref<16x1024xf32, #tpu.memory_space<vmem>>, vector<1x16xf32>,
        %parallel_loop3A_668 = vector.shape_cast %parallel_loop3A_667 : vector<1x16xf32> to vector<16xf32>
        %parallel_loop3A_669 = vector.shape_cast %parallel_loop3A_664 : vector<16xf32> to vector<1x16xf32>
        tpu.vector_store %arg6[%parallel_loop3A_665, %parallel_loop3A_666], %parallel_loop3A_669 {add = true, strides = array<i32>} : memref<16x1024xf32, #tpu.memory_space<vmem>>, vector<1x16xf32>,
        %parallel_loop3A_670 = arith.index_cast %parallel_loop3A_282 : i32 to index
        %parallel_loop3A_671 = arith.constant 688 : index
        %parallel_loop3A_672 = tpu.vector_load %arg5[%parallel_loop3A_670, %parallel_loop3A_671] {strides = array<i32>} : memref<64x1024xf32, #tpu.memory_space<vmem>>, vector<1x16xf32>,
        %parallel_loop3A_673 = vector.shape_cast %parallel_loop3A_672 : vector<1x16xf32> to vector<16xf32>
        %parallel_loop3A_674 = arith.index_cast %parallel_loop3A_281 : i32 to index
        %parallel_loop3A_675 = arith.constant 688 : index
        %parallel_loop3A_676 = tpu.vector_load %arg6[%parallel_loop3A_674, %parallel_loop3A_675] {strides = array<i32>} : memref<16x1024xf32, #tpu.memory_space<vmem>>, vector<1x16xf32>,
        %parallel_loop3A_677 = vector.shape_cast %parallel_loop3A_676 : vector<1x16xf32> to vector<16xf32>
        %parallel_loop3A_678 = vector.shape_cast %parallel_loop3A_673 : vector<16xf32> to vector<1x16xf32>
        tpu.vector_store %arg6[%parallel_loop3A_674, %parallel_loop3A_675], %parallel_loop3A_678 {add = true, strides = array<i32>} : memref<16x1024xf32, #tpu.memory_space<vmem>>, vector<1x16xf32>,
        %parallel_loop3A_679 = arith.index_cast %parallel_loop3A_282 : i32 to index
        %parallel_loop3A_680 = arith.constant 704 : index
        %parallel_loop3A_681 = tpu.vector_load %arg5[%parallel_loop3A_679, %parallel_loop3A_680] {strides = array<i32>} : memref<64x1024xf32, #tpu.memory_space<vmem>>, vector<1x16xf32>,
        %parallel_loop3A_682 = vector.shape_cast %parallel_loop3A_681 : vector<1x16xf32> to vector<16xf32>
        %parallel_loop3A_683 = arith.index_cast %parallel_loop3A_281 : i32 to index
        %parallel_loop3A_684 = arith.constant 704 : index
        %parallel_loop3A_685 = tpu.vector_load %arg6[%parallel_loop3A_683, %parallel_loop3A_684] {strides = array<i32>} : memref<16x1024xf32, #tpu.memory_space<vmem>>, vector<1x16xf32>,
        %parallel_loop3A_686 = vector.shape_cast %parallel_loop3A_685 : vector<1x16xf32> to vector<16xf32>
        %parallel_loop3A_687 = vector.shape_cast %parallel_loop3A_682 : vector<16xf32> to vector<1x16xf32>
        tpu.vector_store %arg6[%parallel_loop3A_683, %parallel_loop3A_684], %parallel_loop3A_687 {add = true, strides = array<i32>} : memref<16x1024xf32, #tpu.memory_space<vmem>>, vector<1x16xf32>,
        %parallel_loop3A_688 = arith.index_cast %parallel_loop3A_282 : i32 to index
        %parallel_loop3A_689 = arith.constant 720 : index
        %parallel_loop3A_690 = tpu.vector_load %arg5[%parallel_loop3A_688, %parallel_loop3A_689] {strides = array<i32>} : memref<64x1024xf32, #tpu.memory_space<vmem>>, vector<1x16xf32>,
        %parallel_loop3A_691 = vector.shape_cast %parallel_loop3A_690 : vector<1x16xf32> to vector<16xf32>
        %parallel_loop3A_692 = arith.index_cast %parallel_loop3A_281 : i32 to index
        %parallel_loop3A_693 = arith.constant 720 : index
        %parallel_loop3A_694 = tpu.vector_load %arg6[%parallel_loop3A_692, %parallel_loop3A_693] {strides = array<i32>} : memref<16x1024xf32, #tpu.memory_space<vmem>>, vector<1x16xf32>,
        %parallel_loop3A_695 = vector.shape_cast %parallel_loop3A_694 : vector<1x16xf32> to vector<16xf32>
        %parallel_loop3A_696 = vector.shape_cast %parallel_loop3A_691 : vector<16xf32> to vector<1x16xf32>
        tpu.vector_store %arg6[%parallel_loop3A_692, %parallel_loop3A_693], %parallel_loop3A_696 {add = true, strides = array<i32>} : memref<16x1024xf32, #tpu.memory_space<vmem>>, vector<1x16xf32>,
        %parallel_loop3A_697 = arith.index_cast %parallel_loop3A_282 : i32 to index
        %parallel_loop3A_698 = arith.constant 736 : index
        %parallel_loop3A_699 = tpu.vector_load %arg5[%parallel_loop3A_697, %parallel_loop3A_698] {strides = array<i32>} : memref<64x1024xf32, #tpu.memory_space<vmem>>, vector<1x16xf32>,
        %parallel_loop3A_700 = vector.shape_cast %parallel_loop3A_699 : vector<1x16xf32> to vector<16xf32>
        %parallel_loop3A_701 = arith.index_cast %parallel_loop3A_281 : i32 to index
        %parallel_loop3A_702 = arith.constant 736 : index
        %parallel_loop3A_703 = tpu.vector_load %arg6[%parallel_loop3A_701, %parallel_loop3A_702] {strides = array<i32>} : memref<16x1024xf32, #tpu.memory_space<vmem>>, vector<1x16xf32>,
        %parallel_loop3A_704 = vector.shape_cast %parallel_loop3A_703 : vector<1x16xf32> to vector<16xf32>
        %parallel_loop3A_705 = vector.shape_cast %parallel_loop3A_700 : vector<16xf32> to vector<1x16xf32>
        tpu.vector_store %arg6[%parallel_loop3A_701, %parallel_loop3A_702], %parallel_loop3A_705 {add = true, strides = array<i32>} : memref<16x1024xf32, #tpu.memory_space<vmem>>, vector<1x16xf32>,
        %parallel_loop3A_706 = arith.index_cast %parallel_loop3A_282 : i32 to index
        %parallel_loop3A_707 = arith.constant 752 : index
        %parallel_loop3A_708 = tpu.vector_load %arg5[%parallel_loop3A_706, %parallel_loop3A_707] {strides = array<i32>} : memref<64x1024xf32, #tpu.memory_space<vmem>>, vector<1x16xf32>,
        %parallel_loop3A_709 = vector.shape_cast %parallel_loop3A_708 : vector<1x16xf32> to vector<16xf32>
        %parallel_loop3A_710 = arith.index_cast %parallel_loop3A_281 : i32 to index
        %parallel_loop3A_711 = arith.constant 752 : index
        %parallel_loop3A_712 = tpu.vector_load %arg6[%parallel_loop3A_710, %parallel_loop3A_711] {strides = array<i32>} : memref<16x1024xf32, #tpu.memory_space<vmem>>, vector<1x16xf32>,
        %parallel_loop3A_713 = vector.shape_cast %parallel_loop3A_712 : vector<1x16xf32> to vector<16xf32>
        %parallel_loop3A_714 = vector.shape_cast %parallel_loop3A_709 : vector<16xf32> to vector<1x16xf32>
        tpu.vector_store %arg6[%parallel_loop3A_710, %parallel_loop3A_711], %parallel_loop3A_714 {add = true, strides = array<i32>} : memref<16x1024xf32, #tpu.memory_space<vmem>>, vector<1x16xf32>,
        %parallel_loop3A_715 = arith.index_cast %parallel_loop3A_282 : i32 to index
        %parallel_loop3A_716 = arith.constant 768 : index
        %parallel_loop3A_717 = tpu.vector_load %arg5[%parallel_loop3A_715, %parallel_loop3A_716] {strides = array<i32>} : memref<64x1024xf32, #tpu.memory_space<vmem>>, vector<1x16xf32>,
        %parallel_loop3A_718 = vector.shape_cast %parallel_loop3A_717 : vector<1x16xf32> to vector<16xf32>
        %parallel_loop3A_719 = arith.index_cast %parallel_loop3A_281 : i32 to index
        %parallel_loop3A_720 = arith.constant 768 : index
        %parallel_loop3A_721 = tpu.vector_load %arg6[%parallel_loop3A_719, %parallel_loop3A_720] {strides = array<i32>} : memref<16x1024xf32, #tpu.memory_space<vmem>>, vector<1x16xf32>,
        %parallel_loop3A_722 = vector.shape_cast %parallel_loop3A_721 : vector<1x16xf32> to vector<16xf32>
        %parallel_loop3A_723 = vector.shape_cast %parallel_loop3A_718 : vector<16xf32> to vector<1x16xf32>
        tpu.vector_store %arg6[%parallel_loop3A_719, %parallel_loop3A_720], %parallel_loop3A_723 {add = true, strides = array<i32>} : memref<16x1024xf32, #tpu.memory_space<vmem>>, vector<1x16xf32>,
        %parallel_loop3A_724 = arith.index_cast %parallel_loop3A_282 : i32 to index
        %parallel_loop3A_725 = arith.constant 784 : index
        %parallel_loop3A_726 = tpu.vector_load %arg5[%parallel_loop3A_724, %parallel_loop3A_725] {strides = array<i32>} : memref<64x1024xf32, #tpu.memory_space<vmem>>, vector<1x16xf32>,
        %parallel_loop3A_727 = vector.shape_cast %parallel_loop3A_726 : vector<1x16xf32> to vector<16xf32>
        %parallel_loop3A_728 = arith.index_cast %parallel_loop3A_281 : i32 to index
        %parallel_loop3A_729 = arith.constant 784 : index
        %parallel_loop3A_730 = tpu.vector_load %arg6[%parallel_loop3A_728, %parallel_loop3A_729] {strides = array<i32>} : memref<16x1024xf32, #tpu.memory_space<vmem>>, vector<1x16xf32>,
        %parallel_loop3A_731 = vector.shape_cast %parallel_loop3A_730 : vector<1x16xf32> to vector<16xf32>
        %parallel_loop3A_732 = vector.shape_cast %parallel_loop3A_727 : vector<16xf32> to vector<1x16xf32>
        tpu.vector_store %arg6[%parallel_loop3A_728, %parallel_loop3A_729], %parallel_loop3A_732 {add = true, strides = array<i32>} : memref<16x1024xf32, #tpu.memory_space<vmem>>, vector<1x16xf32>,
        %parallel_loop3A_733 = arith.index_cast %parallel_loop3A_282 : i32 to index
        %parallel_loop3A_734 = arith.constant 800 : index
        %parallel_loop3A_735 = tpu.vector_load %arg5[%parallel_loop3A_733, %parallel_loop3A_734] {strides = array<i32>} : memref<64x1024xf32, #tpu.memory_space<vmem>>, vector<1x16xf32>,
        %parallel_loop3A_736 = vector.shape_cast %parallel_loop3A_735 : vector<1x16xf32> to vector<16xf32>
        %parallel_loop3A_737 = arith.index_cast %parallel_loop3A_281 : i32 to index
        %parallel_loop3A_738 = arith.constant 800 : index
        %parallel_loop3A_739 = tpu.vector_load %arg6[%parallel_loop3A_737, %parallel_loop3A_738] {strides = array<i32>} : memref<16x1024xf32, #tpu.memory_space<vmem>>, vector<1x16xf32>,
        %parallel_loop3A_740 = vector.shape_cast %parallel_loop3A_739 : vector<1x16xf32> to vector<16xf32>
        %parallel_loop3A_741 = vector.shape_cast %parallel_loop3A_736 : vector<16xf32> to vector<1x16xf32>
        tpu.vector_store %arg6[%parallel_loop3A_737, %parallel_loop3A_738], %parallel_loop3A_741 {add = true, strides = array<i32>} : memref<16x1024xf32, #tpu.memory_space<vmem>>, vector<1x16xf32>,
        %parallel_loop3A_742 = arith.index_cast %parallel_loop3A_282 : i32 to index
        %parallel_loop3A_743 = arith.constant 816 : index
        %parallel_loop3A_744 = tpu.vector_load %arg5[%parallel_loop3A_742, %parallel_loop3A_743] {strides = array<i32>} : memref<64x1024xf32, #tpu.memory_space<vmem>>, vector<1x16xf32>,
        %parallel_loop3A_745 = vector.shape_cast %parallel_loop3A_744 : vector<1x16xf32> to vector<16xf32>
        %parallel_loop3A_746 = arith.index_cast %parallel_loop3A_281 : i32 to index
        %parallel_loop3A_747 = arith.constant 816 : index
        %parallel_loop3A_748 = tpu.vector_load %arg6[%parallel_loop3A_746, %parallel_loop3A_747] {strides = array<i32>} : memref<16x1024xf32, #tpu.memory_space<vmem>>, vector<1x16xf32>,
        %parallel_loop3A_749 = vector.shape_cast %parallel_loop3A_748 : vector<1x16xf32> to vector<16xf32>
        %parallel_loop3A_750 = vector.shape_cast %parallel_loop3A_745 : vector<16xf32> to vector<1x16xf32>
        tpu.vector_store %arg6[%parallel_loop3A_746, %parallel_loop3A_747], %parallel_loop3A_750 {add = true, strides = array<i32>} : memref<16x1024xf32, #tpu.memory_space<vmem>>, vector<1x16xf32>,
        %parallel_loop3A_751 = arith.index_cast %parallel_loop3A_282 : i32 to index
        %parallel_loop3A_752 = arith.constant 832 : index
        %parallel_loop3A_753 = tpu.vector_load %arg5[%parallel_loop3A_751, %parallel_loop3A_752] {strides = array<i32>} : memref<64x1024xf32, #tpu.memory_space<vmem>>, vector<1x16xf32>,
        %parallel_loop3A_754 = vector.shape_cast %parallel_loop3A_753 : vector<1x16xf32> to vector<16xf32>
        %parallel_loop3A_755 = arith.index_cast %parallel_loop3A_281 : i32 to index
        %parallel_loop3A_756 = arith.constant 832 : index
        %parallel_loop3A_757 = tpu.vector_load %arg6[%parallel_loop3A_755, %parallel_loop3A_756] {strides = array<i32>} : memref<16x1024xf32, #tpu.memory_space<vmem>>, vector<1x16xf32>,
        %parallel_loop3A_758 = vector.shape_cast %parallel_loop3A_757 : vector<1x16xf32> to vector<16xf32>
        %parallel_loop3A_759 = vector.shape_cast %parallel_loop3A_754 : vector<16xf32> to vector<1x16xf32>
        tpu.vector_store %arg6[%parallel_loop3A_755, %parallel_loop3A_756], %parallel_loop3A_759 {add = true, strides = array<i32>} : memref<16x1024xf32, #tpu.memory_space<vmem>>, vector<1x16xf32>,
        %parallel_loop3A_760 = arith.index_cast %parallel_loop3A_282 : i32 to index
        %parallel_loop3A_761 = arith.constant 848 : index
        %parallel_loop3A_762 = tpu.vector_load %arg5[%parallel_loop3A_760, %parallel_loop3A_761] {strides = array<i32>} : memref<64x1024xf32, #tpu.memory_space<vmem>>, vector<1x16xf32>,
        %parallel_loop3A_763 = vector.shape_cast %parallel_loop3A_762 : vector<1x16xf32> to vector<16xf32>
        %parallel_loop3A_764 = arith.index_cast %parallel_loop3A_281 : i32 to index
        %parallel_loop3A_765 = arith.constant 848 : index
        %parallel_loop3A_766 = tpu.vector_load %arg6[%parallel_loop3A_764, %parallel_loop3A_765] {strides = array<i32>} : memref<16x1024xf32, #tpu.memory_space<vmem>>, vector<1x16xf32>,
        %parallel_loop3A_767 = vector.shape_cast %parallel_loop3A_766 : vector<1x16xf32> to vector<16xf32>
        %parallel_loop3A_768 = vector.shape_cast %parallel_loop3A_763 : vector<16xf32> to vector<1x16xf32>
        tpu.vector_store %arg6[%parallel_loop3A_764, %parallel_loop3A_765], %parallel_loop3A_768 {add = true, strides = array<i32>} : memref<16x1024xf32, #tpu.memory_space<vmem>>, vector<1x16xf32>,
        %parallel_loop3A_769 = arith.index_cast %parallel_loop3A_282 : i32 to index
        %parallel_loop3A_770 = arith.constant 864 : index
        %parallel_loop3A_771 = tpu.vector_load %arg5[%parallel_loop3A_769, %parallel_loop3A_770] {strides = array<i32>} : memref<64x1024xf32, #tpu.memory_space<vmem>>, vector<1x16xf32>,
        %parallel_loop3A_772 = vector.shape_cast %parallel_loop3A_771 : vector<1x16xf32> to vector<16xf32>
        %parallel_loop3A_773 = arith.index_cast %parallel_loop3A_281 : i32 to index
        %parallel_loop3A_774 = arith.constant 864 : index
        %parallel_loop3A_775 = tpu.vector_load %arg6[%parallel_loop3A_773, %parallel_loop3A_774] {strides = array<i32>} : memref<16x1024xf32, #tpu.memory_space<vmem>>, vector<1x16xf32>,
        %parallel_loop3A_776 = vector.shape_cast %parallel_loop3A_775 : vector<1x16xf32> to vector<16xf32>
        %parallel_loop3A_777 = vector.shape_cast %parallel_loop3A_772 : vector<16xf32> to vector<1x16xf32>
        tpu.vector_store %arg6[%parallel_loop3A_773, %parallel_loop3A_774], %parallel_loop3A_777 {add = true, strides = array<i32>} : memref<16x1024xf32, #tpu.memory_space<vmem>>, vector<1x16xf32>,
        %parallel_loop3A_778 = arith.index_cast %parallel_loop3A_282 : i32 to index
        %parallel_loop3A_779 = arith.constant 880 : index
        %parallel_loop3A_780 = tpu.vector_load %arg5[%parallel_loop3A_778, %parallel_loop3A_779] {strides = array<i32>} : memref<64x1024xf32, #tpu.memory_space<vmem>>, vector<1x16xf32>,
        %parallel_loop3A_781 = vector.shape_cast %parallel_loop3A_780 : vector<1x16xf32> to vector<16xf32>
        %parallel_loop3A_782 = arith.index_cast %parallel_loop3A_281 : i32 to index
        %parallel_loop3A_783 = arith.constant 880 : index
        %parallel_loop3A_784 = tpu.vector_load %arg6[%parallel_loop3A_782, %parallel_loop3A_783] {strides = array<i32>} : memref<16x1024xf32, #tpu.memory_space<vmem>>, vector<1x16xf32>,
        %parallel_loop3A_785 = vector.shape_cast %parallel_loop3A_784 : vector<1x16xf32> to vector<16xf32>
        %parallel_loop3A_786 = vector.shape_cast %parallel_loop3A_781 : vector<16xf32> to vector<1x16xf32>
        tpu.vector_store %arg6[%parallel_loop3A_782, %parallel_loop3A_783], %parallel_loop3A_786 {add = true, strides = array<i32>} : memref<16x1024xf32, #tpu.memory_space<vmem>>, vector<1x16xf32>,
        %parallel_loop3A_787 = arith.index_cast %parallel_loop3A_282 : i32 to index
        %parallel_loop3A_788 = arith.constant 896 : index
        %parallel_loop3A_789 = tpu.vector_load %arg5[%parallel_loop3A_787, %parallel_loop3A_788] {strides = array<i32>} : memref<64x1024xf32, #tpu.memory_space<vmem>>, vector<1x16xf32>,
        %parallel_loop3A_790 = vector.shape_cast %parallel_loop3A_789 : vector<1x16xf32> to vector<16xf32>
        %parallel_loop3A_791 = arith.index_cast %parallel_loop3A_281 : i32 to index
        %parallel_loop3A_792 = arith.constant 896 : index
        %parallel_loop3A_793 = tpu.vector_load %arg6[%parallel_loop3A_791, %parallel_loop3A_792] {strides = array<i32>} : memref<16x1024xf32, #tpu.memory_space<vmem>>, vector<1x16xf32>,
        %parallel_loop3A_794 = vector.shape_cast %parallel_loop3A_793 : vector<1x16xf32> to vector<16xf32>
        %parallel_loop3A_795 = vector.shape_cast %parallel_loop3A_790 : vector<16xf32> to vector<1x16xf32>
        tpu.vector_store %arg6[%parallel_loop3A_791, %parallel_loop3A_792], %parallel_loop3A_795 {add = true, strides = array<i32>} : memref<16x1024xf32, #tpu.memory_space<vmem>>, vector<1x16xf32>,
        %parallel_loop3A_796 = arith.index_cast %parallel_loop3A_282 : i32 to index
        %parallel_loop3A_797 = arith.constant 912 : index
        %parallel_loop3A_798 = tpu.vector_load %arg5[%parallel_loop3A_796, %parallel_loop3A_797] {strides = array<i32>} : memref<64x1024xf32, #tpu.memory_space<vmem>>, vector<1x16xf32>,
        %parallel_loop3A_799 = vector.shape_cast %parallel_loop3A_798 : vector<1x16xf32> to vector<16xf32>
        %parallel_loop3A_800 = arith.index_cast %parallel_loop3A_281 : i32 to index
        %parallel_loop3A_801 = arith.constant 912 : index
        %parallel_loop3A_802 = tpu.vector_load %arg6[%parallel_loop3A_800, %parallel_loop3A_801] {strides = array<i32>} : memref<16x1024xf32, #tpu.memory_space<vmem>>, vector<1x16xf32>,
        %parallel_loop3A_803 = vector.shape_cast %parallel_loop3A_802 : vector<1x16xf32> to vector<16xf32>
        %parallel_loop3A_804 = vector.shape_cast %parallel_loop3A_799 : vector<16xf32> to vector<1x16xf32>
        tpu.vector_store %arg6[%parallel_loop3A_800, %parallel_loop3A_801], %parallel_loop3A_804 {add = true, strides = array<i32>} : memref<16x1024xf32, #tpu.memory_space<vmem>>, vector<1x16xf32>,
        %parallel_loop3A_805 = arith.index_cast %parallel_loop3A_282 : i32 to index
        %parallel_loop3A_806 = arith.constant 928 : index
        %parallel_loop3A_807 = tpu.vector_load %arg5[%parallel_loop3A_805, %parallel_loop3A_806] {strides = array<i32>} : memref<64x1024xf32, #tpu.memory_space<vmem>>, vector<1x16xf32>,
        %parallel_loop3A_808 = vector.shape_cast %parallel_loop3A_807 : vector<1x16xf32> to vector<16xf32>
        %parallel_loop3A_809 = arith.index_cast %parallel_loop3A_281 : i32 to index
        %parallel_loop3A_810 = arith.constant 928 : index
        %parallel_loop3A_811 = tpu.vector_load %arg6[%parallel_loop3A_809, %parallel_loop3A_810] {strides = array<i32>} : memref<16x1024xf32, #tpu.memory_space<vmem>>, vector<1x16xf32>,
        %parallel_loop3A_812 = vector.shape_cast %parallel_loop3A_811 : vector<1x16xf32> to vector<16xf32>
        %parallel_loop3A_813 = vector.shape_cast %parallel_loop3A_808 : vector<16xf32> to vector<1x16xf32>
        tpu.vector_store %arg6[%parallel_loop3A_809, %parallel_loop3A_810], %parallel_loop3A_813 {add = true, strides = array<i32>} : memref<16x1024xf32, #tpu.memory_space<vmem>>, vector<1x16xf32>,
        %parallel_loop3A_814 = arith.index_cast %parallel_loop3A_282 : i32 to index
        %parallel_loop3A_815 = arith.constant 944 : index
        %parallel_loop3A_816 = tpu.vector_load %arg5[%parallel_loop3A_814, %parallel_loop3A_815] {strides = array<i32>} : memref<64x1024xf32, #tpu.memory_space<vmem>>, vector<1x16xf32>,
        %parallel_loop3A_817 = vector.shape_cast %parallel_loop3A_816 : vector<1x16xf32> to vector<16xf32>
        %parallel_loop3A_818 = arith.index_cast %parallel_loop3A_281 : i32 to index
        %parallel_loop3A_819 = arith.constant 944 : index
        %parallel_loop3A_820 = tpu.vector_load %arg6[%parallel_loop3A_818, %parallel_loop3A_819] {strides = array<i32>} : memref<16x1024xf32, #tpu.memory_space<vmem>>, vector<1x16xf32>,
        %parallel_loop3A_821 = vector.shape_cast %parallel_loop3A_820 : vector<1x16xf32> to vector<16xf32>
        %parallel_loop3A_822 = vector.shape_cast %parallel_loop3A_817 : vector<16xf32> to vector<1x16xf32>
        tpu.vector_store %arg6[%parallel_loop3A_818, %parallel_loop3A_819], %parallel_loop3A_822 {add = true, strides = array<i32>} : memref<16x1024xf32, #tpu.memory_space<vmem>>, vector<1x16xf32>,
        %parallel_loop3A_823 = arith.index_cast %parallel_loop3A_282 : i32 to index
        %parallel_loop3A_824 = arith.constant 960 : index
        %parallel_loop3A_825 = tpu.vector_load %arg5[%parallel_loop3A_823, %parallel_loop3A_824] {strides = array<i32>} : memref<64x1024xf32, #tpu.memory_space<vmem>>, vector<1x16xf32>,
        %parallel_loop3A_826 = vector.shape_cast %parallel_loop3A_825 : vector<1x16xf32> to vector<16xf32>
        %parallel_loop3A_827 = arith.index_cast %parallel_loop3A_281 : i32 to index
        %parallel_loop3A_828 = arith.constant 960 : index
        %parallel_loop3A_829 = tpu.vector_load %arg6[%parallel_loop3A_827, %parallel_loop3A_828] {strides = array<i32>} : memref<16x1024xf32, #tpu.memory_space<vmem>>, vector<1x16xf32>,
        %parallel_loop3A_830 = vector.shape_cast %parallel_loop3A_829 : vector<1x16xf32> to vector<16xf32>
        %parallel_loop3A_831 = vector.shape_cast %parallel_loop3A_826 : vector<16xf32> to vector<1x16xf32>
        tpu.vector_store %arg6[%parallel_loop3A_827, %parallel_loop3A_828], %parallel_loop3A_831 {add = true, strides = array<i32>} : memref<16x1024xf32, #tpu.memory_space<vmem>>, vector<1x16xf32>,
        %parallel_loop3A_832 = arith.index_cast %parallel_loop3A_282 : i32 to index
        %parallel_loop3A_833 = arith.constant 976 : index
        %parallel_loop3A_834 = tpu.vector_load %arg5[%parallel_loop3A_832, %parallel_loop3A_833] {strides = array<i32>} : memref<64x1024xf32, #tpu.memory_space<vmem>>, vector<1x16xf32>,
        %parallel_loop3A_835 = vector.shape_cast %parallel_loop3A_834 : vector<1x16xf32> to vector<16xf32>
        %parallel_loop3A_836 = arith.index_cast %parallel_loop3A_281 : i32 to index
        %parallel_loop3A_837 = arith.constant 976 : index
        %parallel_loop3A_838 = tpu.vector_load %arg6[%parallel_loop3A_836, %parallel_loop3A_837] {strides = array<i32>} : memref<16x1024xf32, #tpu.memory_space<vmem>>, vector<1x16xf32>,
        %parallel_loop3A_839 = vector.shape_cast %parallel_loop3A_838 : vector<1x16xf32> to vector<16xf32>
        %parallel_loop3A_840 = vector.shape_cast %parallel_loop3A_835 : vector<16xf32> to vector<1x16xf32>
        tpu.vector_store %arg6[%parallel_loop3A_836, %parallel_loop3A_837], %parallel_loop3A_840 {add = true, strides = array<i32>} : memref<16x1024xf32, #tpu.memory_space<vmem>>, vector<1x16xf32>,
        %parallel_loop3A_841 = arith.index_cast %parallel_loop3A_282 : i32 to index
        %parallel_loop3A_842 = arith.constant 992 : index
        %parallel_loop3A_843 = tpu.vector_load %arg5[%parallel_loop3A_841, %parallel_loop3A_842] {strides = array<i32>} : memref<64x1024xf32, #tpu.memory_space<vmem>>, vector<1x16xf32>,
        %parallel_loop3A_844 = vector.shape_cast %parallel_loop3A_843 : vector<1x16xf32> to vector<16xf32>
        %parallel_loop3A_845 = arith.index_cast %parallel_loop3A_281 : i32 to index
        %parallel_loop3A_846 = arith.constant 992 : index
        %parallel_loop3A_847 = tpu.vector_load %arg6[%parallel_loop3A_845, %parallel_loop3A_846] {strides = array<i32>} : memref<16x1024xf32, #tpu.memory_space<vmem>>, vector<1x16xf32>,
        %parallel_loop3A_848 = vector.shape_cast %parallel_loop3A_847 : vector<1x16xf32> to vector<16xf32>
        %parallel_loop3A_849 = vector.shape_cast %parallel_loop3A_844 : vector<16xf32> to vector<1x16xf32>
        tpu.vector_store %arg6[%parallel_loop3A_845, %parallel_loop3A_846], %parallel_loop3A_849 {add = true, strides = array<i32>} : memref<16x1024xf32, #tpu.memory_space<vmem>>, vector<1x16xf32>,
        %parallel_loop3A_850 = arith.index_cast %parallel_loop3A_282 : i32 to index
        %parallel_loop3A_851 = arith.constant 1008 : index
        %parallel_loop3A_852 = tpu.vector_load %arg5[%parallel_loop3A_850, %parallel_loop3A_851] {strides = array<i32>} : memref<64x1024xf32, #tpu.memory_space<vmem>>, vector<1x16xf32>,
        %parallel_loop3A_853 = vector.shape_cast %parallel_loop3A_852 : vector<1x16xf32> to vector<16xf32>
        %parallel_loop3A_854 = arith.index_cast %parallel_loop3A_281 : i32 to index
        %parallel_loop3A_855 = arith.constant 1008 : index
        %parallel_loop3A_856 = tpu.vector_load %arg6[%parallel_loop3A_854, %parallel_loop3A_855] {strides = array<i32>} : memref<16x1024xf32, #tpu.memory_space<vmem>>, vector<1x16xf32>,
        %parallel_loop3A_857 = vector.shape_cast %parallel_loop3A_856 : vector<1x16xf32> to vector<16xf32>
        %parallel_loop3A_858 = vector.shape_cast %parallel_loop3A_853 : vector<16xf32> to vector<1x16xf32>
        tpu.vector_store %arg6[%parallel_loop3A_854, %parallel_loop3A_855], %parallel_loop3A_858 {add = true, strides = array<i32>} : memref<16x1024xf32, #tpu.memory_space<vmem>>, vector<1x16xf32>,
      } {sc.loop_unroll_factor = 1 : i64, sc.parallel_access}
      %jit3A_97 = arith.constant 4 : i32
      %div3A_98 = arith.divsi %add3A_28, %jit3A_97 : i32
      %sign3A_99 = arith.constant 0 : i32
      %sign3A_100 = arith.cmpi sgt, %add3A_28, %sign3A_99 : i32
      %sign3A_101 = arith.extui %sign3A_100 : i1 to i32
      %sign3A_102 = arith.constant 0 : i32
      %sign3A_103 = arith.cmpi slt, %add3A_28, %sign3A_102 : i32
      %sign3A_104 = arith.extui %sign3A_103 : i1 to i32
      %sign3A_105 = arith.subi %sign3A_101, %sign3A_104 : i32
      %sign3A_106 = arith.constant 0 : i32
      %sign3A_107 = arith.cmpi sgt, %jit3A_97, %sign3A_106 : i32
      %sign3A_108 = arith.extui %sign3A_107 : i1 to i32
      %sign3A_109 = arith.constant 0 : i32
      %sign3A_110 = arith.cmpi slt, %jit3A_97, %sign3A_109 : i32
      %sign3A_111 = arith.extui %sign3A_110 : i1 to i32
      %sign3A_112 = arith.subi %sign3A_108, %sign3A_111 : i32
      %ne3A_113 = arith.cmpi ne, %sign3A_105, %sign3A_112 : i32
      %rem3A_114 = arith.remsi %add3A_28, %jit3A_97 : i32
      %ne3A_115 = arith.constant 0 : i32
      %ne3A_116 = arith.cmpi ne, %rem3A_114, %ne3A_115 : i32
      %and3A_117 = arith.andi %ne3A_113, %ne3A_116 : i1
      %sub3A_118 = arith.constant 1 : i32
      %sub3A_119 = arith.subi %div3A_98, %sub3A_118 : i32
      %select_n3A_120 = arith.select %and3A_117, %sub3A_119, %div3A_98 : i32
      %jit3A_121 = arith.constant 4 : i32
      %eq3A_122 = arith.constant 0 : i32
      %eq3A_123 = arith.cmpi eq, %jit3A_121, %eq3A_122 : i32
      %jit3A_124 = arith.constant 1 : i32
      %select_n3A_125 = arith.select %eq3A_123, %jit3A_124, %jit3A_121 : i32
      %rem3A_126 = arith.remsi %add3A_28, %select_n3A_125 : i32
      %ne3A_127 = arith.constant 0 : i32
      %ne3A_128 = arith.cmpi ne, %rem3A_126, %ne3A_127 : i32
      %lt3A_129 = arith.constant 0 : i32
      %lt3A_130 = arith.cmpi slt, %rem3A_126, %lt3A_129 : i32
      %lt3A_131 = arith.constant 0 : i32
      %lt3A_132 = arith.cmpi slt, %select_n3A_125, %lt3A_131 : i32
      %ne3A_133 = arith.xori %lt3A_130, %lt3A_132 : i1
      %and3A_134 = arith.andi %ne3A_133, %ne3A_128 : i1
      %add3A_135 = arith.addi %rem3A_126, %select_n3A_125 : i32
      %select_n3A_136 = arith.select %and3A_134, %add3A_135, %rem3A_126 : i32
      %mul3A_137 = arith.constant 16 : i32
      %mul3A_138 = arith.muli %select_n3A_136, %mul3A_137 : i32
      %add3A_139 = arith.addi %mul3A_2, %mul3A_138 : i32
      %dma_start3A_140 = arith.constant 0 : i32
      %dma_start3A_141 = tpu.memref_slice %arg4[%select_n3A_120, %add3A_139, %dma_start3A_140] : memref<1x2048x1024xf32, #tpu.memory_space<hbm>> -> memref<1x16x1024xf32, #tpu.memory_space<hbm>>
      %dma_start3A_142 = tpu.memref_squeeze %dma_start3A_141 : memref<1x16x1024xf32, #tpu.memory_space<hbm>> -> memref<16x1024xf32, #tpu.memory_space<hbm>>
      %dma_start3A_143 = arith.constant 0 : i32
      %dma_start3A_144 = tpu.memref_slice %arg4[%select_n3A_120, %add3A_139, %dma_start3A_143] : memref<1x2048x1024xf32, #tpu.memory_space<hbm>> -> memref<1x16x1024xf32, #tpu.memory_space<hbm>>
      %dma_start3A_145 = tpu.memref_squeeze %dma_start3A_144 : memref<1x16x1024xf32, #tpu.memory_space<hbm>> -> memref<16x1024xf32, #tpu.memory_space<hbm>>
      tpu.enqueue_dma source(%arg6 : memref<16x1024xf32, #tpu.memory_space<vmem>>) target(%dma_start3A_145 : memref<16x1024xf32, #tpu.memory_space<hbm>>) target_semaphore(%arg10 : memref<!tpu.dma_semaphore, #tpu.memory_space<semaphore_mem>>)
      %mul3A_146 = arith.constant 2 : i32
      %mul3A_147 = arith.muli %mul3A_146, %scan3A_24 : i32
      %add3A_148 = arith.constant 1 : i32
      %add3A_149 = arith.addi %mul3A_147, %add3A_148 : i32
      %ge3A_150 = arith.constant 1 : i32
      %ge3A_151 = arith.cmpi sge, %add3A_149, %ge3A_150 : i32
      %convert_element_type3A_152 = arith.extui %ge3A_151 : i1 to i32
      %cond3A_153 = arith.constant 0 : i32
      %cond3A_154 = arith.cmpi ne, %convert_element_type3A_152, %cond3A_153 : i32
      scf.if %cond3A_154 {
        %jit3A_281 = arith.constant 4 : i32
        %div3A_282 = arith.divsi %add3A_149, %jit3A_281 : i32
        %sign3A_283 = arith.constant 0 : i32
        %sign3A_284 = arith.cmpi sgt, %add3A_149, %sign3A_283 : i32
        %sign3A_285 = arith.extui %sign3A_284 : i1 to i32
        %sign3A_286 = arith.constant 0 : i32
        %sign3A_287 = arith.cmpi slt, %add3A_149, %sign3A_286 : i32
        %sign3A_288 = arith.extui %sign3A_287 : i1 to i32
        %sign3A_289 = arith.subi %sign3A_285, %sign3A_288 : i32
        %sign3A_290 = arith.constant 0 : i32
        %sign3A_291 = arith.cmpi sgt, %jit3A_281, %sign3A_290 : i32
        %sign3A_292 = arith.extui %sign3A_291 : i1 to i32
        %sign3A_293 = arith.constant 0 : i32
        %sign3A_294 = arith.cmpi slt, %jit3A_281, %sign3A_293 : i32
        %sign3A_295 = arith.extui %sign3A_294 : i1 to i32
        %sign3A_296 = arith.subi %sign3A_292, %sign3A_295 : i32
        %ne3A_297 = arith.cmpi ne, %sign3A_289, %sign3A_296 : i32
        %rem3A_298 = arith.remsi %add3A_149, %jit3A_281 : i32
        %ne3A_299 = arith.constant 0 : i32
        %ne3A_300 = arith.cmpi ne, %rem3A_298, %ne3A_299 : i32
        %and3A_301 = arith.andi %ne3A_297, %ne3A_300 : i1
        %sub3A_302 = arith.constant 1 : i32
        %sub3A_303 = arith.subi %div3A_282, %sub3A_302 : i32
        %select_n3A_304 = arith.select %and3A_301, %sub3A_303, %div3A_282 : i32
        %jit3A_305 = arith.constant 4 : i32
        %eq3A_306 = arith.constant 0 : i32
        %eq3A_307 = arith.cmpi eq, %jit3A_305, %eq3A_306 : i32
        %jit3A_308 = arith.constant 1 : i32
        %select_n3A_309 = arith.select %eq3A_307, %jit3A_308, %jit3A_305 : i32
        %rem3A_310 = arith.remsi %add3A_149, %select_n3A_309 : i32
        %ne3A_311 = arith.constant 0 : i32
        %ne3A_312 = arith.cmpi ne, %rem3A_310, %ne3A_311 : i32
        %lt3A_313 = arith.constant 0 : i32
        %lt3A_314 = arith.cmpi slt, %rem3A_310, %lt3A_313 : i32
        %lt3A_315 = arith.constant 0 : i32
        %lt3A_316 = arith.cmpi slt, %select_n3A_309, %lt3A_315 : i32
        %ne3A_317 = arith.xori %lt3A_314, %lt3A_316 : i1
        %and3A_318 = arith.andi %ne3A_317, %ne3A_312 : i1
        %add3A_319 = arith.addi %rem3A_310, %select_n3A_309 : i32
        %select_n3A_320 = arith.select %and3A_318, %add3A_319, %rem3A_310 : i32
        %mul3A_321 = arith.constant 16 : i32
        %mul3A_322 = arith.muli %select_n3A_320, %mul3A_321 : i32
        %add3A_323 = arith.addi %mul3A_2, %mul3A_322 : i32
        %dma_wait3A_324 = arith.constant 0 : i32
        %dma_wait3A_325 = tpu.memref_slice %arg4[%select_n3A_304, %add3A_323, %dma_wait3A_324] : memref<1x2048x1024xf32, #tpu.memory_space<hbm>> -> memref<1x16x1024xf32, #tpu.memory_space<hbm>>
        %dma_wait3A_326 = tpu.memref_squeeze %dma_wait3A_325 : memref<1x16x1024xf32, #tpu.memory_space<hbm>> -> memref<16x1024xf32, #tpu.memory_space<hbm>>
        %dma_wait3A_327 = arith.constant 0 : i32
        %dma_wait3A_328 = tpu.memref_slice %arg4[%select_n3A_304, %add3A_323, %dma_wait3A_327] : memref<1x2048x1024xf32, #tpu.memory_space<hbm>> -> memref<1x16x1024xf32, #tpu.memory_space<hbm>>
        %dma_wait3A_329 = tpu.memref_squeeze %dma_wait3A_328 : memref<1x16x1024xf32, #tpu.memory_space<hbm>> -> memref<16x1024xf32, #tpu.memory_space<hbm>>
        tpu.wait_dma2 semaphore(%arg10 : memref<!tpu.dma_semaphore, #tpu.memory_space<semaphore_mem>>) src(%arg6 : memref<16x1024xf32, #tpu.memory_space<vmem>>) dst(%dma_wait3A_329 : memref<16x1024xf32, #tpu.memory_space<hbm>>)
      } else {
      }
      %add3A_155 = arith.constant 1 : i32
      %add3A_156 = arith.addi %add3A_149, %add3A_155 : i32
      %lt3A_157 = arith.constant 4 : i32
      %lt3A_158 = arith.cmpi slt, %add3A_156, %lt3A_157 : i32
      %convert_element_type3A_159 = arith.extui %lt3A_158 : i1 to i32
      %cond3A_160 = arith.constant 0 : i32
      %cond3A_161 = arith.cmpi ne, %convert_element_type3A_159, %cond3A_160 : i32
      scf.if %cond3A_161 {
        %add3A_281 = arith.constant 1 : i32
        %add3A_282 = arith.addi %add3A_149, %add3A_281 : i32
        %jit3A_283 = arith.constant 4 : i32
        %div3A_284 = arith.divsi %add3A_282, %jit3A_283 : i32
        %sign3A_285 = arith.constant 0 : i32
        %sign3A_286 = arith.cmpi sgt, %add3A_282, %sign3A_285 : i32
        %sign3A_287 = arith.extui %sign3A_286 : i1 to i32
        %sign3A_288 = arith.constant 0 : i32
        %sign3A_289 = arith.cmpi slt, %add3A_282, %sign3A_288 : i32
        %sign3A_290 = arith.extui %sign3A_289 : i1 to i32
        %sign3A_291 = arith.subi %sign3A_287, %sign3A_290 : i32
        %sign3A_292 = arith.constant 0 : i32
        %sign3A_293 = arith.cmpi sgt, %jit3A_283, %sign3A_292 : i32
        %sign3A_294 = arith.extui %sign3A_293 : i1 to i32
        %sign3A_295 = arith.constant 0 : i32
        %sign3A_296 = arith.cmpi slt, %jit3A_283, %sign3A_295 : i32
        %sign3A_297 = arith.extui %sign3A_296 : i1 to i32
        %sign3A_298 = arith.subi %sign3A_294, %sign3A_297 : i32
        %ne3A_299 = arith.cmpi ne, %sign3A_291, %sign3A_298 : i32
        %rem3A_300 = arith.remsi %add3A_282, %jit3A_283 : i32
        %ne3A_301 = arith.constant 0 : i32
        %ne3A_302 = arith.cmpi ne, %rem3A_300, %ne3A_301 : i32
        %and3A_303 = arith.andi %ne3A_299, %ne3A_302 : i1
        %sub3A_304 = arith.constant 1 : i32
        %sub3A_305 = arith.subi %div3A_284, %sub3A_304 : i32
        %select_n3A_306 = arith.select %and3A_303, %sub3A_305, %div3A_284 : i32
        %jit3A_307 = arith.constant 4 : i32
        %eq3A_308 = arith.constant 0 : i32
        %eq3A_309 = arith.cmpi eq, %jit3A_307, %eq3A_308 : i32
        %jit3A_310 = arith.constant 1 : i32
        %select_n3A_311 = arith.select %eq3A_309, %jit3A_310, %jit3A_307 : i32
        %rem3A_312 = arith.remsi %add3A_282, %select_n3A_311 : i32
        %ne3A_313 = arith.constant 0 : i32
        %ne3A_314 = arith.cmpi ne, %rem3A_312, %ne3A_313 : i32
        %lt3A_315 = arith.constant 0 : i32
        %lt3A_316 = arith.cmpi slt, %rem3A_312, %lt3A_315 : i32
        %lt3A_317 = arith.constant 0 : i32
        %lt3A_318 = arith.cmpi slt, %select_n3A_311, %lt3A_317 : i32
        %ne3A_319 = arith.xori %lt3A_316, %lt3A_318 : i1
        %and3A_320 = arith.andi %ne3A_319, %ne3A_314 : i1
        %add3A_321 = arith.addi %rem3A_312, %select_n3A_311 : i32
        %select_n3A_322 = arith.select %and3A_320, %add3A_321, %rem3A_312 : i32
        %mul3A_323 = arith.constant 16 : i32
        %mul3A_324 = arith.muli %select_n3A_322, %mul3A_323 : i32
        %add3A_325 = arith.addi %mul3A_2, %mul3A_324 : i32
        %dma_start3A_326 = arith.constant 0 : i32
        %dma_start3A_327 = tpu.memref_slice %arg2[%select_n3A_306, %add3A_325, %dma_start3A_326] : memref<1x2048x1024xf32, #tpu.memory_space<hbm>> -> memref<1x16x1024xf32, #tpu.memory_space<hbm>>
        %dma_start3A_328 = tpu.memref_squeeze %dma_start3A_327 : memref<1x16x1024xf32, #tpu.memory_space<hbm>> -> memref<16x1024xf32, #tpu.memory_space<hbm>>
        %dma_start3A_329 = arith.constant 0 : i32
        %dma_start3A_330 = tpu.memref_slice %arg2[%select_n3A_306, %add3A_325, %dma_start3A_329] : memref<1x2048x1024xf32, #tpu.memory_space<hbm>> -> memref<1x16x1024xf32, #tpu.memory_space<hbm>>
        %dma_start3A_331 = tpu.memref_squeeze %dma_start3A_330 : memref<1x16x1024xf32, #tpu.memory_space<hbm>> -> memref<16x1024xf32, #tpu.memory_space<hbm>>
        tpu.enqueue_dma source(%dma_start3A_331 : memref<16x1024xf32, #tpu.memory_space<hbm>>) target(%arg6 : memref<16x1024xf32, #tpu.memory_space<vmem>>) target_semaphore(%arg8 : memref<!tpu.dma_semaphore, #tpu.memory_space<semaphore_mem>>)
      } else {
      }
      %jit3A_162 = arith.constant 4 : i32
      %div3A_163 = arith.divsi %add3A_149, %jit3A_162 : i32
      %sign3A_164 = arith.constant 0 : i32
      %sign3A_165 = arith.cmpi sgt, %add3A_149, %sign3A_164 : i32
      %sign3A_166 = arith.extui %sign3A_165 : i1 to i32
      %sign3A_167 = arith.constant 0 : i32
      %sign3A_168 = arith.cmpi slt, %add3A_149, %sign3A_167 : i32
      %sign3A_169 = arith.extui %sign3A_168 : i1 to i32
      %sign3A_170 = arith.subi %sign3A_166, %sign3A_169 : i32
      %sign3A_171 = arith.constant 0 : i32
      %sign3A_172 = arith.cmpi sgt, %jit3A_162, %sign3A_171 : i32
      %sign3A_173 = arith.extui %sign3A_172 : i1 to i32
      %sign3A_174 = arith.constant 0 : i32
      %sign3A_175 = arith.cmpi slt, %jit3A_162, %sign3A_174 : i32
      %sign3A_176 = arith.extui %sign3A_175 : i1 to i32
      %sign3A_177 = arith.subi %sign3A_173, %sign3A_176 : i32
      %ne3A_178 = arith.cmpi ne, %sign3A_170, %sign3A_177 : i32
      %rem3A_179 = arith.remsi %add3A_149, %jit3A_162 : i32
      %ne3A_180 = arith.constant 0 : i32
      %ne3A_181 = arith.cmpi ne, %rem3A_179, %ne3A_180 : i32
      %and3A_182 = arith.andi %ne3A_178, %ne3A_181 : i1
      %sub3A_183 = arith.constant 1 : i32
      %sub3A_184 = arith.subi %div3A_163, %sub3A_183 : i32
      %select_n3A_185 = arith.select %and3A_182, %sub3A_184, %div3A_163 : i32
      %jit3A_186 = arith.constant 4 : i32
      %eq3A_187 = arith.constant 0 : i32
      %eq3A_188 = arith.cmpi eq, %jit3A_186, %eq3A_187 : i32
      %jit3A_189 = arith.constant 1 : i32
      %select_n3A_190 = arith.select %eq3A_188, %jit3A_189, %jit3A_186 : i32
      %rem3A_191 = arith.remsi %add3A_149, %select_n3A_190 : i32
      %ne3A_192 = arith.constant 0 : i32
      %ne3A_193 = arith.cmpi ne, %rem3A_191, %ne3A_192 : i32
      %lt3A_194 = arith.constant 0 : i32
      %lt3A_195 = arith.cmpi slt, %rem3A_191, %lt3A_194 : i32
      %lt3A_196 = arith.constant 0 : i32
      %lt3A_197 = arith.cmpi slt, %select_n3A_190, %lt3A_196 : i32
      %ne3A_198 = arith.xori %lt3A_195, %lt3A_197 : i1
      %and3A_199 = arith.andi %ne3A_198, %ne3A_193 : i1
      %add3A_200 = arith.addi %rem3A_191, %select_n3A_190 : i32
      %select_n3A_201 = arith.select %and3A_199, %add3A_200, %rem3A_191 : i32
      %mul3A_202 = arith.constant 16 : i32
      %mul3A_203 = arith.muli %select_n3A_201, %mul3A_202 : i32
      %add3A_204 = arith.addi %mul3A_2, %mul3A_203 : i32
      %dma_wait3A_205 = arith.constant 0 : i32
      %dma_wait3A_206 = tpu.memref_slice %arg2[%select_n3A_185, %add3A_204, %dma_wait3A_205] : memref<1x2048x1024xf32, #tpu.memory_space<hbm>> -> memref<1x16x1024xf32, #tpu.memory_space<hbm>>
      %dma_wait3A_207 = tpu.memref_squeeze %dma_wait3A_206 : memref<1x16x1024xf32, #tpu.memory_space<hbm>> -> memref<16x1024xf32, #tpu.memory_space<hbm>>
      %dma_wait3A_208 = arith.constant 0 : i32
      %dma_wait3A_209 = tpu.memref_slice %arg2[%select_n3A_185, %add3A_204, %dma_wait3A_208] : memref<1x2048x1024xf32, #tpu.memory_space<hbm>> -> memref<1x16x1024xf32, #tpu.memory_space<hbm>>
      %dma_wait3A_210 = tpu.memref_squeeze %dma_wait3A_209 : memref<1x16x1024xf32, #tpu.memory_space<hbm>> -> memref<16x1024xf32, #tpu.memory_space<hbm>>
      tpu.wait_dma2 semaphore(%arg9 : memref<!tpu.dma_semaphore, #tpu.memory_space<semaphore_mem>>) src(%dma_wait3A_210 : memref<16x1024xf32, #tpu.memory_space<hbm>>) dst(%arg7 : memref<16x1024xf32, #tpu.memory_space<vmem>>)
      %jit3A_211 = arith.constant 4 : i32
      %eq3A_212 = arith.constant 0 : i32
      %eq3A_213 = arith.cmpi eq, %jit3A_211, %eq3A_212 : i32
      %jit3A_214 = arith.constant 1 : i32
      %select_n3A_215 = arith.select %eq3A_213, %jit3A_214, %jit3A_211 : i32
      %rem3A_216 = arith.remsi %add3A_149, %select_n3A_215 : i32
      %ne3A_217 = arith.constant 0 : i32
      %ne3A_218 = arith.cmpi ne, %rem3A_216, %ne3A_217 : i32
      %lt3A_219 = arith.constant 0 : i32
      %lt3A_220 = arith.cmpi slt, %rem3A_216, %lt3A_219 : i32
      %lt3A_221 = arith.constant 0 : i32
      %lt3A_222 = arith.cmpi slt, %select_n3A_215, %lt3A_221 : i32
      %ne3A_223 = arith.xori %lt3A_220, %lt3A_222 : i1
      %and3A_224 = arith.andi %ne3A_223, %ne3A_218 : i1
      %add3A_225 = arith.addi %rem3A_216, %select_n3A_215 : i32
      %select_n3A_226 = arith.select %and3A_224, %add3A_225, %rem3A_216 : i32
      %mul3A_227 = arith.constant 16 : i32
      %mul3A_228 = arith.muli %select_n3A_226, %mul3A_227 : i32
      %parallel_loop3A_229 = arith.constant 0 : i32
      %parallel_loop3A_230 = arith.constant 16 : i32
      %parallel_loop3A_231 = arith.constant 1 : i32
      scf.for %parallel_loop3A_281 = %parallel_loop3A_229 to %parallel_loop3A_230 step %parallel_loop3A_231  : i32 {
        %parallel_loop3A_282 = arith.addi %mul3A_228, %parallel_loop3A_281 : i32
        %parallel_loop3A_283 = arith.index_cast %parallel_loop3A_282 : i32 to index
        %parallel_loop3A_284 = arith.constant 0 : index
        %parallel_loop3A_285 = tpu.vector_load %arg5[%parallel_loop3A_283, %parallel_loop3A_284] {strides = array<i32>} : memref<64x1024xf32, #tpu.memory_space<vmem>>, vector<1x16xf32>,
        %parallel_loop3A_286 = vector.shape_cast %parallel_loop3A_285 : vector<1x16xf32> to vector<16xf32>
        %parallel_loop3A_287 = arith.index_cast %parallel_loop3A_281 : i32 to index
        %parallel_loop3A_288 = arith.constant 0 : index
        %parallel_loop3A_289 = tpu.vector_load %arg7[%parallel_loop3A_287, %parallel_loop3A_288] {strides = array<i32>} : memref<16x1024xf32, #tpu.memory_space<vmem>>, vector<1x16xf32>,
        %parallel_loop3A_290 = vector.shape_cast %parallel_loop3A_289 : vector<1x16xf32> to vector<16xf32>
        %parallel_loop3A_291 = vector.shape_cast %parallel_loop3A_286 : vector<16xf32> to vector<1x16xf32>
        tpu.vector_store %arg7[%parallel_loop3A_287, %parallel_loop3A_288], %parallel_loop3A_291 {add = true, strides = array<i32>} : memref<16x1024xf32, #tpu.memory_space<vmem>>, vector<1x16xf32>,
        %parallel_loop3A_292 = arith.index_cast %parallel_loop3A_282 : i32 to index
        %parallel_loop3A_293 = arith.constant 16 : index
        %parallel_loop3A_294 = tpu.vector_load %arg5[%parallel_loop3A_292, %parallel_loop3A_293] {strides = array<i32>} : memref<64x1024xf32, #tpu.memory_space<vmem>>, vector<1x16xf32>,
        %parallel_loop3A_295 = vector.shape_cast %parallel_loop3A_294 : vector<1x16xf32> to vector<16xf32>
        %parallel_loop3A_296 = arith.index_cast %parallel_loop3A_281 : i32 to index
        %parallel_loop3A_297 = arith.constant 16 : index
        %parallel_loop3A_298 = tpu.vector_load %arg7[%parallel_loop3A_296, %parallel_loop3A_297] {strides = array<i32>} : memref<16x1024xf32, #tpu.memory_space<vmem>>, vector<1x16xf32>,
        %parallel_loop3A_299 = vector.shape_cast %parallel_loop3A_298 : vector<1x16xf32> to vector<16xf32>
        %parallel_loop3A_300 = vector.shape_cast %parallel_loop3A_295 : vector<16xf32> to vector<1x16xf32>
        tpu.vector_store %arg7[%parallel_loop3A_296, %parallel_loop3A_297], %parallel_loop3A_300 {add = true, strides = array<i32>} : memref<16x1024xf32, #tpu.memory_space<vmem>>, vector<1x16xf32>,
        %parallel_loop3A_301 = arith.index_cast %parallel_loop3A_282 : i32 to index
        %parallel_loop3A_302 = arith.constant 32 : index
        %parallel_loop3A_303 = tpu.vector_load %arg5[%parallel_loop3A_301, %parallel_loop3A_302] {strides = array<i32>} : memref<64x1024xf32, #tpu.memory_space<vmem>>, vector<1x16xf32>,
        %parallel_loop3A_304 = vector.shape_cast %parallel_loop3A_303 : vector<1x16xf32> to vector<16xf32>
        %parallel_loop3A_305 = arith.index_cast %parallel_loop3A_281 : i32 to index
        %parallel_loop3A_306 = arith.constant 32 : index
        %parallel_loop3A_307 = tpu.vector_load %arg7[%parallel_loop3A_305, %parallel_loop3A_306] {strides = array<i32>} : memref<16x1024xf32, #tpu.memory_space<vmem>>, vector<1x16xf32>,
        %parallel_loop3A_308 = vector.shape_cast %parallel_loop3A_307 : vector<1x16xf32> to vector<16xf32>
        %parallel_loop3A_309 = vector.shape_cast %parallel_loop3A_304 : vector<16xf32> to vector<1x16xf32>
        tpu.vector_store %arg7[%parallel_loop3A_305, %parallel_loop3A_306], %parallel_loop3A_309 {add = true, strides = array<i32>} : memref<16x1024xf32, #tpu.memory_space<vmem>>, vector<1x16xf32>,
        %parallel_loop3A_310 = arith.index_cast %parallel_loop3A_282 : i32 to index
        %parallel_loop3A_311 = arith.constant 48 : index
        %parallel_loop3A_312 = tpu.vector_load %arg5[%parallel_loop3A_310, %parallel_loop3A_311] {strides = array<i32>} : memref<64x1024xf32, #tpu.memory_space<vmem>>, vector<1x16xf32>,
        %parallel_loop3A_313 = vector.shape_cast %parallel_loop3A_312 : vector<1x16xf32> to vector<16xf32>
        %parallel_loop3A_314 = arith.index_cast %parallel_loop3A_281 : i32 to index
        %parallel_loop3A_315 = arith.constant 48 : index
        %parallel_loop3A_316 = tpu.vector_load %arg7[%parallel_loop3A_314, %parallel_loop3A_315] {strides = array<i32>} : memref<16x1024xf32, #tpu.memory_space<vmem>>, vector<1x16xf32>,
        %parallel_loop3A_317 = vector.shape_cast %parallel_loop3A_316 : vector<1x16xf32> to vector<16xf32>
        %parallel_loop3A_318 = vector.shape_cast %parallel_loop3A_313 : vector<16xf32> to vector<1x16xf32>
        tpu.vector_store %arg7[%parallel_loop3A_314, %parallel_loop3A_315], %parallel_loop3A_318 {add = true, strides = array<i32>} : memref<16x1024xf32, #tpu.memory_space<vmem>>, vector<1x16xf32>,
        %parallel_loop3A_319 = arith.index_cast %parallel_loop3A_282 : i32 to index
        %parallel_loop3A_320 = arith.constant 64 : index
        %parallel_loop3A_321 = tpu.vector_load %arg5[%parallel_loop3A_319, %parallel_loop3A_320] {strides = array<i32>} : memref<64x1024xf32, #tpu.memory_space<vmem>>, vector<1x16xf32>,
        %parallel_loop3A_322 = vector.shape_cast %parallel_loop3A_321 : vector<1x16xf32> to vector<16xf32>
        %parallel_loop3A_323 = arith.index_cast %parallel_loop3A_281 : i32 to index
        %parallel_loop3A_324 = arith.constant 64 : index
        %parallel_loop3A_325 = tpu.vector_load %arg7[%parallel_loop3A_323, %parallel_loop3A_324] {strides = array<i32>} : memref<16x1024xf32, #tpu.memory_space<vmem>>, vector<1x16xf32>,
        %parallel_loop3A_326 = vector.shape_cast %parallel_loop3A_325 : vector<1x16xf32> to vector<16xf32>
        %parallel_loop3A_327 = vector.shape_cast %parallel_loop3A_322 : vector<16xf32> to vector<1x16xf32>
        tpu.vector_store %arg7[%parallel_loop3A_323, %parallel_loop3A_324], %parallel_loop3A_327 {add = true, strides = array<i32>} : memref<16x1024xf32, #tpu.memory_space<vmem>>, vector<1x16xf32>,
        %parallel_loop3A_328 = arith.index_cast %parallel_loop3A_282 : i32 to index
        %parallel_loop3A_329 = arith.constant 80 : index
        %parallel_loop3A_330 = tpu.vector_load %arg5[%parallel_loop3A_328, %parallel_loop3A_329] {strides = array<i32>} : memref<64x1024xf32, #tpu.memory_space<vmem>>, vector<1x16xf32>,
        %parallel_loop3A_331 = vector.shape_cast %parallel_loop3A_330 : vector<1x16xf32> to vector<16xf32>
        %parallel_loop3A_332 = arith.index_cast %parallel_loop3A_281 : i32 to index
        %parallel_loop3A_333 = arith.constant 80 : index
        %parallel_loop3A_334 = tpu.vector_load %arg7[%parallel_loop3A_332, %parallel_loop3A_333] {strides = array<i32>} : memref<16x1024xf32, #tpu.memory_space<vmem>>, vector<1x16xf32>,
        %parallel_loop3A_335 = vector.shape_cast %parallel_loop3A_334 : vector<1x16xf32> to vector<16xf32>
        %parallel_loop3A_336 = vector.shape_cast %parallel_loop3A_331 : vector<16xf32> to vector<1x16xf32>
        tpu.vector_store %arg7[%parallel_loop3A_332, %parallel_loop3A_333], %parallel_loop3A_336 {add = true, strides = array<i32>} : memref<16x1024xf32, #tpu.memory_space<vmem>>, vector<1x16xf32>,
        %parallel_loop3A_337 = arith.index_cast %parallel_loop3A_282 : i32 to index
        %parallel_loop3A_338 = arith.constant 96 : index
        %parallel_loop3A_339 = tpu.vector_load %arg5[%parallel_loop3A_337, %parallel_loop3A_338] {strides = array<i32>} : memref<64x1024xf32, #tpu.memory_space<vmem>>, vector<1x16xf32>,
        %parallel_loop3A_340 = vector.shape_cast %parallel_loop3A_339 : vector<1x16xf32> to vector<16xf32>
        %parallel_loop3A_341 = arith.index_cast %parallel_loop3A_281 : i32 to index
        %parallel_loop3A_342 = arith.constant 96 : index
        %parallel_loop3A_343 = tpu.vector_load %arg7[%parallel_loop3A_341, %parallel_loop3A_342] {strides = array<i32>} : memref<16x1024xf32, #tpu.memory_space<vmem>>, vector<1x16xf32>,
        %parallel_loop3A_344 = vector.shape_cast %parallel_loop3A_343 : vector<1x16xf32> to vector<16xf32>
        %parallel_loop3A_345 = vector.shape_cast %parallel_loop3A_340 : vector<16xf32> to vector<1x16xf32>
        tpu.vector_store %arg7[%parallel_loop3A_341, %parallel_loop3A_342], %parallel_loop3A_345 {add = true, strides = array<i32>} : memref<16x1024xf32, #tpu.memory_space<vmem>>, vector<1x16xf32>,
        %parallel_loop3A_346 = arith.index_cast %parallel_loop3A_282 : i32 to index
        %parallel_loop3A_347 = arith.constant 112 : index
        %parallel_loop3A_348 = tpu.vector_load %arg5[%parallel_loop3A_346, %parallel_loop3A_347] {strides = array<i32>} : memref<64x1024xf32, #tpu.memory_space<vmem>>, vector<1x16xf32>,
        %parallel_loop3A_349 = vector.shape_cast %parallel_loop3A_348 : vector<1x16xf32> to vector<16xf32>
        %parallel_loop3A_350 = arith.index_cast %parallel_loop3A_281 : i32 to index
        %parallel_loop3A_351 = arith.constant 112 : index
        %parallel_loop3A_352 = tpu.vector_load %arg7[%parallel_loop3A_350, %parallel_loop3A_351] {strides = array<i32>} : memref<16x1024xf32, #tpu.memory_space<vmem>>, vector<1x16xf32>,
        %parallel_loop3A_353 = vector.shape_cast %parallel_loop3A_352 : vector<1x16xf32> to vector<16xf32>
        %parallel_loop3A_354 = vector.shape_cast %parallel_loop3A_349 : vector<16xf32> to vector<1x16xf32>
        tpu.vector_store %arg7[%parallel_loop3A_350, %parallel_loop3A_351], %parallel_loop3A_354 {add = true, strides = array<i32>} : memref<16x1024xf32, #tpu.memory_space<vmem>>, vector<1x16xf32>,
        %parallel_loop3A_355 = arith.index_cast %parallel_loop3A_282 : i32 to index
        %parallel_loop3A_356 = arith.constant 128 : index
        %parallel_loop3A_357 = tpu.vector_load %arg5[%parallel_loop3A_355, %parallel_loop3A_356] {strides = array<i32>} : memref<64x1024xf32, #tpu.memory_space<vmem>>, vector<1x16xf32>,
        %parallel_loop3A_358 = vector.shape_cast %parallel_loop3A_357 : vector<1x16xf32> to vector<16xf32>
        %parallel_loop3A_359 = arith.index_cast %parallel_loop3A_281 : i32 to index
        %parallel_loop3A_360 = arith.constant 128 : index
        %parallel_loop3A_361 = tpu.vector_load %arg7[%parallel_loop3A_359, %parallel_loop3A_360] {strides = array<i32>} : memref<16x1024xf32, #tpu.memory_space<vmem>>, vector<1x16xf32>,
        %parallel_loop3A_362 = vector.shape_cast %parallel_loop3A_361 : vector<1x16xf32> to vector<16xf32>
        %parallel_loop3A_363 = vector.shape_cast %parallel_loop3A_358 : vector<16xf32> to vector<1x16xf32>
        tpu.vector_store %arg7[%parallel_loop3A_359, %parallel_loop3A_360], %parallel_loop3A_363 {add = true, strides = array<i32>} : memref<16x1024xf32, #tpu.memory_space<vmem>>, vector<1x16xf32>,
        %parallel_loop3A_364 = arith.index_cast %parallel_loop3A_282 : i32 to index
        %parallel_loop3A_365 = arith.constant 144 : index
        %parallel_loop3A_366 = tpu.vector_load %arg5[%parallel_loop3A_364, %parallel_loop3A_365] {strides = array<i32>} : memref<64x1024xf32, #tpu.memory_space<vmem>>, vector<1x16xf32>,
        %parallel_loop3A_367 = vector.shape_cast %parallel_loop3A_366 : vector<1x16xf32> to vector<16xf32>
        %parallel_loop3A_368 = arith.index_cast %parallel_loop3A_281 : i32 to index
        %parallel_loop3A_369 = arith.constant 144 : index
        %parallel_loop3A_370 = tpu.vector_load %arg7[%parallel_loop3A_368, %parallel_loop3A_369] {strides = array<i32>} : memref<16x1024xf32, #tpu.memory_space<vmem>>, vector<1x16xf32>,
        %parallel_loop3A_371 = vector.shape_cast %parallel_loop3A_370 : vector<1x16xf32> to vector<16xf32>
        %parallel_loop3A_372 = vector.shape_cast %parallel_loop3A_367 : vector<16xf32> to vector<1x16xf32>
        tpu.vector_store %arg7[%parallel_loop3A_368, %parallel_loop3A_369], %parallel_loop3A_372 {add = true, strides = array<i32>} : memref<16x1024xf32, #tpu.memory_space<vmem>>, vector<1x16xf32>,
        %parallel_loop3A_373 = arith.index_cast %parallel_loop3A_282 : i32 to index
        %parallel_loop3A_374 = arith.constant 160 : index
        %parallel_loop3A_375 = tpu.vector_load %arg5[%parallel_loop3A_373, %parallel_loop3A_374] {strides = array<i32>} : memref<64x1024xf32, #tpu.memory_space<vmem>>, vector<1x16xf32>,
        %parallel_loop3A_376 = vector.shape_cast %parallel_loop3A_375 : vector<1x16xf32> to vector<16xf32>
        %parallel_loop3A_377 = arith.index_cast %parallel_loop3A_281 : i32 to index
        %parallel_loop3A_378 = arith.constant 160 : index
        %parallel_loop3A_379 = tpu.vector_load %arg7[%parallel_loop3A_377, %parallel_loop3A_378] {strides = array<i32>} : memref<16x1024xf32, #tpu.memory_space<vmem>>, vector<1x16xf32>,
        %parallel_loop3A_380 = vector.shape_cast %parallel_loop3A_379 : vector<1x16xf32> to vector<16xf32>
        %parallel_loop3A_381 = vector.shape_cast %parallel_loop3A_376 : vector<16xf32> to vector<1x16xf32>
        tpu.vector_store %arg7[%parallel_loop3A_377, %parallel_loop3A_378], %parallel_loop3A_381 {add = true, strides = array<i32>} : memref<16x1024xf32, #tpu.memory_space<vmem>>, vector<1x16xf32>,
        %parallel_loop3A_382 = arith.index_cast %parallel_loop3A_282 : i32 to index
        %parallel_loop3A_383 = arith.constant 176 : index
        %parallel_loop3A_384 = tpu.vector_load %arg5[%parallel_loop3A_382, %parallel_loop3A_383] {strides = array<i32>} : memref<64x1024xf32, #tpu.memory_space<vmem>>, vector<1x16xf32>,
        %parallel_loop3A_385 = vector.shape_cast %parallel_loop3A_384 : vector<1x16xf32> to vector<16xf32>
        %parallel_loop3A_386 = arith.index_cast %parallel_loop3A_281 : i32 to index
        %parallel_loop3A_387 = arith.constant 176 : index
        %parallel_loop3A_388 = tpu.vector_load %arg7[%parallel_loop3A_386, %parallel_loop3A_387] {strides = array<i32>} : memref<16x1024xf32, #tpu.memory_space<vmem>>, vector<1x16xf32>,
        %parallel_loop3A_389 = vector.shape_cast %parallel_loop3A_388 : vector<1x16xf32> to vector<16xf32>
        %parallel_loop3A_390 = vector.shape_cast %parallel_loop3A_385 : vector<16xf32> to vector<1x16xf32>
        tpu.vector_store %arg7[%parallel_loop3A_386, %parallel_loop3A_387], %parallel_loop3A_390 {add = true, strides = array<i32>} : memref<16x1024xf32, #tpu.memory_space<vmem>>, vector<1x16xf32>,
        %parallel_loop3A_391 = arith.index_cast %parallel_loop3A_282 : i32 to index
        %parallel_loop3A_392 = arith.constant 192 : index
        %parallel_loop3A_393 = tpu.vector_load %arg5[%parallel_loop3A_391, %parallel_loop3A_392] {strides = array<i32>} : memref<64x1024xf32, #tpu.memory_space<vmem>>, vector<1x16xf32>,
        %parallel_loop3A_394 = vector.shape_cast %parallel_loop3A_393 : vector<1x16xf32> to vector<16xf32>
        %parallel_loop3A_395 = arith.index_cast %parallel_loop3A_281 : i32 to index
        %parallel_loop3A_396 = arith.constant 192 : index
        %parallel_loop3A_397 = tpu.vector_load %arg7[%parallel_loop3A_395, %parallel_loop3A_396] {strides = array<i32>} : memref<16x1024xf32, #tpu.memory_space<vmem>>, vector<1x16xf32>,
        %parallel_loop3A_398 = vector.shape_cast %parallel_loop3A_397 : vector<1x16xf32> to vector<16xf32>
        %parallel_loop3A_399 = vector.shape_cast %parallel_loop3A_394 : vector<16xf32> to vector<1x16xf32>
        tpu.vector_store %arg7[%parallel_loop3A_395, %parallel_loop3A_396], %parallel_loop3A_399 {add = true, strides = array<i32>} : memref<16x1024xf32, #tpu.memory_space<vmem>>, vector<1x16xf32>,
        %parallel_loop3A_400 = arith.index_cast %parallel_loop3A_282 : i32 to index
        %parallel_loop3A_401 = arith.constant 208 : index
        %parallel_loop3A_402 = tpu.vector_load %arg5[%parallel_loop3A_400, %parallel_loop3A_401] {strides = array<i32>} : memref<64x1024xf32, #tpu.memory_space<vmem>>, vector<1x16xf32>,
        %parallel_loop3A_403 = vector.shape_cast %parallel_loop3A_402 : vector<1x16xf32> to vector<16xf32>
        %parallel_loop3A_404 = arith.index_cast %parallel_loop3A_281 : i32 to index
        %parallel_loop3A_405 = arith.constant 208 : index
        %parallel_loop3A_406 = tpu.vector_load %arg7[%parallel_loop3A_404, %parallel_loop3A_405] {strides = array<i32>} : memref<16x1024xf32, #tpu.memory_space<vmem>>, vector<1x16xf32>,
        %parallel_loop3A_407 = vector.shape_cast %parallel_loop3A_406 : vector<1x16xf32> to vector<16xf32>
        %parallel_loop3A_408 = vector.shape_cast %parallel_loop3A_403 : vector<16xf32> to vector<1x16xf32>
        tpu.vector_store %arg7[%parallel_loop3A_404, %parallel_loop3A_405], %parallel_loop3A_408 {add = true, strides = array<i32>} : memref<16x1024xf32, #tpu.memory_space<vmem>>, vector<1x16xf32>,
        %parallel_loop3A_409 = arith.index_cast %parallel_loop3A_282 : i32 to index
        %parallel_loop3A_410 = arith.constant 224 : index
        %parallel_loop3A_411 = tpu.vector_load %arg5[%parallel_loop3A_409, %parallel_loop3A_410] {strides = array<i32>} : memref<64x1024xf32, #tpu.memory_space<vmem>>, vector<1x16xf32>,
        %parallel_loop3A_412 = vector.shape_cast %parallel_loop3A_411 : vector<1x16xf32> to vector<16xf32>
        %parallel_loop3A_413 = arith.index_cast %parallel_loop3A_281 : i32 to index
        %parallel_loop3A_414 = arith.constant 224 : index
        %parallel_loop3A_415 = tpu.vector_load %arg7[%parallel_loop3A_413, %parallel_loop3A_414] {strides = array<i32>} : memref<16x1024xf32, #tpu.memory_space<vmem>>, vector<1x16xf32>,
        %parallel_loop3A_416 = vector.shape_cast %parallel_loop3A_415 : vector<1x16xf32> to vector<16xf32>
        %parallel_loop3A_417 = vector.shape_cast %parallel_loop3A_412 : vector<16xf32> to vector<1x16xf32>
        tpu.vector_store %arg7[%parallel_loop3A_413, %parallel_loop3A_414], %parallel_loop3A_417 {add = true, strides = array<i32>} : memref<16x1024xf32, #tpu.memory_space<vmem>>, vector<1x16xf32>,
        %parallel_loop3A_418 = arith.index_cast %parallel_loop3A_282 : i32 to index
        %parallel_loop3A_419 = arith.constant 240 : index
        %parallel_loop3A_420 = tpu.vector_load %arg5[%parallel_loop3A_418, %parallel_loop3A_419] {strides = array<i32>} : memref<64x1024xf32, #tpu.memory_space<vmem>>, vector<1x16xf32>,
        %parallel_loop3A_421 = vector.shape_cast %parallel_loop3A_420 : vector<1x16xf32> to vector<16xf32>
        %parallel_loop3A_422 = arith.index_cast %parallel_loop3A_281 : i32 to index
        %parallel_loop3A_423 = arith.constant 240 : index
        %parallel_loop3A_424 = tpu.vector_load %arg7[%parallel_loop3A_422, %parallel_loop3A_423] {strides = array<i32>} : memref<16x1024xf32, #tpu.memory_space<vmem>>, vector<1x16xf32>,
        %parallel_loop3A_425 = vector.shape_cast %parallel_loop3A_424 : vector<1x16xf32> to vector<16xf32>
        %parallel_loop3A_426 = vector.shape_cast %parallel_loop3A_421 : vector<16xf32> to vector<1x16xf32>
        tpu.vector_store %arg7[%parallel_loop3A_422, %parallel_loop3A_423], %parallel_loop3A_426 {add = true, strides = array<i32>} : memref<16x1024xf32, #tpu.memory_space<vmem>>, vector<1x16xf32>,
        %parallel_loop3A_427 = arith.index_cast %parallel_loop3A_282 : i32 to index
        %parallel_loop3A_428 = arith.constant 256 : index
        %parallel_loop3A_429 = tpu.vector_load %arg5[%parallel_loop3A_427, %parallel_loop3A_428] {strides = array<i32>} : memref<64x1024xf32, #tpu.memory_space<vmem>>, vector<1x16xf32>,
        %parallel_loop3A_430 = vector.shape_cast %parallel_loop3A_429 : vector<1x16xf32> to vector<16xf32>
        %parallel_loop3A_431 = arith.index_cast %parallel_loop3A_281 : i32 to index
        %parallel_loop3A_432 = arith.constant 256 : index
        %parallel_loop3A_433 = tpu.vector_load %arg7[%parallel_loop3A_431, %parallel_loop3A_432] {strides = array<i32>} : memref<16x1024xf32, #tpu.memory_space<vmem>>, vector<1x16xf32>,
        %parallel_loop3A_434 = vector.shape_cast %parallel_loop3A_433 : vector<1x16xf32> to vector<16xf32>
        %parallel_loop3A_435 = vector.shape_cast %parallel_loop3A_430 : vector<16xf32> to vector<1x16xf32>
        tpu.vector_store %arg7[%parallel_loop3A_431, %parallel_loop3A_432], %parallel_loop3A_435 {add = true, strides = array<i32>} : memref<16x1024xf32, #tpu.memory_space<vmem>>, vector<1x16xf32>,
        %parallel_loop3A_436 = arith.index_cast %parallel_loop3A_282 : i32 to index
        %parallel_loop3A_437 = arith.constant 272 : index
        %parallel_loop3A_438 = tpu.vector_load %arg5[%parallel_loop3A_436, %parallel_loop3A_437] {strides = array<i32>} : memref<64x1024xf32, #tpu.memory_space<vmem>>, vector<1x16xf32>,
        %parallel_loop3A_439 = vector.shape_cast %parallel_loop3A_438 : vector<1x16xf32> to vector<16xf32>
        %parallel_loop3A_440 = arith.index_cast %parallel_loop3A_281 : i32 to index
        %parallel_loop3A_441 = arith.constant 272 : index
        %parallel_loop3A_442 = tpu.vector_load %arg7[%parallel_loop3A_440, %parallel_loop3A_441] {strides = array<i32>} : memref<16x1024xf32, #tpu.memory_space<vmem>>, vector<1x16xf32>,
        %parallel_loop3A_443 = vector.shape_cast %parallel_loop3A_442 : vector<1x16xf32> to vector<16xf32>
        %parallel_loop3A_444 = vector.shape_cast %parallel_loop3A_439 : vector<16xf32> to vector<1x16xf32>
        tpu.vector_store %arg7[%parallel_loop3A_440, %parallel_loop3A_441], %parallel_loop3A_444 {add = true, strides = array<i32>} : memref<16x1024xf32, #tpu.memory_space<vmem>>, vector<1x16xf32>,
        %parallel_loop3A_445 = arith.index_cast %parallel_loop3A_282 : i32 to index
        %parallel_loop3A_446 = arith.constant 288 : index
        %parallel_loop3A_447 = tpu.vector_load %arg5[%parallel_loop3A_445, %parallel_loop3A_446] {strides = array<i32>} : memref<64x1024xf32, #tpu.memory_space<vmem>>, vector<1x16xf32>,
        %parallel_loop3A_448 = vector.shape_cast %parallel_loop3A_447 : vector<1x16xf32> to vector<16xf32>
        %parallel_loop3A_449 = arith.index_cast %parallel_loop3A_281 : i32 to index
        %parallel_loop3A_450 = arith.constant 288 : index
        %parallel_loop3A_451 = tpu.vector_load %arg7[%parallel_loop3A_449, %parallel_loop3A_450] {strides = array<i32>} : memref<16x1024xf32, #tpu.memory_space<vmem>>, vector<1x16xf32>,
        %parallel_loop3A_452 = vector.shape_cast %parallel_loop3A_451 : vector<1x16xf32> to vector<16xf32>
        %parallel_loop3A_453 = vector.shape_cast %parallel_loop3A_448 : vector<16xf32> to vector<1x16xf32>
        tpu.vector_store %arg7[%parallel_loop3A_449, %parallel_loop3A_450], %parallel_loop3A_453 {add = true, strides = array<i32>} : memref<16x1024xf32, #tpu.memory_space<vmem>>, vector<1x16xf32>,
        %parallel_loop3A_454 = arith.index_cast %parallel_loop3A_282 : i32 to index
        %parallel_loop3A_455 = arith.constant 304 : index
        %parallel_loop3A_456 = tpu.vector_load %arg5[%parallel_loop3A_454, %parallel_loop3A_455] {strides = array<i32>} : memref<64x1024xf32, #tpu.memory_space<vmem>>, vector<1x16xf32>,
        %parallel_loop3A_457 = vector.shape_cast %parallel_loop3A_456 : vector<1x16xf32> to vector<16xf32>
        %parallel_loop3A_458 = arith.index_cast %parallel_loop3A_281 : i32 to index
        %parallel_loop3A_459 = arith.constant 304 : index
        %parallel_loop3A_460 = tpu.vector_load %arg7[%parallel_loop3A_458, %parallel_loop3A_459] {strides = array<i32>} : memref<16x1024xf32, #tpu.memory_space<vmem>>, vector<1x16xf32>,
        %parallel_loop3A_461 = vector.shape_cast %parallel_loop3A_460 : vector<1x16xf32> to vector<16xf32>
        %parallel_loop3A_462 = vector.shape_cast %parallel_loop3A_457 : vector<16xf32> to vector<1x16xf32>
        tpu.vector_store %arg7[%parallel_loop3A_458, %parallel_loop3A_459], %parallel_loop3A_462 {add = true, strides = array<i32>} : memref<16x1024xf32, #tpu.memory_space<vmem>>, vector<1x16xf32>,
        %parallel_loop3A_463 = arith.index_cast %parallel_loop3A_282 : i32 to index
        %parallel_loop3A_464 = arith.constant 320 : index
        %parallel_loop3A_465 = tpu.vector_load %arg5[%parallel_loop3A_463, %parallel_loop3A_464] {strides = array<i32>} : memref<64x1024xf32, #tpu.memory_space<vmem>>, vector<1x16xf32>,
        %parallel_loop3A_466 = vector.shape_cast %parallel_loop3A_465 : vector<1x16xf32> to vector<16xf32>
        %parallel_loop3A_467 = arith.index_cast %parallel_loop3A_281 : i32 to index
        %parallel_loop3A_468 = arith.constant 320 : index
        %parallel_loop3A_469 = tpu.vector_load %arg7[%parallel_loop3A_467, %parallel_loop3A_468] {strides = array<i32>} : memref<16x1024xf32, #tpu.memory_space<vmem>>, vector<1x16xf32>,
        %parallel_loop3A_470 = vector.shape_cast %parallel_loop3A_469 : vector<1x16xf32> to vector<16xf32>
        %parallel_loop3A_471 = vector.shape_cast %parallel_loop3A_466 : vector<16xf32> to vector<1x16xf32>
        tpu.vector_store %arg7[%parallel_loop3A_467, %parallel_loop3A_468], %parallel_loop3A_471 {add = true, strides = array<i32>} : memref<16x1024xf32, #tpu.memory_space<vmem>>, vector<1x16xf32>,
        %parallel_loop3A_472 = arith.index_cast %parallel_loop3A_282 : i32 to index
        %parallel_loop3A_473 = arith.constant 336 : index
        %parallel_loop3A_474 = tpu.vector_load %arg5[%parallel_loop3A_472, %parallel_loop3A_473] {strides = array<i32>} : memref<64x1024xf32, #tpu.memory_space<vmem>>, vector<1x16xf32>,
        %parallel_loop3A_475 = vector.shape_cast %parallel_loop3A_474 : vector<1x16xf32> to vector<16xf32>
        %parallel_loop3A_476 = arith.index_cast %parallel_loop3A_281 : i32 to index
        %parallel_loop3A_477 = arith.constant 336 : index
        %parallel_loop3A_478 = tpu.vector_load %arg7[%parallel_loop3A_476, %parallel_loop3A_477] {strides = array<i32>} : memref<16x1024xf32, #tpu.memory_space<vmem>>, vector<1x16xf32>,
        %parallel_loop3A_479 = vector.shape_cast %parallel_loop3A_478 : vector<1x16xf32> to vector<16xf32>
        %parallel_loop3A_480 = vector.shape_cast %parallel_loop3A_475 : vector<16xf32> to vector<1x16xf32>
        tpu.vector_store %arg7[%parallel_loop3A_476, %parallel_loop3A_477], %parallel_loop3A_480 {add = true, strides = array<i32>} : memref<16x1024xf32, #tpu.memory_space<vmem>>, vector<1x16xf32>,
        %parallel_loop3A_481 = arith.index_cast %parallel_loop3A_282 : i32 to index
        %parallel_loop3A_482 = arith.constant 352 : index
        %parallel_loop3A_483 = tpu.vector_load %arg5[%parallel_loop3A_481, %parallel_loop3A_482] {strides = array<i32>} : memref<64x1024xf32, #tpu.memory_space<vmem>>, vector<1x16xf32>,
        %parallel_loop3A_484 = vector.shape_cast %parallel_loop3A_483 : vector<1x16xf32> to vector<16xf32>
        %parallel_loop3A_485 = arith.index_cast %parallel_loop3A_281 : i32 to index
        %parallel_loop3A_486 = arith.constant 352 : index
        %parallel_loop3A_487 = tpu.vector_load %arg7[%parallel_loop3A_485, %parallel_loop3A_486] {strides = array<i32>} : memref<16x1024xf32, #tpu.memory_space<vmem>>, vector<1x16xf32>,
        %parallel_loop3A_488 = vector.shape_cast %parallel_loop3A_487 : vector<1x16xf32> to vector<16xf32>
        %parallel_loop3A_489 = vector.shape_cast %parallel_loop3A_484 : vector<16xf32> to vector<1x16xf32>
        tpu.vector_store %arg7[%parallel_loop3A_485, %parallel_loop3A_486], %parallel_loop3A_489 {add = true, strides = array<i32>} : memref<16x1024xf32, #tpu.memory_space<vmem>>, vector<1x16xf32>,
        %parallel_loop3A_490 = arith.index_cast %parallel_loop3A_282 : i32 to index
        %parallel_loop3A_491 = arith.constant 368 : index
        %parallel_loop3A_492 = tpu.vector_load %arg5[%parallel_loop3A_490, %parallel_loop3A_491] {strides = array<i32>} : memref<64x1024xf32, #tpu.memory_space<vmem>>, vector<1x16xf32>,
        %parallel_loop3A_493 = vector.shape_cast %parallel_loop3A_492 : vector<1x16xf32> to vector<16xf32>
        %parallel_loop3A_494 = arith.index_cast %parallel_loop3A_281 : i32 to index
        %parallel_loop3A_495 = arith.constant 368 : index
        %parallel_loop3A_496 = tpu.vector_load %arg7[%parallel_loop3A_494, %parallel_loop3A_495] {strides = array<i32>} : memref<16x1024xf32, #tpu.memory_space<vmem>>, vector<1x16xf32>,
        %parallel_loop3A_497 = vector.shape_cast %parallel_loop3A_496 : vector<1x16xf32> to vector<16xf32>
        %parallel_loop3A_498 = vector.shape_cast %parallel_loop3A_493 : vector<16xf32> to vector<1x16xf32>
        tpu.vector_store %arg7[%parallel_loop3A_494, %parallel_loop3A_495], %parallel_loop3A_498 {add = true, strides = array<i32>} : memref<16x1024xf32, #tpu.memory_space<vmem>>, vector<1x16xf32>,
        %parallel_loop3A_499 = arith.index_cast %parallel_loop3A_282 : i32 to index
        %parallel_loop3A_500 = arith.constant 384 : index
        %parallel_loop3A_501 = tpu.vector_load %arg5[%parallel_loop3A_499, %parallel_loop3A_500] {strides = array<i32>} : memref<64x1024xf32, #tpu.memory_space<vmem>>, vector<1x16xf32>,
        %parallel_loop3A_502 = vector.shape_cast %parallel_loop3A_501 : vector<1x16xf32> to vector<16xf32>
        %parallel_loop3A_503 = arith.index_cast %parallel_loop3A_281 : i32 to index
        %parallel_loop3A_504 = arith.constant 384 : index
        %parallel_loop3A_505 = tpu.vector_load %arg7[%parallel_loop3A_503, %parallel_loop3A_504] {strides = array<i32>} : memref<16x1024xf32, #tpu.memory_space<vmem>>, vector<1x16xf32>,
        %parallel_loop3A_506 = vector.shape_cast %parallel_loop3A_505 : vector<1x16xf32> to vector<16xf32>
        %parallel_loop3A_507 = vector.shape_cast %parallel_loop3A_502 : vector<16xf32> to vector<1x16xf32>
        tpu.vector_store %arg7[%parallel_loop3A_503, %parallel_loop3A_504], %parallel_loop3A_507 {add = true, strides = array<i32>} : memref<16x1024xf32, #tpu.memory_space<vmem>>, vector<1x16xf32>,
        %parallel_loop3A_508 = arith.index_cast %parallel_loop3A_282 : i32 to index
        %parallel_loop3A_509 = arith.constant 400 : index
        %parallel_loop3A_510 = tpu.vector_load %arg5[%parallel_loop3A_508, %parallel_loop3A_509] {strides = array<i32>} : memref<64x1024xf32, #tpu.memory_space<vmem>>, vector<1x16xf32>,
        %parallel_loop3A_511 = vector.shape_cast %parallel_loop3A_510 : vector<1x16xf32> to vector<16xf32>
        %parallel_loop3A_512 = arith.index_cast %parallel_loop3A_281 : i32 to index
        %parallel_loop3A_513 = arith.constant 400 : index
        %parallel_loop3A_514 = tpu.vector_load %arg7[%parallel_loop3A_512, %parallel_loop3A_513] {strides = array<i32>} : memref<16x1024xf32, #tpu.memory_space<vmem>>, vector<1x16xf32>,
        %parallel_loop3A_515 = vector.shape_cast %parallel_loop3A_514 : vector<1x16xf32> to vector<16xf32>
        %parallel_loop3A_516 = vector.shape_cast %parallel_loop3A_511 : vector<16xf32> to vector<1x16xf32>
        tpu.vector_store %arg7[%parallel_loop3A_512, %parallel_loop3A_513], %parallel_loop3A_516 {add = true, strides = array<i32>} : memref<16x1024xf32, #tpu.memory_space<vmem>>, vector<1x16xf32>,
        %parallel_loop3A_517 = arith.index_cast %parallel_loop3A_282 : i32 to index
        %parallel_loop3A_518 = arith.constant 416 : index
        %parallel_loop3A_519 = tpu.vector_load %arg5[%parallel_loop3A_517, %parallel_loop3A_518] {strides = array<i32>} : memref<64x1024xf32, #tpu.memory_space<vmem>>, vector<1x16xf32>,
        %parallel_loop3A_520 = vector.shape_cast %parallel_loop3A_519 : vector<1x16xf32> to vector<16xf32>
        %parallel_loop3A_521 = arith.index_cast %parallel_loop3A_281 : i32 to index
        %parallel_loop3A_522 = arith.constant 416 : index
        %parallel_loop3A_523 = tpu.vector_load %arg7[%parallel_loop3A_521, %parallel_loop3A_522] {strides = array<i32>} : memref<16x1024xf32, #tpu.memory_space<vmem>>, vector<1x16xf32>,
        %parallel_loop3A_524 = vector.shape_cast %parallel_loop3A_523 : vector<1x16xf32> to vector<16xf32>
        %parallel_loop3A_525 = vector.shape_cast %parallel_loop3A_520 : vector<16xf32> to vector<1x16xf32>
        tpu.vector_store %arg7[%parallel_loop3A_521, %parallel_loop3A_522], %parallel_loop3A_525 {add = true, strides = array<i32>} : memref<16x1024xf32, #tpu.memory_space<vmem>>, vector<1x16xf32>,
        %parallel_loop3A_526 = arith.index_cast %parallel_loop3A_282 : i32 to index
        %parallel_loop3A_527 = arith.constant 432 : index
        %parallel_loop3A_528 = tpu.vector_load %arg5[%parallel_loop3A_526, %parallel_loop3A_527] {strides = array<i32>} : memref<64x1024xf32, #tpu.memory_space<vmem>>, vector<1x16xf32>,
        %parallel_loop3A_529 = vector.shape_cast %parallel_loop3A_528 : vector<1x16xf32> to vector<16xf32>
        %parallel_loop3A_530 = arith.index_cast %parallel_loop3A_281 : i32 to index
        %parallel_loop3A_531 = arith.constant 432 : index
        %parallel_loop3A_532 = tpu.vector_load %arg7[%parallel_loop3A_530, %parallel_loop3A_531] {strides = array<i32>} : memref<16x1024xf32, #tpu.memory_space<vmem>>, vector<1x16xf32>,
        %parallel_loop3A_533 = vector.shape_cast %parallel_loop3A_532 : vector<1x16xf32> to vector<16xf32>
        %parallel_loop3A_534 = vector.shape_cast %parallel_loop3A_529 : vector<16xf32> to vector<1x16xf32>
        tpu.vector_store %arg7[%parallel_loop3A_530, %parallel_loop3A_531], %parallel_loop3A_534 {add = true, strides = array<i32>} : memref<16x1024xf32, #tpu.memory_space<vmem>>, vector<1x16xf32>,
        %parallel_loop3A_535 = arith.index_cast %parallel_loop3A_282 : i32 to index
        %parallel_loop3A_536 = arith.constant 448 : index
        %parallel_loop3A_537 = tpu.vector_load %arg5[%parallel_loop3A_535, %parallel_loop3A_536] {strides = array<i32>} : memref<64x1024xf32, #tpu.memory_space<vmem>>, vector<1x16xf32>,
        %parallel_loop3A_538 = vector.shape_cast %parallel_loop3A_537 : vector<1x16xf32> to vector<16xf32>
        %parallel_loop3A_539 = arith.index_cast %parallel_loop3A_281 : i32 to index
        %parallel_loop3A_540 = arith.constant 448 : index
        %parallel_loop3A_541 = tpu.vector_load %arg7[%parallel_loop3A_539, %parallel_loop3A_540] {strides = array<i32>} : memref<16x1024xf32, #tpu.memory_space<vmem>>, vector<1x16xf32>,
        %parallel_loop3A_542 = vector.shape_cast %parallel_loop3A_541 : vector<1x16xf32> to vector<16xf32>
        %parallel_loop3A_543 = vector.shape_cast %parallel_loop3A_538 : vector<16xf32> to vector<1x16xf32>
        tpu.vector_store %arg7[%parallel_loop3A_539, %parallel_loop3A_540], %parallel_loop3A_543 {add = true, strides = array<i32>} : memref<16x1024xf32, #tpu.memory_space<vmem>>, vector<1x16xf32>,
        %parallel_loop3A_544 = arith.index_cast %parallel_loop3A_282 : i32 to index
        %parallel_loop3A_545 = arith.constant 464 : index
        %parallel_loop3A_546 = tpu.vector_load %arg5[%parallel_loop3A_544, %parallel_loop3A_545] {strides = array<i32>} : memref<64x1024xf32, #tpu.memory_space<vmem>>, vector<1x16xf32>,
        %parallel_loop3A_547 = vector.shape_cast %parallel_loop3A_546 : vector<1x16xf32> to vector<16xf32>
        %parallel_loop3A_548 = arith.index_cast %parallel_loop3A_281 : i32 to index
        %parallel_loop3A_549 = arith.constant 464 : index
        %parallel_loop3A_550 = tpu.vector_load %arg7[%parallel_loop3A_548, %parallel_loop3A_549] {strides = array<i32>} : memref<16x1024xf32, #tpu.memory_space<vmem>>, vector<1x16xf32>,
        %parallel_loop3A_551 = vector.shape_cast %parallel_loop3A_550 : vector<1x16xf32> to vector<16xf32>
        %parallel_loop3A_552 = vector.shape_cast %parallel_loop3A_547 : vector<16xf32> to vector<1x16xf32>
        tpu.vector_store %arg7[%parallel_loop3A_548, %parallel_loop3A_549], %parallel_loop3A_552 {add = true, strides = array<i32>} : memref<16x1024xf32, #tpu.memory_space<vmem>>, vector<1x16xf32>,
        %parallel_loop3A_553 = arith.index_cast %parallel_loop3A_282 : i32 to index
        %parallel_loop3A_554 = arith.constant 480 : index
        %parallel_loop3A_555 = tpu.vector_load %arg5[%parallel_loop3A_553, %parallel_loop3A_554] {strides = array<i32>} : memref<64x1024xf32, #tpu.memory_space<vmem>>, vector<1x16xf32>,
        %parallel_loop3A_556 = vector.shape_cast %parallel_loop3A_555 : vector<1x16xf32> to vector<16xf32>
        %parallel_loop3A_557 = arith.index_cast %parallel_loop3A_281 : i32 to index
        %parallel_loop3A_558 = arith.constant 480 : index
        %parallel_loop3A_559 = tpu.vector_load %arg7[%parallel_loop3A_557, %parallel_loop3A_558] {strides = array<i32>} : memref<16x1024xf32, #tpu.memory_space<vmem>>, vector<1x16xf32>,
        %parallel_loop3A_560 = vector.shape_cast %parallel_loop3A_559 : vector<1x16xf32> to vector<16xf32>
        %parallel_loop3A_561 = vector.shape_cast %parallel_loop3A_556 : vector<16xf32> to vector<1x16xf32>
        tpu.vector_store %arg7[%parallel_loop3A_557, %parallel_loop3A_558], %parallel_loop3A_561 {add = true, strides = array<i32>} : memref<16x1024xf32, #tpu.memory_space<vmem>>, vector<1x16xf32>,
        %parallel_loop3A_562 = arith.index_cast %parallel_loop3A_282 : i32 to index
        %parallel_loop3A_563 = arith.constant 496 : index
        %parallel_loop3A_564 = tpu.vector_load %arg5[%parallel_loop3A_562, %parallel_loop3A_563] {strides = array<i32>} : memref<64x1024xf32, #tpu.memory_space<vmem>>, vector<1x16xf32>,
        %parallel_loop3A_565 = vector.shape_cast %parallel_loop3A_564 : vector<1x16xf32> to vector<16xf32>
        %parallel_loop3A_566 = arith.index_cast %parallel_loop3A_281 : i32 to index
        %parallel_loop3A_567 = arith.constant 496 : index
        %parallel_loop3A_568 = tpu.vector_load %arg7[%parallel_loop3A_566, %parallel_loop3A_567] {strides = array<i32>} : memref<16x1024xf32, #tpu.memory_space<vmem>>, vector<1x16xf32>,
        %parallel_loop3A_569 = vector.shape_cast %parallel_loop3A_568 : vector<1x16xf32> to vector<16xf32>
        %parallel_loop3A_570 = vector.shape_cast %parallel_loop3A_565 : vector<16xf32> to vector<1x16xf32>
        tpu.vector_store %arg7[%parallel_loop3A_566, %parallel_loop3A_567], %parallel_loop3A_570 {add = true, strides = array<i32>} : memref<16x1024xf32, #tpu.memory_space<vmem>>, vector<1x16xf32>,
        %parallel_loop3A_571 = arith.index_cast %parallel_loop3A_282 : i32 to index
        %parallel_loop3A_572 = arith.constant 512 : index
        %parallel_loop3A_573 = tpu.vector_load %arg5[%parallel_loop3A_571, %parallel_loop3A_572] {strides = array<i32>} : memref<64x1024xf32, #tpu.memory_space<vmem>>, vector<1x16xf32>,
        %parallel_loop3A_574 = vector.shape_cast %parallel_loop3A_573 : vector<1x16xf32> to vector<16xf32>
        %parallel_loop3A_575 = arith.index_cast %parallel_loop3A_281 : i32 to index
        %parallel_loop3A_576 = arith.constant 512 : index
        %parallel_loop3A_577 = tpu.vector_load %arg7[%parallel_loop3A_575, %parallel_loop3A_576] {strides = array<i32>} : memref<16x1024xf32, #tpu.memory_space<vmem>>, vector<1x16xf32>,
        %parallel_loop3A_578 = vector.shape_cast %parallel_loop3A_577 : vector<1x16xf32> to vector<16xf32>
        %parallel_loop3A_579 = vector.shape_cast %parallel_loop3A_574 : vector<16xf32> to vector<1x16xf32>
        tpu.vector_store %arg7[%parallel_loop3A_575, %parallel_loop3A_576], %parallel_loop3A_579 {add = true, strides = array<i32>} : memref<16x1024xf32, #tpu.memory_space<vmem>>, vector<1x16xf32>,
        %parallel_loop3A_580 = arith.index_cast %parallel_loop3A_282 : i32 to index
        %parallel_loop3A_581 = arith.constant 528 : index
        %parallel_loop3A_582 = tpu.vector_load %arg5[%parallel_loop3A_580, %parallel_loop3A_581] {strides = array<i32>} : memref<64x1024xf32, #tpu.memory_space<vmem>>, vector<1x16xf32>,
        %parallel_loop3A_583 = vector.shape_cast %parallel_loop3A_582 : vector<1x16xf32> to vector<16xf32>
        %parallel_loop3A_584 = arith.index_cast %parallel_loop3A_281 : i32 to index
        %parallel_loop3A_585 = arith.constant 528 : index
        %parallel_loop3A_586 = tpu.vector_load %arg7[%parallel_loop3A_584, %parallel_loop3A_585] {strides = array<i32>} : memref<16x1024xf32, #tpu.memory_space<vmem>>, vector<1x16xf32>,
        %parallel_loop3A_587 = vector.shape_cast %parallel_loop3A_586 : vector<1x16xf32> to vector<16xf32>
        %parallel_loop3A_588 = vector.shape_cast %parallel_loop3A_583 : vector<16xf32> to vector<1x16xf32>
        tpu.vector_store %arg7[%parallel_loop3A_584, %parallel_loop3A_585], %parallel_loop3A_588 {add = true, strides = array<i32>} : memref<16x1024xf32, #tpu.memory_space<vmem>>, vector<1x16xf32>,
        %parallel_loop3A_589 = arith.index_cast %parallel_loop3A_282 : i32 to index
        %parallel_loop3A_590 = arith.constant 544 : index
        %parallel_loop3A_591 = tpu.vector_load %arg5[%parallel_loop3A_589, %parallel_loop3A_590] {strides = array<i32>} : memref<64x1024xf32, #tpu.memory_space<vmem>>, vector<1x16xf32>,
        %parallel_loop3A_592 = vector.shape_cast %parallel_loop3A_591 : vector<1x16xf32> to vector<16xf32>
        %parallel_loop3A_593 = arith.index_cast %parallel_loop3A_281 : i32 to index
        %parallel_loop3A_594 = arith.constant 544 : index
        %parallel_loop3A_595 = tpu.vector_load %arg7[%parallel_loop3A_593, %parallel_loop3A_594] {strides = array<i32>} : memref<16x1024xf32, #tpu.memory_space<vmem>>, vector<1x16xf32>,
        %parallel_loop3A_596 = vector.shape_cast %parallel_loop3A_595 : vector<1x16xf32> to vector<16xf32>
        %parallel_loop3A_597 = vector.shape_cast %parallel_loop3A_592 : vector<16xf32> to vector<1x16xf32>
        tpu.vector_store %arg7[%parallel_loop3A_593, %parallel_loop3A_594], %parallel_loop3A_597 {add = true, strides = array<i32>} : memref<16x1024xf32, #tpu.memory_space<vmem>>, vector<1x16xf32>,
        %parallel_loop3A_598 = arith.index_cast %parallel_loop3A_282 : i32 to index
        %parallel_loop3A_599 = arith.constant 560 : index
        %parallel_loop3A_600 = tpu.vector_load %arg5[%parallel_loop3A_598, %parallel_loop3A_599] {strides = array<i32>} : memref<64x1024xf32, #tpu.memory_space<vmem>>, vector<1x16xf32>,
        %parallel_loop3A_601 = vector.shape_cast %parallel_loop3A_600 : vector<1x16xf32> to vector<16xf32>
        %parallel_loop3A_602 = arith.index_cast %parallel_loop3A_281 : i32 to index
        %parallel_loop3A_603 = arith.constant 560 : index
        %parallel_loop3A_604 = tpu.vector_load %arg7[%parallel_loop3A_602, %parallel_loop3A_603] {strides = array<i32>} : memref<16x1024xf32, #tpu.memory_space<vmem>>, vector<1x16xf32>,
        %parallel_loop3A_605 = vector.shape_cast %parallel_loop3A_604 : vector<1x16xf32> to vector<16xf32>
        %parallel_loop3A_606 = vector.shape_cast %parallel_loop3A_601 : vector<16xf32> to vector<1x16xf32>
        tpu.vector_store %arg7[%parallel_loop3A_602, %parallel_loop3A_603], %parallel_loop3A_606 {add = true, strides = array<i32>} : memref<16x1024xf32, #tpu.memory_space<vmem>>, vector<1x16xf32>,
        %parallel_loop3A_607 = arith.index_cast %parallel_loop3A_282 : i32 to index
        %parallel_loop3A_608 = arith.constant 576 : index
        %parallel_loop3A_609 = tpu.vector_load %arg5[%parallel_loop3A_607, %parallel_loop3A_608] {strides = array<i32>} : memref<64x1024xf32, #tpu.memory_space<vmem>>, vector<1x16xf32>,
        %parallel_loop3A_610 = vector.shape_cast %parallel_loop3A_609 : vector<1x16xf32> to vector<16xf32>
        %parallel_loop3A_611 = arith.index_cast %parallel_loop3A_281 : i32 to index
        %parallel_loop3A_612 = arith.constant 576 : index
        %parallel_loop3A_613 = tpu.vector_load %arg7[%parallel_loop3A_611, %parallel_loop3A_612] {strides = array<i32>} : memref<16x1024xf32, #tpu.memory_space<vmem>>, vector<1x16xf32>,
        %parallel_loop3A_614 = vector.shape_cast %parallel_loop3A_613 : vector<1x16xf32> to vector<16xf32>
        %parallel_loop3A_615 = vector.shape_cast %parallel_loop3A_610 : vector<16xf32> to vector<1x16xf32>
        tpu.vector_store %arg7[%parallel_loop3A_611, %parallel_loop3A_612], %parallel_loop3A_615 {add = true, strides = array<i32>} : memref<16x1024xf32, #tpu.memory_space<vmem>>, vector<1x16xf32>,
        %parallel_loop3A_616 = arith.index_cast %parallel_loop3A_282 : i32 to index
        %parallel_loop3A_617 = arith.constant 592 : index
        %parallel_loop3A_618 = tpu.vector_load %arg5[%parallel_loop3A_616, %parallel_loop3A_617] {strides = array<i32>} : memref<64x1024xf32, #tpu.memory_space<vmem>>, vector<1x16xf32>,
        %parallel_loop3A_619 = vector.shape_cast %parallel_loop3A_618 : vector<1x16xf32> to vector<16xf32>
        %parallel_loop3A_620 = arith.index_cast %parallel_loop3A_281 : i32 to index
        %parallel_loop3A_621 = arith.constant 592 : index
        %parallel_loop3A_622 = tpu.vector_load %arg7[%parallel_loop3A_620, %parallel_loop3A_621] {strides = array<i32>} : memref<16x1024xf32, #tpu.memory_space<vmem>>, vector<1x16xf32>,
        %parallel_loop3A_623 = vector.shape_cast %parallel_loop3A_622 : vector<1x16xf32> to vector<16xf32>
        %parallel_loop3A_624 = vector.shape_cast %parallel_loop3A_619 : vector<16xf32> to vector<1x16xf32>
        tpu.vector_store %arg7[%parallel_loop3A_620, %parallel_loop3A_621], %parallel_loop3A_624 {add = true, strides = array<i32>} : memref<16x1024xf32, #tpu.memory_space<vmem>>, vector<1x16xf32>,
        %parallel_loop3A_625 = arith.index_cast %parallel_loop3A_282 : i32 to index
        %parallel_loop3A_626 = arith.constant 608 : index
        %parallel_loop3A_627 = tpu.vector_load %arg5[%parallel_loop3A_625, %parallel_loop3A_626] {strides = array<i32>} : memref<64x1024xf32, #tpu.memory_space<vmem>>, vector<1x16xf32>,
        %parallel_loop3A_628 = vector.shape_cast %parallel_loop3A_627 : vector<1x16xf32> to vector<16xf32>
        %parallel_loop3A_629 = arith.index_cast %parallel_loop3A_281 : i32 to index
        %parallel_loop3A_630 = arith.constant 608 : index
        %parallel_loop3A_631 = tpu.vector_load %arg7[%parallel_loop3A_629, %parallel_loop3A_630] {strides = array<i32>} : memref<16x1024xf32, #tpu.memory_space<vmem>>, vector<1x16xf32>,
        %parallel_loop3A_632 = vector.shape_cast %parallel_loop3A_631 : vector<1x16xf32> to vector<16xf32>
        %parallel_loop3A_633 = vector.shape_cast %parallel_loop3A_628 : vector<16xf32> to vector<1x16xf32>
        tpu.vector_store %arg7[%parallel_loop3A_629, %parallel_loop3A_630], %parallel_loop3A_633 {add = true, strides = array<i32>} : memref<16x1024xf32, #tpu.memory_space<vmem>>, vector<1x16xf32>,
        %parallel_loop3A_634 = arith.index_cast %parallel_loop3A_282 : i32 to index
        %parallel_loop3A_635 = arith.constant 624 : index
        %parallel_loop3A_636 = tpu.vector_load %arg5[%parallel_loop3A_634, %parallel_loop3A_635] {strides = array<i32>} : memref<64x1024xf32, #tpu.memory_space<vmem>>, vector<1x16xf32>,
        %parallel_loop3A_637 = vector.shape_cast %parallel_loop3A_636 : vector<1x16xf32> to vector<16xf32>
        %parallel_loop3A_638 = arith.index_cast %parallel_loop3A_281 : i32 to index
        %parallel_loop3A_639 = arith.constant 624 : index
        %parallel_loop3A_640 = tpu.vector_load %arg7[%parallel_loop3A_638, %parallel_loop3A_639] {strides = array<i32>} : memref<16x1024xf32, #tpu.memory_space<vmem>>, vector<1x16xf32>,
        %parallel_loop3A_641 = vector.shape_cast %parallel_loop3A_640 : vector<1x16xf32> to vector<16xf32>
        %parallel_loop3A_642 = vector.shape_cast %parallel_loop3A_637 : vector<16xf32> to vector<1x16xf32>
        tpu.vector_store %arg7[%parallel_loop3A_638, %parallel_loop3A_639], %parallel_loop3A_642 {add = true, strides = array<i32>} : memref<16x1024xf32, #tpu.memory_space<vmem>>, vector<1x16xf32>,
        %parallel_loop3A_643 = arith.index_cast %parallel_loop3A_282 : i32 to index
        %parallel_loop3A_644 = arith.constant 640 : index
        %parallel_loop3A_645 = tpu.vector_load %arg5[%parallel_loop3A_643, %parallel_loop3A_644] {strides = array<i32>} : memref<64x1024xf32, #tpu.memory_space<vmem>>, vector<1x16xf32>,
        %parallel_loop3A_646 = vector.shape_cast %parallel_loop3A_645 : vector<1x16xf32> to vector<16xf32>
        %parallel_loop3A_647 = arith.index_cast %parallel_loop3A_281 : i32 to index
        %parallel_loop3A_648 = arith.constant 640 : index
        %parallel_loop3A_649 = tpu.vector_load %arg7[%parallel_loop3A_647, %parallel_loop3A_648] {strides = array<i32>} : memref<16x1024xf32, #tpu.memory_space<vmem>>, vector<1x16xf32>,
        %parallel_loop3A_650 = vector.shape_cast %parallel_loop3A_649 : vector<1x16xf32> to vector<16xf32>
        %parallel_loop3A_651 = vector.shape_cast %parallel_loop3A_646 : vector<16xf32> to vector<1x16xf32>
        tpu.vector_store %arg7[%parallel_loop3A_647, %parallel_loop3A_648], %parallel_loop3A_651 {add = true, strides = array<i32>} : memref<16x1024xf32, #tpu.memory_space<vmem>>, vector<1x16xf32>,
        %parallel_loop3A_652 = arith.index_cast %parallel_loop3A_282 : i32 to index
        %parallel_loop3A_653 = arith.constant 656 : index
        %parallel_loop3A_654 = tpu.vector_load %arg5[%parallel_loop3A_652, %parallel_loop3A_653] {strides = array<i32>} : memref<64x1024xf32, #tpu.memory_space<vmem>>, vector<1x16xf32>,
        %parallel_loop3A_655 = vector.shape_cast %parallel_loop3A_654 : vector<1x16xf32> to vector<16xf32>
        %parallel_loop3A_656 = arith.index_cast %parallel_loop3A_281 : i32 to index
        %parallel_loop3A_657 = arith.constant 656 : index
        %parallel_loop3A_658 = tpu.vector_load %arg7[%parallel_loop3A_656, %parallel_loop3A_657] {strides = array<i32>} : memref<16x1024xf32, #tpu.memory_space<vmem>>, vector<1x16xf32>,
        %parallel_loop3A_659 = vector.shape_cast %parallel_loop3A_658 : vector<1x16xf32> to vector<16xf32>
        %parallel_loop3A_660 = vector.shape_cast %parallel_loop3A_655 : vector<16xf32> to vector<1x16xf32>
        tpu.vector_store %arg7[%parallel_loop3A_656, %parallel_loop3A_657], %parallel_loop3A_660 {add = true, strides = array<i32>} : memref<16x1024xf32, #tpu.memory_space<vmem>>, vector<1x16xf32>,
        %parallel_loop3A_661 = arith.index_cast %parallel_loop3A_282 : i32 to index
        %parallel_loop3A_662 = arith.constant 672 : index
        %parallel_loop3A_663 = tpu.vector_load %arg5[%parallel_loop3A_661, %parallel_loop3A_662] {strides = array<i32>} : memref<64x1024xf32, #tpu.memory_space<vmem>>, vector<1x16xf32>,
        %parallel_loop3A_664 = vector.shape_cast %parallel_loop3A_663 : vector<1x16xf32> to vector<16xf32>
        %parallel_loop3A_665 = arith.index_cast %parallel_loop3A_281 : i32 to index
        %parallel_loop3A_666 = arith.constant 672 : index
        %parallel_loop3A_667 = tpu.vector_load %arg7[%parallel_loop3A_665, %parallel_loop3A_666] {strides = array<i32>} : memref<16x1024xf32, #tpu.memory_space<vmem>>, vector<1x16xf32>,
        %parallel_loop3A_668 = vector.shape_cast %parallel_loop3A_667 : vector<1x16xf32> to vector<16xf32>
        %parallel_loop3A_669 = vector.shape_cast %parallel_loop3A_664 : vector<16xf32> to vector<1x16xf32>
        tpu.vector_store %arg7[%parallel_loop3A_665, %parallel_loop3A_666], %parallel_loop3A_669 {add = true, strides = array<i32>} : memref<16x1024xf32, #tpu.memory_space<vmem>>, vector<1x16xf32>,
        %parallel_loop3A_670 = arith.index_cast %parallel_loop3A_282 : i32 to index
        %parallel_loop3A_671 = arith.constant 688 : index
        %parallel_loop3A_672 = tpu.vector_load %arg5[%parallel_loop3A_670, %parallel_loop3A_671] {strides = array<i32>} : memref<64x1024xf32, #tpu.memory_space<vmem>>, vector<1x16xf32>,
        %parallel_loop3A_673 = vector.shape_cast %parallel_loop3A_672 : vector<1x16xf32> to vector<16xf32>
        %parallel_loop3A_674 = arith.index_cast %parallel_loop3A_281 : i32 to index
        %parallel_loop3A_675 = arith.constant 688 : index
        %parallel_loop3A_676 = tpu.vector_load %arg7[%parallel_loop3A_674, %parallel_loop3A_675] {strides = array<i32>} : memref<16x1024xf32, #tpu.memory_space<vmem>>, vector<1x16xf32>,
        %parallel_loop3A_677 = vector.shape_cast %parallel_loop3A_676 : vector<1x16xf32> to vector<16xf32>
        %parallel_loop3A_678 = vector.shape_cast %parallel_loop3A_673 : vector<16xf32> to vector<1x16xf32>
        tpu.vector_store %arg7[%parallel_loop3A_674, %parallel_loop3A_675], %parallel_loop3A_678 {add = true, strides = array<i32>} : memref<16x1024xf32, #tpu.memory_space<vmem>>, vector<1x16xf32>,
        %parallel_loop3A_679 = arith.index_cast %parallel_loop3A_282 : i32 to index
        %parallel_loop3A_680 = arith.constant 704 : index
        %parallel_loop3A_681 = tpu.vector_load %arg5[%parallel_loop3A_679, %parallel_loop3A_680] {strides = array<i32>} : memref<64x1024xf32, #tpu.memory_space<vmem>>, vector<1x16xf32>,
        %parallel_loop3A_682 = vector.shape_cast %parallel_loop3A_681 : vector<1x16xf32> to vector<16xf32>
        %parallel_loop3A_683 = arith.index_cast %parallel_loop3A_281 : i32 to index
        %parallel_loop3A_684 = arith.constant 704 : index
        %parallel_loop3A_685 = tpu.vector_load %arg7[%parallel_loop3A_683, %parallel_loop3A_684] {strides = array<i32>} : memref<16x1024xf32, #tpu.memory_space<vmem>>, vector<1x16xf32>,
        %parallel_loop3A_686 = vector.shape_cast %parallel_loop3A_685 : vector<1x16xf32> to vector<16xf32>
        %parallel_loop3A_687 = vector.shape_cast %parallel_loop3A_682 : vector<16xf32> to vector<1x16xf32>
        tpu.vector_store %arg7[%parallel_loop3A_683, %parallel_loop3A_684], %parallel_loop3A_687 {add = true, strides = array<i32>} : memref<16x1024xf32, #tpu.memory_space<vmem>>, vector<1x16xf32>,
        %parallel_loop3A_688 = arith.index_cast %parallel_loop3A_282 : i32 to index
        %parallel_loop3A_689 = arith.constant 720 : index
        %parallel_loop3A_690 = tpu.vector_load %arg5[%parallel_loop3A_688, %parallel_loop3A_689] {strides = array<i32>} : memref<64x1024xf32, #tpu.memory_space<vmem>>, vector<1x16xf32>,
        %parallel_loop3A_691 = vector.shape_cast %parallel_loop3A_690 : vector<1x16xf32> to vector<16xf32>
        %parallel_loop3A_692 = arith.index_cast %parallel_loop3A_281 : i32 to index
        %parallel_loop3A_693 = arith.constant 720 : index
        %parallel_loop3A_694 = tpu.vector_load %arg7[%parallel_loop3A_692, %parallel_loop3A_693] {strides = array<i32>} : memref<16x1024xf32, #tpu.memory_space<vmem>>, vector<1x16xf32>,
        %parallel_loop3A_695 = vector.shape_cast %parallel_loop3A_694 : vector<1x16xf32> to vector<16xf32>
        %parallel_loop3A_696 = vector.shape_cast %parallel_loop3A_691 : vector<16xf32> to vector<1x16xf32>
        tpu.vector_store %arg7[%parallel_loop3A_692, %parallel_loop3A_693], %parallel_loop3A_696 {add = true, strides = array<i32>} : memref<16x1024xf32, #tpu.memory_space<vmem>>, vector<1x16xf32>,
        %parallel_loop3A_697 = arith.index_cast %parallel_loop3A_282 : i32 to index
        %parallel_loop3A_698 = arith.constant 736 : index
        %parallel_loop3A_699 = tpu.vector_load %arg5[%parallel_loop3A_697, %parallel_loop3A_698] {strides = array<i32>} : memref<64x1024xf32, #tpu.memory_space<vmem>>, vector<1x16xf32>,
        %parallel_loop3A_700 = vector.shape_cast %parallel_loop3A_699 : vector<1x16xf32> to vector<16xf32>
        %parallel_loop3A_701 = arith.index_cast %parallel_loop3A_281 : i32 to index
        %parallel_loop3A_702 = arith.constant 736 : index
        %parallel_loop3A_703 = tpu.vector_load %arg7[%parallel_loop3A_701, %parallel_loop3A_702] {strides = array<i32>} : memref<16x1024xf32, #tpu.memory_space<vmem>>, vector<1x16xf32>,
        %parallel_loop3A_704 = vector.shape_cast %parallel_loop3A_703 : vector<1x16xf32> to vector<16xf32>
        %parallel_loop3A_705 = vector.shape_cast %parallel_loop3A_700 : vector<16xf32> to vector<1x16xf32>
        tpu.vector_store %arg7[%parallel_loop3A_701, %parallel_loop3A_702], %parallel_loop3A_705 {add = true, strides = array<i32>} : memref<16x1024xf32, #tpu.memory_space<vmem>>, vector<1x16xf32>,
        %parallel_loop3A_706 = arith.index_cast %parallel_loop3A_282 : i32 to index
        %parallel_loop3A_707 = arith.constant 752 : index
        %parallel_loop3A_708 = tpu.vector_load %arg5[%parallel_loop3A_706, %parallel_loop3A_707] {strides = array<i32>} : memref<64x1024xf32, #tpu.memory_space<vmem>>, vector<1x16xf32>,
        %parallel_loop3A_709 = vector.shape_cast %parallel_loop3A_708 : vector<1x16xf32> to vector<16xf32>
        %parallel_loop3A_710 = arith.index_cast %parallel_loop3A_281 : i32 to index
        %parallel_loop3A_711 = arith.constant 752 : index
        %parallel_loop3A_712 = tpu.vector_load %arg7[%parallel_loop3A_710, %parallel_loop3A_711] {strides = array<i32>} : memref<16x1024xf32, #tpu.memory_space<vmem>>, vector<1x16xf32>,
        %parallel_loop3A_713 = vector.shape_cast %parallel_loop3A_712 : vector<1x16xf32> to vector<16xf32>
        %parallel_loop3A_714 = vector.shape_cast %parallel_loop3A_709 : vector<16xf32> to vector<1x16xf32>
        tpu.vector_store %arg7[%parallel_loop3A_710, %parallel_loop3A_711], %parallel_loop3A_714 {add = true, strides = array<i32>} : memref<16x1024xf32, #tpu.memory_space<vmem>>, vector<1x16xf32>,
        %parallel_loop3A_715 = arith.index_cast %parallel_loop3A_282 : i32 to index
        %parallel_loop3A_716 = arith.constant 768 : index
        %parallel_loop3A_717 = tpu.vector_load %arg5[%parallel_loop3A_715, %parallel_loop3A_716] {strides = array<i32>} : memref<64x1024xf32, #tpu.memory_space<vmem>>, vector<1x16xf32>,
        %parallel_loop3A_718 = vector.shape_cast %parallel_loop3A_717 : vector<1x16xf32> to vector<16xf32>
        %parallel_loop3A_719 = arith.index_cast %parallel_loop3A_281 : i32 to index
        %parallel_loop3A_720 = arith.constant 768 : index
        %parallel_loop3A_721 = tpu.vector_load %arg7[%parallel_loop3A_719, %parallel_loop3A_720] {strides = array<i32>} : memref<16x1024xf32, #tpu.memory_space<vmem>>, vector<1x16xf32>,
        %parallel_loop3A_722 = vector.shape_cast %parallel_loop3A_721 : vector<1x16xf32> to vector<16xf32>
        %parallel_loop3A_723 = vector.shape_cast %parallel_loop3A_718 : vector<16xf32> to vector<1x16xf32>
        tpu.vector_store %arg7[%parallel_loop3A_719, %parallel_loop3A_720], %parallel_loop3A_723 {add = true, strides = array<i32>} : memref<16x1024xf32, #tpu.memory_space<vmem>>, vector<1x16xf32>,
        %parallel_loop3A_724 = arith.index_cast %parallel_loop3A_282 : i32 to index
        %parallel_loop3A_725 = arith.constant 784 : index
        %parallel_loop3A_726 = tpu.vector_load %arg5[%parallel_loop3A_724, %parallel_loop3A_725] {strides = array<i32>} : memref<64x1024xf32, #tpu.memory_space<vmem>>, vector<1x16xf32>,
        %parallel_loop3A_727 = vector.shape_cast %parallel_loop3A_726 : vector<1x16xf32> to vector<16xf32>
        %parallel_loop3A_728 = arith.index_cast %parallel_loop3A_281 : i32 to index
        %parallel_loop3A_729 = arith.constant 784 : index
        %parallel_loop3A_730 = tpu.vector_load %arg7[%parallel_loop3A_728, %parallel_loop3A_729] {strides = array<i32>} : memref<16x1024xf32, #tpu.memory_space<vmem>>, vector<1x16xf32>,
        %parallel_loop3A_731 = vector.shape_cast %parallel_loop3A_730 : vector<1x16xf32> to vector<16xf32>
        %parallel_loop3A_732 = vector.shape_cast %parallel_loop3A_727 : vector<16xf32> to vector<1x16xf32>
        tpu.vector_store %arg7[%parallel_loop3A_728, %parallel_loop3A_729], %parallel_loop3A_732 {add = true, strides = array<i32>} : memref<16x1024xf32, #tpu.memory_space<vmem>>, vector<1x16xf32>,
        %parallel_loop3A_733 = arith.index_cast %parallel_loop3A_282 : i32 to index
        %parallel_loop3A_734 = arith.constant 800 : index
        %parallel_loop3A_735 = tpu.vector_load %arg5[%parallel_loop3A_733, %parallel_loop3A_734] {strides = array<i32>} : memref<64x1024xf32, #tpu.memory_space<vmem>>, vector<1x16xf32>,
        %parallel_loop3A_736 = vector.shape_cast %parallel_loop3A_735 : vector<1x16xf32> to vector<16xf32>
        %parallel_loop3A_737 = arith.index_cast %parallel_loop3A_281 : i32 to index
        %parallel_loop3A_738 = arith.constant 800 : index
        %parallel_loop3A_739 = tpu.vector_load %arg7[%parallel_loop3A_737, %parallel_loop3A_738] {strides = array<i32>} : memref<16x1024xf32, #tpu.memory_space<vmem>>, vector<1x16xf32>,
        %parallel_loop3A_740 = vector.shape_cast %parallel_loop3A_739 : vector<1x16xf32> to vector<16xf32>
        %parallel_loop3A_741 = vector.shape_cast %parallel_loop3A_736 : vector<16xf32> to vector<1x16xf32>
        tpu.vector_store %arg7[%parallel_loop3A_737, %parallel_loop3A_738], %parallel_loop3A_741 {add = true, strides = array<i32>} : memref<16x1024xf32, #tpu.memory_space<vmem>>, vector<1x16xf32>,
        %parallel_loop3A_742 = arith.index_cast %parallel_loop3A_282 : i32 to index
        %parallel_loop3A_743 = arith.constant 816 : index
        %parallel_loop3A_744 = tpu.vector_load %arg5[%parallel_loop3A_742, %parallel_loop3A_743] {strides = array<i32>} : memref<64x1024xf32, #tpu.memory_space<vmem>>, vector<1x16xf32>,
        %parallel_loop3A_745 = vector.shape_cast %parallel_loop3A_744 : vector<1x16xf32> to vector<16xf32>
        %parallel_loop3A_746 = arith.index_cast %parallel_loop3A_281 : i32 to index
        %parallel_loop3A_747 = arith.constant 816 : index
        %parallel_loop3A_748 = tpu.vector_load %arg7[%parallel_loop3A_746, %parallel_loop3A_747] {strides = array<i32>} : memref<16x1024xf32, #tpu.memory_space<vmem>>, vector<1x16xf32>,
        %parallel_loop3A_749 = vector.shape_cast %parallel_loop3A_748 : vector<1x16xf32> to vector<16xf32>
        %parallel_loop3A_750 = vector.shape_cast %parallel_loop3A_745 : vector<16xf32> to vector<1x16xf32>
        tpu.vector_store %arg7[%parallel_loop3A_746, %parallel_loop3A_747], %parallel_loop3A_750 {add = true, strides = array<i32>} : memref<16x1024xf32, #tpu.memory_space<vmem>>, vector<1x16xf32>,
        %parallel_loop3A_751 = arith.index_cast %parallel_loop3A_282 : i32 to index
        %parallel_loop3A_752 = arith.constant 832 : index
        %parallel_loop3A_753 = tpu.vector_load %arg5[%parallel_loop3A_751, %parallel_loop3A_752] {strides = array<i32>} : memref<64x1024xf32, #tpu.memory_space<vmem>>, vector<1x16xf32>,
        %parallel_loop3A_754 = vector.shape_cast %parallel_loop3A_753 : vector<1x16xf32> to vector<16xf32>
        %parallel_loop3A_755 = arith.index_cast %parallel_loop3A_281 : i32 to index
        %parallel_loop3A_756 = arith.constant 832 : index
        %parallel_loop3A_757 = tpu.vector_load %arg7[%parallel_loop3A_755, %parallel_loop3A_756] {strides = array<i32>} : memref<16x1024xf32, #tpu.memory_space<vmem>>, vector<1x16xf32>,
        %parallel_loop3A_758 = vector.shape_cast %parallel_loop3A_757 : vector<1x16xf32> to vector<16xf32>
        %parallel_loop3A_759 = vector.shape_cast %parallel_loop3A_754 : vector<16xf32> to vector<1x16xf32>
        tpu.vector_store %arg7[%parallel_loop3A_755, %parallel_loop3A_756], %parallel_loop3A_759 {add = true, strides = array<i32>} : memref<16x1024xf32, #tpu.memory_space<vmem>>, vector<1x16xf32>,
        %parallel_loop3A_760 = arith.index_cast %parallel_loop3A_282 : i32 to index
        %parallel_loop3A_761 = arith.constant 848 : index
        %parallel_loop3A_762 = tpu.vector_load %arg5[%parallel_loop3A_760, %parallel_loop3A_761] {strides = array<i32>} : memref<64x1024xf32, #tpu.memory_space<vmem>>, vector<1x16xf32>,
        %parallel_loop3A_763 = vector.shape_cast %parallel_loop3A_762 : vector<1x16xf32> to vector<16xf32>
        %parallel_loop3A_764 = arith.index_cast %parallel_loop3A_281 : i32 to index
        %parallel_loop3A_765 = arith.constant 848 : index
        %parallel_loop3A_766 = tpu.vector_load %arg7[%parallel_loop3A_764, %parallel_loop3A_765] {strides = array<i32>} : memref<16x1024xf32, #tpu.memory_space<vmem>>, vector<1x16xf32>,
        %parallel_loop3A_767 = vector.shape_cast %parallel_loop3A_766 : vector<1x16xf32> to vector<16xf32>
        %parallel_loop3A_768 = vector.shape_cast %parallel_loop3A_763 : vector<16xf32> to vector<1x16xf32>
        tpu.vector_store %arg7[%parallel_loop3A_764, %parallel_loop3A_765], %parallel_loop3A_768 {add = true, strides = array<i32>} : memref<16x1024xf32, #tpu.memory_space<vmem>>, vector<1x16xf32>,
        %parallel_loop3A_769 = arith.index_cast %parallel_loop3A_282 : i32 to index
        %parallel_loop3A_770 = arith.constant 864 : index
        %parallel_loop3A_771 = tpu.vector_load %arg5[%parallel_loop3A_769, %parallel_loop3A_770] {strides = array<i32>} : memref<64x1024xf32, #tpu.memory_space<vmem>>, vector<1x16xf32>,
        %parallel_loop3A_772 = vector.shape_cast %parallel_loop3A_771 : vector<1x16xf32> to vector<16xf32>
        %parallel_loop3A_773 = arith.index_cast %parallel_loop3A_281 : i32 to index
        %parallel_loop3A_774 = arith.constant 864 : index
        %parallel_loop3A_775 = tpu.vector_load %arg7[%parallel_loop3A_773, %parallel_loop3A_774] {strides = array<i32>} : memref<16x1024xf32, #tpu.memory_space<vmem>>, vector<1x16xf32>,
        %parallel_loop3A_776 = vector.shape_cast %parallel_loop3A_775 : vector<1x16xf32> to vector<16xf32>
        %parallel_loop3A_777 = vector.shape_cast %parallel_loop3A_772 : vector<16xf32> to vector<1x16xf32>
        tpu.vector_store %arg7[%parallel_loop3A_773, %parallel_loop3A_774], %parallel_loop3A_777 {add = true, strides = array<i32>} : memref<16x1024xf32, #tpu.memory_space<vmem>>, vector<1x16xf32>,
        %parallel_loop3A_778 = arith.index_cast %parallel_loop3A_282 : i32 to index
        %parallel_loop3A_779 = arith.constant 880 : index
        %parallel_loop3A_780 = tpu.vector_load %arg5[%parallel_loop3A_778, %parallel_loop3A_779] {strides = array<i32>} : memref<64x1024xf32, #tpu.memory_space<vmem>>, vector<1x16xf32>,
        %parallel_loop3A_781 = vector.shape_cast %parallel_loop3A_780 : vector<1x16xf32> to vector<16xf32>
        %parallel_loop3A_782 = arith.index_cast %parallel_loop3A_281 : i32 to index
        %parallel_loop3A_783 = arith.constant 880 : index
        %parallel_loop3A_784 = tpu.vector_load %arg7[%parallel_loop3A_782, %parallel_loop3A_783] {strides = array<i32>} : memref<16x1024xf32, #tpu.memory_space<vmem>>, vector<1x16xf32>,
        %parallel_loop3A_785 = vector.shape_cast %parallel_loop3A_784 : vector<1x16xf32> to vector<16xf32>
        %parallel_loop3A_786 = vector.shape_cast %parallel_loop3A_781 : vector<16xf32> to vector<1x16xf32>
        tpu.vector_store %arg7[%parallel_loop3A_782, %parallel_loop3A_783], %parallel_loop3A_786 {add = true, strides = array<i32>} : memref<16x1024xf32, #tpu.memory_space<vmem>>, vector<1x16xf32>,
        %parallel_loop3A_787 = arith.index_cast %parallel_loop3A_282 : i32 to index
        %parallel_loop3A_788 = arith.constant 896 : index
        %parallel_loop3A_789 = tpu.vector_load %arg5[%parallel_loop3A_787, %parallel_loop3A_788] {strides = array<i32>} : memref<64x1024xf32, #tpu.memory_space<vmem>>, vector<1x16xf32>,
        %parallel_loop3A_790 = vector.shape_cast %parallel_loop3A_789 : vector<1x16xf32> to vector<16xf32>
        %parallel_loop3A_791 = arith.index_cast %parallel_loop3A_281 : i32 to index
        %parallel_loop3A_792 = arith.constant 896 : index
        %parallel_loop3A_793 = tpu.vector_load %arg7[%parallel_loop3A_791, %parallel_loop3A_792] {strides = array<i32>} : memref<16x1024xf32, #tpu.memory_space<vmem>>, vector<1x16xf32>,
        %parallel_loop3A_794 = vector.shape_cast %parallel_loop3A_793 : vector<1x16xf32> to vector<16xf32>
        %parallel_loop3A_795 = vector.shape_cast %parallel_loop3A_790 : vector<16xf32> to vector<1x16xf32>
        tpu.vector_store %arg7[%parallel_loop3A_791, %parallel_loop3A_792], %parallel_loop3A_795 {add = true, strides = array<i32>} : memref<16x1024xf32, #tpu.memory_space<vmem>>, vector<1x16xf32>,
        %parallel_loop3A_796 = arith.index_cast %parallel_loop3A_282 : i32 to index
        %parallel_loop3A_797 = arith.constant 912 : index
        %parallel_loop3A_798 = tpu.vector_load %arg5[%parallel_loop3A_796, %parallel_loop3A_797] {strides = array<i32>} : memref<64x1024xf32, #tpu.memory_space<vmem>>, vector<1x16xf32>,
        %parallel_loop3A_799 = vector.shape_cast %parallel_loop3A_798 : vector<1x16xf32> to vector<16xf32>
        %parallel_loop3A_800 = arith.index_cast %parallel_loop3A_281 : i32 to index
        %parallel_loop3A_801 = arith.constant 912 : index
        %parallel_loop3A_802 = tpu.vector_load %arg7[%parallel_loop3A_800, %parallel_loop3A_801] {strides = array<i32>} : memref<16x1024xf32, #tpu.memory_space<vmem>>, vector<1x16xf32>,
        %parallel_loop3A_803 = vector.shape_cast %parallel_loop3A_802 : vector<1x16xf32> to vector<16xf32>
        %parallel_loop3A_804 = vector.shape_cast %parallel_loop3A_799 : vector<16xf32> to vector<1x16xf32>
        tpu.vector_store %arg7[%parallel_loop3A_800, %parallel_loop3A_801], %parallel_loop3A_804 {add = true, strides = array<i32>} : memref<16x1024xf32, #tpu.memory_space<vmem>>, vector<1x16xf32>,
        %parallel_loop3A_805 = arith.index_cast %parallel_loop3A_282 : i32 to index
        %parallel_loop3A_806 = arith.constant 928 : index
        %parallel_loop3A_807 = tpu.vector_load %arg5[%parallel_loop3A_805, %parallel_loop3A_806] {strides = array<i32>} : memref<64x1024xf32, #tpu.memory_space<vmem>>, vector<1x16xf32>,
        %parallel_loop3A_808 = vector.shape_cast %parallel_loop3A_807 : vector<1x16xf32> to vector<16xf32>
        %parallel_loop3A_809 = arith.index_cast %parallel_loop3A_281 : i32 to index
        %parallel_loop3A_810 = arith.constant 928 : index
        %parallel_loop3A_811 = tpu.vector_load %arg7[%parallel_loop3A_809, %parallel_loop3A_810] {strides = array<i32>} : memref<16x1024xf32, #tpu.memory_space<vmem>>, vector<1x16xf32>,
        %parallel_loop3A_812 = vector.shape_cast %parallel_loop3A_811 : vector<1x16xf32> to vector<16xf32>
        %parallel_loop3A_813 = vector.shape_cast %parallel_loop3A_808 : vector<16xf32> to vector<1x16xf32>
        tpu.vector_store %arg7[%parallel_loop3A_809, %parallel_loop3A_810], %parallel_loop3A_813 {add = true, strides = array<i32>} : memref<16x1024xf32, #tpu.memory_space<vmem>>, vector<1x16xf32>,
        %parallel_loop3A_814 = arith.index_cast %parallel_loop3A_282 : i32 to index
        %parallel_loop3A_815 = arith.constant 944 : index
        %parallel_loop3A_816 = tpu.vector_load %arg5[%parallel_loop3A_814, %parallel_loop3A_815] {strides = array<i32>} : memref<64x1024xf32, #tpu.memory_space<vmem>>, vector<1x16xf32>,
        %parallel_loop3A_817 = vector.shape_cast %parallel_loop3A_816 : vector<1x16xf32> to vector<16xf32>
        %parallel_loop3A_818 = arith.index_cast %parallel_loop3A_281 : i32 to index
        %parallel_loop3A_819 = arith.constant 944 : index
        %parallel_loop3A_820 = tpu.vector_load %arg7[%parallel_loop3A_818, %parallel_loop3A_819] {strides = array<i32>} : memref<16x1024xf32, #tpu.memory_space<vmem>>, vector<1x16xf32>,
        %parallel_loop3A_821 = vector.shape_cast %parallel_loop3A_820 : vector<1x16xf32> to vector<16xf32>
        %parallel_loop3A_822 = vector.shape_cast %parallel_loop3A_817 : vector<16xf32> to vector<1x16xf32>
        tpu.vector_store %arg7[%parallel_loop3A_818, %parallel_loop3A_819], %parallel_loop3A_822 {add = true, strides = array<i32>} : memref<16x1024xf32, #tpu.memory_space<vmem>>, vector<1x16xf32>,
        %parallel_loop3A_823 = arith.index_cast %parallel_loop3A_282 : i32 to index
        %parallel_loop3A_824 = arith.constant 960 : index
        %parallel_loop3A_825 = tpu.vector_load %arg5[%parallel_loop3A_823, %parallel_loop3A_824] {strides = array<i32>} : memref<64x1024xf32, #tpu.memory_space<vmem>>, vector<1x16xf32>,
        %parallel_loop3A_826 = vector.shape_cast %parallel_loop3A_825 : vector<1x16xf32> to vector<16xf32>
        %parallel_loop3A_827 = arith.index_cast %parallel_loop3A_281 : i32 to index
        %parallel_loop3A_828 = arith.constant 960 : index
        %parallel_loop3A_829 = tpu.vector_load %arg7[%parallel_loop3A_827, %parallel_loop3A_828] {strides = array<i32>} : memref<16x1024xf32, #tpu.memory_space<vmem>>, vector<1x16xf32>,
        %parallel_loop3A_830 = vector.shape_cast %parallel_loop3A_829 : vector<1x16xf32> to vector<16xf32>
        %parallel_loop3A_831 = vector.shape_cast %parallel_loop3A_826 : vector<16xf32> to vector<1x16xf32>
        tpu.vector_store %arg7[%parallel_loop3A_827, %parallel_loop3A_828], %parallel_loop3A_831 {add = true, strides = array<i32>} : memref<16x1024xf32, #tpu.memory_space<vmem>>, vector<1x16xf32>,
        %parallel_loop3A_832 = arith.index_cast %parallel_loop3A_282 : i32 to index
        %parallel_loop3A_833 = arith.constant 976 : index
        %parallel_loop3A_834 = tpu.vector_load %arg5[%parallel_loop3A_832, %parallel_loop3A_833] {strides = array<i32>} : memref<64x1024xf32, #tpu.memory_space<vmem>>, vector<1x16xf32>,
        %parallel_loop3A_835 = vector.shape_cast %parallel_loop3A_834 : vector<1x16xf32> to vector<16xf32>
        %parallel_loop3A_836 = arith.index_cast %parallel_loop3A_281 : i32 to index
        %parallel_loop3A_837 = arith.constant 976 : index
        %parallel_loop3A_838 = tpu.vector_load %arg7[%parallel_loop3A_836, %parallel_loop3A_837] {strides = array<i32>} : memref<16x1024xf32, #tpu.memory_space<vmem>>, vector<1x16xf32>,
        %parallel_loop3A_839 = vector.shape_cast %parallel_loop3A_838 : vector<1x16xf32> to vector<16xf32>
        %parallel_loop3A_840 = vector.shape_cast %parallel_loop3A_835 : vector<16xf32> to vector<1x16xf32>
        tpu.vector_store %arg7[%parallel_loop3A_836, %parallel_loop3A_837], %parallel_loop3A_840 {add = true, strides = array<i32>} : memref<16x1024xf32, #tpu.memory_space<vmem>>, vector<1x16xf32>,
        %parallel_loop3A_841 = arith.index_cast %parallel_loop3A_282 : i32 to index
        %parallel_loop3A_842 = arith.constant 992 : index
        %parallel_loop3A_843 = tpu.vector_load %arg5[%parallel_loop3A_841, %parallel_loop3A_842] {strides = array<i32>} : memref<64x1024xf32, #tpu.memory_space<vmem>>, vector<1x16xf32>,
        %parallel_loop3A_844 = vector.shape_cast %parallel_loop3A_843 : vector<1x16xf32> to vector<16xf32>
        %parallel_loop3A_845 = arith.index_cast %parallel_loop3A_281 : i32 to index
        %parallel_loop3A_846 = arith.constant 992 : index
        %parallel_loop3A_847 = tpu.vector_load %arg7[%parallel_loop3A_845, %parallel_loop3A_846] {strides = array<i32>} : memref<16x1024xf32, #tpu.memory_space<vmem>>, vector<1x16xf32>,
        %parallel_loop3A_848 = vector.shape_cast %parallel_loop3A_847 : vector<1x16xf32> to vector<16xf32>
        %parallel_loop3A_849 = vector.shape_cast %parallel_loop3A_844 : vector<16xf32> to vector<1x16xf32>
        tpu.vector_store %arg7[%parallel_loop3A_845, %parallel_loop3A_846], %parallel_loop3A_849 {add = true, strides = array<i32>} : memref<16x1024xf32, #tpu.memory_space<vmem>>, vector<1x16xf32>,
        %parallel_loop3A_850 = arith.index_cast %parallel_loop3A_282 : i32 to index
        %parallel_loop3A_851 = arith.constant 1008 : index
        %parallel_loop3A_852 = tpu.vector_load %arg5[%parallel_loop3A_850, %parallel_loop3A_851] {strides = array<i32>} : memref<64x1024xf32, #tpu.memory_space<vmem>>, vector<1x16xf32>,
        %parallel_loop3A_853 = vector.shape_cast %parallel_loop3A_852 : vector<1x16xf32> to vector<16xf32>
        %parallel_loop3A_854 = arith.index_cast %parallel_loop3A_281 : i32 to index
        %parallel_loop3A_855 = arith.constant 1008 : index
        %parallel_loop3A_856 = tpu.vector_load %arg7[%parallel_loop3A_854, %parallel_loop3A_855] {strides = array<i32>} : memref<16x1024xf32, #tpu.memory_space<vmem>>, vector<1x16xf32>,
        %parallel_loop3A_857 = vector.shape_cast %parallel_loop3A_856 : vector<1x16xf32> to vector<16xf32>
        %parallel_loop3A_858 = vector.shape_cast %parallel_loop3A_853 : vector<16xf32> to vector<1x16xf32>
        tpu.vector_store %arg7[%parallel_loop3A_854, %parallel_loop3A_855], %parallel_loop3A_858 {add = true, strides = array<i32>} : memref<16x1024xf32, #tpu.memory_space<vmem>>, vector<1x16xf32>,
      } {sc.loop_unroll_factor = 1 : i64, sc.parallel_access}
      %jit3A_232 = arith.constant 4 : i32
      %div3A_233 = arith.divsi %add3A_149, %jit3A_232 : i32
      %sign3A_234 = arith.constant 0 : i32
      %sign3A_235 = arith.cmpi sgt, %add3A_149, %sign3A_234 : i32
      %sign3A_236 = arith.extui %sign3A_235 : i1 to i32
      %sign3A_237 = arith.constant 0 : i32
      %sign3A_238 = arith.cmpi slt, %add3A_149, %sign3A_237 : i32
      %sign3A_239 = arith.extui %sign3A_238 : i1 to i32
      %sign3A_240 = arith.subi %sign3A_236, %sign3A_239 : i32
      %sign3A_241 = arith.constant 0 : i32
      %sign3A_242 = arith.cmpi sgt, %jit3A_232, %sign3A_241 : i32
      %sign3A_243 = arith.extui %sign3A_242 : i1 to i32
      %sign3A_244 = arith.constant 0 : i32
      %sign3A_245 = arith.cmpi slt, %jit3A_232, %sign3A_244 : i32
      %sign3A_246 = arith.extui %sign3A_245 : i1 to i32
      %sign3A_247 = arith.subi %sign3A_243, %sign3A_246 : i32
      %ne3A_248 = arith.cmpi ne, %sign3A_240, %sign3A_247 : i32
      %rem3A_249 = arith.remsi %add3A_149, %jit3A_232 : i32
      %ne3A_250 = arith.constant 0 : i32
      %ne3A_251 = arith.cmpi ne, %rem3A_249, %ne3A_250 : i32
      %and3A_252 = arith.andi %ne3A_248, %ne3A_251 : i1
      %sub3A_253 = arith.constant 1 : i32
      %sub3A_254 = arith.subi %div3A_233, %sub3A_253 : i32
      %select_n3A_255 = arith.select %and3A_252, %sub3A_254, %div3A_233 : i32
      %jit3A_256 = arith.constant 4 : i32
      %eq3A_257 = arith.constant 0 : i32
      %eq3A_258 = arith.cmpi eq, %jit3A_256, %eq3A_257 : i32
      %jit3A_259 = arith.constant 1 : i32
      %select_n3A_260 = arith.select %eq3A_258, %jit3A_259, %jit3A_256 : i32
      %rem3A_261 = arith.remsi %add3A_149, %select_n3A_260 : i32
      %ne3A_262 = arith.constant 0 : i32
      %ne3A_263 = arith.cmpi ne, %rem3A_261, %ne3A_262 : i32
      %lt3A_264 = arith.constant 0 : i32
      %lt3A_265 = arith.cmpi slt, %rem3A_261, %lt3A_264 : i32
      %lt3A_266 = arith.constant 0 : i32
      %lt3A_267 = arith.cmpi slt, %select_n3A_260, %lt3A_266 : i32
      %ne3A_268 = arith.xori %lt3A_265, %lt3A_267 : i1
      %and3A_269 = arith.andi %ne3A_268, %ne3A_263 : i1
      %add3A_270 = arith.addi %rem3A_261, %select_n3A_260 : i32
      %select_n3A_271 = arith.select %and3A_269, %add3A_270, %rem3A_261 : i32
      %mul3A_272 = arith.constant 16 : i32
      %mul3A_273 = arith.muli %select_n3A_271, %mul3A_272 : i32
      %add3A_274 = arith.addi %mul3A_2, %mul3A_273 : i32
      %dma_start3A_275 = arith.constant 0 : i32
      %dma_start3A_276 = tpu.memref_slice %arg4[%select_n3A_255, %add3A_274, %dma_start3A_275] : memref<1x2048x1024xf32, #tpu.memory_space<hbm>> -> memref<1x16x1024xf32, #tpu.memory_space<hbm>>
      %dma_start3A_277 = tpu.memref_squeeze %dma_start3A_276 : memref<1x16x1024xf32, #tpu.memory_space<hbm>> -> memref<16x1024xf32, #tpu.memory_space<hbm>>
      %dma_start3A_278 = arith.constant 0 : i32
      %dma_start3A_279 = tpu.memref_slice %arg4[%select_n3A_255, %add3A_274, %dma_start3A_278] : memref<1x2048x1024xf32, #tpu.memory_space<hbm>> -> memref<1x16x1024xf32, #tpu.memory_space<hbm>>
      %dma_start3A_280 = tpu.memref_squeeze %dma_start3A_279 : memref<1x16x1024xf32, #tpu.memory_space<hbm>> -> memref<16x1024xf32, #tpu.memory_space<hbm>>
      tpu.enqueue_dma source(%arg7 : memref<16x1024xf32, #tpu.memory_space<vmem>>) target(%dma_start3A_280 : memref<16x1024xf32, #tpu.memory_space<hbm>>) target_semaphore(%arg11 : memref<!tpu.dma_semaphore, #tpu.memory_space<semaphore_mem>>)
    }
    %scan3A_15 = arith.constant 2 : i32
    %add3A_16 = arith.constant 48 : i32
    %add3A_17 = arith.addi %mul3A_2, %add3A_16 : i32
    %dma_wait3A = arith.constant 0 : i32
    %dma_wait3A_18 = arith.constant 0 : i32
    %dma_wait3A_19 = tpu.memref_slice %arg4[%dma_wait3A, %add3A_17, %dma_wait3A_18] : memref<1x2048x1024xf32, #tpu.memory_space<hbm>> -> memref<1x16x1024xf32, #tpu.memory_space<hbm>>
    %dma_wait3A_20 = tpu.memref_squeeze %dma_wait3A_19 : memref<1x16x1024xf32, #tpu.memory_space<hbm>> -> memref<16x1024xf32, #tpu.memory_space<hbm>>
    %dma_wait3A_21 = arith.constant 0 : i32
    %dma_wait3A_22 = tpu.memref_slice %arg4[%dma_wait3A, %add3A_17, %dma_wait3A_21] : memref<1x2048x1024xf32, #tpu.memory_space<hbm>> -> memref<1x16x1024xf32, #tpu.memory_space<hbm>>
    %dma_wait3A_23 = tpu.memref_squeeze %dma_wait3A_22 : memref<1x16x1024xf32, #tpu.memory_space<hbm>> -> memref<16x1024xf32, #tpu.memory_space<hbm>>
    tpu.wait_dma2 semaphore(%arg11 : memref<!tpu.dma_semaphore, #tpu.memory_space<semaphore_mem>>) src(%arg7 : memref<16x1024xf32, #tpu.memory_space<vmem>>) dst(%dma_wait3A_23 : memref<16x1024xf32, #tpu.memory_space<hbm>>)
    return
  }
}

module attributes {stable_mosaic.version = 14 : i64} {
  func.func @_tc_body(%arg0: i32, %arg1: i32, %arg2: memref<1x2048x1024xf32, #tpu.memory_space<vmem>>, %arg3: memref<2048x1024xf32, #tpu.memory_space<vmem>>, %arg4: memref<1x2048x1024xf32, #tpu.memory_space<vmem>>) attributes {dimension_semantics = [#tpu.dimension_semantics<arbitrary>, #tpu.dimension_semantics<arbitrary>], iteration_bounds = array<i64: 1, 3>, scalar_prefetch = 0 : i64, scratch_operands = 0 : i64, tpu.core_type = #tpu.core_type<tc>, window_params = [{transform_indices = @transform_0, window_bounds = array<i64: 1, 2048, 1024>}, {transform_indices = @transform_1, window_bounds = array<i64: 2048, 1024>}, {transform_indices = @transform_2, window_bounds = array<i64: 1, 2048, 1024>}]} {
    %get3A = arith.constant 0 : index
    %get3A_0 = arith.constant 0 : index
    %get3A_1 = arith.constant 0 : index
    %get3A_2 = vector.load %arg2[%get3A, %get3A_0, %get3A_1] : memref<1x2048x1024xf32, #tpu.memory_space<vmem>>, vector<1x2048x1024xf32>
    %get3A_3 = arith.constant 0 : index
    %get3A_4 = arith.constant 0 : index
    %get3A_5 = vector.load %arg3[%get3A_3, %get3A_4] : memref<2048x1024xf32, #tpu.memory_space<vmem>>, vector<2048x1024xf32>
    %broadcast_in_dim3A = vector.shape_cast %get3A_5 : vector<2048x1024xf32> to vector<1x2048x1024xf32>
    %add3A = arith.addf %get3A_2, %broadcast_in_dim3A : vector<1x2048x1024xf32>
    %swap3A = arith.constant 0 : index
    %swap3A_6 = arith.constant 0 : index
    %swap3A_7 = arith.constant 0 : index
    %swap3A_8 = vector.load %arg4[%swap3A, %swap3A_6, %swap3A_7] : memref<1x2048x1024xf32, #tpu.memory_space<vmem>>, vector<1x2048x1024xf32>
    tpu.vector_store %arg4[%swap3A, %swap3A_6, %swap3A_7], %add3A {strides = array<i32>} : memref<1x2048x1024xf32, #tpu.memory_space<vmem>>, vector<1x2048x1024xf32>,
    return
  }
  func.func @transform_0(%arg0: i32, %arg1: i32) -> (i32, i32, i32) {
    %c0_i32 = arith.constant 0 : i32
    %c0_i32_0 = arith.constant 0 : i32
    return %arg1, %arg0, %c0_i32 : i32, i32, i32
  }
  func.func @transform_1(%arg0: i32, %arg1: i32) -> (i32, i32) {
    %c0_i32 = arith.constant 0 : i32
    %c0_i32_0 = arith.constant 0 : i32
    return %arg0, %c0_i32 : i32, i32
  }
  func.func @transform_2(%arg0: i32, %arg1: i32) -> (i32, i32, i32) {
    %c0_i32 = arith.constant 0 : i32
    %c0_i32_0 = arith.constant 0 : i32
    return %arg1, %arg0, %c0_i32 : i32, i32, i32
  }
}

</mosaic_0001>

<sc_bundles>
// kernel: kernel.4.cloned.1.call-start
scs
__scs_entry_jumppad:
0x0: {  	(pc) =	sbr.rel $0x88, $3  }
0x1: {  	(tag) =	ssettag $0x0;
	lr =	simm.s32 $0x1  }
0x2: {  	[smem:$0x3F9F] =	sst lr;
	_ =	strace $0xD0000000  }
0x3: {  	_ = 	snop  }
0x4: {  	_ = 	snop  }
0x5: {  	_ = 	snop  }
0x6: {  	_ = 	snop  }
0x7: {  	_ = 	snop  }
__scs_overlays_trampoline_lowered:
0x8: {  	[smem:$0x3FAE] =	sst s0  }
0x9: {  	[smem:$0x3FAF] =	sst s1  }
0xa: {  	[smem:$0x3FB0] =	sst s2  }
0xb: {  	[smem:$0x3FB1] =	sst s3  }
0xc: {  	[smem:$0x3FB2] =	sst s4  }
0xd: {  	[smem:$0x3FB3] =	sst s5  }
0xe: {  	[smem:$0x3FB4] =	sst s6  }
0xf: {  	[smem:$0x3FB5] =	sst s7  }
0x10: {  	[smem:$0x3FB6] =	sst s8  }
0x11: {  	[smem:$0x3FB7] =	sst s9;
	s0 =	simm.s32 @!p0 $0x0  }
0x12: {  	s1 =	sld [smem:$0x3F9D];
	s0 =	simm.s32 @p0 $0x1  }
0x13: {  	[smem:$0x3FB8] =	sst s0;
	s0 =	simm.s32 @!p1 $0x0  }
0x14: {  	s2 =	sld [smem:$0x3F9C];
	s0 =	simm.s32 @p1 $0x1  }
0x15: {  	[smem:$0x3FB9] =	sst s0;
	s0 =	simm.s32 @!p2 $0x0  }
0x16: {  	s3 =	sld [smem:$0x3FDB];
	s0 =	simm.s32 @p2 $0x1  }
0x17: {  	s4 =	simm.s32 $0x1BF5;
	[smem:$0x3FBB] =	sst s0  }
0x18: {  	s0 =	sld [smem:$0x3F9E];
	_ =	swait.ge [sflag:s4], $0x0  }
0x19: {  	s7 =	sld [smem:$0x3F9F]  }
0x1a: {  	s8 =	sadd.s32 $0xFFFFE003, lr  }
0x1b: {  	s9 =	sadd.s32 $0xFFFFFEF7, lr;
	s5 =	simm.s32 $0xFFFFFFFF;
	p2 =	slt.u32 s8, $0xFFFFF086  }
0x1c: {  	p1 =	slt.u32 s9, $0xF7A;
	s5 =	simm.s32 @!p2 $0x0  }
0x1d: {  	s5 =	simm.s32 @p1 $0x1;
	p0 =	seq.s32 s7, s2  }
0x1e: {  	s7 =	smul.u32 @!p0 $0xF7A, s2;
	p2 =	seq.s32 @!p0 s5, $0x0  }
0x1f: {  	s9 =	smul.u32 $0xF7A, s1;
	s8 =	simm.s32 @!p0 $0x1BF5;
	p2 =	por !p2, p0  }
0x20: {  	[sflag:s8] =	ssyncset.s32 @!p0 $0xFFFFF086;
	s6 =	sadd.s32 @!p0 s3, s7;
	s7 =	simm.s32 @!p0 $0x108  }
0x21: {  	s3 =	sadd.s32 s3, s9;
	s6 =	sadd.s32 @!p0 $0x88, s6;
	s7 =	simm.s32 @p2 $0x1082  }
0x22: {  	[simem:s7], [sflag:s8] =	dma.local @!p0 [hbm:s6], $0xF7A  }
0x23: {  	s9 =	sor.u32 $0xD0000000, s2;
	s6 =	simm.s32 $0x108;
	_ =	swait.ge @!p0 [sflag:s8], $0x0  }
0x24: {  	s3 =	sadd.s32 $0x88, s3;
	s6 =	simm.s32 @!p1 $0x1082;
	[sflag:s4] =	ssyncset.s32 $0xFFFFF086  }
0x25: {  	[simem:s6], [sflag:s4] =	dma.local [hbm:s3], $0xF7A  }
0x26: {  	[smem:$0x3F9F] =	sst s1;
	(tag) =	ssettag s2;
	_ =	strace s9  }
0x27: {  	s1 =	sld [smem:$0x3FAF]  }
0x28: {  	s2 =	sld [smem:$0x3FB0]  }
0x29: {  	s4 =	sld [smem:$0x3FB2]  }
0x2a: {  	p0 =	seq.s32 s5, $0x0;
	s5 =	sld [smem:$0x3FB3]  }
0x2b: {  	s6 =	sld [smem:$0x3FB4]  }
0x2c: {  	s7 =	sld [smem:$0x3FB5]  }
0x2d: {  	s3 =	simm.s32 $0x108;
	s8 =	sld [smem:$0x3FB6]  }
0x2e: {  	s3 =	simm.s32 @!p0 $0x1082;
	s9 =	sld [smem:$0x3FB7]  }
0x2f: {  	lr =	sadd.s32 s0, s3;
	s0 =	sld [smem:$0x3FAE]  }
0x30: {  	s3 =	sld [smem:$0x3FB1]  }
0x31: {  	[smem:$0x3FBA] =	sst s10  }
0x32: {  	s10 =	sld [smem:$0x3FB8];
	_ =	sdelay $0x3  }
0x33: {  	p0 =	seq.s32 s10, $0x1;
	s10 =	sld [smem:$0x3FBA];
	_ =	sdelay $0x3  }
0x34: {  	[smem:$0x3FBA] =	sst s10  }
0x35: {  	s10 =	sld [smem:$0x3FB9];
	_ =	sdelay $0x3  }
0x36: {  	p1 =	seq.s32 s10, $0x1;
	s10 =	sld [smem:$0x3FBA];
	_ =	sdelay $0x3  }
0x37: {  	[smem:$0x3FBA] =	sst s10  }
0x38: {  	s10 =	sld [smem:$0x3FBB]  }
0x39: {  	_ = 	snop;
	(pc) =	sbr.ind lr, $3  }
0x3a: {  	_ = 	snop  }
0x3b: {  	_ = 	snop  }
0x3c: {  	p2 =	seq.s32 s10, $0x1;
	s10 =	sld [smem:$0x3FBA]  }
0x3d: {  	_ =	shalt  }
0x3e: {  	_ =	shalt  }
0x3f: {  	_ =	shalt  }
0x40: {  	_ =	shalt  }
0x41: {  	_ =	shalt  }
0x42: {  	_ =	shalt  }
0x43: {  	_ =	shalt  }
0x44: {  	_ =	shalt  }
0x45: {  	_ =	shalt  }
0x46: {  	_ =	shalt  }
0x47: {  	_ =	shalt  }
0x48: {  	_ =	shalt  }
0x49: {  	_ =	shalt  }
0x4a: {  	_ =	shalt  }
0x4b: {  	_ =	shalt  }
0x4c: {  	_ =	shalt  }
0x4d: {  	_ =	shalt  }
0x4e: {  	_ =	shalt  }
0x4f: {  	_ =	shalt  }
0x50: {  	_ =	shalt  }
0x51: {  	_ =	shalt  }
0x52: {  	_ =	shalt  }
0x53: {  	_ =	shalt  }
0x54: {  	_ =	shalt  }
0x55: {  	_ =	shalt  }
0x56: {  	_ =	shalt  }
0x57: {  	_ =	shalt  }
0x58: {  	_ =	shalt  }
0x59: {  	_ =	shalt  }
0x5a: {  	_ =	shalt  }
0x5b: {  	_ =	shalt  }
0x5c: {  	_ =	shalt  }
0x5d: {  	_ =	shalt  }
0x5e: {  	_ =	shalt  }
0x5f: {  	_ =	shalt  }
0x60: {  	_ =	shalt  }
0x61: {  	_ =	shalt  }
0x62: {  	_ =	shalt  }
0x63: {  	_ =	shalt  }
0x64: {  	_ =	shalt  }
0x65: {  	_ =	shalt  }
0x66: {  	_ =	shalt  }
0x67: {  	_ =	shalt  }
0x68: {  	_ =	shalt  }
0x69: {  	_ =	shalt  }
0x6a: {  	_ =	shalt  }
0x6b: {  	_ =	shalt  }
0x6c: {  	_ =	shalt  }
0x6d: {  	_ =	shalt  }
0x6e: {  	_ =	shalt  }
0x6f: {  	_ =	shalt  }
0x70: {  	_ =	shalt  }
0x71: {  	_ =	shalt  }
0x72: {  	_ =	shalt  }
0x73: {  	_ =	shalt  }
0x74: {  	_ =	shalt  }
0x75: {  	_ =	shalt  }
0x76: {  	_ =	shalt  }
0x77: {  	_ =	shalt  }
0x78: {  	_ =	shalt  }
0x79: {  	_ =	shalt  }
0x7a: {  	_ =	shalt  }
0x7b: {  	_ =	shalt  }
0x7c: {  	_ =	shalt  }
0x7d: {  	_ =	shalt  }
0x7e: {  	_ =	shalt  }
0x7f: {  	_ =	shalt  }
0x80: {  	_ =	shalt  }
0x81: {  	_ =	shalt  }
0x82: {  	_ =	shalt  }
0x83: {  	_ =	shalt  }
0x84: {  	_ =	shalt  }
0x85: {  	_ =	shalt  }
0x86: {  	_ =	shalt  }
0x87: {  	_ =	shalt  }
.Lfunc_end0:
.L_simem_size_0:
called_computation_lowered:
.L_overlay_start_0:
0x88: {  	s2 =	sld [smem:$0x3FD9]  }
0x89: {  	s3 =	sld [smem:$0x3FFE];
	_ =	sdelay $0x1  }
0x8a: {  	s1 =	srdreg.scid  }
0x8b: {  	s0 =	sand.u32 $0x1, s1  }
0x8c: {  	s17 =	sshll.u32 s0, $0xA;
	s2 =	sadd.s32 s3, s2  }
0x8d: {  	s2 =	sadd.s32 s2, s17  }
0x8e: {  	[smem:$0x3FC6] =	sst s2  }
0x8f: {  	_ = 	snop  }
0x90: {  	s2 =	sld [smem:$0x3FC8];
	(tm) =	ssettm $0x1  }
0x91: {  	s18 =	sld [smem:$0x3FFB];
	_ =	sdelay $0x3  }
0x92: {  	_ =	strace s18  }
0x93: {  	s3 =	sld [smem:$0x3FFC];
	_ =	sdelay $0x3  }
0x94: {  	_ =	strace s3  }
0x95: {  	s3 =	sld [smem:$0x3FFD];
	_ =	sdelay $0x3  }
0x96: {  	_ =	strace s3  }
0x97: {  	_ =	strace $0x8FFFFFFF  }
0x98: {  	s19 =	sld [smem:$0x3FDB];
	_ =	sdelay $0x1  }
0x99: {  	s4 =	simm.s32 $_scs_section_size  }
0x9a: {  	s5 =	simm.s32 $_size__tile_overlayer_lowered;
	s6 =	simm.s32 $_tile_overlayer_lowered  }
0x9b: {  	s22 =	simm.s32 $0x1BFF;
	s21 =	sshll.u32 s6, $0x1;
	s3 =	sadd.s32 s4, s19  }
0x9c: {  	s7 =	simm.s32 $0x0;
	s20 =	sshll.u32 s5, $0x1;
	s5 =	sadd.s32 s21, s3  }
0x9d: {  	[timem:s7], [sflag:s22] =	dma.local [hbm:s5], s20  }
0x9e: {  	_ =	swait.ge [sflag:s22], s20  }
0x9f: {  	s4 =	ssub.s32 $0x0, s20;
	[sflag:s22] =	ssyncset.done $0x0  }
0xa0: {  	[sflag:s22] =	ssyncadd.s32 s4;
	_ =	sdelay $0x1  }
0xa1: {  	s23 =	simm.s32 $0x1B8B  }
0xa2: {  	_ =	swait.ge [sflag:s23], $0x1  }
0xa3: {  	[sflag:s23] =	ssyncset.done $0x0  }
0xa4: {  	s25 =	simm.s32 $0x1B8E;
	s24 =	sld [smem:$0x3FFE];
	[sflag:s23] =	ssyncadd.s32 $0xFFFFFFFF  }
0xa5: {  	s26 =	simm.s32 $execute0_lowered;
	[smem:$0x3FD2] =	sst s25  }
0xa6: {  	s5 =	sshll.u32 s26, $0x1;
	_ =	strace $0x80000046;
	[dreg:$0x1] =	wrdreg $0xFFFFFFFF  }
0xa7: {  	s28 =	simm.s32 $_size_execute0_lowered;
	s3 =	sadd.s32 s3, s5;
	[dreg:$0x0] =	wrdreg $0x0  }
0xa8: {  	s5 =	sshll.u32 s28, $0x1;
	[dreg:$0x2] =	wrdreg s3  }
0xa9: {  	[dreg:$0x3] =	wrdreg s5  }
0xaa: {  	[dreg:$0x4] =	wrdreg $0xC0  }
0xab: {  	_ =	task [dreg:s7], $0x5FFFF  }
0xac: {  	[dreg:$0x1] =	wrdreg $0xFFFFFFFF  }
0xad: {  	[dreg:$0x0] =	wrdreg $0x60  }
0xae: {  	[dreg:$0x2] =	wrdreg s24  }
0xaf: {  	[dreg:$0x3] =	wrdreg s2  }
0xb0: {  	[dreg:$0x4] =	wrdreg $0x9  }
0xb1: {  	_ =	task.clear_ibuf [dreg:s7], $0x5FFFF;
	_ =	strace $0x90000046  }
0xb2: {  	s29 =	simm.s32 $0x9;
	_ =	strace $0x80000048  }
0xb3: {  	_ =	swait.ge [sflag:s29], $0x1  }
0xb4: {  	[sflag:s29] =	ssyncadd.s32 $0xFFFFFFFF  }
0xb5: {  	_ =	strace $0x90000048  }
0xb6: {  	_ =	sfence  }
0xb7: {  	s30 =	sld [smem:$0x0];
	_ =	sdelay $0x2  }
0xb8: {  	s31 =	sshll.u32 s1, $0xD;
	s1 =	sshrl.u32 s1, $0x2  }
0xb9: {  	s3 =	sand.u32 $0x4000, s31;
	s1 =	sadd.s32 s1, s30  }
0xba: {  	s0 =	sor.u32 s3, s0;
	s1 =	sshll.u32 s1, $0x11  }
0xbb: {  	s0 =	sor.u32 s1, s0  }
0xbc: {  	s0 =	sadd.s32 $0x8F2B, s0  }
0xbd: {  	[sflag:s0] =	ssyncadd.remote.s32 $0x1  }
0xbe: {  	_ =	sfence.sel $0xFFFF  }
0xbf: {  	[dreg:$0x0] =	wrdreg $0xFFFFFFFF;
	(pc) =	sbr.abs _section_cstart, $3  }
0xc0: {  	[dreg:$0x1] =	wrdreg $0xFFFFFFFF  }
0xc1: {  	_ =	task.clear_ibuf [dreg:s7], $0x2FFFF;
	_ =	strace $0x9FFFFFFF  }
0xc2: {  	(tm) =	ssettm $0x7FFFFFFF  }
0xc3: {  	_ =	shalt  }
tec
execute0_lowered:
.L_overlay_start_1:
0x0: {  	(tag) =	ssettag $0x1  }
0x1: {  	s0 =	rddreg [dreg:$0x0]  }
0x2: {  	s1 =	rddreg [dreg:$0x1];
	s2 =	srdreg.scid  }
0x3: {  	s3 =	stileid.u32;
	s10 =	simm.s32 $0x10000;
	s11 =	simm.s32 $0x14000  }
0x4: {  	s12 =	simm.s32 $0x1;
	s13 =	simm.s32 $0x3;
	s14 =	simm.s32 $0x2  }
0x5: {  	s15 =	simm.s32 $0x4;
	s16 =	simm.s32 $0x0;
	s4 =	sand.u32 $0x1, s2  }
0x6: {  	s2 =	simm.s32 $0x0;
	s3 =	sshll.u32 s3, $0x7;
	s5 =	sshll.u32 s4, $0x6  }
0x7: {  	[smem:$0x7FF] =	sst s2;
	s30 =	ssub.s32 $0x2, s4;
	s3 =	sor.u32 s5, s3  }
0x8: {  	s4 =	sadd.s32 $0x40C00, s0;
	s7 =	sshrl.u32 s30, $0x1;
	s6 =	sshll.u32 s3, $0x7  }
0x9: {  	_ =	strace $0x80000047;
	s31 =	ssub.s32 s30, s7;
	s1 =	sadd.s32 s1, s6  }
0xa: {  	s8 =	sadd.s32 s6, s0;
	s0 =	smax.u32 s31, $0x1;
	[dreg:$0x4] =	wrdreg s1  }
0xb: {  	s6 =	sadd.s32 $0xC00, s8;
	s7 =	sadd.s32 $0x1C00, s8;
	[dreg:$0x5] =	wrdreg s0  }
.LBB2_1:
0xc: {  	s0 =	rddreg [dreg:$0x4];
	s31 =	simm.s32 $0x5  }
0xd: {  	[tilespmem:s2], [sflag:$0x5] =	stream.linear.gather [hbm4b:s0+s2], $0x10000, $0x38;
	[tilespmem:$0x18000] =	vst v63  }
0xe: {  	_ =	swait.ge [sflag:s31], $0x10000  }
0xf: {  	[sflag:s31] =	ssyncset.done $0x0  }
0x10: {  	p1 =	por $0x1, $0x1;
	s29 =	simm.s32 $0x0;
	[sflag:s31] =	ssyncadd.s32 $0xFFFF0000  }
0x11: {  	[tilespmem:s10], [sflag:$0x1] =	stream.linear.gather [hbm4b:s6+s2], $0x4000, $0x38;
	[tilespmem:$0x18000] =	vst v63  }
.LBB2_2:
0x12: {  	s0 =	sshll.u32 s29, $0x1;
	s1 =	simm.s32 @!p1 $0x4  }
0x13: {  	_ =	swait.ge @!p1 [sflag:s1], $0x4000;
	s17 =	sor.u32 $0x1, s0  }
0x14: {  	s19 =	simm.s32 $0x0;
	[sflag:s1] =	ssyncset.done @!p1 $0x0;
	s0 =	sshll.u32 s17, $0xB  }
0x15: {  	s18 =	sshll.u32 s29, $0xF;
	[sflag:s1] =	ssyncadd.s32 @!p1 $0xFFFFC000;
	s0 =	sadd.s32 s0, s6  }
0x16: {  	[tilespmem:s11], [sflag:$0x2] =	stream.linear.gather [hbm4b:s0+s19], $0x4000, $0x38;
	[tilespmem:$0x18000] =	vst v63  }
0x17: {  	s0 =	sadd.s32 $0x0, s18;
	_ =	swait.ge [sflag:s12], $0x4000  }
0x18: {  	s8 =	sand.u32 $0x380, s19;
	s5 =	sand.u32 $0xA000, s0;
	[sflag:s12] =	ssyncset.done $0x0  }
0x19: {  	s31 =	sor.u32 s8, s5;
	[sflag:s12] =	ssyncadd.s32 $0xFFFFC000  }
0x1a: {  	v0 =	vld [tilespmem:s31+$0x0];
	_ =	sdelay $0x1  }
0x1b: {  	s9 =	sand.u32 $0x2000, s19  }
0x1c: {  	s30 =	sor.u32 s8, s9  }
0x1d: {  	s1 =	sor.u32 $0x10000, s30  }
0x1e: {  	[tilespmem:s1+$0x0] =	vst.add.f32.msk $0xffff, v0  }
0x1f: {  	v0 =	vld [tilespmem:s31+$0x10];
	_ =	sdelay $0x3  }
0x20: {  	s20 =	sor.u32 $0x10010, s30  }
0x21: {  	[tilespmem:s20+$0x0] =	vst.add.f32.msk $0xffff, v0  }
0x22: {  	v0 =	vld [tilespmem:s31+$0x20];
	_ =	sdelay $0x3  }
0x23: {  	s21 =	sor.u32 $0x10020, s30  }
0x24: {  	[tilespmem:s21+$0x0] =	vst.add.f32.msk $0xffff, v0  }
0x25: {  	v0 =	vld [tilespmem:s31+$0x30];
	_ =	sdelay $0x3  }
0x26: {  	s22 =	sor.u32 $0x10030, s30  }
0x27: {  	[tilespmem:s22+$0x0] =	vst.add.f32.msk $0xffff, v0  }
0x28: {  	v0 =	vld [tilespmem:s31+$0x40];
	_ =	sdelay $0x3  }
0x29: {  	s23 =	sor.u32 $0x10040, s30  }
0x2a: {  	[tilespmem:s23+$0x0] =	vst.add.f32.msk $0xffff, v0  }
0x2b: {  	v0 =	vld [tilespmem:s31+$0x50];
	_ =	sdelay $0x3  }
0x2c: {  	s24 =	sor.u32 $0x10050, s30  }
0x2d: {  	[tilespmem:s24+$0x0] =	vst.add.f32.msk $0xffff, v0  }
0x2e: {  	v0 =	vld [tilespmem:s31+$0x60];
	_ =	sdelay $0x3  }
0x2f: {  	s25 =	sor.u32 $0x10060, s30  }
0x30: {  	[tilespmem:s25+$0x0] =	vst.add.f32.msk $0xffff, v0  }
0x31: {  	v0 =	vld [tilespmem:s31+$0x70];
	_ =	sdelay $0x3  }
0x32: {  	s26 =	sor.u32 $0x10070, s30  }
0x33: {  	[tilespmem:s26+$0x0] =	vst.add.f32.msk $0xffff, v0  }
0x34: {  	v0 =	vld [tilespmem:s31+$0x400];
	_ =	sdelay $0x3  }
0x35: {  	s5 =	sor.u32 $0x10400, s30  }
0x36: {  	[tilespmem:s5+$0x0] =	vst.add.f32.msk $0xffff, v0  }
0x37: {  	v0 =	vld [tilespmem:s31+$0x410];
	_ =	sdelay $0x3  }
0x38: {  	s8 =	sor.u32 $0x10410, s30  }
0x39: {  	[tilespmem:s8+$0x0] =	vst.add.f32.msk $0xffff, v0  }
0x3a: {  	v0 =	vld [tilespmem:s31+$0x420];
	_ =	sdelay $0x3  }
0x3b: {  	s9 =	sor.u32 $0x10420, s30  }
0x3c: {  	[tilespmem:s9+$0x0] =	vst.add.f32.msk $0xffff, v0  }
0x3d: {  	v0 =	vld [tilespmem:s31+$0x430];
	_ =	sdelay $0x3  }
0x3e: {  	s20 =	sor.u32 $0x10430, s30  }
0x3f: {  	[tilespmem:s20+$0x0] =	vst.add.f32.msk $0xffff, v0  }
0x40: {  	v0 =	vld [tilespmem:s31+$0x440];
	_ =	sdelay $0x3  }
0x41: {  	s21 =	sor.u32 $0x10440, s30  }
0x42: {  	[tilespmem:s21+$0x0] =	vst.add.f32.msk $0xffff, v0  }
0x43: {  	v0 =	vld [tilespmem:s31+$0x450];
	_ =	sdelay $0x3  }
0x44: {  	s22 =	sor.u32 $0x10450, s30  }
0x45: {  	[tilespmem:s22+$0x0] =	vst.add.f32.msk $0xffff, v0  }
0x46: {  	v0 =	vld [tilespmem:s31+$0x460];
	_ =	sdelay $0x3  }
0x47: {  	s23 =	sor.u32 $0x10460, s30  }
0x48: {  	[tilespmem:s23+$0x0] =	vst.add.f32.msk $0xffff, v0  }
0x49: {  	v0 =	vld [tilespmem:s31+$0x470];
	_ =	sdelay $0x3  }
0x4a: {  	s24 =	sor.u32 $0x10470, s30  }
0x4b: {  	[tilespmem:s24+$0x0] =	vst.add.f32.msk $0xffff, v0  }
0x4c: {  	v0 =	vld [tilespmem:s31+$0x800];
	_ =	sdelay $0x3  }
0x4d: {  	s25 =	sor.u32 $0x10800, s30  }
0x4e: {  	[tilespmem:s25+$0x0] =	vst.add.f32.msk $0xffff, v0  }
0x4f: {  	v0 =	vld [tilespmem:s31+$0x810];
	_ =	sdelay $0x3  }
0x50: {  	s26 =	sor.u32 $0x10810, s30  }
0x51: {  	[tilespmem:s26+$0x0] =	vst.add.f32.msk $0xffff, v0  }
0x52: {  	v0 =	vld [tilespmem:s31+$0x820];
	_ =	sdelay $0x3  }
0x53: {  	s5 =	sor.u32 $0x10820, s30  }
0x54: {  	[tilespmem:s5+$0x0] =	vst.add.f32.msk $0xffff, v0  }
0x55: {  	v0 =	vld [tilespmem:s31+$0x830];
	_ =	sdelay $0x3  }
0x56: {  	s8 =	sor.u32 $0x10830, s30  }
0x57: {  	[tilespmem:s8+$0x0] =	vst.add.f32.msk $0xffff, v0  }
0x58: {  	v0 =	vld [tilespmem:s31+$0x840];
	_ =	sdelay $0x3  }
0x59: {  	s9 =	sor.u32 $0x10840, s30  }
0x5a: {  	s20 =	simm.s32 $0x80;
	s21 =	sadd.s32 $0x400, s18;
	[tilespmem:s9+$0x0] =	vst.add.f32.msk $0xffff, v0  }
0x5b: {  	s22 =	sand.u32 $0x380, s20;
	s23 =	sand.u32 $0xA000, s21;
	v0 =	vld [tilespmem:s31+$0x850]  }
0x5c: {  	s23 =	sor.u32 s22, s23  }
0x5d: {  	v1 =	vld [tilespmem:s23+$0x0]  }
0x5e: {  	s20 =	simm.s32 $0x400  }
0x5f: {  	s24 =	sand.u32 $0x2000, s20;
	s8 =	sor.u32 $0x10850, s30  }
0x60: {  	s22 =	sor.u32 s22, s24;
	[tilespmem:s8+$0x0] =	vst.add.f32.msk $0xffff, v0  }
0x61: {  	s1 =	sor.u32 $0x10000, s22;
	v0 =	vld [tilespmem:s31+$0x860]  }
0x62: {  	[tilespmem:s1+$0x0] =	vst.add.f32.msk $0xffff, v1  }
0x63: {  	v1 =	vld [tilespmem:s23+$0x10];
	_ =	sdelay $0x1  }
0x64: {  	s25 =	sor.u32 $0x10860, s30  }
0x65: {  	[tilespmem:s25+$0x0] =	vst.add.f32.msk $0xffff, v0  }
0x66: {  	s26 =	sor.u32 $0x10010, s22;
	v0 =	vld [tilespmem:s31+$0x870]  }
0x67: {  	[tilespmem:s26+$0x0] =	vst.add.f32.msk $0xffff, v1  }
0x68: {  	v1 =	vld [tilespmem:s23+$0x20];
	_ =	sdelay $0x1  }
0x69: {  	s5 =	sor.u32 $0x10870, s30  }
0x6a: {  	[tilespmem:s5+$0x0] =	vst.add.f32.msk $0xffff, v0  }
0x6b: {  	s8 =	sor.u32 $0x10020, s22;
	v0 =	vld [tilespmem:s31+$0xC00]  }
0x6c: {  	[tilespmem:s8+$0x0] =	vst.add.f32.msk $0xffff, v1  }
0x6d: {  	v1 =	vld [tilespmem:s23+$0x30];
	_ =	sdelay $0x1  }
0x6e: {  	s9 =	sor.u32 $0x10C00, s30  }
0x6f: {  	[tilespmem:s9+$0x0] =	vst.add.f32.msk $0xffff, v0  }
0x70: {  	s24 =	sor.u32 $0x10030, s22;
	v0 =	vld [tilespmem:s31+$0xC10]  }
0x71: {  	[tilespmem:s24+$0x0] =	vst.add.f32.msk $0xffff, v1  }
0x72: {  	v1 =	vld [tilespmem:s23+$0x40];
	_ =	sdelay $0x1  }
0x73: {  	s25 =	sor.u32 $0x10C10, s30  }
0x74: {  	[tilespmem:s25+$0x0] =	vst.add.f32.msk $0xffff, v0  }
0x75: {  	s26 =	sor.u32 $0x10040, s22;
	v0 =	vld [tilespmem:s31+$0xC20]  }
0x76: {  	[tilespmem:s26+$0x0] =	vst.add.f32.msk $0xffff, v1  }
0x77: {  	v1 =	vld [tilespmem:s23+$0x50];
	_ =	sdelay $0x1  }
0x78: {  	s5 =	sor.u32 $0x10C20, s30  }
0x79: {  	[tilespmem:s5+$0x0] =	vst.add.f32.msk $0xffff, v0  }
0x7a: {  	s8 =	sor.u32 $0x10050, s22;
	v0 =	vld [tilespmem:s31+$0xC30]  }
0x7b: {  	[tilespmem:s8+$0x0] =	vst.add.f32.msk $0xffff, v1  }
0x7c: {  	v1 =	vld [tilespmem:s23+$0x60];
	_ =	sdelay $0x1  }
0x7d: {  	s9 =	sor.u32 $0x10C30, s30  }
0x7e: {  	[tilespmem:s9+$0x0] =	vst.add.f32.msk $0xffff, v0  }
0x7f: {  	s24 =	sor.u32 $0x10060, s22;
	v0 =	vld [tilespmem:s31+$0xC40]  }
0x80: {  	[tilespmem:s24+$0x0] =	vst.add.f32.msk $0xffff, v1  }
0x81: {  	v1 =	vld [tilespmem:s23+$0x70];
	_ =	sdelay $0x1  }
0x82: {  	s25 =	sor.u32 $0x10C40, s30  }
0x83: {  	[tilespmem:s25+$0x0] =	vst.add.f32.msk $0xffff, v0  }
0x84: {  	s26 =	sor.u32 $0x10070, s22;
	v0 =	vld [tilespmem:s31+$0xC50]  }
0x85: {  	[tilespmem:s26+$0x0] =	vst.add.f32.msk $0xffff, v1  }
0x86: {  	v1 =	vld [tilespmem:s23+$0x400];
	_ =	sdelay $0x1  }
0x87: {  	s5 =	sor.u32 $0x10C50, s30  }
0x88: {  	[tilespmem:s5+$0x0] =	vst.add.f32.msk $0xffff, v0  }
0x89: {  	s8 =	sor.u32 $0x10400, s22;
	v0 =	vld [tilespmem:s31+$0xC60]  }
0x8a: {  	[tilespmem:s8+$0x0] =	vst.add.f32.msk $0xffff, v1  }
0x8b: {  	v1 =	vld [tilespmem:s23+$0x410];
	_ =	sdelay $0x1  }
0x8c: {  	s9 =	sor.u32 $0x10C60, s30  }
0x8d: {  	[tilespmem:s9+$0x0] =	vst.add.f32.msk $0xffff, v0  }
0x8e: {  	s24 =	sor.u32 $0x10410, s22;
	v0 =	vld [tilespmem:s31+$0xC70]  }
0x8f: {  	[tilespmem:s24+$0x0] =	vst.add.f32.msk $0xffff, v1  }
0x90: {  	v1 =	vld [tilespmem:s23+$0x420];
	_ =	sdelay $0x1  }
0x91: {  	s25 =	sor.u32 $0x10C70, s30  }
0x92: {  	[tilespmem:s25+$0x0] =	vst.add.f32.msk $0xffff, v0  }
0x93: {  	s26 =	sor.u32 $0x10420, s22;
	v0 =	vld [tilespmem:s31+$0x1000]  }
0x94: {  	[tilespmem:s26+$0x0] =	vst.add.f32.msk $0xffff, v1  }
0x95: {  	v1 =	vld [tilespmem:s23+$0x430];
	_ =	sdelay $0x1  }
0x96: {  	s5 =	sor.u32 $0x11000, s30  }
0x97: {  	[tilespmem:s5+$0x0] =	vst.add.f32.msk $0xffff, v0  }
0x98: {  	s8 =	sor.u32 $0x10430, s22;
	v0 =	vld [tilespmem:s31+$0x1010]  }
0x99: {  	[tilespmem:s8+$0x0] =	vst.add.f32.msk $0xffff, v1  }
0x9a: {  	v1 =	vld [tilespmem:s23+$0x440];
	_ =	sdelay $0x1  }
0x9b: {  	s9 =	sor.u32 $0x11010, s30  }
0x9c: {  	[tilespmem:s9+$0x0] =	vst.add.f32.msk $0xffff, v0  }
0x9d: {  	s24 =	sor.u32 $0x10440, s22;
	v0 =	vld [tilespmem:s31+$0x1020]  }
0x9e: {  	[tilespmem:s24+$0x0] =	vst.add.f32.msk $0xffff, v1  }
0x9f: {  	v1 =	vld [tilespmem:s23+$0x450];
	_ =	sdelay $0x1  }
0xa0: {  	s25 =	sor.u32 $0x11020, s30  }
0xa1: {  	[tilespmem:s25+$0x0] =	vst.add.f32.msk $0xffff, v0  }
0xa2: {  	s26 =	sor.u32 $0x10450, s22;
	v0 =	vld [tilespmem:s31+$0x1030]  }
0xa3: {  	[tilespmem:s26+$0x0] =	vst.add.f32.msk $0xffff, v1  }
0xa4: {  	v1 =	vld [tilespmem:s23+$0x460];
	_ =	sdelay $0x1  }
0xa5: {  	s5 =	sor.u32 $0x11030, s30  }
0xa6: {  	[tilespmem:s5+$0x0] =	vst.add.f32.msk $0xffff, v0  }
0xa7: {  	s8 =	sor.u32 $0x10460, s22;
	v0 =	vld [tilespmem:s31+$0x1040]  }
0xa8: {  	[tilespmem:s8+$0x0] =	vst.add.f32.msk $0xffff, v1  }
0xa9: {  	v1 =	vld [tilespmem:s23+$0x470];
	_ =	sdelay $0x1  }
0xaa: {  	s9 =	sor.u32 $0x11040, s30  }
0xab: {  	[tilespmem:s9+$0x0] =	vst.add.f32.msk $0xffff, v0  }
0xac: {  	s24 =	sor.u32 $0x10470, s22;
	v0 =	vld [tilespmem:s31+$0x1050]  }
0xad: {  	[tilespmem:s24+$0x0] =	vst.add.f32.msk $0xffff, v1  }
0xae: {  	v1 =	vld [tilespmem:s23+$0x800];
	_ =	sdelay $0x1  }
0xaf: {  	s25 =	sor.u32 $0x11050, s30  }
0xb0: {  	[tilespmem:s25+$0x0] =	vst.add.f32.msk $0xffff, v0  }
0xb1: {  	s26 =	sor.u32 $0x10800, s22;
	v0 =	vld [tilespmem:s31+$0x1060]  }
0xb2: {  	[tilespmem:s26+$0x0] =	vst.add.f32.msk $0xffff, v1  }
0xb3: {  	v1 =	vld [tilespmem:s23+$0x810];
	_ =	sdelay $0x1  }
0xb4: {  	s5 =	sor.u32 $0x11060, s30  }
0xb5: {  	[tilespmem:s5+$0x0] =	vst.add.f32.msk $0xffff, v0  }
0xb6: {  	s8 =	sor.u32 $0x10810, s22;
	v0 =	vld [tilespmem:s31+$0x1070]  }
0xb7: {  	[tilespmem:s8+$0x0] =	vst.add.f32.msk $0xffff, v1  }
0xb8: {  	v1 =	vld [tilespmem:s23+$0x820];
	_ =	sdelay $0x1  }
0xb9: {  	s9 =	sor.u32 $0x11070, s30  }
0xba: {  	[tilespmem:s9+$0x0] =	vst.add.f32.msk $0xffff, v0  }
0xbb: {  	s24 =	sor.u32 $0x10820, s22;
	v0 =	vld [tilespmem:s31+$0x1400]  }
0xbc: {  	[tilespmem:s24+$0x0] =	vst.add.f32.msk $0xffff, v1  }
0xbd: {  	v1 =	vld [tilespmem:s23+$0x830];
	_ =	sdelay $0x1  }
0xbe: {  	s25 =	sor.u32 $0x11400, s30  }
0xbf: {  	[tilespmem:s25+$0x0] =	vst.add.f32.msk $0xffff, v0  }
0xc0: {  	s26 =	sor.u32 $0x10830, s22;
	v0 =	vld [tilespmem:s31+$0x1410]  }
0xc1: {  	[tilespmem:s26+$0x0] =	vst.add.f32.msk $0xffff, v1  }
0xc2: {  	v1 =	vld [tilespmem:s23+$0x840];
	_ =	sdelay $0x1  }
0xc3: {  	s5 =	sor.u32 $0x11410, s30  }
0xc4: {  	[tilespmem:s5+$0x0] =	vst.add.f32.msk $0xffff, v0  }
0xc5: {  	s8 =	sor.u32 $0x10840, s22;
	v0 =	vld [tilespmem:s31+$0x1420]  }
0xc6: {  	s9 =	simm.s32 $0x100;
	[tilespmem:s8+$0x0] =	vst.add.f32.msk $0xffff, v1;
	s25 =	sadd.s32 $0x800, s18  }
0xc7: {  	s1 =	sand.u32 $0x380, s9;
	v1 =	vld [tilespmem:s23+$0x850];
	s24 =	sand.u32 $0xA000, s25  }
0xc8: {  	s28 =	sor.u32 s1, s24  }
0xc9: {  	s26 =	sor.u32 $0x11420, s30;
	v2 =	vld [tilespmem:s28+$0x0]  }
0xca: {  	s24 =	simm.s32 $0x800;
	[tilespmem:s26+$0x0] =	vst.add.f32.msk $0xffff, v0  }
0xcb: {  	s9 =	sor.u32 $0x10850, s22;
	s8 =	sand.u32 $0x2000, s24;
	v0 =	vld [tilespmem:s31+$0x1430]  }
0xcc: {  	[tilespmem:s9+$0x0] =	vst.add.f32.msk $0xffff, v1;
	s26 =	sor.u32 s1, s8  }
0xcd: {  	v1 =	vld [tilespmem:s23+$0x860];
	s1 =	sor.u32 $0x10000, s26  }
0xce: {  	[tilespmem:s1+$0x0] =	vst.add.f32.msk $0xffff, v2  }
0xcf: {  	s8 =	sor.u32 $0x11430, s30;
	v2 =	vld [tilespmem:s28+$0x10]  }
0xd0: {  	[tilespmem:s8+$0x0] =	vst.add.f32.msk $0xffff, v0  }
0xd1: {  	s9 =	sor.u32 $0x10860, s22;
	v0 =	vld [tilespmem:s31+$0x1440]  }
0xd2: {  	[tilespmem:s9+$0x0] =	vst.add.f32.msk $0xffff, v1  }
0xd3: {  	v1 =	vld [tilespmem:s23+$0x870];
	s5 =	sor.u32 $0x10010, s26  }
0xd4: {  	[tilespmem:s5+$0x0] =	vst.add.f32.msk $0xffff, v2  }
0xd5: {  	s8 =	sor.u32 $0x11440, s30;
	v2 =	vld [tilespmem:s28+$0x20]  }
0xd6: {  	[tilespmem:s8+$0x0] =	vst.add.f32.msk $0xffff, v0  }
0xd7: {  	s9 =	sor.u32 $0x10870, s22;
	v0 =	vld [tilespmem:s31+$0x1450]  }
0xd8: {  	[tilespmem:s9+$0x0] =	vst.add.f32.msk $0xffff, v1  }
0xd9: {  	v1 =	vld [tilespmem:s23+$0xC00];
	s5 =	sor.u32 $0x10020, s26  }
0xda: {  	[tilespmem:s5+$0x0] =	vst.add.f32.msk $0xffff, v2  }
0xdb: {  	s8 =	sor.u32 $0x11450, s30;
	v2 =	vld [tilespmem:s28+$0x30]  }
0xdc: {  	[tilespmem:s8+$0x0] =	vst.add.f32.msk $0xffff, v0  }
0xdd: {  	s9 =	sor.u32 $0x10C00, s22;
	v0 =	vld [tilespmem:s31+$0x1460]  }
0xde: {  	[tilespmem:s9+$0x0] =	vst.add.f32.msk $0xffff, v1  }
0xdf: {  	v1 =	vld [tilespmem:s23+$0xC10];
	s5 =	sor.u32 $0x10030, s26  }
0xe0: {  	[tilespmem:s5+$0x0] =	vst.add.f32.msk $0xffff, v2  }
0xe1: {  	s8 =	sor.u32 $0x11460, s30;
	v2 =	vld [tilespmem:s28+$0x40]  }
0xe2: {  	[tilespmem:s8+$0x0] =	vst.add.f32.msk $0xffff, v0  }
0xe3: {  	s9 =	sor.u32 $0x10C10, s22;
	v0 =	vld [tilespmem:s31+$0x1470]  }
0xe4: {  	[tilespmem:s9+$0x0] =	vst.add.f32.msk $0xffff, v1  }
0xe5: {  	v1 =	vld [tilespmem:s23+$0xC20];
	s5 =	sor.u32 $0x10040, s26  }
0xe6: {  	[tilespmem:s5+$0x0] =	vst.add.f32.msk $0xffff, v2  }
0xe7: {  	s8 =	sor.u32 $0x11470, s30;
	v2 =	vld [tilespmem:s28+$0x50]  }
0xe8: {  	[tilespmem:s8+$0x0] =	vst.add.f32.msk $0xffff, v0  }
0xe9: {  	s9 =	sor.u32 $0x10C20, s22;
	v0 =	vld [tilespmem:s31+$0x1800]  }
0xea: {  	[tilespmem:s9+$0x0] =	vst.add.f32.msk $0xffff, v1  }
0xeb: {  	v1 =	vld [tilespmem:s23+$0xC30];
	s5 =	sor.u32 $0x10050, s26  }
0xec: {  	[tilespmem:s5+$0x0] =	vst.add.f32.msk $0xffff, v2  }
0xed: {  	s8 =	sor.u32 $0x11800, s30;
	v2 =	vld [tilespmem:s28+$0x60]  }
0xee: {  	[tilespmem:s8+$0x0] =	vst.add.f32.msk $0xffff, v0  }
0xef: {  	s9 =	sor.u32 $0x10C30, s22;
	v0 =	vld [tilespmem:s31+$0x1810]  }
0xf0: {  	[tilespmem:s9+$0x0] =	vst.add.f32.msk $0xffff, v1  }
0xf1: {  	v1 =	vld [tilespmem:s23+$0xC40];
	s5 =	sor.u32 $0x10060, s26  }
0xf2: {  	[tilespmem:s5+$0x0] =	vst.add.f32.msk $0xffff, v2  }
0xf3: {  	s8 =	sor.u32 $0x11810, s30;
	v2 =	vld [tilespmem:s28+$0x70]  }
0xf4: {  	[tilespmem:s8+$0x0] =	vst.add.f32.msk $0xffff, v0  }
0xf5: {  	s9 =	sor.u32 $0x10C40, s22;
	v0 =	vld [tilespmem:s31+$0x1820]  }
0xf6: {  	[tilespmem:s9+$0x0] =	vst.add.f32.msk $0xffff, v1  }
0xf7: {  	v1 =	vld [tilespmem:s23+$0xC50];
	s5 =	sor.u32 $0x10070, s26  }
0xf8: {  	[tilespmem:s5+$0x0] =	vst.add.f32.msk $0xffff, v2  }
0xf9: {  	s8 =	sor.u32 $0x11820, s30;
	v2 =	vld [tilespmem:s28+$0x400]  }
0xfa: {  	[tilespmem:s8+$0x0] =	vst.add.f32.msk $0xffff, v0  }
0xfb: {  	s9 =	sor.u32 $0x10C50, s22;
	v0 =	vld [tilespmem:s31+$0x1830]  }
0xfc: {  	[tilespmem:s9+$0x0] =	vst.add.f32.msk $0xffff, v1  }
0xfd: {  	v1 =	vld [tilespmem:s23+$0xC60];
	s5 =	sor.u32 $0x10400, s26  }
0xfe: {  	[tilespmem:s5+$0x0] =	vst.add.f32.msk $0xffff, v2  }
0xff: {  	s8 =	sor.u32 $0x11830, s30;
	v2 =	vld [tilespmem:s28+$0x410]  }
0x100: {  	[tilespmem:s8+$0x0] =	vst.add.f32.msk $0xffff, v0  }
0x101: {  	s9 =	sor.u32 $0x10C60, s22;
	v0 =	vld [tilespmem:s31+$0x1840]  }
0x102: {  	[tilespmem:s9+$0x0] =	vst.add.f32.msk $0xffff, v1  }
0x103: {  	v1 =	vld [tilespmem:s23+$0xC70];
	s5 =	sor.u32 $0x10410, s26  }
0x104: {  	[tilespmem:s5+$0x0] =	vst.add.f32.msk $0xffff, v2  }
0x105: {  	s8 =	sor.u32 $0x11840, s30;
	v2 =	vld [tilespmem:s28+$0x420]  }
0x106: {  	[tilespmem:s8+$0x0] =	vst.add.f32.msk $0xffff, v0  }
0x107: {  	s9 =	sor.u32 $0x10C70, s22;
	v0 =	vld [tilespmem:s31+$0x1850]  }
0x108: {  	[tilespmem:s9+$0x0] =	vst.add.f32.msk $0xffff, v1  }
0x109: {  	v1 =	vld [tilespmem:s23+$0x1000];
	s5 =	sor.u32 $0x10420, s26  }
0x10a: {  	[tilespmem:s5+$0x0] =	vst.add.f32.msk $0xffff, v2  }
0x10b: {  	s8 =	sor.u32 $0x11850, s30;
	v2 =	vld [tilespmem:s28+$0x430]  }
0x10c: {  	[tilespmem:s8+$0x0] =	vst.add.f32.msk $0xffff, v0  }
0x10d: {  	s9 =	sor.u32 $0x11000, s22;
	v0 =	vld [tilespmem:s31+$0x1860]  }
0x10e: {  	[tilespmem:s9+$0x0] =	vst.add.f32.msk $0xffff, v1  }
0x10f: {  	v1 =	vld [tilespmem:s23+$0x1010];
	s5 =	sor.u32 $0x10430, s26  }
0x110: {  	[tilespmem:s5+$0x0] =	vst.add.f32.msk $0xffff, v2  }
0x111: {  	s8 =	sor.u32 $0x11860, s30;
	v2 =	vld [tilespmem:s28+$0x440]  }
0x112: {  	[tilespmem:s8+$0x0] =	vst.add.f32.msk $0xffff, v0  }
0x113: {  	s9 =	sor.u32 $0x11010, s22;
	v0 =	vld [tilespmem:s31+$0x1870]  }
0x114: {  	[tilespmem:s9+$0x0] =	vst.add.f32.msk $0xffff, v1  }
0x115: {  	v1 =	vld [tilespmem:s23+$0x1020];
	s5 =	sor.u32 $0x10440, s26;
	s8 =	simm.s32 $0x0  }
0x116: {  	s1 =	sand.u32 $0x380, s8;
	[tilespmem:s5+$0x0] =	vst.add.f32.msk $0xffff, v2  }
0x117: {  	s9 =	sor.u32 $0x11870, s30;
	s0 =	sadd.s32 s1, s0;
	v2 =	vld [tilespmem:s28+$0x450]  }
0x118: {  	s8 =	sor.u32 $0x1C00, s0;
	[tilespmem:s9+$0x0] =	vst.add.f32.msk $0xffff, v0  }
0x119: {  	s9 =	sor.u32 $0x11020, s22;
	v0 =	vld [tilespmem:s8+$0x0]  }
0x11a: {  	[tilespmem:s9+$0x0] =	vst.add.f32.msk $0xffff, v1  }
0x11b: {  	s8 =	sor.u32 $0x10450, s26;
	v1 =	vld [tilespmem:s23+$0x1030]  }
0x11c: {  	s1 =	sadd.s32 $0x0, s1;
	[tilespmem:s8+$0x0] =	vst.add.f32.msk $0xffff, v2  }
0x11d: {  	s9 =	sor.u32 $0x1C00, s1;
	v2 =	vld [tilespmem:s28+$0x460]  }
0x11e: {  	s8 =	sor.u32 $0x1C10, s0;
	[tilespmem:s9+$0x10000] =	vst.add.f32.msk $0xffff, v0  }
0x11f: {  	s9 =	sor.u32 $0x11030, s22;
	v0 =	vld [tilespmem:s8+$0x0]  }
0x120: {  	[tilespmem:s9+$0x0] =	vst.add.f32.msk $0xffff, v1  }
0x121: {  	s8 =	sor.u32 $0x10460, s26;
	v1 =	vld [tilespmem:s23+$0x1040]  }
0x122: {  	[tilespmem:s8+$0x0] =	vst.add.f32.msk $0xffff, v2  }
0x123: {  	s9 =	sor.u32 $0x1C10, s1;
	v2 =	vld [tilespmem:s28+$0x470]  }
0x124: {  	s8 =	sor.u32 $0x1C20, s0;
	[tilespmem:s9+$0x10000] =	vst.add.f32.msk $0xffff, v0  }
0x125: {  	s9 =	sor.u32 $0x11040, s22;
	v0 =	vld [tilespmem:s8+$0x0]  }
0x126: {  	[tilespmem:s9+$0x0] =	vst.add.f32.msk $0xffff, v1  }
0x127: {  	s8 =	sor.u32 $0x10470, s26;
	v1 =	vld [tilespmem:s23+$0x1050]  }
0x128: {  	[tilespmem:s8+$0x0] =	vst.add.f32.msk $0xffff, v2  }
0x129: {  	s9 =	sor.u32 $0x1C20, s1;
	v2 =	vld [tilespmem:s28+$0x800]  }
0x12a: {  	s8 =	sor.u32 $0x1C30, s0;
	[tilespmem:s9+$0x10000] =	vst.add.f32.msk $0xffff, v0  }
0x12b: {  	s9 =	sor.u32 $0x11050, s22;
	v0 =	vld [tilespmem:s8+$0x0]  }
0x12c: {  	[tilespmem:s9+$0x0] =	vst.add.f32.msk $0xffff, v1  }
0x12d: {  	s8 =	sor.u32 $0x10800, s26;
	v1 =	vld [tilespmem:s23+$0x1060]  }
0x12e: {  	[tilespmem:s8+$0x0] =	vst.add.f32.msk $0xffff, v2  }
0x12f: {  	s9 =	sor.u32 $0x1C30, s1;
	v2 =	vld [tilespmem:s28+$0x810]  }
0x130: {  	s8 =	sor.u32 $0x1C40, s0;
	[tilespmem:s9+$0x10000] =	vst.add.f32.msk $0xffff, v0  }
0x131: {  	s9 =	sor.u32 $0x11060, s22;
	v0 =	vld [tilespmem:s8+$0x0]  }
0x132: {  	[tilespmem:s9+$0x0] =	vst.add.f32.msk $0xffff, v1  }
0x133: {  	s8 =	sor.u32 $0x10810, s26;
	v1 =	vld [tilespmem:s23+$0x1070]  }
0x134: {  	[tilespmem:s8+$0x0] =	vst.add.f32.msk $0xffff, v2  }
0x135: {  	s9 =	sor.u32 $0x1C40, s1;
	v2 =	vld [tilespmem:s28+$0x820]  }
0x136: {  	s8 =	sor.u32 $0x1C50, s0;
	[tilespmem:s9+$0x10000] =	vst.add.f32.msk $0xffff, v0  }
0x137: {  	s9 =	sor.u32 $0x11070, s22;
	v0 =	vld [tilespmem:s8+$0x0]  }
0x138: {  	[tilespmem:s9+$0x0] =	vst.add.f32.msk $0xffff, v1  }
0x139: {  	s8 =	sor.u32 $0x10820, s26;
	v1 =	vld [tilespmem:s23+$0x1400]  }
0x13a: {  	[tilespmem:s8+$0x0] =	vst.add.f32.msk $0xffff, v2  }
0x13b: {  	s9 =	sor.u32 $0x1C50, s1;
	v2 =	vld [tilespmem:s28+$0x830]  }
0x13c: {  	s8 =	sor.u32 $0x1C60, s0;
	[tilespmem:s9+$0x10000] =	vst.add.f32.msk $0xffff, v0  }
0x13d: {  	s9 =	sor.u32 $0x11400, s22;
	v0 =	vld [tilespmem:s8+$0x0]  }
0x13e: {  	[tilespmem:s9+$0x0] =	vst.add.f32.msk $0xffff, v1  }
0x13f: {  	s9 =	sor.u32 $0x10830, s26;
	v1 =	vld [tilespmem:s23+$0x1410]  }
0x140: {  	[tilespmem:s9+$0x0] =	vst.add.f32.msk $0xffff, v2  }
0x141: {  	s8 =	sor.u32 $0x1C60, s1;
	v2 =	vld [tilespmem:s28+$0x840]  }
0x142: {  	s0 =	sor.u32 $0x1C70, s0;
	[tilespmem:s8+$0x10000] =	vst.add.f32.msk $0xffff, v0  }
0x143: {  	s9 =	sor.u32 $0x11410, s22;
	v0 =	vld [tilespmem:s0+$0x0]  }
0x144: {  	p0 =	por p1, p1;
	s29 =	sshll.u32 s29, $0x5;
	[tilespmem:s9+$0x0] =	vst.add.f32.msk $0xffff, v1  }
0x145: {  	s30 =	simm.s32 $0xC00;
	s8 =	simm.s32 $0x180;
	s9 =	sor.u32 $0x10840, s26;
	v1 =	vld [tilespmem:s23+$0x1420]  }
0x146: {  	s31 =	sadd.s32 $0xC00, s18;
	s8 =	sand.u32 $0x380, s8;
	s0 =	simm.s32 $0x200;
	[tilespmem:s9+$0x0] =	vst.add.f32.msk $0xffff, v2  }
.LBB2_3:
0x147: {  	p1 =	sne.s32 s0, $0x780;
	s5 =	sand.u32 $0xA000, s31;
	v2 =	vld [tilespmem:s28+$0x850];
	s1 =	sor.u32 $0x1C70, s1  }
0x148: {  	s5 =	sor.u32 s8, s5;
	[tilespmem:s1+$0x10000] =	vst.add.f32.msk $0xffff, v0  }
0x149: {  	s1 =	sor.u32 $0x11420, s22;
	v0 =	vld [tilespmem:s5+$0x0]  }
0x14a: {  	[tilespmem:s1+$0x0] =	vst.add.f32.msk $0xffff, v1  }
0x14b: {  	s9 =	sor.u32 $0x10850, s26;
	s1 =	sand.u32 $0x2000, s30;
	v1 =	vld [tilespmem:s23+$0x1430]  }
0x14c: {  	s1 =	sor.u32 s8, s1;
	[tilespmem:s9+$0x0] =	vst.add.f32.msk $0xffff, v2  }
0x14d: {  	s8 =	sor.u32 $0x10000, s1;
	v2 =	vld [tilespmem:s28+$0x860]  }
0x14e: {  	[tilespmem:s8+$0x0] =	vst.add.f32.msk $0xffff, v0  }
0x14f: {  	s8 =	sor.u32 $0x11430, s22;
	v0 =	vld [tilespmem:s5+$0x10]  }
0x150: {  	[tilespmem:s8+$0x0] =	vst.add.f32.msk $0xffff, v1  }
0x151: {  	s8 =	sor.u32 $0x10860, s26;
	v1 =	vld [tilespmem:s23+$0x1440]  }
0x152: {  	[tilespmem:s8+$0x0] =	vst.add.f32.msk $0xffff, v2  }
0x153: {  	s8 =	sor.u32 $0x10010, s1;
	v2 =	vld [tilespmem:s28+$0x870]  }
0x154: {  	[tilespmem:s8+$0x0] =	vst.add.f32.msk $0xffff, v0  }
0x155: {  	s8 =	sor.u32 $0x11440, s22;
	v0 =	vld [tilespmem:s5+$0x20]  }
0x156: {  	[tilespmem:s8+$0x0] =	vst.add.f32.msk $0xffff, v1  }
0x157: {  	s8 =	sor.u32 $0x10870, s26;
	v1 =	vld [tilespmem:s23+$0x1450]  }
0x158: {  	[tilespmem:s8+$0x0] =	vst.add.f32.msk $0xffff, v2  }
0x159: {  	s8 =	sor.u32 $0x10020, s1;
	v2 =	vld [tilespmem:s28+$0xC00]  }
0x15a: {  	[tilespmem:s8+$0x0] =	vst.add.f32.msk $0xffff, v0  }
0x15b: {  	s8 =	sor.u32 $0x11450, s22;
	v0 =	vld [tilespmem:s5+$0x30]  }
0x15c: {  	[tilespmem:s8+$0x0] =	vst.add.f32.msk $0xffff, v1  }
0x15d: {  	s8 =	sor.u32 $0x10C00, s26;
	v1 =	vld [tilespmem:s23+$0x1460]  }
0x15e: {  	[tilespmem:s8+$0x0] =	vst.add.f32.msk $0xffff, v2  }
0x15f: {  	s8 =	sor.u32 $0x10030, s1;
	v2 =	vld [tilespmem:s28+$0xC10]  }
0x160: {  	[tilespmem:s8+$0x0] =	vst.add.f32.msk $0xffff, v0  }
0x161: {  	s8 =	sor.u32 $0x11460, s22;
	v0 =	vld [tilespmem:s5+$0x40]  }
0x162: {  	[tilespmem:s8+$0x0] =	vst.add.f32.msk $0xffff, v1  }
0x163: {  	s8 =	sor.u32 $0x10C10, s26;
	v1 =	vld [tilespmem:s23+$0x1470]  }
0x164: {  	[tilespmem:s8+$0x0] =	vst.add.f32.msk $0xffff, v2  }
0x165: {  	s8 =	sor.u32 $0x10040, s1;
	v2 =	vld [tilespmem:s28+$0xC20]  }
0x166: {  	[tilespmem:s8+$0x0] =	vst.add.f32.msk $0xffff, v0  }
0x167: {  	s8 =	sor.u32 $0x11470, s22;
	v0 =	vld [tilespmem:s5+$0x50]  }
0x168: {  	[tilespmem:s8+$0x0] =	vst.add.f32.msk $0xffff, v1  }
0x169: {  	s8 =	sor.u32 $0x10C20, s26;
	v1 =	vld [tilespmem:s23+$0x1800]  }
0x16a: {  	[tilespmem:s8+$0x0] =	vst.add.f32.msk $0xffff, v2  }
0x16b: {  	s8 =	sor.u32 $0x10050, s1;
	v2 =	vld [tilespmem:s28+$0xC30]  }
0x16c: {  	[tilespmem:s8+$0x0] =	vst.add.f32.msk $0xffff, v0  }
0x16d: {  	s8 =	sor.u32 $0x11800, s22;
	v0 =	vld [tilespmem:s5+$0x60]  }
0x16e: {  	[tilespmem:s8+$0x0] =	vst.add.f32.msk $0xffff, v1  }
0x16f: {  	s8 =	sor.u32 $0x10C30, s26;
	v1 =	vld [tilespmem:s23+$0x1810]  }
0x170: {  	[tilespmem:s8+$0x0] =	vst.add.f32.msk $0xffff, v2  }
0x171: {  	s8 =	sor.u32 $0x10060, s1;
	v2 =	vld [tilespmem:s28+$0xC40]  }
0x172: {  	[tilespmem:s8+$0x0] =	vst.add.f32.msk $0xffff, v0  }
0x173: {  	s8 =	sor.u32 $0x11810, s22;
	v0 =	vld [tilespmem:s5+$0x70]  }
0x174: {  	[tilespmem:s8+$0x0] =	vst.add.f32.msk $0xffff, v1  }
0x175: {  	s8 =	sor.u32 $0x10C40, s26;
	v1 =	vld [tilespmem:s23+$0x1820]  }
0x176: {  	[tilespmem:s8+$0x0] =	vst.add.f32.msk $0xffff, v2  }
0x177: {  	s8 =	sor.u32 $0x10070, s1;
	v2 =	vld [tilespmem:s28+$0xC50]  }
0x178: {  	[tilespmem:s8+$0x0] =	vst.add.f32.msk $0xffff, v0  }
0x179: {  	s8 =	sor.u32 $0x11820, s22;
	v0 =	vld [tilespmem:s5+$0x400]  }
0x17a: {  	[tilespmem:s8+$0x0] =	vst.add.f32.msk $0xffff, v1  }
0x17b: {  	s8 =	sor.u32 $0x10C50, s26;
	v1 =	vld [tilespmem:s23+$0x1830]  }
0x17c: {  	[tilespmem:s8+$0x0] =	vst.add.f32.msk $0xffff, v2  }
0x17d: {  	s8 =	sor.u32 $0x10400, s1;
	v2 =	vld [tilespmem:s28+$0xC60]  }
0x17e: {  	[tilespmem:s8+$0x0] =	vst.add.f32.msk $0xffff, v0  }
0x17f: {  	s8 =	sor.u32 $0x11830, s22;
	v0 =	vld [tilespmem:s5+$0x410]  }
0x180: {  	[tilespmem:s8+$0x0] =	vst.add.f32.msk $0xffff, v1  }
0x181: {  	s8 =	sor.u32 $0x10C60, s26;
	v1 =	vld [tilespmem:s23+$0x1840]  }
0x182: {  	[tilespmem:s8+$0x0] =	vst.add.f32.msk $0xffff, v2  }
0x183: {  	s8 =	sor.u32 $0x10410, s1;
	v2 =	vld [tilespmem:s28+$0xC70]  }
0x184: {  	[tilespmem:s8+$0x0] =	vst.add.f32.msk $0xffff, v0  }
0x185: {  	s8 =	sor.u32 $0x11840, s22;
	v0 =	vld [tilespmem:s5+$0x420]  }
0x186: {  	[tilespmem:s8+$0x0] =	vst.add.f32.msk $0xffff, v1  }
0x187: {  	s8 =	sor.u32 $0x10C70, s26;
	v1 =	vld [tilespmem:s23+$0x1850]  }
0x188: {  	[tilespmem:s8+$0x0] =	vst.add.f32.msk $0xffff, v2  }
0x189: {  	s8 =	sor.u32 $0x10420, s1;
	v2 =	vld [tilespmem:s28+$0x1000]  }
0x18a: {  	[tilespmem:s8+$0x0] =	vst.add.f32.msk $0xffff, v0  }
0x18b: {  	s8 =	sor.u32 $0x11850, s22;
	v0 =	vld [tilespmem:s5+$0x430]  }
0x18c: {  	[tilespmem:s8+$0x0] =	vst.add.f32.msk $0xffff, v1  }
0x18d: {  	s8 =	sor.u32 $0x11000, s26;
	v1 =	vld [tilespmem:s23+$0x1860]  }
0x18e: {  	[tilespmem:s8+$0x0] =	vst.add.f32.msk $0xffff, v2  }
0x18f: {  	s8 =	sor.u32 $0x10430, s1;
	v2 =	vld [tilespmem:s28+$0x1010]  }
0x190: {  	[tilespmem:s8+$0x0] =	vst.add.f32.msk $0xffff, v0  }
0x191: {  	s8 =	sor.u32 $0x11860, s22;
	v0 =	vld [tilespmem:s5+$0x440]  }
0x192: {  	[tilespmem:s8+$0x0] =	vst.add.f32.msk $0xffff, v1  }
0x193: {  	s8 =	sor.u32 $0x11010, s26;
	v1 =	vld [tilespmem:s23+$0x1870];
	s23 =	smov.u32 s28;
	s28 =	smov.u32 s5  }
0x194: {  	s19 =	sadd.s32 $0x1, s19;
	[tilespmem:s8+$0x0] =	vst.add.f32.msk $0xffff, v2  }
0x195: {  	s5 =	sor.u32 $0x10440, s1;
	s8 =	sshll.u32 s19, $0x7;
	v2 =	vld [tilespmem:s23+$0x1020]  }
0x196: {  	s8 =	sand.u32 $0x380, s8;
	[tilespmem:s5+$0x0] =	vst.add.f32.msk $0xffff, v0  }
0x197: {  	s9 =	sor.u32 $0x11870, s22;
	s22 =	smov.u32 s26;
	s5 =	sadd.s32 s8, s21;
	v0 =	vld [tilespmem:s28+$0x450]  }
0x198: {  	s26 =	smov.u32 s1;
	s21 =	smov.u32 s25;
	[tilespmem:s9+$0x0] =	vst.add.f32.msk $0xffff, v1;
	s9 =	sor.u32 $0x1C00, s5  }
0x199: {  	s1 =	sor.u32 $0x11020, s22;
	s25 =	smov.u32 s31;
	v1 =	vld [tilespmem:s9+$0x0]  }
0x19a: {  	[tilespmem:s1+$0x0] =	vst.add.f32.msk $0xffff, v2  }
0x19b: {  	s1 =	sor.u32 $0x10450, s26;
	v2 =	vld [tilespmem:s23+$0x1030]  }
0x19c: {  	[tilespmem:s1+$0x0] =	vst.add.f32.msk $0xffff, v0;
	s1 =	sadd.s32 s8, s20;
	s20 =	smov.u32 s24;
	s24 =	smov.u32 s30  }
0x19d: {  	v0 =	vld [tilespmem:s28+$0x460];
	s8 =	sor.u32 $0x1C00, s1  }
0x19e: {  	[tilespmem:s8+$0x10000] =	vst.add.f32.msk $0xffff, v1;
	s8 =	sor.u32 $0x1C10, s5  }
0x19f: {  	s9 =	sor.u32 $0x11030, s22;
	v1 =	vld [tilespmem:s8+$0x0]  }
0x1a0: {  	[tilespmem:s9+$0x0] =	vst.add.f32.msk $0xffff, v2  }
0x1a1: {  	s8 =	sor.u32 $0x10460, s26;
	v2 =	vld [tilespmem:s23+$0x1040]  }
0x1a2: {  	[tilespmem:s8+$0x0] =	vst.add.f32.msk $0xffff, v0  }
0x1a3: {  	s8 =	sor.u32 $0x1C10, s1;
	v0 =	vld [tilespmem:s28+$0x470]  }
0x1a4: {  	[tilespmem:s8+$0x10000] =	vst.add.f32.msk $0xffff, v1;
	s8 =	sor.u32 $0x1C20, s5  }
0x1a5: {  	s9 =	sor.u32 $0x11040, s22;
	v1 =	vld [tilespmem:s8+$0x0]  }
0x1a6: {  	[tilespmem:s9+$0x0] =	vst.add.f32.msk $0xffff, v2  }
0x1a7: {  	s8 =	sor.u32 $0x10470, s26;
	v2 =	vld [tilespmem:s23+$0x1050]  }
0x1a8: {  	[tilespmem:s8+$0x0] =	vst.add.f32.msk $0xffff, v0  }
0x1a9: {  	s8 =	sor.u32 $0x1C20, s1;
	v0 =	vld [tilespmem:s28+$0x800]  }
0x1aa: {  	[tilespmem:s8+$0x10000] =	vst.add.f32.msk $0xffff, v1;
	s8 =	sor.u32 $0x1C30, s5  }
0x1ab: {  	s9 =	sor.u32 $0x11050, s22;
	v1 =	vld [tilespmem:s8+$0x0]  }
0x1ac: {  	[tilespmem:s9+$0x0] =	vst.add.f32.msk $0xffff, v2  }
0x1ad: {  	s8 =	sor.u32 $0x10800, s26;
	v2 =	vld [tilespmem:s23+$0x1060]  }
0x1ae: {  	[tilespmem:s8+$0x0] =	vst.add.f32.msk $0xffff, v0  }
0x1af: {  	s8 =	sor.u32 $0x1C30, s1;
	v0 =	vld [tilespmem:s28+$0x810]  }
0x1b0: {  	[tilespmem:s8+$0x10000] =	vst.add.f32.msk $0xffff, v1;
	s8 =	sor.u32 $0x1C40, s5  }
0x1b1: {  	s9 =	sor.u32 $0x11060, s22;
	v1 =	vld [tilespmem:s8+$0x0]  }
0x1b2: {  	[tilespmem:s9+$0x0] =	vst.add.f32.msk $0xffff, v2  }
0x1b3: {  	s8 =	sor.u32 $0x10810, s26;
	v2 =	vld [tilespmem:s23+$0x1070]  }
0x1b4: {  	[tilespmem:s8+$0x0] =	vst.add.f32.msk $0xffff, v0  }
0x1b5: {  	s8 =	sor.u32 $0x1C40, s1;
	v0 =	vld [tilespmem:s28+$0x820]  }
0x1b6: {  	[tilespmem:s8+$0x10000] =	vst.add.f32.msk $0xffff, v1;
	s8 =	sor.u32 $0x1C50, s5  }
0x1b7: {  	s9 =	sor.u32 $0x11070, s22;
	v1 =	vld [tilespmem:s8+$0x0]  }
0x1b8: {  	[tilespmem:s9+$0x0] =	vst.add.f32.msk $0xffff, v2  }
0x1b9: {  	s8 =	sor.u32 $0x10820, s26;
	v2 =	vld [tilespmem:s23+$0x1400]  }
0x1ba: {  	[tilespmem:s8+$0x0] =	vst.add.f32.msk $0xffff, v0  }
0x1bb: {  	s8 =	sor.u32 $0x1C50, s1;
	v0 =	vld [tilespmem:s28+$0x830]  }
0x1bc: {  	[tilespmem:s8+$0x10000] =	vst.add.f32.msk $0xffff, v1;
	s8 =	sor.u32 $0x1C60, s5  }
0x1bd: {  	s9 =	sor.u32 $0x11400, s22;
	v1 =	vld [tilespmem:s8+$0x0]  }
0x1be: {  	[tilespmem:s9+$0x0] =	vst.add.f32.msk $0xffff, v2  }
0x1bf: {  	s8 =	sor.u32 $0x10830, s26;
	v2 =	vld [tilespmem:s23+$0x1410]  }
0x1c0: {  	[tilespmem:s8+$0x0] =	vst.add.f32.msk $0xffff, v0  }
0x1c1: {  	s8 =	sor.u32 $0x1C60, s1;
	v3 =	vld [tilespmem:s28+$0x840]  }
.Ltmp0:
0x1c2: {  	s5 =	sor.u32 $0x1C70, s5;
	[tilespmem:s8+$0x10000] =	vst.add.f32.msk $0xffff, v1;
	(pc) =	sbr.rel @p1 .LBB2_3-.Ltmp0, $4  }
0x1c3: {  	s8 =	sor.u32 $0x11410, s22;
	v0 =	vld [tilespmem:s5+$0x0]  }
0x1c4: {  	[tilespmem:s8+$0x0] =	vst.add.f32.msk $0xffff, v2  }
0x1c5: {  	s30 =	sadd.s32 $0x400, s30;
	s5 =	sor.u32 $0x10840, s26;
	v1 =	vld [tilespmem:s23+$0x1420]  }
0x1c6: {  	s31 =	sadd.s32 s30, s18;
	s8 =	sand.u32 $0x380, s0;
	s0 =	sadd.s32 $0x80, s0;
	[tilespmem:s5+$0x0] =	vst.add.f32.msk $0xffff, v3  }
0x1c7: {  	s0 =	sand.u32 $0xA000, s31;
	v2 =	vld [tilespmem:s28+$0x850];
	s5 =	sor.u32 $0x1C70, s1  }
0x1c8: {  	s1 =	sor.u32 s8, s0;
	[tilespmem:s5+$0x10000] =	vst.add.f32.msk $0xffff, v0  }
0x1c9: {  	s9 =	sor.u32 $0x11420, s22;
	v0 =	vld [tilespmem:s1+$0x0]  }
0x1ca: {  	[tilespmem:s9+$0x0] =	vst.add.f32.msk $0xffff, v1  }
0x1cb: {  	s5 =	sand.u32 $0x2000, s30;
	s9 =	sor.u32 $0x10850, s26;
	v1 =	vld [tilespmem:s23+$0x1430]  }
0x1cc: {  	s0 =	sor.u32 s8, s5;
	[tilespmem:s9+$0x0] =	vst.add.f32.msk $0xffff, v2  }
0x1cd: {  	s9 =	sor.u32 $0x10000, s0;
	v2 =	vld [tilespmem:s28+$0x860]  }
0x1ce: {  	[tilespmem:s9+$0x0] =	vst.add.f32.msk $0xffff, v0  }
0x1cf: {  	s8 =	sor.u32 $0x11430, s22;
	v0 =	vld [tilespmem:s1+$0x10]  }
0x1d0: {  	[tilespmem:s8+$0x0] =	vst.add.f32.msk $0xffff, v1  }
0x1d1: {  	s9 =	sor.u32 $0x10860, s26;
	v1 =	vld [tilespmem:s23+$0x1440]  }
0x1d2: {  	[tilespmem:s9+$0x0] =	vst.add.f32.msk $0xffff, v2  }
0x1d3: {  	s8 =	sor.u32 $0x10010, s0;
	v2 =	vld [tilespmem:s28+$0x870]  }
0x1d4: {  	[tilespmem:s8+$0x0] =	vst.add.f32.msk $0xffff, v0  }
0x1d5: {  	s9 =	sor.u32 $0x11440, s22;
	v3 =	vld [tilespmem:s1+$0x20]  }
0x1d6: {  	[tilespmem:s9+$0x0] =	vst.add.f32.msk $0xffff, v1  }
0x1d7: {  	s8 =	sor.u32 $0x10870, s26;
	v0 =	vld [tilespmem:s23+$0x1450]  }
0x1d8: {  	[tilespmem:s8+$0x0] =	vst.add.f32.msk $0xffff, v2  }
0x1d9: {  	s9 =	sor.u32 $0x10020, s0;
	v1 =	vld [tilespmem:s28+$0xC00]  }
0x1da: {  	[tilespmem:s9+$0x0] =	vst.add.f32.msk $0xffff, v3  }
0x1db: {  	v2 =	vld [tilespmem:s1+$0x30];
	_ =	sdelay $0x3  }
0x1dc: {  	s8 =	sor.u32 $0x10030, s0  }
0x1dd: {  	[tilespmem:s8+$0x0] =	vst.add.f32.msk $0xffff, v2  }
0x1de: {  	v2 =	vld [tilespmem:s1+$0x40];
	_ =	sdelay $0x3  }
0x1df: {  	s9 =	sor.u32 $0x10040, s0  }
0x1e0: {  	[tilespmem:s9+$0x0] =	vst.add.f32.msk $0xffff, v2  }
0x1e1: {  	v2 =	vld [tilespmem:s1+$0x50];
	_ =	sdelay $0x3  }
0x1e2: {  	s8 =	sor.u32 $0x10050, s0  }
0x1e3: {  	[tilespmem:s8+$0x0] =	vst.add.f32.msk $0xffff, v2  }
0x1e4: {  	v2 =	vld [tilespmem:s1+$0x60];
	_ =	sdelay $0x3  }
0x1e5: {  	s9 =	sor.u32 $0x10060, s0  }
0x1e6: {  	[tilespmem:s9+$0x0] =	vst.add.f32.msk $0xffff, v2  }
0x1e7: {  	v2 =	vld [tilespmem:s1+$0x70];
	_ =	sdelay $0x3  }
0x1e8: {  	s8 =	sor.u32 $0x10070, s0  }
0x1e9: {  	[tilespmem:s8+$0x0] =	vst.add.f32.msk $0xffff, v2  }
0x1ea: {  	v2 =	vld [tilespmem:s1+$0x400];
	_ =	sdelay $0x3  }
0x1eb: {  	s9 =	sor.u32 $0x10400, s0  }
0x1ec: {  	[tilespmem:s9+$0x0] =	vst.add.f32.msk $0xffff, v2  }
0x1ed: {  	v2 =	vld [tilespmem:s1+$0x410];
	_ =	sdelay $0x3  }
0x1ee: {  	s8 =	sor.u32 $0x10410, s0  }
0x1ef: {  	[tilespmem:s8+$0x0] =	vst.add.f32.msk $0xffff, v2  }
0x1f0: {  	v2 =	vld [tilespmem:s1+$0x420];
	_ =	sdelay $0x3  }
0x1f1: {  	s9 =	sor.u32 $0x10420, s0  }
0x1f2: {  	[tilespmem:s9+$0x0] =	vst.add.f32.msk $0xffff, v2  }
0x1f3: {  	v2 =	vld [tilespmem:s1+$0x430];
	_ =	sdelay $0x3  }
0x1f4: {  	s8 =	sor.u32 $0x10430, s0  }
0x1f5: {  	[tilespmem:s8+$0x0] =	vst.add.f32.msk $0xffff, v2  }
0x1f6: {  	v2 =	vld [tilespmem:s1+$0x440];
	_ =	sdelay $0x3  }
0x1f7: {  	s9 =	sor.u32 $0x10440, s0  }
0x1f8: {  	[tilespmem:s9+$0x0] =	vst.add.f32.msk $0xffff, v2  }
0x1f9: {  	v2 =	vld [tilespmem:s1+$0x450];
	_ =	sdelay $0x3  }
0x1fa: {  	s8 =	sor.u32 $0x10450, s0  }
0x1fb: {  	[tilespmem:s8+$0x0] =	vst.add.f32.msk $0xffff, v2  }
0x1fc: {  	v2 =	vld [tilespmem:s1+$0x460];
	_ =	sdelay $0x3  }
0x1fd: {  	s9 =	sor.u32 $0x10460, s0  }
0x1fe: {  	[tilespmem:s9+$0x0] =	vst.add.f32.msk $0xffff, v2  }
0x1ff: {  	v2 =	vld [tilespmem:s1+$0x470];
	_ =	sdelay $0x3  }
0x200: {  	s8 =	sor.u32 $0x10470, s0  }
0x201: {  	[tilespmem:s8+$0x0] =	vst.add.f32.msk $0xffff, v2  }
0x202: {  	v2 =	vld [tilespmem:s1+$0x800];
	_ =	sdelay $0x3  }
0x203: {  	s9 =	sor.u32 $0x10800, s0  }
0x204: {  	[tilespmem:s9+$0x0] =	vst.add.f32.msk $0xffff, v2  }
0x205: {  	v2 =	vld [tilespmem:s1+$0x810];
	_ =	sdelay $0x3  }
0x206: {  	s8 =	sor.u32 $0x10810, s0  }
0x207: {  	[tilespmem:s8+$0x0] =	vst.add.f32.msk $0xffff, v2  }
0x208: {  	v2 =	vld [tilespmem:s1+$0x820];
	_ =	sdelay $0x3  }
0x209: {  	s9 =	sor.u32 $0x10820, s0  }
0x20a: {  	[tilespmem:s9+$0x0] =	vst.add.f32.msk $0xffff, v2  }
0x20b: {  	v2 =	vld [tilespmem:s1+$0x830];
	_ =	sdelay $0x3  }
0x20c: {  	s8 =	sor.u32 $0x10830, s0  }
0x20d: {  	[tilespmem:s8+$0x0] =	vst.add.f32.msk $0xffff, v2  }
0x20e: {  	v2 =	vld [tilespmem:s1+$0x840];
	_ =	sdelay $0x3  }
0x20f: {  	s9 =	sor.u32 $0x10840, s0  }
0x210: {  	[tilespmem:s9+$0x0] =	vst.add.f32.msk $0xffff, v2  }
0x211: {  	v2 =	vld [tilespmem:s1+$0x850];
	_ =	sdelay $0x3  }
0x212: {  	s8 =	sor.u32 $0x10850, s0  }
0x213: {  	[tilespmem:s8+$0x0] =	vst.add.f32.msk $0xffff, v2  }
0x214: {  	v2 =	vld [tilespmem:s1+$0x860];
	_ =	sdelay $0x3  }
0x215: {  	s9 =	sor.u32 $0x10860, s0  }
0x216: {  	[tilespmem:s9+$0x0] =	vst.add.f32.msk $0xffff, v2  }
0x217: {  	v2 =	vld [tilespmem:s1+$0x870];
	_ =	sdelay $0x3  }
0x218: {  	s8 =	sor.u32 $0x10870, s0  }
0x219: {  	[tilespmem:s8+$0x0] =	vst.add.f32.msk $0xffff, v2  }
0x21a: {  	v2 =	vld [tilespmem:s1+$0xC00];
	_ =	sdelay $0x1  }
0x21b: {  	s9 =	sor.u32 $0x10C00, s26  }
0x21c: {  	[tilespmem:s9+$0x0] =	vst.add.f32.msk $0xffff, v1  }
0x21d: {  	v1 =	vld [tilespmem:s28+$0xC10];
	s8 =	sor.u32 $0x10C00, s0  }
0x21e: {  	[tilespmem:s8+$0x0] =	vst.add.f32.msk $0xffff, v2  }
0x21f: {  	v2 =	vld [tilespmem:s1+$0xC10];
	_ =	sdelay $0x1  }
0x220: {  	s9 =	sor.u32 $0x10C10, s26  }
0x221: {  	[tilespmem:s9+$0x0] =	vst.add.f32.msk $0xffff, v1  }
0x222: {  	v1 =	vld [tilespmem:s28+$0xC20];
	s8 =	sor.u32 $0x10C10, s0  }
0x223: {  	[tilespmem:s8+$0x0] =	vst.add.f32.msk $0xffff, v2  }
0x224: {  	v2 =	vld [tilespmem:s1+$0xC20];
	_ =	sdelay $0x1  }
0x225: {  	s9 =	sor.u32 $0x10C20, s26  }
0x226: {  	[tilespmem:s9+$0x0] =	vst.add.f32.msk $0xffff, v1  }
0x227: {  	v1 =	vld [tilespmem:s28+$0xC30];
	s8 =	sor.u32 $0x10C20, s0  }
0x228: {  	[tilespmem:s8+$0x0] =	vst.add.f32.msk $0xffff, v2  }
0x229: {  	v2 =	vld [tilespmem:s1+$0xC30];
	_ =	sdelay $0x1  }
0x22a: {  	s9 =	sor.u32 $0x10C30, s26  }
0x22b: {  	[tilespmem:s9+$0x0] =	vst.add.f32.msk $0xffff, v1  }
0x22c: {  	v1 =	vld [tilespmem:s28+$0xC40];
	s8 =	sor.u32 $0x10C30, s0  }
0x22d: {  	[tilespmem:s8+$0x0] =	vst.add.f32.msk $0xffff, v2  }
0x22e: {  	v2 =	vld [tilespmem:s1+$0xC40];
	_ =	sdelay $0x1  }
0x22f: {  	s9 =	sor.u32 $0x10C40, s26  }
0x230: {  	[tilespmem:s9+$0x0] =	vst.add.f32.msk $0xffff, v1  }
0x231: {  	v1 =	vld [tilespmem:s28+$0xC50];
	s8 =	sor.u32 $0x10C40, s0  }
0x232: {  	[tilespmem:s8+$0x0] =	vst.add.f32.msk $0xffff, v2  }
0x233: {  	v2 =	vld [tilespmem:s1+$0xC50];
	_ =	sdelay $0x1  }
0x234: {  	s9 =	sor.u32 $0x10C50, s26  }
0x235: {  	[tilespmem:s9+$0x0] =	vst.add.f32.msk $0xffff, v1  }
0x236: {  	v1 =	vld [tilespmem:s28+$0xC60];
	s8 =	sor.u32 $0x10C50, s0  }
0x237: {  	[tilespmem:s8+$0x0] =	vst.add.f32.msk $0xffff, v2  }
0x238: {  	v2 =	vld [tilespmem:s1+$0xC60];
	_ =	sdelay $0x1  }
0x239: {  	s9 =	sor.u32 $0x10C60, s26  }
0x23a: {  	[tilespmem:s9+$0x0] =	vst.add.f32.msk $0xffff, v1  }
0x23b: {  	v1 =	vld [tilespmem:s28+$0xC70];
	s8 =	sor.u32 $0x10C60, s0  }
0x23c: {  	[tilespmem:s8+$0x0] =	vst.add.f32.msk $0xffff, v2  }
0x23d: {  	v2 =	vld [tilespmem:s1+$0xC70];
	_ =	sdelay $0x1  }
0x23e: {  	s9 =	sor.u32 $0x10C70, s26  }
0x23f: {  	[tilespmem:s9+$0x0] =	vst.add.f32.msk $0xffff, v1  }
0x240: {  	v1 =	vld [tilespmem:s28+$0x1000];
	s8 =	sor.u32 $0x10C70, s0  }
0x241: {  	[tilespmem:s8+$0x0] =	vst.add.f32.msk $0xffff, v2  }
0x242: {  	v2 =	vld [tilespmem:s1+$0x1000];
	_ =	sdelay $0x1  }
0x243: {  	s9 =	sor.u32 $0x11000, s26  }
0x244: {  	[tilespmem:s9+$0x0] =	vst.add.f32.msk $0xffff, v1  }
0x245: {  	v1 =	vld [tilespmem:s28+$0x1010];
	s8 =	sor.u32 $0x11000, s0  }
0x246: {  	[tilespmem:s8+$0x0] =	vst.add.f32.msk $0xffff, v2  }
0x247: {  	v2 =	vld [tilespmem:s1+$0x1010];
	_ =	sdelay $0x1  }
0x248: {  	s9 =	sor.u32 $0x11010, s26  }
0x249: {  	[tilespmem:s9+$0x0] =	vst.add.f32.msk $0xffff, v1  }
0x24a: {  	v1 =	vld [tilespmem:s28+$0x1020];
	s8 =	sor.u32 $0x11010, s0  }
0x24b: {  	[tilespmem:s8+$0x0] =	vst.add.f32.msk $0xffff, v2  }
0x24c: {  	v2 =	vld [tilespmem:s1+$0x1020];
	_ =	sdelay $0x1  }
0x24d: {  	s9 =	sor.u32 $0x11020, s26  }
0x24e: {  	[tilespmem:s9+$0x0] =	vst.add.f32.msk $0xffff, v1  }
0x24f: {  	v1 =	vld [tilespmem:s28+$0x1030];
	s8 =	sor.u32 $0x11020, s0  }
0x250: {  	[tilespmem:s8+$0x0] =	vst.add.f32.msk $0xffff, v2  }
0x251: {  	v2 =	vld [tilespmem:s1+$0x1030];
	_ =	sdelay $0x1  }
0x252: {  	s9 =	sor.u32 $0x11030, s26  }
0x253: {  	[tilespmem:s9+$0x0] =	vst.add.f32.msk $0xffff, v1  }
0x254: {  	v1 =	vld [tilespmem:s28+$0x1040];
	s8 =	sor.u32 $0x11030, s0  }
0x255: {  	[tilespmem:s8+$0x0] =	vst.add.f32.msk $0xffff, v2  }
0x256: {  	v2 =	vld [tilespmem:s1+$0x1040];
	_ =	sdelay $0x1  }
0x257: {  	s9 =	sor.u32 $0x11040, s26  }
0x258: {  	[tilespmem:s9+$0x0] =	vst.add.f32.msk $0xffff, v1  }
0x259: {  	v1 =	vld [tilespmem:s28+$0x1050];
	s8 =	sor.u32 $0x11040, s0  }
0x25a: {  	[tilespmem:s8+$0x0] =	vst.add.f32.msk $0xffff, v2  }
0x25b: {  	v2 =	vld [tilespmem:s1+$0x1050];
	_ =	sdelay $0x1  }
0x25c: {  	s9 =	sor.u32 $0x11050, s26  }
0x25d: {  	[tilespmem:s9+$0x0] =	vst.add.f32.msk $0xffff, v1  }
0x25e: {  	v1 =	vld [tilespmem:s28+$0x1060];
	s8 =	sor.u32 $0x11050, s0  }
0x25f: {  	[tilespmem:s8+$0x0] =	vst.add.f32.msk $0xffff, v2  }
0x260: {  	v2 =	vld [tilespmem:s1+$0x1060];
	_ =	sdelay $0x1  }
0x261: {  	s9 =	sor.u32 $0x11060, s26  }
0x262: {  	[tilespmem:s9+$0x0] =	vst.add.f32.msk $0xffff, v1  }
0x263: {  	v1 =	vld [tilespmem:s28+$0x1070];
	s8 =	sor.u32 $0x11060, s0  }
0x264: {  	[tilespmem:s8+$0x0] =	vst.add.f32.msk $0xffff, v2  }
0x265: {  	v2 =	vld [tilespmem:s1+$0x1070];
	_ =	sdelay $0x1  }
0x266: {  	s9 =	sor.u32 $0x11070, s26  }
0x267: {  	[tilespmem:s9+$0x0] =	vst.add.f32.msk $0xffff, v1  }
0x268: {  	v1 =	vld [tilespmem:s28+$0x1400];
	s8 =	sor.u32 $0x11070, s0  }
0x269: {  	[tilespmem:s8+$0x0] =	vst.add.f32.msk $0xffff, v2  }
0x26a: {  	v2 =	vld [tilespmem:s1+$0x1400];
	_ =	sdelay $0x1  }
0x26b: {  	s9 =	sor.u32 $0x11400, s26  }
0x26c: {  	[tilespmem:s9+$0x0] =	vst.add.f32.msk $0xffff, v1  }
0x26d: {  	v1 =	vld [tilespmem:s28+$0x1410];
	s8 =	sor.u32 $0x11400, s0  }
0x26e: {  	[tilespmem:s8+$0x0] =	vst.add.f32.msk $0xffff, v2  }
0x26f: {  	v2 =	vld [tilespmem:s1+$0x1410];
	_ =	sdelay $0x1  }
0x270: {  	s9 =	sor.u32 $0x11410, s26  }
0x271: {  	[tilespmem:s9+$0x0] =	vst.add.f32.msk $0xffff, v1  }
0x272: {  	v1 =	vld [tilespmem:s28+$0x1420];
	s8 =	sor.u32 $0x11410, s0  }
0x273: {  	[tilespmem:s8+$0x0] =	vst.add.f32.msk $0xffff, v2  }
0x274: {  	v2 =	vld [tilespmem:s1+$0x1420];
	_ =	sdelay $0x1  }
0x275: {  	s9 =	sor.u32 $0x11420, s26  }
0x276: {  	[tilespmem:s9+$0x0] =	vst.add.f32.msk $0xffff, v1  }
0x277: {  	v1 =	vld [tilespmem:s28+$0x1430];
	s8 =	sor.u32 $0x11420, s0  }
0x278: {  	[tilespmem:s8+$0x0] =	vst.add.f32.msk $0xffff, v2  }
0x279: {  	v2 =	vld [tilespmem:s1+$0x1430];
	_ =	sdelay $0x1  }
0x27a: {  	s9 =	sor.u32 $0x11430, s26  }
0x27b: {  	[tilespmem:s9+$0x0] =	vst.add.f32.msk $0xffff, v1  }
0x27c: {  	v1 =	vld [tilespmem:s28+$0x1440];
	s8 =	sor.u32 $0x11430, s0  }
0x27d: {  	[tilespmem:s8+$0x0] =	vst.add.f32.msk $0xffff, v2  }
0x27e: {  	v2 =	vld [tilespmem:s1+$0x1440];
	_ =	sdelay $0x1  }
0x27f: {  	s9 =	sor.u32 $0x11440, s26  }
0x280: {  	[tilespmem:s9+$0x0] =	vst.add.f32.msk $0xffff, v1  }
0x281: {  	v1 =	vld [tilespmem:s28+$0x1450];
	s8 =	sor.u32 $0x11440, s0  }
0x282: {  	[tilespmem:s8+$0x0] =	vst.add.f32.msk $0xffff, v2  }
0x283: {  	s9 =	sor.u32 $0x11450, s22;
	v2 =	vld [tilespmem:s1+$0x1450]  }
0x284: {  	[tilespmem:s9+$0x0] =	vst.add.f32.msk $0xffff, v0  }
0x285: {  	v0 =	vld [tilespmem:s23+$0x1460];
	s8 =	sor.u32 $0x11450, s26  }
0x286: {  	[tilespmem:s8+$0x0] =	vst.add.f32.msk $0xffff, v1  }
0x287: {  	s9 =	sor.u32 $0x11450, s0;
	v1 =	vld [tilespmem:s28+$0x1460]  }
0x288: {  	[tilespmem:s9+$0x0] =	vst.add.f32.msk $0xffff, v2  }
0x289: {  	s8 =	sor.u32 $0x11460, s22;
	v2 =	vld [tilespmem:s1+$0x1460]  }
0x28a: {  	[tilespmem:s8+$0x0] =	vst.add.f32.msk $0xffff, v0  }
0x28b: {  	v0 =	vld [tilespmem:s23+$0x1470];
	s9 =	sor.u32 $0x11460, s26  }
0x28c: {  	[tilespmem:s9+$0x0] =	vst.add.f32.msk $0xffff, v1  }
0x28d: {  	s8 =	sor.u32 $0x11460, s0;
	v1 =	vld [tilespmem:s28+$0x1470]  }
0x28e: {  	[tilespmem:s8+$0x0] =	vst.add.f32.msk $0xffff, v2  }
0x28f: {  	s9 =	sor.u32 $0x11470, s22;
	v2 =	vld [tilespmem:s1+$0x1470]  }
0x290: {  	[tilespmem:s9+$0x0] =	vst.add.f32.msk $0xffff, v0  }
0x291: {  	v0 =	vld [tilespmem:s23+$0x1800];
	s8 =	sor.u32 $0x11470, s26  }
0x292: {  	[tilespmem:s8+$0x0] =	vst.add.f32.msk $0xffff, v1  }
0x293: {  	s9 =	sor.u32 $0x11470, s0;
	v1 =	vld [tilespmem:s28+$0x1800]  }
0x294: {  	[tilespmem:s9+$0x0] =	vst.add.f32.msk $0xffff, v2  }
0x295: {  	s8 =	sor.u32 $0x11800, s22;
	v2 =	vld [tilespmem:s1+$0x1800]  }
0x296: {  	[tilespmem:s8+$0x0] =	vst.add.f32.msk $0xffff, v0  }
0x297: {  	v0 =	vld [tilespmem:s23+$0x1810];
	s9 =	sor.u32 $0x11800, s26  }
0x298: {  	[tilespmem:s9+$0x0] =	vst.add.f32.msk $0xffff, v1  }
0x299: {  	s8 =	sor.u32 $0x11800, s0;
	v1 =	vld [tilespmem:s28+$0x1810]  }
0x29a: {  	[tilespmem:s8+$0x0] =	vst.add.f32.msk $0xffff, v2  }
0x29b: {  	s9 =	sor.u32 $0x11810, s22;
	v2 =	vld [tilespmem:s1+$0x1810]  }
0x29c: {  	[tilespmem:s9+$0x0] =	vst.add.f32.msk $0xffff, v0  }
0x29d: {  	v0 =	vld [tilespmem:s23+$0x1820];
	s8 =	sor.u32 $0x11810, s26  }
0x29e: {  	[tilespmem:s8+$0x0] =	vst.add.f32.msk $0xffff, v1  }
0x29f: {  	s9 =	sor.u32 $0x11810, s0;
	v1 =	vld [tilespmem:s28+$0x1820]  }
0x2a0: {  	[tilespmem:s9+$0x0] =	vst.add.f32.msk $0xffff, v2  }
0x2a1: {  	s8 =	sor.u32 $0x11820, s22;
	v2 =	vld [tilespmem:s1+$0x1820]  }
0x2a2: {  	[tilespmem:s8+$0x0] =	vst.add.f32.msk $0xffff, v0  }
0x2a3: {  	v0 =	vld [tilespmem:s23+$0x1830];
	s9 =	sor.u32 $0x11820, s26  }
0x2a4: {  	[tilespmem:s9+$0x0] =	vst.add.f32.msk $0xffff, v1  }
0x2a5: {  	s8 =	sor.u32 $0x11820, s0;
	v1 =	vld [tilespmem:s28+$0x1830]  }
0x2a6: {  	[tilespmem:s8+$0x0] =	vst.add.f32.msk $0xffff, v2  }
0x2a7: {  	s9 =	sor.u32 $0x11830, s22;
	v2 =	vld [tilespmem:s1+$0x1830]  }
0x2a8: {  	[tilespmem:s9+$0x0] =	vst.add.f32.msk $0xffff, v0  }
0x2a9: {  	v0 =	vld [tilespmem:s23+$0x1840];
	s8 =	sor.u32 $0x11830, s26  }
0x2aa: {  	[tilespmem:s8+$0x0] =	vst.add.f32.msk $0xffff, v1  }
0x2ab: {  	s9 =	sor.u32 $0x11830, s0;
	v1 =	vld [tilespmem:s28+$0x1840]  }
0x2ac: {  	[tilespmem:s9+$0x0] =	vst.add.f32.msk $0xffff, v2  }
0x2ad: {  	s8 =	sor.u32 $0x11840, s22;
	v2 =	vld [tilespmem:s1+$0x1840]  }
0x2ae: {  	[tilespmem:s8+$0x0] =	vst.add.f32.msk $0xffff, v0  }
0x2af: {  	v0 =	vld [tilespmem:s23+$0x1850];
	s9 =	sor.u32 $0x11840, s26  }
0x2b0: {  	[tilespmem:s9+$0x0] =	vst.add.f32.msk $0xffff, v1  }
0x2b1: {  	s8 =	sor.u32 $0x11840, s0;
	v1 =	vld [tilespmem:s28+$0x1850]  }
0x2b2: {  	[tilespmem:s8+$0x0] =	vst.add.f32.msk $0xffff, v2  }
0x2b3: {  	s9 =	sor.u32 $0x11850, s22;
	v2 =	vld [tilespmem:s1+$0x1850]  }
0x2b4: {  	[tilespmem:s9+$0x0] =	vst.add.f32.msk $0xffff, v0  }
0x2b5: {  	v0 =	vld [tilespmem:s23+$0x1860];
	s8 =	sor.u32 $0x11850, s26  }
0x2b6: {  	[tilespmem:s8+$0x0] =	vst.add.f32.msk $0xffff, v1  }
0x2b7: {  	s9 =	sor.u32 $0x11850, s0;
	v1 =	vld [tilespmem:s28+$0x1860]  }
0x2b8: {  	[tilespmem:s9+$0x0] =	vst.add.f32.msk $0xffff, v2  }
0x2b9: {  	s8 =	sor.u32 $0x11860, s22;
	v2 =	vld [tilespmem:s1+$0x1860]  }
0x2ba: {  	[tilespmem:s8+$0x0] =	vst.add.f32.msk $0xffff, v0  }
0x2bb: {  	v0 =	vld [tilespmem:s23+$0x1870];
	s9 =	sor.u32 $0x11860, s26  }
0x2bc: {  	s19 =	sadd.s32 $0x1, s19;
	[tilespmem:s9+$0x0] =	vst.add.f32.msk $0xffff, v1  }
0x2bd: {  	s23 =	sshll.u32 s19, $0x7;
	s9 =	sor.u32 $0x11860, s0;
	v1 =	vld [tilespmem:s28+$0x1870]  }
0x2be: {  	s8 =	sadd.s32 $0x1, s19;
	s23 =	sand.u32 $0x380, s23;
	[tilespmem:s9+$0x0] =	vst.add.f32.msk $0xffff, v2  }
0x2bf: {  	s19 =	sor.u32 $0x11870, s22;
	s22 =	sshll.u32 s8, $0x7;
	s5 =	sadd.s32 s23, s21;
	v2 =	vld [tilespmem:s1+$0x1870]  }
0x2c0: {  	s8 =	sadd.s32 $0x1, s8;
	s21 =	sor.u32 $0x1C00, s5;
	[tilespmem:s19+$0x0] =	vst.add.f32.msk $0xffff, v0;
	s9 =	sand.u32 $0x380, s22  }
0x2c1: {  	s8 =	sshll.u32 s8, $0x7;
	v0 =	vld [tilespmem:s21+$0x0];
	s22 =	sor.u32 $0x11870, s26;
	s1 =	sadd.s32 s9, s25  }
0x2c2: {  	s8 =	sand.u32 $0x380, s8;
	[tilespmem:s22+$0x0] =	vst.add.f32.msk $0xffff, v1;
	s25 =	sor.u32 $0x1C00, s1  }
0x2c3: {  	s19 =	sadd.s32 s8, s31;
	s26 =	sor.u32 $0x11870, s0;
	v1 =	vld [tilespmem:s25+$0x0]  }
0x2c4: {  	s0 =	sadd.s32 s23, s20;
	s22 =	sor.u32 $0x1C00, s19;
	[tilespmem:s26+$0x0] =	vst.add.f32.msk $0xffff, v2  }
0x2c5: {  	s23 =	sor.u32 $0x1C00, s0;
	v2 =	vld [tilespmem:s22+$0x0]  }
0x2c6: {  	s20 =	sadd.s32 s9, s24;
	[tilespmem:s23+$0x10000] =	vst.add.f32.msk $0xffff, v0;
	s25 =	sor.u32 $0x1C10, s5  }
0x2c7: {  	s9 =	sor.u32 $0x1C00, s20;
	v0 =	vld [tilespmem:s25+$0x0]  }
0x2c8: {  	s21 =	sadd.s32 s8, s30;
	s26 =	sor.u32 $0x1C10, s1;
	[tilespmem:s9+$0x10000] =	vst.add.f32.msk $0xffff, v1  }
0x2c9: {  	s8 =	sor.u32 $0x1C00, s21;
	v1 =	vld [tilespmem:s26+$0x0]  }
0x2ca: {  	s22 =	sor.u32 $0x1C10, s19;
	[tilespmem:s8+$0x10000] =	vst.add.f32.msk $0xffff, v2  }
0x2cb: {  	s23 =	sor.u32 $0x1C10, s0;
	v2 =	vld [tilespmem:s22+$0x0]  }
0x2cc: {  	s24 =	sor.u32 $0x1C20, s5;
	[tilespmem:s23+$0x10000] =	vst.add.f32.msk $0xffff, v0  }
0x2cd: {  	s25 =	sor.u32 $0x1C10, s20;
	v0 =	vld [tilespmem:s24+$0x0]  }
0x2ce: {  	s26 =	sor.u32 $0x1C20, s1;
	[tilespmem:s25+$0x10000] =	vst.add.f32.msk $0xffff, v1  }
0x2cf: {  	s9 =	sor.u32 $0x1C10, s21;
	v1 =	vld [tilespmem:s26+$0x0]  }
0x2d0: {  	s22 =	sor.u32 $0x1C20, s19;
	[tilespmem:s9+$0x10000] =	vst.add.f32.msk $0xffff, v2  }
0x2d1: {  	s23 =	sor.u32 $0x1C20, s0;
	v2 =	vld [tilespmem:s22+$0x0]  }
0x2d2: {  	s24 =	sor.u32 $0x1C30, s5;
	[tilespmem:s23+$0x10000] =	vst.add.f32.msk $0xffff, v0  }
0x2d3: {  	s25 =	sor.u32 $0x1C20, s20;
	v0 =	vld [tilespmem:s24+$0x0]  }
0x2d4: {  	s26 =	sor.u32 $0x1C30, s1;
	[tilespmem:s25+$0x10000] =	vst.add.f32.msk $0xffff, v1  }
0x2d5: {  	s9 =	sor.u32 $0x1C20, s21;
	v1 =	vld [tilespmem:s26+$0x0]  }
0x2d6: {  	s22 =	sor.u32 $0x1C30, s19;
	[tilespmem:s9+$0x10000] =	vst.add.f32.msk $0xffff, v2  }
0x2d7: {  	s23 =	sor.u32 $0x1C30, s0;
	v2 =	vld [tilespmem:s22+$0x0]  }
0x2d8: {  	s24 =	sor.u32 $0x1C40, s5;
	[tilespmem:s23+$0x10000] =	vst.add.f32.msk $0xffff, v0  }
0x2d9: {  	s25 =	sor.u32 $0x1C30, s20;
	v0 =	vld [tilespmem:s24+$0x0]  }
0x2da: {  	s26 =	sor.u32 $0x1C40, s1;
	[tilespmem:s25+$0x10000] =	vst.add.f32.msk $0xffff, v1  }
0x2db: {  	s9 =	sor.u32 $0x1C30, s21;
	v1 =	vld [tilespmem:s26+$0x0]  }
0x2dc: {  	s22 =	sor.u32 $0x1C40, s19;
	[tilespmem:s9+$0x10000] =	vst.add.f32.msk $0xffff, v2  }
0x2dd: {  	s23 =	sor.u32 $0x1C40, s0;
	v2 =	vld [tilespmem:s22+$0x0]  }
0x2de: {  	s24 =	sor.u32 $0x1C50, s5;
	[tilespmem:s23+$0x10000] =	vst.add.f32.msk $0xffff, v0  }
0x2df: {  	s25 =	sor.u32 $0x1C40, s20;
	v0 =	vld [tilespmem:s24+$0x0]  }
0x2e0: {  	s26 =	sor.u32 $0x1C50, s1;
	[tilespmem:s25+$0x10000] =	vst.add.f32.msk $0xffff, v1  }
0x2e1: {  	s9 =	sor.u32 $0x1C40, s21;
	v1 =	vld [tilespmem:s26+$0x0]  }
0x2e2: {  	s22 =	sor.u32 $0x1C50, s19;
	[tilespmem:s9+$0x10000] =	vst.add.f32.msk $0xffff, v2  }
0x2e3: {  	s23 =	sor.u32 $0x1C50, s0;
	v2 =	vld [tilespmem:s22+$0x0]  }
0x2e4: {  	s24 =	sor.u32 $0x1C60, s5;
	[tilespmem:s23+$0x10000] =	vst.add.f32.msk $0xffff, v0  }
0x2e5: {  	s25 =	sor.u32 $0x1C50, s20;
	v0 =	vld [tilespmem:s24+$0x0]  }
0x2e6: {  	s26 =	sor.u32 $0x1C60, s1;
	[tilespmem:s25+$0x10000] =	vst.add.f32.msk $0xffff, v1  }
0x2e7: {  	s9 =	sor.u32 $0x1C50, s21;
	v1 =	vld [tilespmem:s26+$0x0]  }
0x2e8: {  	s22 =	sor.u32 $0x1C60, s19;
	[tilespmem:s9+$0x10000] =	vst.add.f32.msk $0xffff, v2  }
0x2e9: {  	s23 =	sor.u32 $0x1C60, s0;
	v2 =	vld [tilespmem:s22+$0x0]  }
0x2ea: {  	s5 =	sor.u32 $0x1C70, s5;
	[tilespmem:s23+$0x10000] =	vst.add.f32.msk $0xffff, v0  }
0x2eb: {  	s24 =	sor.u32 $0x1C60, s20;
	v0 =	vld [tilespmem:s5+$0x0]  }
0x2ec: {  	s1 =	sor.u32 $0x1C70, s1;
	[tilespmem:s24+$0x10000] =	vst.add.f32.msk $0xffff, v1  }
0x2ed: {  	s25 =	sor.u32 $0x1C60, s21;
	v1 =	vld [tilespmem:s1+$0x0]  }
0x2ee: {  	s26 =	sor.u32 $0x1C70, s19;
	[tilespmem:s25+$0x10000] =	vst.add.f32.msk $0xffff, v2  }
0x2ef: {  	v2 =	vld [tilespmem:s26+$0x0];
	_ =	sdelay $0x1  }
0x2f0: {  	s0 =	sor.u32 $0x1C70, s0  }
0x2f1: {  	s5 =	sor.u32 s3, s29;
	[tilespmem:s0+$0x10000] =	vst.add.f32.msk $0xffff, v0;
	s1 =	sor.u32 $0x1C70, s20  }
0x2f2: {  	s8 =	sor.u32 $0x1C70, s21;
	[tilespmem:s1+$0x10000] =	vst.add.f32.msk $0xffff, v1;
	s1 =	sshll.u32 s5, $0x7  }
0x2f3: {  	s9 =	sadd.s32 s4, s1;
	[tilespmem:s8+$0x10000] =	vst.add.f32.msk $0xffff, v2  }
0x2f4: {  	[hbm4b:s9+s2] =	stream.linear.scatter [tilespmem:s10], [sflag:$0x3], $0x4000, $0x38;
	[tilespmem:$0x18000] =	vst v63  }
0x2f5: {  	_ =	swait.ge [sflag:s13], $0x4000  }
0x2f6: {  	s18 =	sor.u32 $0x4000, s18;
	[sflag:s13] =	ssyncset.done $0x0  }
0x2f7: {  	s0 =	simm.s32 @p0 $0x0;
	s1 =	simm.s32 @p0 $0x10000;
	[sflag:s13] =	ssyncadd.s32 $0xFFFFC000  }
0x2f8: {  	[tilespmem:s1], [sflag:$0x1] =	stream.linear.gather @p0 [hbm4b:s7+s0], $0x4000, $0x38;
	[tilespmem:$0x18000] =	vst v63  }
0x2f9: {  	_ =	swait.ge [sflag:s14], $0x4000;
	[dreg:$0x3] =	wrdreg s18  }
0x2fa: {  	s0 =	rddreg [dreg:$0x3]  }
0x2fb: {  	s18 =	simm.s32 $0x0;
	s0 =	sadd.s32 $0x0, s0  }
0x2fc: {  	[sflag:s14] =	ssyncset.done $0x0;
	s20 =	sand.u32 $0x380, s18;
	s19 =	sand.u32 $0x7FFFE000, s0  }
0x2fd: {  	[sflag:s14] =	ssyncadd.s32 $0xFFFFC000;
	s28 =	sor.u32 s20, s19  }
0x2fe: {  	v0 =	vld [tilespmem:s28+$0x0];
	_ =	sdelay $0x1  }
0x2ff: {  	s21 =	sand.u32 $0x2000, s18  }
0x300: {  	s26 =	sor.u32 s20, s21  }
0x301: {  	s1 =	sor.u32 $0x14000, s26  }
0x302: {  	[tilespmem:s1+$0x0] =	vst.add.f32.msk $0xffff, v0  }
0x303: {  	v0 =	vld [tilespmem:s28+$0x10];
	_ =	sdelay $0x3  }
0x304: {  	s22 =	sor.u32 $0x14010, s26  }
0x305: {  	[tilespmem:s22+$0x0] =	vst.add.f32.msk $0xffff, v0  }
0x306: {  	v0 =	vld [tilespmem:s28+$0x20];
	_ =	sdelay $0x3  }
0x307: {  	s23 =	sor.u32 $0x14020, s26  }
0x308: {  	[tilespmem:s23+$0x0] =	vst.add.f32.msk $0xffff, v0  }
0x309: {  	v0 =	vld [tilespmem:s28+$0x30];
	_ =	sdelay $0x3  }
0x30a: {  	s24 =	sor.u32 $0x14030, s26  }
0x30b: {  	[tilespmem:s24+$0x0] =	vst.add.f32.msk $0xffff, v0  }
0x30c: {  	v0 =	vld [tilespmem:s28+$0x40];
	_ =	sdelay $0x3  }
0x30d: {  	s25 =	sor.u32 $0x14040, s26  }
0x30e: {  	[tilespmem:s25+$0x0] =	vst.add.f32.msk $0xffff, v0  }
0x30f: {  	v0 =	vld [tilespmem:s28+$0x50];
	_ =	sdelay $0x3  }
0x310: {  	s5 =	sor.u32 $0x14050, s26  }
0x311: {  	[tilespmem:s5+$0x0] =	vst.add.f32.msk $0xffff, v0  }
0x312: {  	v0 =	vld [tilespmem:s28+$0x60];
	_ =	sdelay $0x3  }
0x313: {  	s8 =	sor.u32 $0x14060, s26  }
0x314: {  	[tilespmem:s8+$0x0] =	vst.add.f32.msk $0xffff, v0  }
0x315: {  	v0 =	vld [tilespmem:s28+$0x70];
	_ =	sdelay $0x3  }
0x316: {  	s9 =	sor.u32 $0x14070, s26  }
0x317: {  	[tilespmem:s9+$0x0] =	vst.add.f32.msk $0xffff, v0  }
0x318: {  	v0 =	vld [tilespmem:s28+$0x400];
	_ =	sdelay $0x3  }
0x319: {  	s19 =	sor.u32 $0x14400, s26  }
0x31a: {  	[tilespmem:s19+$0x0] =	vst.add.f32.msk $0xffff, v0  }
0x31b: {  	v0 =	vld [tilespmem:s28+$0x410];
	_ =	sdelay $0x3  }
0x31c: {  	s20 =	sor.u32 $0x14410, s26  }
0x31d: {  	[tilespmem:s20+$0x0] =	vst.add.f32.msk $0xffff, v0  }
0x31e: {  	v0 =	vld [tilespmem:s28+$0x420];
	_ =	sdelay $0x3  }
0x31f: {  	s21 =	sor.u32 $0x14420, s26  }
0x320: {  	[tilespmem:s21+$0x0] =	vst.add.f32.msk $0xffff, v0  }
0x321: {  	v0 =	vld [tilespmem:s28+$0x430];
	_ =	sdelay $0x3  }
0x322: {  	s22 =	sor.u32 $0x14430, s26  }
0x323: {  	[tilespmem:s22+$0x0] =	vst.add.f32.msk $0xffff, v0  }
0x324: {  	v0 =	vld [tilespmem:s28+$0x440];
	_ =	sdelay $0x3  }
0x325: {  	s23 =	sor.u32 $0x14440, s26  }
0x326: {  	[tilespmem:s23+$0x0] =	vst.add.f32.msk $0xffff, v0  }
0x327: {  	v0 =	vld [tilespmem:s28+$0x450];
	_ =	sdelay $0x3  }
0x328: {  	s24 =	sor.u32 $0x14450, s26  }
0x329: {  	[tilespmem:s24+$0x0] =	vst.add.f32.msk $0xffff, v0  }
0x32a: {  	v0 =	vld [tilespmem:s28+$0x460];
	_ =	sdelay $0x3  }
0x32b: {  	s25 =	sor.u32 $0x14460, s26  }
0x32c: {  	[tilespmem:s25+$0x0] =	vst.add.f32.msk $0xffff, v0  }
0x32d: {  	v0 =	vld [tilespmem:s28+$0x470];
	_ =	sdelay $0x3  }
0x32e: {  	s5 =	sor.u32 $0x14470, s26  }
0x32f: {  	[tilespmem:s5+$0x0] =	vst.add.f32.msk $0xffff, v0  }
0x330: {  	v0 =	vld [tilespmem:s28+$0x800];
	_ =	sdelay $0x3  }
0x331: {  	s8 =	sor.u32 $0x14800, s26  }
0x332: {  	[tilespmem:s8+$0x0] =	vst.add.f32.msk $0xffff, v0  }
0x333: {  	v0 =	vld [tilespmem:s28+$0x810];
	_ =	sdelay $0x3  }
0x334: {  	s9 =	sor.u32 $0x14810, s26  }
0x335: {  	[tilespmem:s9+$0x0] =	vst.add.f32.msk $0xffff, v0  }
0x336: {  	v0 =	vld [tilespmem:s28+$0x820];
	_ =	sdelay $0x3  }
0x337: {  	s19 =	sor.u32 $0x14820, s26  }
0x338: {  	[tilespmem:s19+$0x0] =	vst.add.f32.msk $0xffff, v0  }
0x339: {  	v0 =	vld [tilespmem:s28+$0x830];
	_ =	sdelay $0x3  }
0x33a: {  	s20 =	sor.u32 $0x14830, s26  }
0x33b: {  	[tilespmem:s20+$0x0] =	vst.add.f32.msk $0xffff, v0  }
0x33c: {  	v0 =	vld [tilespmem:s28+$0x840];
	_ =	sdelay $0x3  }
0x33d: {  	s21 =	rddreg [dreg:$0x3];
	s5 =	sor.u32 $0x14840, s26  }
0x33e: {  	s22 =	simm.s32 $0x80;
	s20 =	sadd.s32 $0x400, s21;
	[tilespmem:s5+$0x0] =	vst.add.f32.msk $0xffff, v0  }
0x33f: {  	s23 =	sand.u32 $0x380, s22;
	s1 =	sand.u32 $0x7FFFE000, s20;
	v0 =	vld [tilespmem:s28+$0x850]  }
0x340: {  	s21 =	sor.u32 s23, s1  }
0x341: {  	v1 =	vld [tilespmem:s21+$0x0]  }
0x342: {  	s19 =	simm.s32 $0x400  }
0x343: {  	s25 =	sor.u32 $0x14850, s26;
	s24 =	sand.u32 $0x2000, s19  }
0x344: {  	s22 =	sor.u32 s23, s24;
	[tilespmem:s25+$0x0] =	vst.add.f32.msk $0xffff, v0  }
0x345: {  	s1 =	sor.u32 $0x14000, s22;
	v0 =	vld [tilespmem:s28+$0x860]  }
0x346: {  	[tilespmem:s1+$0x0] =	vst.add.f32.msk $0xffff, v1  }
0x347: {  	v1 =	vld [tilespmem:s21+$0x10];
	_ =	sdelay $0x1  }
0x348: {  	s9 =	sor.u32 $0x14860, s26  }
0x349: {  	[tilespmem:s9+$0x0] =	vst.add.f32.msk $0xffff, v0  }
0x34a: {  	s23 =	sor.u32 $0x14010, s22;
	v0 =	vld [tilespmem:s28+$0x870]  }
0x34b: {  	[tilespmem:s23+$0x0] =	vst.add.f32.msk $0xffff, v1  }
0x34c: {  	v1 =	vld [tilespmem:s21+$0x20];
	_ =	sdelay $0x1  }
0x34d: {  	s24 =	sor.u32 $0x14870, s26  }
0x34e: {  	[tilespmem:s24+$0x0] =	vst.add.f32.msk $0xffff, v0  }
0x34f: {  	s25 =	sor.u32 $0x14020, s22;
	v0 =	vld [tilespmem:s28+$0xC00]  }
0x350: {  	[tilespmem:s25+$0x0] =	vst.add.f32.msk $0xffff, v1  }
0x351: {  	v1 =	vld [tilespmem:s21+$0x30];
	_ =	sdelay $0x1  }
0x352: {  	s5 =	sor.u32 $0x14C00, s26  }
0x353: {  	[tilespmem:s5+$0x0] =	vst.add.f32.msk $0xffff, v0  }
0x354: {  	s8 =	sor.u32 $0x14030, s22;
	v0 =	vld [tilespmem:s28+$0xC10]  }
0x355: {  	[tilespmem:s8+$0x0] =	vst.add.f32.msk $0xffff, v1  }
0x356: {  	v1 =	vld [tilespmem:s21+$0x40];
	_ =	sdelay $0x1  }
0x357: {  	s9 =	sor.u32 $0x14C10, s26  }
0x358: {  	[tilespmem:s9+$0x0] =	vst.add.f32.msk $0xffff, v0  }
0x359: {  	s23 =	sor.u32 $0x14040, s22;
	v0 =	vld [tilespmem:s28+$0xC20]  }
0x35a: {  	[tilespmem:s23+$0x0] =	vst.add.f32.msk $0xffff, v1  }
0x35b: {  	v1 =	vld [tilespmem:s21+$0x50];
	_ =	sdelay $0x1  }
0x35c: {  	s24 =	sor.u32 $0x14C20, s26  }
0x35d: {  	[tilespmem:s24+$0x0] =	vst.add.f32.msk $0xffff, v0  }
0x35e: {  	s25 =	sor.u32 $0x14050, s22;
	v0 =	vld [tilespmem:s28+$0xC30]  }
0x35f: {  	[tilespmem:s25+$0x0] =	vst.add.f32.msk $0xffff, v1  }
0x360: {  	v1 =	vld [tilespmem:s21+$0x60];
	_ =	sdelay $0x1  }
0x361: {  	s5 =	sor.u32 $0x14C30, s26  }
0x362: {  	[tilespmem:s5+$0x0] =	vst.add.f32.msk $0xffff, v0  }
0x363: {  	s8 =	sor.u32 $0x14060, s22;
	v0 =	vld [tilespmem:s28+$0xC40]  }
0x364: {  	[tilespmem:s8+$0x0] =	vst.add.f32.msk $0xffff, v1  }
0x365: {  	v1 =	vld [tilespmem:s21+$0x70];
	_ =	sdelay $0x1  }
0x366: {  	s9 =	sor.u32 $0x14C40, s26  }
0x367: {  	[tilespmem:s9+$0x0] =	vst.add.f32.msk $0xffff, v0  }
0x368: {  	s23 =	sor.u32 $0x14070, s22;
	v0 =	vld [tilespmem:s28+$0xC50]  }
0x369: {  	[tilespmem:s23+$0x0] =	vst.add.f32.msk $0xffff, v1  }
0x36a: {  	v1 =	vld [tilespmem:s21+$0x400];
	_ =	sdelay $0x1  }
0x36b: {  	s24 =	sor.u32 $0x14C50, s26  }
0x36c: {  	[tilespmem:s24+$0x0] =	vst.add.f32.msk $0xffff, v0  }
0x36d: {  	s25 =	sor.u32 $0x14400, s22;
	v0 =	vld [tilespmem:s28+$0xC60]  }
0x36e: {  	[tilespmem:s25+$0x0] =	vst.add.f32.msk $0xffff, v1  }
0x36f: {  	v1 =	vld [tilespmem:s21+$0x410];
	_ =	sdelay $0x1  }
0x370: {  	s5 =	sor.u32 $0x14C60, s26  }
0x371: {  	[tilespmem:s5+$0x0] =	vst.add.f32.msk $0xffff, v0  }
0x372: {  	s8 =	sor.u32 $0x14410, s22;
	v0 =	vld [tilespmem:s28+$0xC70]  }
0x373: {  	[tilespmem:s8+$0x0] =	vst.add.f32.msk $0xffff, v1  }
0x374: {  	v1 =	vld [tilespmem:s21+$0x420];
	_ =	sdelay $0x1  }
0x375: {  	s9 =	sor.u32 $0x14C70, s26  }
0x376: {  	[tilespmem:s9+$0x0] =	vst.add.f32.msk $0xffff, v0  }
0x377: {  	s23 =	sor.u32 $0x14420, s22;
	v0 =	vld [tilespmem:s28+$0x1000]  }
0x378: {  	[tilespmem:s23+$0x0] =	vst.add.f32.msk $0xffff, v1  }
0x379: {  	v1 =	vld [tilespmem:s21+$0x430];
	_ =	sdelay $0x1  }
0x37a: {  	s24 =	sor.u32 $0x15000, s26  }
0x37b: {  	[tilespmem:s24+$0x0] =	vst.add.f32.msk $0xffff, v0  }
0x37c: {  	s25 =	sor.u32 $0x14430, s22;
	v0 =	vld [tilespmem:s28+$0x1010]  }
0x37d: {  	[tilespmem:s25+$0x0] =	vst.add.f32.msk $0xffff, v1  }
0x37e: {  	v1 =	vld [tilespmem:s21+$0x440];
	_ =	sdelay $0x1  }
0x37f: {  	s5 =	sor.u32 $0x15010, s26  }
0x380: {  	[tilespmem:s5+$0x0] =	vst.add.f32.msk $0xffff, v0  }
0x381: {  	s8 =	sor.u32 $0x14440, s22;
	v0 =	vld [tilespmem:s28+$0x1020]  }
0x382: {  	[tilespmem:s8+$0x0] =	vst.add.f32.msk $0xffff, v1  }
0x383: {  	v1 =	vld [tilespmem:s21+$0x450];
	_ =	sdelay $0x1  }
0x384: {  	s9 =	sor.u32 $0x15020, s26  }
0x385: {  	[tilespmem:s9+$0x0] =	vst.add.f32.msk $0xffff, v0  }
0x386: {  	s23 =	sor.u32 $0x14450, s22;
	v0 =	vld [tilespmem:s28+$0x1030]  }
0x387: {  	[tilespmem:s23+$0x0] =	vst.add.f32.msk $0xffff, v1  }
0x388: {  	v1 =	vld [tilespmem:s21+$0x460];
	_ =	sdelay $0x1  }
0x389: {  	s24 =	sor.u32 $0x15030, s26  }
0x38a: {  	[tilespmem:s24+$0x0] =	vst.add.f32.msk $0xffff, v0  }
0x38b: {  	s25 =	sor.u32 $0x14460, s22;
	v0 =	vld [tilespmem:s28+$0x1040]  }
0x38c: {  	[tilespmem:s25+$0x0] =	vst.add.f32.msk $0xffff, v1  }
0x38d: {  	v1 =	vld [tilespmem:s21+$0x470];
	_ =	sdelay $0x1  }
0x38e: {  	s5 =	sor.u32 $0x15040, s26  }
0x38f: {  	[tilespmem:s5+$0x0] =	vst.add.f32.msk $0xffff, v0  }
0x390: {  	s8 =	sor.u32 $0x14470, s22;
	v0 =	vld [tilespmem:s28+$0x1050]  }
0x391: {  	[tilespmem:s8+$0x0] =	vst.add.f32.msk $0xffff, v1  }
0x392: {  	v1 =	vld [tilespmem:s21+$0x800];
	_ =	sdelay $0x1  }
0x393: {  	s9 =	sor.u32 $0x15050, s26  }
0x394: {  	[tilespmem:s9+$0x0] =	vst.add.f32.msk $0xffff, v0  }
0x395: {  	s23 =	sor.u32 $0x14800, s22;
	v0 =	vld [tilespmem:s28+$0x1060]  }
0x396: {  	[tilespmem:s23+$0x0] =	vst.add.f32.msk $0xffff, v1  }
0x397: {  	v1 =	vld [tilespmem:s21+$0x810];
	_ =	sdelay $0x1  }
0x398: {  	s24 =	sor.u32 $0x15060, s26  }
0x399: {  	[tilespmem:s24+$0x0] =	vst.add.f32.msk $0xffff, v0  }
0x39a: {  	s25 =	sor.u32 $0x14810, s22;
	v0 =	vld [tilespmem:s28+$0x1070]  }
0x39b: {  	[tilespmem:s25+$0x0] =	vst.add.f32.msk $0xffff, v1  }
0x39c: {  	v1 =	vld [tilespmem:s21+$0x820];
	_ =	sdelay $0x1  }
0x39d: {  	s5 =	sor.u32 $0x15070, s26  }
0x39e: {  	[tilespmem:s5+$0x0] =	vst.add.f32.msk $0xffff, v0  }
0x39f: {  	s8 =	sor.u32 $0x14820, s22;
	v0 =	vld [tilespmem:s28+$0x1400]  }
0x3a0: {  	[tilespmem:s8+$0x0] =	vst.add.f32.msk $0xffff, v1  }
0x3a1: {  	v1 =	vld [tilespmem:s21+$0x830];
	_ =	sdelay $0x1  }
0x3a2: {  	s9 =	sor.u32 $0x15400, s26  }
0x3a3: {  	[tilespmem:s9+$0x0] =	vst.add.f32.msk $0xffff, v0  }
0x3a4: {  	s23 =	sor.u32 $0x14830, s22;
	v0 =	vld [tilespmem:s28+$0x1410]  }
0x3a5: {  	[tilespmem:s23+$0x0] =	vst.add.f32.msk $0xffff, v1  }
0x3a6: {  	v1 =	vld [tilespmem:s21+$0x840];
	_ =	sdelay $0x1  }
0x3a7: {  	s25 =	sor.u32 $0x15410, s26  }
0x3a8: {  	[tilespmem:s25+$0x0] =	vst.add.f32.msk $0xffff, v0  }
0x3a9: {  	s24 =	rddreg [dreg:$0x3];
	s8 =	sor.u32 $0x14840, s22;
	v0 =	vld [tilespmem:s28+$0x1420]  }
0x3aa: {  	s23 =	sadd.s32 $0x800, s24;
	s9 =	simm.s32 $0x100;
	[tilespmem:s8+$0x0] =	vst.add.f32.msk $0xffff, v1  }
0x3ab: {  	s1 =	sand.u32 $0x7FFFE000, s23;
	s5 =	sand.u32 $0x380, s9;
	v1 =	vld [tilespmem:s21+$0x850]  }
0x3ac: {  	s25 =	sor.u32 s5, s1  }
0x3ad: {  	s24 =	sor.u32 $0x15420, s26;
	v2 =	vld [tilespmem:s25+$0x0]  }
0x3ae: {  	s29 =	simm.s32 $0x800;
	[tilespmem:s24+$0x0] =	vst.add.f32.msk $0xffff, v0  }
0x3af: {  	s9 =	sor.u32 $0x14850, s22;
	s8 =	sand.u32 $0x2000, s29;
	v0 =	vld [tilespmem:s28+$0x1430]  }
0x3b0: {  	[tilespmem:s9+$0x0] =	vst.add.f32.msk $0xffff, v1;
	s24 =	sor.u32 s5, s8  }
0x3b1: {  	v1 =	vld [tilespmem:s21+$0x860];
	s1 =	sor.u32 $0x14000, s24  }
0x3b2: {  	[tilespmem:s1+$0x0] =	vst.add.f32.msk $0xffff, v2  }
0x3b3: {  	s9 =	sor.u32 $0x15430, s26;
	v2 =	vld [tilespmem:s25+$0x10]  }
0x3b4: {  	[tilespmem:s9+$0x0] =	vst.add.f32.msk $0xffff, v0  }
0x3b5: {  	s5 =	sor.u32 $0x14860, s22;
	v0 =	vld [tilespmem:s28+$0x1440]  }
0x3b6: {  	[tilespmem:s5+$0x0] =	vst.add.f32.msk $0xffff, v1  }
0x3b7: {  	s8 =	sor.u32 $0x14010, s24;
	v1 =	vld [tilespmem:s21+$0x870]  }
0x3b8: {  	[tilespmem:s8+$0x0] =	vst.add.f32.msk $0xffff, v2  }
0x3b9: {  	s9 =	sor.u32 $0x15440, s26;
	v2 =	vld [tilespmem:s25+$0x20]  }
0x3ba: {  	[tilespmem:s9+$0x0] =	vst.add.f32.msk $0xffff, v0  }
0x3bb: {  	s5 =	sor.u32 $0x14870, s22;
	v0 =	vld [tilespmem:s28+$0x1450]  }
0x3bc: {  	[tilespmem:s5+$0x0] =	vst.add.f32.msk $0xffff, v1  }
0x3bd: {  	s8 =	sor.u32 $0x14020, s24;
	v1 =	vld [tilespmem:s21+$0xC00]  }
0x3be: {  	[tilespmem:s8+$0x0] =	vst.add.f32.msk $0xffff, v2  }
0x3bf: {  	s9 =	sor.u32 $0x15450, s26;
	v2 =	vld [tilespmem:s25+$0x30]  }
0x3c0: {  	[tilespmem:s9+$0x0] =	vst.add.f32.msk $0xffff, v0  }
0x3c1: {  	s5 =	sor.u32 $0x14C00, s22;
	v0 =	vld [tilespmem:s28+$0x1460]  }
0x3c2: {  	[tilespmem:s5+$0x0] =	vst.add.f32.msk $0xffff, v1  }
0x3c3: {  	s8 =	sor.u32 $0x14030, s24;
	v1 =	vld [tilespmem:s21+$0xC10]  }
0x3c4: {  	[tilespmem:s8+$0x0] =	vst.add.f32.msk $0xffff, v2  }
0x3c5: {  	s9 =	sor.u32 $0x15460, s26;
	v2 =	vld [tilespmem:s25+$0x40]  }
0x3c6: {  	[tilespmem:s9+$0x0] =	vst.add.f32.msk $0xffff, v0  }
0x3c7: {  	s5 =	sor.u32 $0x14C10, s22;
	v0 =	vld [tilespmem:s28+$0x1470]  }
0x3c8: {  	[tilespmem:s5+$0x0] =	vst.add.f32.msk $0xffff, v1  }
0x3c9: {  	s8 =	sor.u32 $0x14040, s24;
	v1 =	vld [tilespmem:s21+$0xC20]  }
0x3ca: {  	[tilespmem:s8+$0x0] =	vst.add.f32.msk $0xffff, v2  }
0x3cb: {  	s9 =	sor.u32 $0x15470, s26;
	v2 =	vld [tilespmem:s25+$0x50]  }
0x3cc: {  	[tilespmem:s9+$0x0] =	vst.add.f32.msk $0xffff, v0  }
0x3cd: {  	s5 =	sor.u32 $0x14C20, s22;
	v0 =	vld [tilespmem:s28+$0x1800]  }
0x3ce: {  	[tilespmem:s5+$0x0] =	vst.add.f32.msk $0xffff, v1  }
0x3cf: {  	s8 =	sor.u32 $0x14050, s24;
	v1 =	vld [tilespmem:s21+$0xC30]  }
0x3d0: {  	[tilespmem:s8+$0x0] =	vst.add.f32.msk $0xffff, v2  }
0x3d1: {  	s9 =	sor.u32 $0x15800, s26;
	v2 =	vld [tilespmem:s25+$0x60]  }
0x3d2: {  	[tilespmem:s9+$0x0] =	vst.add.f32.msk $0xffff, v0  }
0x3d3: {  	s5 =	sor.u32 $0x14C30, s22;
	v0 =	vld [tilespmem:s28+$0x1810]  }
0x3d4: {  	[tilespmem:s5+$0x0] =	vst.add.f32.msk $0xffff, v1  }
0x3d5: {  	s8 =	sor.u32 $0x14060, s24;
	v1 =	vld [tilespmem:s21+$0xC40]  }
0x3d6: {  	[tilespmem:s8+$0x0] =	vst.add.f32.msk $0xffff, v2  }
0x3d7: {  	s9 =	sor.u32 $0x15810, s26;
	v2 =	vld [tilespmem:s25+$0x70]  }
0x3d8: {  	[tilespmem:s9+$0x0] =	vst.add.f32.msk $0xffff, v0  }
0x3d9: {  	s5 =	sor.u32 $0x14C40, s22;
	v0 =	vld [tilespmem:s28+$0x1820]  }
0x3da: {  	[tilespmem:s5+$0x0] =	vst.add.f32.msk $0xffff, v1  }
0x3db: {  	s8 =	sor.u32 $0x14070, s24;
	v1 =	vld [tilespmem:s21+$0xC50]  }
0x3dc: {  	[tilespmem:s8+$0x0] =	vst.add.f32.msk $0xffff, v2  }
0x3dd: {  	s9 =	sor.u32 $0x15820, s26;
	v2 =	vld [tilespmem:s25+$0x400]  }
0x3de: {  	[tilespmem:s9+$0x0] =	vst.add.f32.msk $0xffff, v0  }
0x3df: {  	s5 =	sor.u32 $0x14C50, s22;
	v0 =	vld [tilespmem:s28+$0x1830]  }
0x3e0: {  	[tilespmem:s5+$0x0] =	vst.add.f32.msk $0xffff, v1  }
0x3e1: {  	s8 =	sor.u32 $0x14400, s24;
	v1 =	vld [tilespmem:s21+$0xC60]  }
0x3e2: {  	[tilespmem:s8+$0x0] =	vst.add.f32.msk $0xffff, v2  }
0x3e3: {  	s9 =	sor.u32 $0x15830, s26;
	v2 =	vld [tilespmem:s25+$0x410]  }
0x3e4: {  	[tilespmem:s9+$0x0] =	vst.add.f32.msk $0xffff, v0  }
0x3e5: {  	s5 =	sor.u32 $0x14C60, s22;
	v0 =	vld [tilespmem:s28+$0x1840]  }
0x3e6: {  	[tilespmem:s5+$0x0] =	vst.add.f32.msk $0xffff, v1  }
0x3e7: {  	s8 =	sor.u32 $0x14410, s24;
	v1 =	vld [tilespmem:s21+$0xC70]  }
0x3e8: {  	[tilespmem:s8+$0x0] =	vst.add.f32.msk $0xffff, v2  }
0x3e9: {  	s9 =	sor.u32 $0x15840, s26;
	v2 =	vld [tilespmem:s25+$0x420]  }
0x3ea: {  	[tilespmem:s9+$0x0] =	vst.add.f32.msk $0xffff, v0  }
0x3eb: {  	s5 =	sor.u32 $0x14C70, s22;
	v0 =	vld [tilespmem:s28+$0x1850]  }
0x3ec: {  	[tilespmem:s5+$0x0] =	vst.add.f32.msk $0xffff, v1  }
0x3ed: {  	s8 =	sor.u32 $0x14420, s24;
	v1 =	vld [tilespmem:s21+$0x1000]  }
0x3ee: {  	[tilespmem:s8+$0x0] =	vst.add.f32.msk $0xffff, v2  }
0x3ef: {  	s9 =	sor.u32 $0x15850, s26;
	v2 =	vld [tilespmem:s25+$0x430]  }
0x3f0: {  	[tilespmem:s9+$0x0] =	vst.add.f32.msk $0xffff, v0  }
0x3f1: {  	s5 =	sor.u32 $0x15000, s22;
	v0 =	vld [tilespmem:s28+$0x1860]  }
0x3f2: {  	[tilespmem:s5+$0x0] =	vst.add.f32.msk $0xffff, v1  }
0x3f3: {  	s8 =	sor.u32 $0x14430, s24;
	v1 =	vld [tilespmem:s21+$0x1010]  }
0x3f4: {  	[tilespmem:s8+$0x0] =	vst.add.f32.msk $0xffff, v2  }
0x3f5: {  	s9 =	sor.u32 $0x15860, s26;
	v2 =	vld [tilespmem:s25+$0x440]  }
0x3f6: {  	[tilespmem:s9+$0x0] =	vst.add.f32.msk $0xffff, v0  }
0x3f7: {  	s5 =	sor.u32 $0x15010, s22;
	v0 =	vld [tilespmem:s28+$0x1870]  }
0x3f8: {  	[tilespmem:s5+$0x0] =	vst.add.f32.msk $0xffff, v1  }
0x3f9: {  	s8 =	sor.u32 $0x14440, s24;
	v1 =	vld [tilespmem:s21+$0x1020];
	s9 =	simm.s32 $0x0  }
0x3fa: {  	s1 =	sand.u32 $0x380, s9;
	[tilespmem:s8+$0x0] =	vst.add.f32.msk $0xffff, v2  }
0x3fb: {  	s26 =	sor.u32 $0x15870, s26;
	s0 =	sadd.s32 s1, s0;
	v2 =	vld [tilespmem:s25+$0x450]  }
0x3fc: {  	s8 =	sor.u32 $0x1C00, s0;
	[tilespmem:s26+$0x0] =	vst.add.f32.msk $0xffff, v0  }
0x3fd: {  	s9 =	sor.u32 $0x15020, s22;
	v0 =	vld [tilespmem:s8+$0x0]  }
0x3fe: {  	[tilespmem:s9+$0x0] =	vst.add.f32.msk $0xffff, v1  }
0x3ff: {  	v1 =	vld [tilespmem:s21+$0x1030];
	s26 =	sor.u32 $0x14450, s24  }
0x400: {  	s28 =	sadd.s32 $0x0, s1;
	[tilespmem:s26+$0x0] =	vst.add.f32.msk $0xffff, v2  }
0x401: {  	s1 =	sor.u32 $0x1C00, s28;
	v2 =	vld [tilespmem:s25+$0x460]  }
0x402: {  	s5 =	sor.u32 $0x1C10, s0;
	[tilespmem:s1+$0x14000] =	vst.add.f32.msk $0xffff, v0  }
0x403: {  	s8 =	sor.u32 $0x15030, s22;
	v0 =	vld [tilespmem:s5+$0x0]  }
0x404: {  	[tilespmem:s8+$0x0] =	vst.add.f32.msk $0xffff, v1  }
0x405: {  	s9 =	sor.u32 $0x14460, s24;
	v1 =	vld [tilespmem:s21+$0x1040]  }
0x406: {  	[tilespmem:s9+$0x0] =	vst.add.f32.msk $0xffff, v2  }
0x407: {  	s26 =	sor.u32 $0x1C10, s28;
	v2 =	vld [tilespmem:s25+$0x470]  }
0x408: {  	s5 =	sor.u32 $0x1C20, s0;
	[tilespmem:s26+$0x14000] =	vst.add.f32.msk $0xffff, v0  }
0x409: {  	s8 =	sor.u32 $0x15040, s22;
	v0 =	vld [tilespmem:s5+$0x0]  }
0x40a: {  	[tilespmem:s8+$0x0] =	vst.add.f32.msk $0xffff, v1  }
0x40b: {  	s9 =	sor.u32 $0x14470, s24;
	v1 =	vld [tilespmem:s21+$0x1050]  }
0x40c: {  	[tilespmem:s9+$0x0] =	vst.add.f32.msk $0xffff, v2  }
0x40d: {  	s26 =	sor.u32 $0x1C20, s28;
	v2 =	vld [tilespmem:s25+$0x800]  }
0x40e: {  	s5 =	sor.u32 $0x1C30, s0;
	[tilespmem:s26+$0x14000] =	vst.add.f32.msk $0xffff, v0  }
0x40f: {  	s8 =	sor.u32 $0x15050, s22;
	v0 =	vld [tilespmem:s5+$0x0]  }
0x410: {  	[tilespmem:s8+$0x0] =	vst.add.f32.msk $0xffff, v1  }
0x411: {  	s9 =	sor.u32 $0x14800, s24;
	v1 =	vld [tilespmem:s21+$0x1060]  }
0x412: {  	[tilespmem:s9+$0x0] =	vst.add.f32.msk $0xffff, v2  }
0x413: {  	s26 =	sor.u32 $0x1C30, s28;
	v2 =	vld [tilespmem:s25+$0x810]  }
0x414: {  	s5 =	sor.u32 $0x1C40, s0;
	[tilespmem:s26+$0x14000] =	vst.add.f32.msk $0xffff, v0  }
0x415: {  	s8 =	sor.u32 $0x15060, s22;
	v0 =	vld [tilespmem:s5+$0x0]  }
0x416: {  	[tilespmem:s8+$0x0] =	vst.add.f32.msk $0xffff, v1  }
0x417: {  	s9 =	sor.u32 $0x14810, s24;
	v1 =	vld [tilespmem:s21+$0x1070]  }
0x418: {  	[tilespmem:s9+$0x0] =	vst.add.f32.msk $0xffff, v2  }
0x419: {  	s26 =	sor.u32 $0x1C40, s28;
	v2 =	vld [tilespmem:s25+$0x820]  }
0x41a: {  	s5 =	sor.u32 $0x1C50, s0;
	[tilespmem:s26+$0x14000] =	vst.add.f32.msk $0xffff, v0  }
0x41b: {  	s8 =	sor.u32 $0x15070, s22;
	v0 =	vld [tilespmem:s5+$0x0]  }
0x41c: {  	[tilespmem:s8+$0x0] =	vst.add.f32.msk $0xffff, v1  }
0x41d: {  	s9 =	sor.u32 $0x14820, s24;
	v1 =	vld [tilespmem:s21+$0x1400]  }
0x41e: {  	[tilespmem:s9+$0x0] =	vst.add.f32.msk $0xffff, v2  }
0x41f: {  	s26 =	sor.u32 $0x1C50, s28;
	v2 =	vld [tilespmem:s25+$0x830]  }
0x420: {  	s5 =	sor.u32 $0x1C60, s0;
	[tilespmem:s26+$0x14000] =	vst.add.f32.msk $0xffff, v0  }
0x421: {  	s8 =	sor.u32 $0x15400, s22;
	v0 =	vld [tilespmem:s5+$0x0]  }
0x422: {  	[tilespmem:s8+$0x0] =	vst.add.f32.msk $0xffff, v1  }
0x423: {  	s9 =	sor.u32 $0x14830, s24;
	v1 =	vld [tilespmem:s21+$0x1410]  }
0x424: {  	[tilespmem:s9+$0x0] =	vst.add.f32.msk $0xffff, v2  }
0x425: {  	s17 =	sshll.u32 s17, $0x4;
	s26 =	sor.u32 $0x1C60, s28;
	v2 =	vld [tilespmem:s25+$0x840]  }
0x426: {  	s31 =	simm.s32 $0x200;
	s30 =	simm.s32 $0x180;
	s0 =	sor.u32 $0x1C70, s0;
	[tilespmem:s26+$0x14000] =	vst.add.f32.msk $0xffff, v0  }
0x427: {  	s1 =	sor.u32 $0x15410, s22;
	s5 =	rddreg [dreg:$0x3];
	s26 =	simm.s32 $0x800;
	v0 =	vld [tilespmem:s0+$0x0]  }
.LBB2_5:
0x428: {  	[tilespmem:s1+$0x0] =	vst.add.f32.msk $0xffff, v1  }
0x429: {  	s8 =	sor.u32 $0x14840, s24;
	s29 =	sadd.s32 $0x400, s29;
	v1 =	vld [tilespmem:s21+$0x1420]  }
0x42a: {  	s0 =	sadd.s32 s29, s5;
	[tilespmem:s8+$0x0] =	vst.add.f32.msk $0xffff, v2  }
0x42b: {  	s5 =	sand.u32 $0x380, s30;
	s9 =	sand.u32 $0x7FFFE000, s0;
	s8 =	sor.u32 $0x1C70, s28;
	v2 =	vld [tilespmem:s25+$0x850]  }
0x42c: {  	s28 =	sor.u32 s5, s9;
	[tilespmem:s8+$0x14000] =	vst.add.f32.msk $0xffff, v0  }
0x42d: {  	s9 =	sor.u32 $0x15420, s22;
	v0 =	vld [tilespmem:s28+$0x0]  }
0x42e: {  	[tilespmem:s9+$0x0] =	vst.add.f32.msk $0xffff, v1  }
0x42f: {  	s8 =	sand.u32 $0x2000, s29;
	s9 =	sor.u32 $0x14850, s24;
	v1 =	vld [tilespmem:s21+$0x1430]  }
0x430: {  	s1 =	sor.u32 s5, s8;
	[tilespmem:s9+$0x0] =	vst.add.f32.msk $0xffff, v2  }
0x431: {  	s5 =	sor.u32 $0x14000, s1;
	v2 =	vld [tilespmem:s25+$0x860]  }
0x432: {  	[tilespmem:s5+$0x0] =	vst.add.f32.msk $0xffff, v0  }
0x433: {  	s9 =	sor.u32 $0x15430, s22;
	v0 =	vld [tilespmem:s28+$0x10]  }
0x434: {  	[tilespmem:s9+$0x0] =	vst.add.f32.msk $0xffff, v1  }
0x435: {  	s8 =	sor.u32 $0x14860, s24;
	v1 =	vld [tilespmem:s21+$0x1440]  }
0x436: {  	[tilespmem:s8+$0x0] =	vst.add.f32.msk $0xffff, v2  }
0x437: {  	s9 =	sor.u32 $0x14010, s1;
	v2 =	vld [tilespmem:s25+$0x870]  }
0x438: {  	[tilespmem:s9+$0x0] =	vst.add.f32.msk $0xffff, v0  }
0x439: {  	s8 =	sor.u32 $0x15440, s22;
	v0 =	vld [tilespmem:s28+$0x20]  }
0x43a: {  	[tilespmem:s8+$0x0] =	vst.add.f32.msk $0xffff, v1  }
0x43b: {  	s9 =	sor.u32 $0x14870, s24;
	v1 =	vld [tilespmem:s21+$0x1450]  }
0x43c: {  	[tilespmem:s9+$0x0] =	vst.add.f32.msk $0xffff, v2  }
0x43d: {  	s8 =	sor.u32 $0x14020, s1;
	v2 =	vld [tilespmem:s25+$0xC00]  }
0x43e: {  	[tilespmem:s8+$0x0] =	vst.add.f32.msk $0xffff, v0  }
0x43f: {  	s9 =	sor.u32 $0x15450, s22;
	v0 =	vld [tilespmem:s28+$0x30]  }
0x440: {  	[tilespmem:s9+$0x0] =	vst.add.f32.msk $0xffff, v1  }
0x441: {  	s8 =	sor.u32 $0x14C00, s24;
	v1 =	vld [tilespmem:s21+$0x1460]  }
0x442: {  	[tilespmem:s8+$0x0] =	vst.add.f32.msk $0xffff, v2  }
0x443: {  	s9 =	sor.u32 $0x14030, s1;
	v2 =	vld [tilespmem:s25+$0xC10]  }
0x444: {  	[tilespmem:s9+$0x0] =	vst.add.f32.msk $0xffff, v0  }
0x445: {  	s8 =	sor.u32 $0x15460, s22;
	v0 =	vld [tilespmem:s28+$0x40]  }
0x446: {  	[tilespmem:s8+$0x0] =	vst.add.f32.msk $0xffff, v1  }
0x447: {  	s9 =	sor.u32 $0x14C10, s24;
	v1 =	vld [tilespmem:s21+$0x1470]  }
0x448: {  	[tilespmem:s9+$0x0] =	vst.add.f32.msk $0xffff, v2  }
0x449: {  	s8 =	sor.u32 $0x14040, s1;
	v2 =	vld [tilespmem:s25+$0xC20]  }
0x44a: {  	[tilespmem:s8+$0x0] =	vst.add.f32.msk $0xffff, v0  }
0x44b: {  	s9 =	sor.u32 $0x15470, s22;
	v0 =	vld [tilespmem:s28+$0x50]  }
0x44c: {  	[tilespmem:s9+$0x0] =	vst.add.f32.msk $0xffff, v1  }
0x44d: {  	s8 =	sor.u32 $0x14C20, s24;
	v1 =	vld [tilespmem:s21+$0x1800]  }
0x44e: {  	[tilespmem:s8+$0x0] =	vst.add.f32.msk $0xffff, v2  }
0x44f: {  	s9 =	sor.u32 $0x14050, s1;
	v2 =	vld [tilespmem:s25+$0xC30]  }
0x450: {  	[tilespmem:s9+$0x0] =	vst.add.f32.msk $0xffff, v0  }
0x451: {  	s8 =	sor.u32 $0x15800, s22;
	v0 =	vld [tilespmem:s28+$0x60]  }
0x452: {  	[tilespmem:s8+$0x0] =	vst.add.f32.msk $0xffff, v1  }
0x453: {  	s9 =	sor.u32 $0x14C30, s24;
	v1 =	vld [tilespmem:s21+$0x1810]  }
0x454: {  	[tilespmem:s9+$0x0] =	vst.add.f32.msk $0xffff, v2  }
0x455: {  	s8 =	sor.u32 $0x14060, s1;
	v2 =	vld [tilespmem:s25+$0xC40]  }
0x456: {  	[tilespmem:s8+$0x0] =	vst.add.f32.msk $0xffff, v0  }
0x457: {  	s9 =	sor.u32 $0x15810, s22;
	v0 =	vld [tilespmem:s28+$0x70]  }
0x458: {  	[tilespmem:s9+$0x0] =	vst.add.f32.msk $0xffff, v1  }
0x459: {  	s8 =	sor.u32 $0x14C40, s24;
	v1 =	vld [tilespmem:s21+$0x1820]  }
0x45a: {  	[tilespmem:s8+$0x0] =	vst.add.f32.msk $0xffff, v2  }
0x45b: {  	s9 =	sor.u32 $0x14070, s1;
	v2 =	vld [tilespmem:s25+$0xC50]  }
0x45c: {  	[tilespmem:s9+$0x0] =	vst.add.f32.msk $0xffff, v0  }
0x45d: {  	s8 =	sor.u32 $0x15820, s22;
	v0 =	vld [tilespmem:s28+$0x400]  }
0x45e: {  	[tilespmem:s8+$0x0] =	vst.add.f32.msk $0xffff, v1  }
0x45f: {  	s9 =	sor.u32 $0x14C50, s24;
	v1 =	vld [tilespmem:s21+$0x1830]  }
0x460: {  	[tilespmem:s9+$0x0] =	vst.add.f32.msk $0xffff, v2  }
0x461: {  	s8 =	sor.u32 $0x14400, s1;
	v2 =	vld [tilespmem:s25+$0xC60]  }
0x462: {  	[tilespmem:s8+$0x0] =	vst.add.f32.msk $0xffff, v0  }
0x463: {  	s9 =	sor.u32 $0x15830, s22;
	v0 =	vld [tilespmem:s28+$0x410]  }
0x464: {  	[tilespmem:s9+$0x0] =	vst.add.f32.msk $0xffff, v1  }
0x465: {  	s8 =	sor.u32 $0x14C60, s24;
	v1 =	vld [tilespmem:s21+$0x1840]  }
0x466: {  	[tilespmem:s8+$0x0] =	vst.add.f32.msk $0xffff, v2  }
0x467: {  	s9 =	sor.u32 $0x14410, s1;
	v2 =	vld [tilespmem:s25+$0xC70]  }
0x468: {  	[tilespmem:s9+$0x0] =	vst.add.f32.msk $0xffff, v0  }
0x469: {  	s8 =	sor.u32 $0x15840, s22;
	v0 =	vld [tilespmem:s28+$0x420]  }
0x46a: {  	[tilespmem:s8+$0x0] =	vst.add.f32.msk $0xffff, v1  }
0x46b: {  	s9 =	sor.u32 $0x14C70, s24;
	v1 =	vld [tilespmem:s21+$0x1850]  }
0x46c: {  	[tilespmem:s9+$0x0] =	vst.add.f32.msk $0xffff, v2  }
0x46d: {  	s8 =	sor.u32 $0x14420, s1;
	v2 =	vld [tilespmem:s25+$0x1000]  }
0x46e: {  	[tilespmem:s8+$0x0] =	vst.add.f32.msk $0xffff, v0  }
0x46f: {  	s9 =	sor.u32 $0x15850, s22;
	v0 =	vld [tilespmem:s28+$0x430]  }
0x470: {  	[tilespmem:s9+$0x0] =	vst.add.f32.msk $0xffff, v1  }
0x471: {  	s8 =	sor.u32 $0x15000, s24;
	v1 =	vld [tilespmem:s21+$0x1860]  }
0x472: {  	[tilespmem:s8+$0x0] =	vst.add.f32.msk $0xffff, v2  }
0x473: {  	s9 =	sor.u32 $0x14430, s1;
	v2 =	vld [tilespmem:s25+$0x1010]  }
0x474: {  	[tilespmem:s9+$0x0] =	vst.add.f32.msk $0xffff, v0  }
0x475: {  	s8 =	sor.u32 $0x15860, s22;
	v0 =	vld [tilespmem:s28+$0x440]  }
0x476: {  	[tilespmem:s8+$0x0] =	vst.add.f32.msk $0xffff, v1  }
0x477: {  	s9 =	sor.u32 $0x15010, s24;
	v1 =	vld [tilespmem:s21+$0x1870]  }
0x478: {  	s18 =	sadd.s32 $0x1, s18;
	s21 =	smov.u32 s25;
	[tilespmem:s9+$0x0] =	vst.add.f32.msk $0xffff, v2  }
0x479: {  	s8 =	sor.u32 $0x14440, s1;
	s9 =	sshll.u32 s18, $0x7;
	v2 =	vld [tilespmem:s21+$0x1020]  }
0x47a: {  	s25 =	smov.u32 s28;
	[tilespmem:s8+$0x0] =	vst.add.f32.msk $0xffff, v0;
	s8 =	sand.u32 $0x380, s9  }
0x47b: {  	s9 =	sor.u32 $0x15870, s22;
	v0 =	vld [tilespmem:s25+$0x450];
	s5 =	sadd.s32 s8, s20  }
0x47c: {  	s22 =	smov.u32 s24;
	[tilespmem:s9+$0x0] =	vst.add.f32.msk $0xffff, v1;
	s9 =	sor.u32 $0x1C00, s5  }
0x47d: {  	s20 =	smov.u32 s23;
	s23 =	smov.u32 s0;
	s0 =	sor.u32 $0x15020, s22;
	v1 =	vld [tilespmem:s9+$0x0]  }
0x47e: {  	s24 =	smov.u32 s1;
	[tilespmem:s0+$0x0] =	vst.add.f32.msk $0xffff, v2  }
0x47f: {  	s1 =	sor.u32 $0x14450, s24;
	v2 =	vld [tilespmem:s21+$0x1030]  }
0x480: {  	s28 =	sadd.s32 s8, s19;
	[tilespmem:s1+$0x0] =	vst.add.f32.msk $0xffff, v0  }
0x481: {  	s9 =	sor.u32 $0x1C00, s28;
	v0 =	vld [tilespmem:s25+$0x460]  }
0x482: {  	s1 =	sor.u32 $0x1C10, s5;
	[tilespmem:s9+$0x14000] =	vst.add.f32.msk $0xffff, v1  }
0x483: {  	s8 =	sor.u32 $0x15030, s22;
	v1 =	vld [tilespmem:s1+$0x0]  }
0x484: {  	[tilespmem:s8+$0x0] =	vst.add.f32.msk $0xffff, v2  }
0x485: {  	s9 =	sor.u32 $0x14460, s24;
	v2 =	vld [tilespmem:s21+$0x1040]  }
0x486: {  	[tilespmem:s9+$0x0] =	vst.add.f32.msk $0xffff, v0  }
0x487: {  	s1 =	sor.u32 $0x1C10, s28;
	v0 =	vld [tilespmem:s25+$0x470]  }
0x488: {  	s8 =	sor.u32 $0x1C20, s5;
	[tilespmem:s1+$0x14000] =	vst.add.f32.msk $0xffff, v1  }
0x489: {  	s9 =	sor.u32 $0x15040, s22;
	v1 =	vld [tilespmem:s8+$0x0]  }
0x48a: {  	[tilespmem:s9+$0x0] =	vst.add.f32.msk $0xffff, v2  }
0x48b: {  	s8 =	sor.u32 $0x14470, s24;
	v2 =	vld [tilespmem:s21+$0x1050]  }
0x48c: {  	[tilespmem:s8+$0x0] =	vst.add.f32.msk $0xffff, v0  }
0x48d: {  	s9 =	sor.u32 $0x1C20, s28;
	v0 =	vld [tilespmem:s25+$0x800]  }
0x48e: {  	s1 =	sor.u32 $0x1C30, s5;
	[tilespmem:s9+$0x14000] =	vst.add.f32.msk $0xffff, v1  }
0x48f: {  	s8 =	sor.u32 $0x15050, s22;
	v1 =	vld [tilespmem:s1+$0x0]  }
0x490: {  	[tilespmem:s8+$0x0] =	vst.add.f32.msk $0xffff, v2  }
0x491: {  	s9 =	sor.u32 $0x14800, s24;
	v2 =	vld [tilespmem:s21+$0x1060]  }
0x492: {  	[tilespmem:s9+$0x0] =	vst.add.f32.msk $0xffff, v0  }
0x493: {  	s1 =	sor.u32 $0x1C30, s28;
	v0 =	vld [tilespmem:s25+$0x810]  }
0x494: {  	s8 =	sor.u32 $0x1C40, s5;
	[tilespmem:s1+$0x14000] =	vst.add.f32.msk $0xffff, v1  }
0x495: {  	s9 =	sor.u32 $0x15060, s22;
	v1 =	vld [tilespmem:s8+$0x0]  }
0x496: {  	[tilespmem:s9+$0x0] =	vst.add.f32.msk $0xffff, v2  }
0x497: {  	s8 =	sor.u32 $0x14810, s24;
	v2 =	vld [tilespmem:s21+$0x1070]  }
0x498: {  	[tilespmem:s8+$0x0] =	vst.add.f32.msk $0xffff, v0  }
0x499: {  	s9 =	sor.u32 $0x1C40, s28;
	v0 =	vld [tilespmem:s25+$0x820]  }
0x49a: {  	s1 =	sor.u32 $0x1C50, s5;
	[tilespmem:s9+$0x14000] =	vst.add.f32.msk $0xffff, v1  }
0x49b: {  	s8 =	sor.u32 $0x15070, s22;
	v1 =	vld [tilespmem:s1+$0x0]  }
0x49c: {  	[tilespmem:s8+$0x0] =	vst.add.f32.msk $0xffff, v2  }
0x49d: {  	s9 =	sor.u32 $0x14820, s24;
	v2 =	vld [tilespmem:s21+$0x1400]  }
0x49e: {  	[tilespmem:s9+$0x0] =	vst.add.f32.msk $0xffff, v0  }
0x49f: {  	s1 =	sor.u32 $0x1C50, s28;
	v0 =	vld [tilespmem:s25+$0x830]  }
0x4a0: {  	s8 =	sor.u32 $0x1C60, s5;
	[tilespmem:s1+$0x14000] =	vst.add.f32.msk $0xffff, v1  }
0x4a1: {  	s9 =	sor.u32 $0x15400, s22;
	v3 =	vld [tilespmem:s8+$0x0]  }
0x4a2: {  	p1 =	sne.s32 s31, $0x780;
	[tilespmem:s9+$0x0] =	vst.add.f32.msk $0xffff, v2  }
.Ltmp1:
0x4a3: {  	s1 =	sor.u32 $0x14830, s24;
	v1 =	vld [tilespmem:s21+$0x1410];
	(pc) =	sbr.rel @p1 .LBB2_5-.Ltmp1, $4  }
0x4a4: {  	[tilespmem:s1+$0x0] =	vst.add.f32.msk $0xffff, v0  }
0x4a5: {  	s30 =	smov.u32 s31;
	s8 =	sor.u32 $0x1C60, s28;
	v2 =	vld [tilespmem:s25+$0x840]  }
0x4a6: {  	s31 =	sadd.s32 $0x80, s31;
	s19 =	smov.u32 s26;
	s9 =	sor.u32 $0x1C70, s5;
	[tilespmem:s8+$0x14000] =	vst.add.f32.msk $0xffff, v3  }
0x4a7: {  	s26 =	smov.u32 s29;
	s5 =	rddreg [dreg:$0x3];
	s1 =	sor.u32 $0x15410, s22;
	v0 =	vld [tilespmem:s9+$0x0]  }
0x4a8: {  	s0 =	sadd.s32 $0x400, s29  }
0x4a9: {  	s29 =	sadd.s32 s0, s5  }
0x4aa: {  	s8 =	sand.u32 $0x380, s30;
	s5 =	sand.u32 $0x7FFFE000, s29  }
0x4ab: {  	s31 =	sor.u32 s8, s5  }
0x4ac: {  	v3 =	vld [tilespmem:s31+$0x0];
	_ =	sdelay $0x1  }
0x4ad: {  	s30 =	sand.u32 $0x2000, s0  }
0x4ae: {  	s30 =	sor.u32 s8, s30  }
0x4af: {  	s5 =	sor.u32 $0x14000, s30  }
0x4b0: {  	[tilespmem:s5+$0x0] =	vst.add.f32.msk $0xffff, v3  }
0x4b1: {  	v3 =	vld [tilespmem:s31+$0x10];
	_ =	sdelay $0x3  }
0x4b2: {  	s8 =	sor.u32 $0x14010, s30  }
0x4b3: {  	[tilespmem:s8+$0x0] =	vst.add.f32.msk $0xffff, v3  }
0x4b4: {  	v3 =	vld [tilespmem:s31+$0x20];
	_ =	sdelay $0x3  }
0x4b5: {  	s9 =	sor.u32 $0x14020, s30  }
0x4b6: {  	[tilespmem:s9+$0x0] =	vst.add.f32.msk $0xffff, v3  }
0x4b7: {  	v3 =	vld [tilespmem:s31+$0x30];
	_ =	sdelay $0x3  }
0x4b8: {  	s8 =	sor.u32 $0x14030, s30  }
0x4b9: {  	[tilespmem:s8+$0x0] =	vst.add.f32.msk $0xffff, v3  }
0x4ba: {  	v3 =	vld [tilespmem:s31+$0x40];
	_ =	sdelay $0x3  }
0x4bb: {  	s9 =	sor.u32 $0x14040, s30  }
0x4bc: {  	[tilespmem:s9+$0x0] =	vst.add.f32.msk $0xffff, v3  }
0x4bd: {  	v3 =	vld [tilespmem:s31+$0x50];
	_ =	sdelay $0x3  }
0x4be: {  	s8 =	sor.u32 $0x14050, s30  }
0x4bf: {  	[tilespmem:s8+$0x0] =	vst.add.f32.msk $0xffff, v3  }
0x4c0: {  	v3 =	vld [tilespmem:s31+$0x60];
	_ =	sdelay $0x3  }
0x4c1: {  	s9 =	sor.u32 $0x14060, s30  }
0x4c2: {  	[tilespmem:s9+$0x0] =	vst.add.f32.msk $0xffff, v3  }
0x4c3: {  	v3 =	vld [tilespmem:s31+$0x70];
	_ =	sdelay $0x3  }
0x4c4: {  	s8 =	sor.u32 $0x14070, s30  }
0x4c5: {  	[tilespmem:s8+$0x0] =	vst.add.f32.msk $0xffff, v3  }
0x4c6: {  	v3 =	vld [tilespmem:s31+$0x400];
	_ =	sdelay $0x3  }
0x4c7: {  	s9 =	sor.u32 $0x14400, s30  }
0x4c8: {  	[tilespmem:s9+$0x0] =	vst.add.f32.msk $0xffff, v3  }
0x4c9: {  	v3 =	vld [tilespmem:s31+$0x410];
	_ =	sdelay $0x3  }
0x4ca: {  	s8 =	sor.u32 $0x14410, s30  }
0x4cb: {  	[tilespmem:s8+$0x0] =	vst.add.f32.msk $0xffff, v3  }
0x4cc: {  	v3 =	vld [tilespmem:s31+$0x420];
	_ =	sdelay $0x3  }
0x4cd: {  	s9 =	sor.u32 $0x14420, s30  }
0x4ce: {  	[tilespmem:s9+$0x0] =	vst.add.f32.msk $0xffff, v3  }
0x4cf: {  	v3 =	vld [tilespmem:s31+$0x430];
	_ =	sdelay $0x3  }
0x4d0: {  	s8 =	sor.u32 $0x14430, s30  }
0x4d1: {  	[tilespmem:s8+$0x0] =	vst.add.f32.msk $0xffff, v3  }
0x4d2: {  	v3 =	vld [tilespmem:s31+$0x440];
	_ =	sdelay $0x3  }
0x4d3: {  	s9 =	sor.u32 $0x14440, s30  }
0x4d4: {  	[tilespmem:s9+$0x0] =	vst.add.f32.msk $0xffff, v3  }
0x4d5: {  	v3 =	vld [tilespmem:s31+$0x450];
	_ =	sdelay $0x3  }
0x4d6: {  	s8 =	sor.u32 $0x14450, s30  }
0x4d7: {  	[tilespmem:s8+$0x0] =	vst.add.f32.msk $0xffff, v3  }
0x4d8: {  	v3 =	vld [tilespmem:s31+$0x460];
	_ =	sdelay $0x3  }
0x4d9: {  	s9 =	sor.u32 $0x14460, s30  }
0x4da: {  	[tilespmem:s9+$0x0] =	vst.add.f32.msk $0xffff, v3  }
0x4db: {  	v3 =	vld [tilespmem:s31+$0x470];
	_ =	sdelay $0x3  }
0x4dc: {  	s8 =	sor.u32 $0x14470, s30  }
0x4dd: {  	[tilespmem:s8+$0x0] =	vst.add.f32.msk $0xffff, v3  }
0x4de: {  	v3 =	vld [tilespmem:s31+$0x800];
	_ =	sdelay $0x3  }
0x4df: {  	s9 =	sor.u32 $0x14800, s30  }
0x4e0: {  	[tilespmem:s9+$0x0] =	vst.add.f32.msk $0xffff, v3  }
0x4e1: {  	v3 =	vld [tilespmem:s31+$0x810];
	_ =	sdelay $0x3  }
0x4e2: {  	s8 =	sor.u32 $0x14810, s30  }
0x4e3: {  	[tilespmem:s8+$0x0] =	vst.add.f32.msk $0xffff, v3  }
0x4e4: {  	v3 =	vld [tilespmem:s31+$0x820];
	_ =	sdelay $0x3  }
0x4e5: {  	s9 =	sor.u32 $0x14820, s30  }
0x4e6: {  	[tilespmem:s9+$0x0] =	vst.add.f32.msk $0xffff, v3  }
0x4e7: {  	v3 =	vld [tilespmem:s31+$0x830];
	_ =	sdelay $0x3  }
0x4e8: {  	s8 =	sor.u32 $0x14830, s30  }
0x4e9: {  	[tilespmem:s8+$0x0] =	vst.add.f32.msk $0xffff, v3  }
0x4ea: {  	v3 =	vld [tilespmem:s31+$0x840];
	_ =	sdelay $0x1  }
0x4eb: {  	s9 =	sor.u32 $0x14840, s24  }
0x4ec: {  	[tilespmem:s9+$0x0] =	vst.add.f32.msk $0xffff, v2  }
0x4ed: {  	v2 =	vld [tilespmem:s25+$0x850];
	s8 =	sor.u32 $0x14840, s30  }
0x4ee: {  	[tilespmem:s8+$0x0] =	vst.add.f32.msk $0xffff, v3  }
0x4ef: {  	v3 =	vld [tilespmem:s31+$0x850];
	_ =	sdelay $0x1  }
0x4f0: {  	s9 =	sor.u32 $0x14850, s24  }
0x4f1: {  	[tilespmem:s9+$0x0] =	vst.add.f32.msk $0xffff, v2  }
0x4f2: {  	v2 =	vld [tilespmem:s25+$0x860];
	s8 =	sor.u32 $0x14850, s30  }
0x4f3: {  	[tilespmem:s8+$0x0] =	vst.add.f32.msk $0xffff, v3  }
0x4f4: {  	v3 =	vld [tilespmem:s31+$0x860];
	_ =	sdelay $0x1  }
0x4f5: {  	s9 =	sor.u32 $0x14860, s24  }
0x4f6: {  	[tilespmem:s9+$0x0] =	vst.add.f32.msk $0xffff, v2  }
0x4f7: {  	v2 =	vld [tilespmem:s25+$0x870];
	s8 =	sor.u32 $0x14860, s30  }
0x4f8: {  	[tilespmem:s8+$0x0] =	vst.add.f32.msk $0xffff, v3  }
0x4f9: {  	v3 =	vld [tilespmem:s31+$0x870];
	_ =	sdelay $0x1  }
0x4fa: {  	s9 =	sor.u32 $0x14870, s24  }
0x4fb: {  	[tilespmem:s9+$0x0] =	vst.add.f32.msk $0xffff, v2  }
0x4fc: {  	v2 =	vld [tilespmem:s25+$0xC00];
	s8 =	sor.u32 $0x14870, s30  }
0x4fd: {  	[tilespmem:s8+$0x0] =	vst.add.f32.msk $0xffff, v3  }
0x4fe: {  	v3 =	vld [tilespmem:s31+$0xC00];
	_ =	sdelay $0x1  }
0x4ff: {  	s9 =	sor.u32 $0x14C00, s24  }
0x500: {  	[tilespmem:s9+$0x0] =	vst.add.f32.msk $0xffff, v2  }
0x501: {  	v2 =	vld [tilespmem:s25+$0xC10];
	s8 =	sor.u32 $0x14C00, s30  }
0x502: {  	[tilespmem:s8+$0x0] =	vst.add.f32.msk $0xffff, v3  }
0x503: {  	v3 =	vld [tilespmem:s31+$0xC10];
	_ =	sdelay $0x1  }
0x504: {  	s9 =	sor.u32 $0x14C10, s24  }
0x505: {  	[tilespmem:s9+$0x0] =	vst.add.f32.msk $0xffff, v2  }
0x506: {  	v2 =	vld [tilespmem:s25+$0xC20];
	s8 =	sor.u32 $0x14C10, s30  }
0x507: {  	[tilespmem:s8+$0x0] =	vst.add.f32.msk $0xffff, v3  }
0x508: {  	v3 =	vld [tilespmem:s31+$0xC20];
	_ =	sdelay $0x1  }
0x509: {  	s9 =	sor.u32 $0x14C20, s24  }
0x50a: {  	[tilespmem:s9+$0x0] =	vst.add.f32.msk $0xffff, v2  }
0x50b: {  	v2 =	vld [tilespmem:s25+$0xC30];
	s8 =	sor.u32 $0x14C20, s30  }
0x50c: {  	[tilespmem:s8+$0x0] =	vst.add.f32.msk $0xffff, v3  }
0x50d: {  	v3 =	vld [tilespmem:s31+$0xC30];
	_ =	sdelay $0x1  }
0x50e: {  	s9 =	sor.u32 $0x14C30, s24  }
0x50f: {  	[tilespmem:s9+$0x0] =	vst.add.f32.msk $0xffff, v2  }
0x510: {  	v2 =	vld [tilespmem:s25+$0xC40];
	s8 =	sor.u32 $0x14C30, s30  }
0x511: {  	[tilespmem:s8+$0x0] =	vst.add.f32.msk $0xffff, v3  }
0x512: {  	v3 =	vld [tilespmem:s31+$0xC40];
	_ =	sdelay $0x1  }
0x513: {  	s9 =	sor.u32 $0x14C40, s24  }
0x514: {  	[tilespmem:s9+$0x0] =	vst.add.f32.msk $0xffff, v2  }
0x515: {  	v2 =	vld [tilespmem:s25+$0xC50];
	s8 =	sor.u32 $0x14C40, s30  }
0x516: {  	[tilespmem:s8+$0x0] =	vst.add.f32.msk $0xffff, v3  }
0x517: {  	v3 =	vld [tilespmem:s31+$0xC50];
	_ =	sdelay $0x1  }
0x518: {  	s9 =	sor.u32 $0x14C50, s24  }
0x519: {  	[tilespmem:s9+$0x0] =	vst.add.f32.msk $0xffff, v2  }
0x51a: {  	v2 =	vld [tilespmem:s25+$0xC60];
	s8 =	sor.u32 $0x14C50, s30  }
0x51b: {  	[tilespmem:s8+$0x0] =	vst.add.f32.msk $0xffff, v3  }
0x51c: {  	v3 =	vld [tilespmem:s31+$0xC60];
	_ =	sdelay $0x1  }
0x51d: {  	s9 =	sor.u32 $0x14C60, s24  }
0x51e: {  	[tilespmem:s9+$0x0] =	vst.add.f32.msk $0xffff, v2  }
0x51f: {  	v2 =	vld [tilespmem:s25+$0xC70];
	s8 =	sor.u32 $0x14C60, s30  }
0x520: {  	[tilespmem:s8+$0x0] =	vst.add.f32.msk $0xffff, v3  }
0x521: {  	v3 =	vld [tilespmem:s31+$0xC70];
	_ =	sdelay $0x1  }
0x522: {  	s9 =	sor.u32 $0x14C70, s24  }
0x523: {  	[tilespmem:s9+$0x0] =	vst.add.f32.msk $0xffff, v2  }
0x524: {  	v2 =	vld [tilespmem:s25+$0x1000];
	s8 =	sor.u32 $0x14C70, s30  }
0x525: {  	[tilespmem:s8+$0x0] =	vst.add.f32.msk $0xffff, v3  }
0x526: {  	v3 =	vld [tilespmem:s31+$0x1000];
	_ =	sdelay $0x1  }
0x527: {  	s9 =	sor.u32 $0x15000, s24  }
0x528: {  	[tilespmem:s9+$0x0] =	vst.add.f32.msk $0xffff, v2  }
0x529: {  	v2 =	vld [tilespmem:s25+$0x1010];
	s8 =	sor.u32 $0x15000, s30  }
0x52a: {  	[tilespmem:s8+$0x0] =	vst.add.f32.msk $0xffff, v3  }
0x52b: {  	v3 =	vld [tilespmem:s31+$0x1010];
	_ =	sdelay $0x1  }
0x52c: {  	s9 =	sor.u32 $0x15010, s24  }
0x52d: {  	[tilespmem:s9+$0x0] =	vst.add.f32.msk $0xffff, v2  }
0x52e: {  	v2 =	vld [tilespmem:s25+$0x1020];
	s8 =	sor.u32 $0x15010, s30  }
0x52f: {  	[tilespmem:s8+$0x0] =	vst.add.f32.msk $0xffff, v3  }
0x530: {  	v3 =	vld [tilespmem:s31+$0x1020];
	_ =	sdelay $0x1  }
0x531: {  	s9 =	sor.u32 $0x15020, s24  }
0x532: {  	[tilespmem:s9+$0x0] =	vst.add.f32.msk $0xffff, v2  }
0x533: {  	v2 =	vld [tilespmem:s25+$0x1030];
	s8 =	sor.u32 $0x15020, s30  }
0x534: {  	[tilespmem:s8+$0x0] =	vst.add.f32.msk $0xffff, v3  }
0x535: {  	v3 =	vld [tilespmem:s31+$0x1030];
	_ =	sdelay $0x1  }
0x536: {  	s9 =	sor.u32 $0x15030, s24  }
0x537: {  	[tilespmem:s9+$0x0] =	vst.add.f32.msk $0xffff, v2  }
0x538: {  	v2 =	vld [tilespmem:s25+$0x1040];
	s8 =	sor.u32 $0x15030, s30  }
0x539: {  	[tilespmem:s8+$0x0] =	vst.add.f32.msk $0xffff, v3  }
0x53a: {  	v3 =	vld [tilespmem:s31+$0x1040];
	_ =	sdelay $0x1  }
0x53b: {  	s9 =	sor.u32 $0x15040, s24  }
0x53c: {  	[tilespmem:s9+$0x0] =	vst.add.f32.msk $0xffff, v2  }
0x53d: {  	v2 =	vld [tilespmem:s25+$0x1050];
	s8 =	sor.u32 $0x15040, s30  }
0x53e: {  	[tilespmem:s8+$0x0] =	vst.add.f32.msk $0xffff, v3  }
0x53f: {  	v3 =	vld [tilespmem:s31+$0x1050];
	_ =	sdelay $0x1  }
0x540: {  	s9 =	sor.u32 $0x15050, s24  }
0x541: {  	[tilespmem:s9+$0x0] =	vst.add.f32.msk $0xffff, v2  }
0x542: {  	v2 =	vld [tilespmem:s25+$0x1060];
	s8 =	sor.u32 $0x15050, s30  }
0x543: {  	[tilespmem:s8+$0x0] =	vst.add.f32.msk $0xffff, v3  }
0x544: {  	v3 =	vld [tilespmem:s31+$0x1060];
	_ =	sdelay $0x1  }
0x545: {  	s9 =	sor.u32 $0x15060, s24  }
0x546: {  	[tilespmem:s9+$0x0] =	vst.add.f32.msk $0xffff, v2  }
0x547: {  	v2 =	vld [tilespmem:s25+$0x1070];
	s8 =	sor.u32 $0x15060, s30  }
0x548: {  	[tilespmem:s8+$0x0] =	vst.add.f32.msk $0xffff, v3  }
0x549: {  	v3 =	vld [tilespmem:s31+$0x1070];
	_ =	sdelay $0x1  }
0x54a: {  	s9 =	sor.u32 $0x15070, s24  }
0x54b: {  	[tilespmem:s9+$0x0] =	vst.add.f32.msk $0xffff, v2  }
0x54c: {  	v2 =	vld [tilespmem:s25+$0x1400];
	s8 =	sor.u32 $0x15070, s30  }
0x54d: {  	[tilespmem:s8+$0x0] =	vst.add.f32.msk $0xffff, v3  }
0x54e: {  	v3 =	vld [tilespmem:s31+$0x1400];
	_ =	sdelay $0x1  }
0x54f: {  	s9 =	sor.u32 $0x15400, s24  }
0x550: {  	[tilespmem:s9+$0x0] =	vst.add.f32.msk $0xffff, v2  }
0x551: {  	v2 =	vld [tilespmem:s25+$0x1410];
	s8 =	sor.u32 $0x15400, s30  }
0x552: {  	[tilespmem:s8+$0x0] =	vst.add.f32.msk $0xffff, v3  }
0x553: {  	v3 =	vld [tilespmem:s31+$0x1410]  }
0x554: {  	[tilespmem:s1+$0x0] =	vst.add.f32.msk $0xffff, v1  }
0x555: {  	v1 =	vld [tilespmem:s21+$0x1420];
	s9 =	sor.u32 $0x15410, s24  }
0x556: {  	[tilespmem:s9+$0x0] =	vst.add.f32.msk $0xffff, v2  }
0x557: {  	s5 =	sor.u32 $0x15410, s30;
	v2 =	vld [tilespmem:s25+$0x1420]  }
0x558: {  	[tilespmem:s5+$0x0] =	vst.add.f32.msk $0xffff, v3  }
0x559: {  	s8 =	sor.u32 $0x15420, s22;
	v3 =	vld [tilespmem:s31+$0x1420]  }
0x55a: {  	[tilespmem:s8+$0x0] =	vst.add.f32.msk $0xffff, v1  }
0x55b: {  	s9 =	sor.u32 $0x15420, s24;
	v1 =	vld [tilespmem:s21+$0x1430]  }
0x55c: {  	[tilespmem:s9+$0x0] =	vst.add.f32.msk $0xffff, v2  }
0x55d: {  	v2 =	vld [tilespmem:s25+$0x1430];
	s5 =	sor.u32 $0x15420, s30  }
0x55e: {  	[tilespmem:s5+$0x0] =	vst.add.f32.msk $0xffff, v3  }
0x55f: {  	s8 =	sor.u32 $0x15430, s22;
	v3 =	vld [tilespmem:s31+$0x1430]  }
0x560: {  	[tilespmem:s8+$0x0] =	vst.add.f32.msk $0xffff, v1  }
0x561: {  	s9 =	sor.u32 $0x15430, s24;
	v1 =	vld [tilespmem:s21+$0x1440]  }
0x562: {  	[tilespmem:s9+$0x0] =	vst.add.f32.msk $0xffff, v2  }
0x563: {  	v2 =	vld [tilespmem:s25+$0x1440];
	s5 =	sor.u32 $0x15430, s30  }
0x564: {  	[tilespmem:s5+$0x0] =	vst.add.f32.msk $0xffff, v3  }
0x565: {  	s8 =	sor.u32 $0x15440, s22;
	v3 =	vld [tilespmem:s31+$0x1440]  }
0x566: {  	[tilespmem:s8+$0x0] =	vst.add.f32.msk $0xffff, v1  }
0x567: {  	s9 =	sor.u32 $0x15440, s24;
	v1 =	vld [tilespmem:s21+$0x1450]  }
0x568: {  	[tilespmem:s9+$0x0] =	vst.add.f32.msk $0xffff, v2  }
0x569: {  	v2 =	vld [tilespmem:s25+$0x1450];
	s5 =	sor.u32 $0x15440, s30  }
0x56a: {  	[tilespmem:s5+$0x0] =	vst.add.f32.msk $0xffff, v3  }
0x56b: {  	s8 =	sor.u32 $0x15450, s22;
	v3 =	vld [tilespmem:s31+$0x1450]  }
0x56c: {  	[tilespmem:s8+$0x0] =	vst.add.f32.msk $0xffff, v1  }
0x56d: {  	s9 =	sor.u32 $0x15450, s24;
	v1 =	vld [tilespmem:s21+$0x1460]  }
0x56e: {  	[tilespmem:s9+$0x0] =	vst.add.f32.msk $0xffff, v2  }
0x56f: {  	v2 =	vld [tilespmem:s25+$0x1460];
	s5 =	sor.u32 $0x15450, s30  }
0x570: {  	[tilespmem:s5+$0x0] =	vst.add.f32.msk $0xffff, v3  }
0x571: {  	s8 =	sor.u32 $0x15460, s22;
	v3 =	vld [tilespmem:s31+$0x1460]  }
0x572: {  	[tilespmem:s8+$0x0] =	vst.add.f32.msk $0xffff, v1  }
0x573: {  	s9 =	sor.u32 $0x15460, s24;
	v1 =	vld [tilespmem:s21+$0x1470]  }
0x574: {  	[tilespmem:s9+$0x0] =	vst.add.f32.msk $0xffff, v2  }
0x575: {  	v2 =	vld [tilespmem:s25+$0x1470];
	s5 =	sor.u32 $0x15460, s30  }
0x576: {  	[tilespmem:s5+$0x0] =	vst.add.f32.msk $0xffff, v3  }
0x577: {  	s8 =	sor.u32 $0x15470, s22;
	v3 =	vld [tilespmem:s31+$0x1470]  }
0x578: {  	[tilespmem:s8+$0x0] =	vst.add.f32.msk $0xffff, v1  }
0x579: {  	s9 =	sor.u32 $0x15470, s24;
	v1 =	vld [tilespmem:s21+$0x1800]  }
0x57a: {  	[tilespmem:s9+$0x0] =	vst.add.f32.msk $0xffff, v2  }
0x57b: {  	v2 =	vld [tilespmem:s25+$0x1800];
	s5 =	sor.u32 $0x15470, s30  }
0x57c: {  	[tilespmem:s5+$0x0] =	vst.add.f32.msk $0xffff, v3  }
0x57d: {  	s8 =	sor.u32 $0x15800, s22;
	v3 =	vld [tilespmem:s31+$0x1800]  }
0x57e: {  	[tilespmem:s8+$0x0] =	vst.add.f32.msk $0xffff, v1  }
0x57f: {  	s9 =	sor.u32 $0x15800, s24;
	v1 =	vld [tilespmem:s21+$0x1810]  }
0x580: {  	[tilespmem:s9+$0x0] =	vst.add.f32.msk $0xffff, v2  }
0x581: {  	v2 =	vld [tilespmem:s25+$0x1810];
	s5 =	sor.u32 $0x15800, s30  }
0x582: {  	[tilespmem:s5+$0x0] =	vst.add.f32.msk $0xffff, v3  }
0x583: {  	s8 =	sor.u32 $0x15810, s22;
	v3 =	vld [tilespmem:s31+$0x1810]  }
0x584: {  	[tilespmem:s8+$0x0] =	vst.add.f32.msk $0xffff, v1  }
0x585: {  	s9 =	sor.u32 $0x15810, s24;
	v1 =	vld [tilespmem:s21+$0x1820]  }
0x586: {  	[tilespmem:s9+$0x0] =	vst.add.f32.msk $0xffff, v2  }
0x587: {  	v2 =	vld [tilespmem:s25+$0x1820];
	s5 =	sor.u32 $0x15810, s30  }
0x588: {  	[tilespmem:s5+$0x0] =	vst.add.f32.msk $0xffff, v3  }
0x589: {  	s8 =	sor.u32 $0x15820, s22;
	v3 =	vld [tilespmem:s31+$0x1820]  }
0x58a: {  	[tilespmem:s8+$0x0] =	vst.add.f32.msk $0xffff, v1  }
0x58b: {  	s9 =	sor.u32 $0x15820, s24;
	v1 =	vld [tilespmem:s21+$0x1830]  }
0x58c: {  	[tilespmem:s9+$0x0] =	vst.add.f32.msk $0xffff, v2  }
0x58d: {  	v2 =	vld [tilespmem:s25+$0x1830];
	s5 =	sor.u32 $0x15820, s30  }
0x58e: {  	[tilespmem:s5+$0x0] =	vst.add.f32.msk $0xffff, v3  }
0x58f: {  	s8 =	sor.u32 $0x15830, s22;
	v3 =	vld [tilespmem:s31+$0x1830]  }
0x590: {  	[tilespmem:s8+$0x0] =	vst.add.f32.msk $0xffff, v1  }
0x591: {  	s9 =	sor.u32 $0x15830, s24;
	v1 =	vld [tilespmem:s21+$0x1840]  }
0x592: {  	[tilespmem:s9+$0x0] =	vst.add.f32.msk $0xffff, v2  }
0x593: {  	v2 =	vld [tilespmem:s25+$0x1840];
	s5 =	sor.u32 $0x15830, s30  }
0x594: {  	[tilespmem:s5+$0x0] =	vst.add.f32.msk $0xffff, v3  }
0x595: {  	s8 =	sor.u32 $0x15840, s22;
	v3 =	vld [tilespmem:s31+$0x1840]  }
0x596: {  	[tilespmem:s8+$0x0] =	vst.add.f32.msk $0xffff, v1  }
0x597: {  	s9 =	sor.u32 $0x15840, s24;
	v1 =	vld [tilespmem:s21+$0x1850]  }
0x598: {  	[tilespmem:s9+$0x0] =	vst.add.f32.msk $0xffff, v2  }
0x599: {  	v2 =	vld [tilespmem:s25+$0x1850];
	s5 =	sor.u32 $0x15840, s30  }
0x59a: {  	[tilespmem:s5+$0x0] =	vst.add.f32.msk $0xffff, v3  }
0x59b: {  	s8 =	sor.u32 $0x15850, s22;
	v3 =	vld [tilespmem:s31+$0x1850]  }
0x59c: {  	[tilespmem:s8+$0x0] =	vst.add.f32.msk $0xffff, v1  }
0x59d: {  	s9 =	sor.u32 $0x15850, s24;
	v1 =	vld [tilespmem:s21+$0x1860]  }
0x59e: {  	[tilespmem:s9+$0x0] =	vst.add.f32.msk $0xffff, v2  }
0x59f: {  	v2 =	vld [tilespmem:s25+$0x1860];
	s5 =	sor.u32 $0x15850, s30  }
0x5a0: {  	[tilespmem:s5+$0x0] =	vst.add.f32.msk $0xffff, v3  }
0x5a1: {  	s8 =	sor.u32 $0x15860, s22;
	v3 =	vld [tilespmem:s31+$0x1860]  }
0x5a2: {  	[tilespmem:s8+$0x0] =	vst.add.f32.msk $0xffff, v1  }
0x5a3: {  	s9 =	sor.u32 $0x15860, s24;
	v1 =	vld [tilespmem:s21+$0x1870]  }
0x5a4: {  	s18 =	sadd.s32 $0x1, s18;
	[tilespmem:s9+$0x0] =	vst.add.f32.msk $0xffff, v2  }
0x5a5: {  	s8 =	sor.u32 $0x15860, s30;
	s21 =	sshll.u32 s18, $0x7;
	v2 =	vld [tilespmem:s25+$0x1870]  }
0x5a6: {  	s9 =	sand.u32 $0x380, s21;
	s5 =	sadd.s32 $0x1, s18;
	[tilespmem:s8+$0x0] =	vst.add.f32.msk $0xffff, v3  }
0x5a7: {  	s22 =	sor.u32 $0x15870, s22;
	s1 =	sadd.s32 s9, s20;
	s25 =	sshll.u32 s5, $0x7;
	v3 =	vld [tilespmem:s31+$0x1870]  }
0x5a8: {  	[tilespmem:s22+$0x0] =	vst.add.f32.msk $0xffff, v1;
	s20 =	sadd.s32 $0x1, s5;
	s21 =	sand.u32 $0x380, s25;
	s31 =	sor.u32 $0x1C00, s1  }
0x5a9: {  	s22 =	sor.u32 $0x15870, s24;
	s18 =	sshll.u32 s20, $0x7;
	s5 =	sadd.s32 s21, s23;
	v1 =	vld [tilespmem:s31+$0x0]  }
0x5aa: {  	[tilespmem:s22+$0x0] =	vst.add.f32.msk $0xffff, v2;
	s24 =	sand.u32 $0x380, s18;
	s23 =	sor.u32 $0x1C00, s5  }
0x5ab: {  	s25 =	sor.u32 $0x15870, s30;
	s20 =	sadd.s32 s24, s29;
	v2 =	vld [tilespmem:s23+$0x0]  }
0x5ac: {  	s18 =	sadd.s32 s9, s19;
	s30 =	sor.u32 $0x1C00, s20;
	[tilespmem:s25+$0x0] =	vst.add.f32.msk $0xffff, v3  }
0x5ad: {  	s9 =	sor.u32 $0x1C00, s18;
	v3 =	vld [tilespmem:s30+$0x0]  }
0x5ae: {  	s19 =	sadd.s32 s21, s26;
	s31 =	sor.u32 $0x1C10, s1;
	[tilespmem:s9+$0x14000] =	vst.add.f32.msk $0xffff, v1  }
0x5af: {  	s9 =	sor.u32 $0x1C00, s19;
	v1 =	vld [tilespmem:s31+$0x0]  }
0x5b0: {  	s21 =	sor.u32 $0x1C10, s5;
	s0 =	sadd.s32 s24, s0;
	[tilespmem:s9+$0x14000] =	vst.add.f32.msk $0xffff, v2  }
0x5b1: {  	s23 =	sor.u32 $0x1C00, s0;
	v2 =	vld [tilespmem:s21+$0x0]  }
0x5b2: {  	s24 =	sor.u32 $0x1C10, s20;
	[tilespmem:s23+$0x14000] =	vst.add.f32.msk $0xffff, v3  }
0x5b3: {  	s25 =	sor.u32 $0x1C10, s18;
	v3 =	vld [tilespmem:s24+$0x0]  }
0x5b4: {  	s26 =	sor.u32 $0x1C20, s1;
	[tilespmem:s25+$0x14000] =	vst.add.f32.msk $0xffff, v1  }
0x5b5: {  	s30 =	sor.u32 $0x1C10, s19;
	v1 =	vld [tilespmem:s26+$0x0]  }
0x5b6: {  	s31 =	sor.u32 $0x1C20, s5;
	[tilespmem:s30+$0x14000] =	vst.add.f32.msk $0xffff, v2  }
0x5b7: {  	s9 =	sor.u32 $0x1C10, s0;
	v2 =	vld [tilespmem:s31+$0x0]  }
0x5b8: {  	s21 =	sor.u32 $0x1C20, s20;
	[tilespmem:s9+$0x14000] =	vst.add.f32.msk $0xffff, v3  }
0x5b9: {  	s22 =	sor.u32 $0x1C20, s18;
	v3 =	vld [tilespmem:s21+$0x0]  }
0x5ba: {  	s23 =	sor.u32 $0x1C30, s1;
	[tilespmem:s22+$0x14000] =	vst.add.f32.msk $0xffff, v1  }
0x5bb: {  	s24 =	sor.u32 $0x1C20, s19;
	v1 =	vld [tilespmem:s23+$0x0]  }
0x5bc: {  	s25 =	sor.u32 $0x1C30, s5;
	[tilespmem:s24+$0x14000] =	vst.add.f32.msk $0xffff, v2  }
0x5bd: {  	s26 =	sor.u32 $0x1C20, s0;
	v2 =	vld [tilespmem:s25+$0x0]  }
0x5be: {  	s30 =	sor.u32 $0x1C30, s20;
	[tilespmem:s26+$0x14000] =	vst.add.f32.msk $0xffff, v3  }
0x5bf: {  	s31 =	sor.u32 $0x1C30, s18;
	v3 =	vld [tilespmem:s30+$0x0]  }
0x5c0: {  	s9 =	sor.u32 $0x1C40, s1;
	[tilespmem:s31+$0x14000] =	vst.add.f32.msk $0xffff, v1  }
0x5c1: {  	s21 =	sor.u32 $0x1C30, s19;
	v1 =	vld [tilespmem:s9+$0x0]  }
0x5c2: {  	s22 =	sor.u32 $0x1C40, s5;
	[tilespmem:s21+$0x14000] =	vst.add.f32.msk $0xffff, v2  }
0x5c3: {  	s23 =	sor.u32 $0x1C30, s0;
	v2 =	vld [tilespmem:s22+$0x0]  }
0x5c4: {  	s24 =	sor.u32 $0x1C40, s20;
	[tilespmem:s23+$0x14000] =	vst.add.f32.msk $0xffff, v3  }
0x5c5: {  	s25 =	sor.u32 $0x1C40, s18;
	v3 =	vld [tilespmem:s24+$0x0]  }
0x5c6: {  	s26 =	sor.u32 $0x1C50, s1;
	[tilespmem:s25+$0x14000] =	vst.add.f32.msk $0xffff, v1  }
0x5c7: {  	s30 =	sor.u32 $0x1C40, s19;
	v1 =	vld [tilespmem:s26+$0x0]  }
0x5c8: {  	s31 =	sor.u32 $0x1C50, s5;
	[tilespmem:s30+$0x14000] =	vst.add.f32.msk $0xffff, v2  }
0x5c9: {  	s9 =	sor.u32 $0x1C40, s0;
	v2 =	vld [tilespmem:s31+$0x0]  }
0x5ca: {  	s21 =	sor.u32 $0x1C50, s20;
	[tilespmem:s9+$0x14000] =	vst.add.f32.msk $0xffff, v3  }
0x5cb: {  	s22 =	sor.u32 $0x1C50, s18;
	v3 =	vld [tilespmem:s21+$0x0]  }
0x5cc: {  	s23 =	sor.u32 $0x1C60, s1;
	[tilespmem:s22+$0x14000] =	vst.add.f32.msk $0xffff, v1  }
0x5cd: {  	s24 =	sor.u32 $0x1C50, s19;
	v1 =	vld [tilespmem:s23+$0x0]  }
0x5ce: {  	s25 =	sor.u32 $0x1C60, s5;
	[tilespmem:s24+$0x14000] =	vst.add.f32.msk $0xffff, v2  }
0x5cf: {  	s26 =	sor.u32 $0x1C50, s0;
	v2 =	vld [tilespmem:s25+$0x0]  }
0x5d0: {  	s30 =	sor.u32 $0x1C60, s20;
	[tilespmem:s26+$0x14000] =	vst.add.f32.msk $0xffff, v3  }
0x5d1: {  	s31 =	sor.u32 $0x1C60, s18;
	v3 =	vld [tilespmem:s30+$0x0]  }
0x5d2: {  	s1 =	sor.u32 $0x1C70, s1;
	[tilespmem:s31+$0x14000] =	vst.add.f32.msk $0xffff, v1  }
0x5d3: {  	s9 =	sor.u32 $0x1C60, s19;
	v1 =	vld [tilespmem:s1+$0x0]  }
0x5d4: {  	s21 =	sor.u32 $0x1C70, s5;
	[tilespmem:s9+$0x14000] =	vst.add.f32.msk $0xffff, v2  }
0x5d5: {  	s22 =	sor.u32 $0x1C60, s0;
	v2 =	vld [tilespmem:s21+$0x0]  }
0x5d6: {  	s23 =	sor.u32 $0x1C70, s20;
	[tilespmem:s22+$0x14000] =	vst.add.f32.msk $0xffff, v3  }
0x5d7: {  	v3 =	vld [tilespmem:s23+$0x0]  }
0x5d8: {  	s24 =	sor.u32 $0x1C70, s28  }
.Ltmp2:
0x5d9: {  	[tilespmem:s24+$0x14000] =	vst.add.f32.msk $0xffff, v0;
	s25 =	sor.u32 $0x1C70, s18;
	(pc) =	sbr.rel @p0 .LBB2_2-.Ltmp2, $4  }
0x5da: {  	s28 =	sor.u32 s3, s17;
	s26 =	sor.u32 $0x1C70, s19;
	[tilespmem:s25+$0x14000] =	vst.add.f32.msk $0xffff, v1  }
0x5db: {  	s0 =	sor.u32 $0x1C70, s0;
	s30 =	sshll.u32 s28, $0x7;
	[tilespmem:s26+$0x14000] =	vst.add.f32.msk $0xffff, v2  }
0x5dc: {  	p1 =	por $0x0, $0x0;
	s29 =	simm.s32 $0x1;
	s31 =	sadd.s32 s4, s30;
	[tilespmem:s0+$0x14000] =	vst.add.f32.msk $0xffff, v3  }
0x5dd: {  	[hbm4b:s31+s2] =	stream.linear.scatter [tilespmem:s11], [sflag:$0x4], $0x4000, $0x38;
	[tilespmem:$0x18000] =	vst v63  }
0x5de: {  	_ =	swait.ge [sflag:s15], $0x4000  }
0x5df: {  	s16 =	sadd.s32 $0x1, s16;
	s0 =	rddreg [dreg:$0x5]  }
0x5e0: {  	p0 =	sne.s32 s16, s0  }
.Ltmp3:
0x5e1: {  	_ = 	snop;
	(pc) =	sbr.rel @p0 .LBB2_1-.Ltmp3, $3  }
0x5e2: {  	_ =	sdelay $0x1  }
0x5e3: {  	[sflag:s15] =	ssyncset.done $0x0  }
0x5e4: {  	[sflag:s15] =	ssyncadd.s32 $0xFFFFC000  }
0x5e5: {  	_ =	sfence.sel $0x180000  }
0x5e6: {  	[bflag:$0x0] =	sbarrier.arrive $0xFFFF  }
0x5e7: {  	_ =	strace $0x90000047  }
0x5e8: {  	s0 =	stileid.u32;
	[bflag:$0x2] =	sbarrier.arrive $0xFFFF  }
0x5e9: {  	p0 =	sne.s32 s0, $0x0;
	s0 =	rddreg [dreg:$0x2]  }
0x5ea: {  	s0 =	sadd.s32 @!p0 $0x100000, s0  }
0x5eb: {  	[sflag:s0] =	ssyncadd.tile.s32 @!p0 $0x1;
	_ =	shalt  }
.Lfunc_end2:
_tile_overlayer_lowered:
.L_overlay_start_2:
0x5ec: {  	(tag) =	ssettag $0x2  }
0x5ed: {  	s0 =	rddreg [dreg:$0x0];
	s2 =	stileid.u32  }
0x5ee: {  	s1 =	rddreg [dreg:$0x1];
	p0 =	sne.s32 s2, $0x0  }
0x5ef: {  	s3 =	rddreg [dreg:$0x2];
	[bflag:$0x3] =	sbarrier.arrive $0xFFFF;
	s2 =	simm.s32 @!p0 $0x1C05  }
0x5f0: {  	[timem:s3], [sflag:s2] =	dma.local @!p0 [hbm:s0], s1  }
0x5f1: {  	s0 =	simm.s32 @!p0 $0x5  }
0x5f2: {  	_ =	swait.ge @!p0 [sflag:s0], s1  }
0x5f3: {  	s1 =	ssub.s32 @!p0 $0x0, s1;
	[sflag:s0] =	ssyncset.done @!p0 $0x0  }
0x5f4: {  	[sflag:s0] =	ssyncadd.s32 @!p0 s1  }
0x5f5: {  	[bflag:$0x3] =	sbarrier.arrive $0xFFFF  }
0x5f6: {  	_ =	shalt  }

</sc_bundles>
